<compile_context>
chip_gen: v7x
topology: tpu7x:2x2x1
jax: 0.10.2.dev20260603
libtpu: 0.0.44.dev20260713+nightly
codegen_flags: <defaults>
</compile_context>

<pallas_src>
import functools

import jax
import jax.numpy as jnp
from jax import lax
from jax.experimental import pallas as pl
from jax.experimental.pallas import tpu as pltpu
from jax.experimental.pallas import tpu_sc as plsc

LANES = 16
NC = 2
NS = 16
NW = NC * NS


def _sc_pool(B, L, V, D):
  b_per_w = B // NW
  n_d = D // LANES
  n_w = D // (2 * LANES)
  CHOFF, CHLEN = (0, 96), (96, L - 96)
  LTP = ((L + LANES - 1) // LANES) * LANES
  n_g = LTP // LANES
  mesh = plsc.VectorSubcoreMesh(core_axis_name="c", subcore_axis_name="s")

  def body(x_hbm, w_hbm, tab_hbm, out_hbm, idx_v, rows_v, wv_v, stage_v, sems):
    wid = lax.axis_index("s") * NC + lax.axis_index("c")
    base = wid * b_per_w
    pltpu.sync_copy(x_hbm.at[pl.ds(base, b_per_w)], idx_v)

    if LTP != L:
      pad_lo = (L // LANES) * LANES
      zvec = jnp.zeros((LANES,), jnp.int32)
      for p in range(2):
        wv_v[p, pl.ds(pad_lo, LANES)] = jnp.full((LANES,), -1e30, jnp.float32)
        for t in range(L, LTP):
          for k in range(n_w):
            rows_v[p, t, pl.ds(k * LANES, LANES)] = zvec

    def fire(r, p):
      for off, ln in zip(CHOFF, CHLEN):
        pltpu.async_copy(tab_hbm.at[idx_v.at[r, pl.ds(off, ln)]],
                         rows_v.at[p, pl.ds(off, ln)], sems.at[p])
        pltpu.async_copy(w_hbm.at[idx_v.at[r, pl.ds(off, ln)]],
                         wv_v.at[p, pl.ds(off, ln)], sems.at[p])

    def drain(r, p):
      for off, ln in zip(CHOFF, CHLEN):
        pltpu.make_async_copy(tab_hbm.at[idx_v.at[r, pl.ds(off, ln)]],
                              rows_v.at[p, pl.ds(off, ln)], sems.at[p]).wait()
        pltpu.make_async_copy(w_hbm.at[idx_v.at[r, pl.ds(off, ln)]],
                              wv_v.at[p, pl.ds(off, ln)], sems.at[p]).wait()

    def compute(r, p):
      carry = tuple(jnp.zeros((LANES,), jnp.float32) for _ in range(n_d + 1))

      def grp_body(g, c):
        accs, swx = list(c[:-1]), c[-1]
        wraw16 = wv_v[p, pl.ds(g * LANES, LANES)]
        wx16 = 1.0 / (1.0 + jnp.exp(-wraw16))
        for jj in range(LANES):
          t = g * LANES + jj
          wb = jnp.full((LANES,), wx16[jj], jnp.float32)
          for k in range(n_w):
            v = rows_v[p, t, pl.ds(k * LANES, LANES)]
            a = lax.bitcast_convert_type(v << 16, jnp.float32)
            b2 = lax.bitcast_convert_type(v & jnp.int32(-65536), jnp.float32)
            accs[2 * k] = accs[2 * k] + wb * a
            accs[2 * k + 1] = accs[2 * k + 1] + wb * b2
        return tuple(accs) + (swx + wx16,)

      carry = lax.fori_loop(0, n_g, grp_body, carry)

      parts = [carry[-1][i] for i in range(LANES)]
      while len(parts) > 1:
        parts = [a + b for a, b in zip(parts[::2], parts[1::2])]
      denom = jnp.full((LANES,), parts[0] + 1e-16, jnp.float32)
      for k in range(n_d):
        stage_v[r, pl.ds(k * LANES, LANES)] = carry[k] / denom

    n_pair = b_per_w // 2
    fire(0, 0)

    def pair_body(g, _):
      r0 = 2 * g
      fire(r0 + 1, 1)
      drain(r0, 0)
      compute(r0, 0)

      @pl.when(g < n_pair - 1)
      def _():
        fire(r0 + 2, 0)

      drain(r0 + 1, 1)
      compute(r0 + 1, 1)
      return 0

    lax.fori_loop(0, n_pair, pair_body, 0)
    pltpu.sync_copy(stage_v, out_hbm.at[pl.ds(base, b_per_w)])

  return pl.kernel(
      body,
      out_type=jax.ShapeDtypeStruct((B, D), jnp.float32),
      mesh=mesh,
      compiler_params=pltpu.CompilerParams(use_tc_tiling_on_sc=False),
      scratch_types=[
          pltpu.VMEM((b_per_w, L), jnp.int32),
          pltpu.VMEM((2, LTP, D // 2), jnp.int32),
          pltpu.VMEM((2, LTP), jnp.float32),
          pltpu.VMEM((b_per_w, D), jnp.float32),
          pltpu.SemaphoreType.DMA((2,)),
      ],
  )


def _tc_head(B, D, OUT):
  BM = 512

  def body(a_ref, w_ref, b_ref, o_ref):
    o_ref[...] = (
        lax.dot_general(
            a_ref[...], w_ref[...], (((1,), (1,)), ((), ())),
            preferred_element_type=jnp.float32,
        )
        + b_ref[...]
    )

  return pl.pallas_call(
      body,
      grid=(B // BM,),
      in_specs=[
          pl.BlockSpec((BM, D), lambda i: (i, 0)),
          pl.BlockSpec((OUT, D), lambda i: (0, 0)),
          pl.BlockSpec((1, OUT), lambda i: (0, 0)),
      ],
      out_specs=pl.BlockSpec((BM, OUT), lambda i: (i, 0)),
      out_shape=jax.ShapeDtypeStruct((B, OUT), jnp.float32),
  )


def kernel(x, vectors, w, W_out, b_out):
  B, L = x.shape
  V, D = vectors.shape
  OUT = W_out.shape[0]
  vb = (
      vectors.astype(jnp.bfloat16)
      .reshape(V, D // 32, 2, LANES)
      .transpose(0, 1, 3, 2)
      .reshape(V, D // 2, 2)
  )
  tab_packed = lax.bitcast_convert_type(vb, jnp.int32)
  wa = _sc_pool(B, L, V, D)(x, w, tab_packed)
  logits = _tc_head(B, D, OUT)(wa, W_out, b_out.reshape(1, OUT))
  return (logits, wa)

# --- scband reference (transcript-rebuilt; emitter-appended) ---
"""Pipeline reference for scband-static-model-fine-tuner-11184094839077 (READ-ONLY COPY).

The authoritative reference and input builder live on the scoring server;
editing this copy changes nothing except your own understanding.
"""

import jax, jax.numpy as jnp
import numpy as np

VOCAB = 100000
DIM = 128
OUT_DIM = 128
B = 4096
L = 200
PAD_ID = 0


def setup_inputs(seed: int = 0) -> dict:
    key = jax.random.key(seed)
    k1, k2, k3 = jax.random.split(key, 3)
    # forward arg per input_specs (randint, fill_max=VOCAB)
    x = jax.random.randint(k1, (B, L), 0, VOCAB, dtype=jnp.int32)
    # learned parameters sized per init_kwargs
    vectors = jax.random.normal(k2, (VOCAB, DIM), dtype=jnp.float32)  # embedding table (from_pretrained, trainable)
    w = jnp.zeros((VOCAB,), dtype=jnp.float32).at[PAD_ID].set(-100000.0)  # per-token weight logits
    W_out = jax.random.normal(k3, (OUT_DIM, DIM), dtype=jnp.float32) * 0.02  # nn.Linear weight
    b_out = jnp.zeros((OUT_DIM,), dtype=jnp.float32)  # nn.Linear bias
    return {"x": x, "vectors": vectors, "w": w, "W_out": W_out, "b_out": b_out}


def reference(x, vectors, w, W_out, b_out):
    # sub_forward: weighted mean of embeddings with sigmoid token weights
    wx = jax.nn.sigmoid(jnp.take(w, x, axis=0))          # [B, L]
    embedded = jnp.take(vectors, x, axis=0)               # [B, L, D] (embedding gather)
    summed = jnp.sum(wx, axis=1, keepdims=True) + 1e-16   # [B, 1]
    # torch.bmm(w.unsqueeze(1), x).squeeze(1) == einsum('bl,bld->bd')
    weighted_average = jnp.einsum("bl,bld->bd", wx, embedded) / summed  # [B, D]
    # out_layer
    logits = weighted_average @ W_out.T + b_out            # [B, OUT_DIM]
    return (logits, weighted_average)

if __name__ == "__main__":
    import jax
    _d = setup_inputs()
    print(jax.jit(kernel)(*tuple(_d.values())))

</pallas_src>

<mosaic_0001>
#map = affine_map<(d0, d1) -> (0, 0)>
#map1 = affine_map<(d0, d1) -> (0)>
module attributes {stable_mosaic.version = 14 : i64} {
  func.func @body(%arg0: i32, %arg1: i32, %arg2: memref<4096x200xi32, #tpu.memory_space<hbm>>, %arg3: memref<100000xf32, #tpu.memory_space<hbm>>, %arg4: memref<100000x64xi32, #tpu.memory_space<hbm>>, %arg5: memref<4096x128xf32, #tpu.memory_space<hbm>>, %arg6: memref<128x200xi32, #tpu.memory_space<vmem>>, %arg7: memref<2x208x64xi32, #tpu.memory_space<vmem>>, %arg8: memref<2x208xf32, #tpu.memory_space<vmem>>, %arg9: memref<128x128xf32, #tpu.memory_space<vmem>>, %arg10: memref<2x!tpu.dma_semaphore, #tpu.memory_space<semaphore_mem>>) attributes {dimension_semantics = [#tpu.dimension_semantics<core_parallel>, #tpu.dimension_semantics<subcore_parallel>], iteration_bounds = array<i64: 2, 16>, scalar_prefetch = 0 : i64, scratch_operands = 5 : i64, tpu.core_type = #tpu.core_type<sc_vector_subcore>, window_params = [{transform_indices = #map}, {transform_indices = #map1}, {transform_indices = #map}, {transform_indices = #map}]} {
    %mul3A = arith.constant 2 : i32
    %mul3A_0 = arith.muli %arg1, %mul3A : i32
    %add3A = arith.addi %mul3A_0, %arg0 : i32
    %mul3A_1 = arith.constant 128 : i32
    %mul3A_2 = arith.muli %add3A, %mul3A_1 : i32
    "tpu.region"() ({
      %run_scoped3A = tpu.sem_alloc : memref<!tpu.dma_semaphore, #tpu.memory_space<semaphore_mem>>
      %dma_start3A_592 = arith.constant 0 : i32
      %dma_start3A_593 = tpu.memref_slice %arg2[%mul3A_2, %dma_start3A_592] : memref<4096x200xi32, #tpu.memory_space<hbm>> -> memref<128x200xi32, #tpu.memory_space<hbm>>
      %dma_start3A_594 = arith.constant 0 : i32
      %dma_start3A_595 = tpu.memref_slice %arg2[%mul3A_2, %dma_start3A_594] : memref<4096x200xi32, #tpu.memory_space<hbm>> -> memref<128x200xi32, #tpu.memory_space<hbm>>
      tpu.enqueue_dma source(%dma_start3A_595 : memref<128x200xi32, #tpu.memory_space<hbm>>) target(%arg6 : memref<128x200xi32, #tpu.memory_space<vmem>>) target_semaphore(%run_scoped3A : memref<!tpu.dma_semaphore, #tpu.memory_space<semaphore_mem>>)
      %dma_wait3A = arith.constant 0 : i32
      %dma_wait3A_596 = tpu.memref_slice %arg2[%mul3A_2, %dma_wait3A] : memref<4096x200xi32, #tpu.memory_space<hbm>> -> memref<128x200xi32, #tpu.memory_space<hbm>>
      %dma_wait3A_597 = arith.constant 0 : i32
      %dma_wait3A_598 = tpu.memref_slice %arg2[%mul3A_2, %dma_wait3A_597] : memref<4096x200xi32, #tpu.memory_space<hbm>> -> memref<128x200xi32, #tpu.memory_space<hbm>>
      tpu.wait_dma2 semaphore(%run_scoped3A : memref<!tpu.dma_semaphore, #tpu.memory_space<semaphore_mem>>) src(%dma_wait3A_598 : memref<128x200xi32, #tpu.memory_space<hbm>>) dst(%arg6 : memref<128x200xi32, #tpu.memory_space<vmem>>)
      tpu.yield
    }) : () -> ()
    %broadcast_in_dim3A = arith.constant 0 : i32
    %broadcast_in_dim3A_3 = vector.broadcast %broadcast_in_dim3A : i32 to vector<16xi32>
    %broadcast_in_dim3A_4 = arith.constant -1.000000e+30 : f32
    %broadcast_in_dim3A_5 = vector.broadcast %broadcast_in_dim3A_4 : f32 to vector<16xf32>
    %swap3A = arith.constant 0 : i32
    %swap3A_6 = arith.index_cast %swap3A : i32 to index
    %swap3A_7 = arith.constant 192 : index
    %swap3A_8 = tpu.vector_load %arg8[%swap3A_6, %swap3A_7] {strides = array<i32>} : memref<2x208xf32, #tpu.memory_space<vmem>>, vector<1x16xf32>,
    %swap3A_9 = vector.shape_cast %swap3A_8 : vector<1x16xf32> to vector<16xf32>
    %swap3A_10 = vector.shape_cast %broadcast_in_dim3A_5 : vector<16xf32> to vector<1x16xf32>
    tpu.vector_store %arg8[%swap3A_6, %swap3A_7], %swap3A_10 {strides = array<i32>} : memref<2x208xf32, #tpu.memory_space<vmem>>, vector<1x16xf32>,
    %swap3A_11 = arith.constant 0 : i32
    %swap3A_12 = arith.constant 200 : i32
    %swap3A_13 = arith.index_cast %swap3A_11 : i32 to index
    %swap3A_14 = arith.index_cast %swap3A_12 : i32 to index
    %swap3A_15 = arith.constant 0 : index
    %swap3A_16 = tpu.vector_load %arg7[%swap3A_13, %swap3A_14, %swap3A_15] {strides = array<i32>} : memref<2x208x64xi32, #tpu.memory_space<vmem>>, vector<1x1x16xi32>,
    %swap3A_17 = vector.shape_cast %swap3A_16 : vector<1x1x16xi32> to vector<16xi32>
    %swap3A_18 = vector.shape_cast %broadcast_in_dim3A_3 : vector<16xi32> to vector<1x1x16xi32>
    tpu.vector_store %arg7[%swap3A_13, %swap3A_14, %swap3A_15], %swap3A_18 {strides = array<i32>} : memref<2x208x64xi32, #tpu.memory_space<vmem>>, vector<1x1x16xi32>,
    %swap3A_19 = arith.constant 0 : i32
    %swap3A_20 = arith.constant 200 : i32
    %swap3A_21 = arith.index_cast %swap3A_19 : i32 to index
    %swap3A_22 = arith.index_cast %swap3A_20 : i32 to index
    %swap3A_23 = arith.constant 16 : index
    %swap3A_24 = tpu.vector_load %arg7[%swap3A_21, %swap3A_22, %swap3A_23] {strides = array<i32>} : memref<2x208x64xi32, #tpu.memory_space<vmem>>, vector<1x1x16xi32>,
    %swap3A_25 = vector.shape_cast %swap3A_24 : vector<1x1x16xi32> to vector<16xi32>
    %swap3A_26 = vector.shape_cast %broadcast_in_dim3A_3 : vector<16xi32> to vector<1x1x16xi32>
    tpu.vector_store %arg7[%swap3A_21, %swap3A_22, %swap3A_23], %swap3A_26 {strides = array<i32>} : memref<2x208x64xi32, #tpu.memory_space<vmem>>, vector<1x1x16xi32>,
    %swap3A_27 = arith.constant 0 : i32
    %swap3A_28 = arith.constant 200 : i32
    %swap3A_29 = arith.index_cast %swap3A_27 : i32 to index
    %swap3A_30 = arith.index_cast %swap3A_28 : i32 to index
    %swap3A_31 = arith.constant 32 : index
    %swap3A_32 = tpu.vector_load %arg7[%swap3A_29, %swap3A_30, %swap3A_31] {strides = array<i32>} : memref<2x208x64xi32, #tpu.memory_space<vmem>>, vector<1x1x16xi32>,
    %swap3A_33 = vector.shape_cast %swap3A_32 : vector<1x1x16xi32> to vector<16xi32>
    %swap3A_34 = vector.shape_cast %broadcast_in_dim3A_3 : vector<16xi32> to vector<1x1x16xi32>
    tpu.vector_store %arg7[%swap3A_29, %swap3A_30, %swap3A_31], %swap3A_34 {strides = array<i32>} : memref<2x208x64xi32, #tpu.memory_space<vmem>>, vector<1x1x16xi32>,
    %swap3A_35 = arith.constant 0 : i32
    %swap3A_36 = arith.constant 200 : i32
    %swap3A_37 = arith.index_cast %swap3A_35 : i32 to index
    %swap3A_38 = arith.index_cast %swap3A_36 : i32 to index
    %swap3A_39 = arith.constant 48 : index
    %swap3A_40 = tpu.vector_load %arg7[%swap3A_37, %swap3A_38, %swap3A_39] {strides = array<i32>} : memref<2x208x64xi32, #tpu.memory_space<vmem>>, vector<1x1x16xi32>,
    %swap3A_41 = vector.shape_cast %swap3A_40 : vector<1x1x16xi32> to vector<16xi32>
    %swap3A_42 = vector.shape_cast %broadcast_in_dim3A_3 : vector<16xi32> to vector<1x1x16xi32>
    tpu.vector_store %arg7[%swap3A_37, %swap3A_38, %swap3A_39], %swap3A_42 {strides = array<i32>} : memref<2x208x64xi32, #tpu.memory_space<vmem>>, vector<1x1x16xi32>,
    %swap3A_43 = arith.constant 0 : i32
    %swap3A_44 = arith.constant 201 : i32
    %swap3A_45 = arith.index_cast %swap3A_43 : i32 to index
    %swap3A_46 = arith.index_cast %swap3A_44 : i32 to index
    %swap3A_47 = arith.constant 0 : index
    %swap3A_48 = tpu.vector_load %arg7[%swap3A_45, %swap3A_46, %swap3A_47] {strides = array<i32>} : memref<2x208x64xi32, #tpu.memory_space<vmem>>, vector<1x1x16xi32>,
    %swap3A_49 = vector.shape_cast %swap3A_48 : vector<1x1x16xi32> to vector<16xi32>
    %swap3A_50 = vector.shape_cast %broadcast_in_dim3A_3 : vector<16xi32> to vector<1x1x16xi32>
    tpu.vector_store %arg7[%swap3A_45, %swap3A_46, %swap3A_47], %swap3A_50 {strides = array<i32>} : memref<2x208x64xi32, #tpu.memory_space<vmem>>, vector<1x1x16xi32>,
    %swap3A_51 = arith.constant 0 : i32
    %swap3A_52 = arith.constant 201 : i32
    %swap3A_53 = arith.index_cast %swap3A_51 : i32 to index
    %swap3A_54 = arith.index_cast %swap3A_52 : i32 to index
    %swap3A_55 = arith.constant 16 : index
    %swap3A_56 = tpu.vector_load %arg7[%swap3A_53, %swap3A_54, %swap3A_55] {strides = array<i32>} : memref<2x208x64xi32, #tpu.memory_space<vmem>>, vector<1x1x16xi32>,
    %swap3A_57 = vector.shape_cast %swap3A_56 : vector<1x1x16xi32> to vector<16xi32>
    %swap3A_58 = vector.shape_cast %broadcast_in_dim3A_3 : vector<16xi32> to vector<1x1x16xi32>
    tpu.vector_store %arg7[%swap3A_53, %swap3A_54, %swap3A_55], %swap3A_58 {strides = array<i32>} : memref<2x208x64xi32, #tpu.memory_space<vmem>>, vector<1x1x16xi32>,
    %swap3A_59 = arith.constant 0 : i32
    %swap3A_60 = arith.constant 201 : i32
    %swap3A_61 = arith.index_cast %swap3A_59 : i32 to index
    %swap3A_62 = arith.index_cast %swap3A_60 : i32 to index
    %swap3A_63 = arith.constant 32 : index
    %swap3A_64 = tpu.vector_load %arg7[%swap3A_61, %swap3A_62, %swap3A_63] {strides = array<i32>} : memref<2x208x64xi32, #tpu.memory_space<vmem>>, vector<1x1x16xi32>,
    %swap3A_65 = vector.shape_cast %swap3A_64 : vector<1x1x16xi32> to vector<16xi32>
    %swap3A_66 = vector.shape_cast %broadcast_in_dim3A_3 : vector<16xi32> to vector<1x1x16xi32>
    tpu.vector_store %arg7[%swap3A_61, %swap3A_62, %swap3A_63], %swap3A_66 {strides = array<i32>} : memref<2x208x64xi32, #tpu.memory_space<vmem>>, vector<1x1x16xi32>,
    %swap3A_67 = arith.constant 0 : i32
    %swap3A_68 = arith.constant 201 : i32
    %swap3A_69 = arith.index_cast %swap3A_67 : i32 to index
    %swap3A_70 = arith.index_cast %swap3A_68 : i32 to index
    %swap3A_71 = arith.constant 48 : index
    %swap3A_72 = tpu.vector_load %arg7[%swap3A_69, %swap3A_70, %swap3A_71] {strides = array<i32>} : memref<2x208x64xi32, #tpu.memory_space<vmem>>, vector<1x1x16xi32>,
    %swap3A_73 = vector.shape_cast %swap3A_72 : vector<1x1x16xi32> to vector<16xi32>
    %swap3A_74 = vector.shape_cast %broadcast_in_dim3A_3 : vector<16xi32> to vector<1x1x16xi32>
    tpu.vector_store %arg7[%swap3A_69, %swap3A_70, %swap3A_71], %swap3A_74 {strides = array<i32>} : memref<2x208x64xi32, #tpu.memory_space<vmem>>, vector<1x1x16xi32>,
    %swap3A_75 = arith.constant 0 : i32
    %swap3A_76 = arith.constant 202 : i32
    %swap3A_77 = arith.index_cast %swap3A_75 : i32 to index
    %swap3A_78 = arith.index_cast %swap3A_76 : i32 to index
    %swap3A_79 = arith.constant 0 : index
    %swap3A_80 = tpu.vector_load %arg7[%swap3A_77, %swap3A_78, %swap3A_79] {strides = array<i32>} : memref<2x208x64xi32, #tpu.memory_space<vmem>>, vector<1x1x16xi32>,
    %swap3A_81 = vector.shape_cast %swap3A_80 : vector<1x1x16xi32> to vector<16xi32>
    %swap3A_82 = vector.shape_cast %broadcast_in_dim3A_3 : vector<16xi32> to vector<1x1x16xi32>
    tpu.vector_store %arg7[%swap3A_77, %swap3A_78, %swap3A_79], %swap3A_82 {strides = array<i32>} : memref<2x208x64xi32, #tpu.memory_space<vmem>>, vector<1x1x16xi32>,
    %swap3A_83 = arith.constant 0 : i32
    %swap3A_84 = arith.constant 202 : i32
    %swap3A_85 = arith.index_cast %swap3A_83 : i32 to index
    %swap3A_86 = arith.index_cast %swap3A_84 : i32 to index
    %swap3A_87 = arith.constant 16 : index
    %swap3A_88 = tpu.vector_load %arg7[%swap3A_85, %swap3A_86, %swap3A_87] {strides = array<i32>} : memref<2x208x64xi32, #tpu.memory_space<vmem>>, vector<1x1x16xi32>,
    %swap3A_89 = vector.shape_cast %swap3A_88 : vector<1x1x16xi32> to vector<16xi32>
    %swap3A_90 = vector.shape_cast %broadcast_in_dim3A_3 : vector<16xi32> to vector<1x1x16xi32>
    tpu.vector_store %arg7[%swap3A_85, %swap3A_86, %swap3A_87], %swap3A_90 {strides = array<i32>} : memref<2x208x64xi32, #tpu.memory_space<vmem>>, vector<1x1x16xi32>,
    %swap3A_91 = arith.constant 0 : i32
    %swap3A_92 = arith.constant 202 : i32
    %swap3A_93 = arith.index_cast %swap3A_91 : i32 to index
    %swap3A_94 = arith.index_cast %swap3A_92 : i32 to index
    %swap3A_95 = arith.constant 32 : index
    %swap3A_96 = tpu.vector_load %arg7[%swap3A_93, %swap3A_94, %swap3A_95] {strides = array<i32>} : memref<2x208x64xi32, #tpu.memory_space<vmem>>, vector<1x1x16xi32>,
    %swap3A_97 = vector.shape_cast %swap3A_96 : vector<1x1x16xi32> to vector<16xi32>
    %swap3A_98 = vector.shape_cast %broadcast_in_dim3A_3 : vector<16xi32> to vector<1x1x16xi32>
    tpu.vector_store %arg7[%swap3A_93, %swap3A_94, %swap3A_95], %swap3A_98 {strides = array<i32>} : memref<2x208x64xi32, #tpu.memory_space<vmem>>, vector<1x1x16xi32>,
    %swap3A_99 = arith.constant 0 : i32
    %swap3A_100 = arith.constant 202 : i32
    %swap3A_101 = arith.index_cast %swap3A_99 : i32 to index
    %swap3A_102 = arith.index_cast %swap3A_100 : i32 to index
    %swap3A_103 = arith.constant 48 : index
    %swap3A_104 = tpu.vector_load %arg7[%swap3A_101, %swap3A_102, %swap3A_103] {strides = array<i32>} : memref<2x208x64xi32, #tpu.memory_space<vmem>>, vector<1x1x16xi32>,
    %swap3A_105 = vector.shape_cast %swap3A_104 : vector<1x1x16xi32> to vector<16xi32>
    %swap3A_106 = vector.shape_cast %broadcast_in_dim3A_3 : vector<16xi32> to vector<1x1x16xi32>
    tpu.vector_store %arg7[%swap3A_101, %swap3A_102, %swap3A_103], %swap3A_106 {strides = array<i32>} : memref<2x208x64xi32, #tpu.memory_space<vmem>>, vector<1x1x16xi32>,
    %swap3A_107 = arith.constant 0 : i32
    %swap3A_108 = arith.constant 203 : i32
    %swap3A_109 = arith.index_cast %swap3A_107 : i32 to index
    %swap3A_110 = arith.index_cast %swap3A_108 : i32 to index
    %swap3A_111 = arith.constant 0 : index
    %swap3A_112 = tpu.vector_load %arg7[%swap3A_109, %swap3A_110, %swap3A_111] {strides = array<i32>} : memref<2x208x64xi32, #tpu.memory_space<vmem>>, vector<1x1x16xi32>,
    %swap3A_113 = vector.shape_cast %swap3A_112 : vector<1x1x16xi32> to vector<16xi32>
    %swap3A_114 = vector.shape_cast %broadcast_in_dim3A_3 : vector<16xi32> to vector<1x1x16xi32>
    tpu.vector_store %arg7[%swap3A_109, %swap3A_110, %swap3A_111], %swap3A_114 {strides = array<i32>} : memref<2x208x64xi32, #tpu.memory_space<vmem>>, vector<1x1x16xi32>,
    %swap3A_115 = arith.constant 0 : i32
    %swap3A_116 = arith.constant 203 : i32
    %swap3A_117 = arith.index_cast %swap3A_115 : i32 to index
    %swap3A_118 = arith.index_cast %swap3A_116 : i32 to index
    %swap3A_119 = arith.constant 16 : index
    %swap3A_120 = tpu.vector_load %arg7[%swap3A_117, %swap3A_118, %swap3A_119] {strides = array<i32>} : memref<2x208x64xi32, #tpu.memory_space<vmem>>, vector<1x1x16xi32>,
    %swap3A_121 = vector.shape_cast %swap3A_120 : vector<1x1x16xi32> to vector<16xi32>
    %swap3A_122 = vector.shape_cast %broadcast_in_dim3A_3 : vector<16xi32> to vector<1x1x16xi32>
    tpu.vector_store %arg7[%swap3A_117, %swap3A_118, %swap3A_119], %swap3A_122 {strides = array<i32>} : memref<2x208x64xi32, #tpu.memory_space<vmem>>, vector<1x1x16xi32>,
    %swap3A_123 = arith.constant 0 : i32
    %swap3A_124 = arith.constant 203 : i32
    %swap3A_125 = arith.index_cast %swap3A_123 : i32 to index
    %swap3A_126 = arith.index_cast %swap3A_124 : i32 to index
    %swap3A_127 = arith.constant 32 : index
    %swap3A_128 = tpu.vector_load %arg7[%swap3A_125, %swap3A_126, %swap3A_127] {strides = array<i32>} : memref<2x208x64xi32, #tpu.memory_space<vmem>>, vector<1x1x16xi32>,
    %swap3A_129 = vector.shape_cast %swap3A_128 : vector<1x1x16xi32> to vector<16xi32>
    %swap3A_130 = vector.shape_cast %broadcast_in_dim3A_3 : vector<16xi32> to vector<1x1x16xi32>
    tpu.vector_store %arg7[%swap3A_125, %swap3A_126, %swap3A_127], %swap3A_130 {strides = array<i32>} : memref<2x208x64xi32, #tpu.memory_space<vmem>>, vector<1x1x16xi32>,
    %swap3A_131 = arith.constant 0 : i32
    %swap3A_132 = arith.constant 203 : i32
    %swap3A_133 = arith.index_cast %swap3A_131 : i32 to index
    %swap3A_134 = arith.index_cast %swap3A_132 : i32 to index
    %swap3A_135 = arith.constant 48 : index
    %swap3A_136 = tpu.vector_load %arg7[%swap3A_133, %swap3A_134, %swap3A_135] {strides = array<i32>} : memref<2x208x64xi32, #tpu.memory_space<vmem>>, vector<1x1x16xi32>,
    %swap3A_137 = vector.shape_cast %swap3A_136 : vector<1x1x16xi32> to vector<16xi32>
    %swap3A_138 = vector.shape_cast %broadcast_in_dim3A_3 : vector<16xi32> to vector<1x1x16xi32>
    tpu.vector_store %arg7[%swap3A_133, %swap3A_134, %swap3A_135], %swap3A_138 {strides = array<i32>} : memref<2x208x64xi32, #tpu.memory_space<vmem>>, vector<1x1x16xi32>,
    %swap3A_139 = arith.constant 0 : i32
    %swap3A_140 = arith.constant 204 : i32
    %swap3A_141 = arith.index_cast %swap3A_139 : i32 to index
    %swap3A_142 = arith.index_cast %swap3A_140 : i32 to index
    %swap3A_143 = arith.constant 0 : index
    %swap3A_144 = tpu.vector_load %arg7[%swap3A_141, %swap3A_142, %swap3A_143] {strides = array<i32>} : memref<2x208x64xi32, #tpu.memory_space<vmem>>, vector<1x1x16xi32>,
    %swap3A_145 = vector.shape_cast %swap3A_144 : vector<1x1x16xi32> to vector<16xi32>
    %swap3A_146 = vector.shape_cast %broadcast_in_dim3A_3 : vector<16xi32> to vector<1x1x16xi32>
    tpu.vector_store %arg7[%swap3A_141, %swap3A_142, %swap3A_143], %swap3A_146 {strides = array<i32>} : memref<2x208x64xi32, #tpu.memory_space<vmem>>, vector<1x1x16xi32>,
    %swap3A_147 = arith.constant 0 : i32
    %swap3A_148 = arith.constant 204 : i32
    %swap3A_149 = arith.index_cast %swap3A_147 : i32 to index
    %swap3A_150 = arith.index_cast %swap3A_148 : i32 to index
    %swap3A_151 = arith.constant 16 : index
    %swap3A_152 = tpu.vector_load %arg7[%swap3A_149, %swap3A_150, %swap3A_151] {strides = array<i32>} : memref<2x208x64xi32, #tpu.memory_space<vmem>>, vector<1x1x16xi32>,
    %swap3A_153 = vector.shape_cast %swap3A_152 : vector<1x1x16xi32> to vector<16xi32>
    %swap3A_154 = vector.shape_cast %broadcast_in_dim3A_3 : vector<16xi32> to vector<1x1x16xi32>
    tpu.vector_store %arg7[%swap3A_149, %swap3A_150, %swap3A_151], %swap3A_154 {strides = array<i32>} : memref<2x208x64xi32, #tpu.memory_space<vmem>>, vector<1x1x16xi32>,
    %swap3A_155 = arith.constant 0 : i32
    %swap3A_156 = arith.constant 204 : i32
    %swap3A_157 = arith.index_cast %swap3A_155 : i32 to index
    %swap3A_158 = arith.index_cast %swap3A_156 : i32 to index
    %swap3A_159 = arith.constant 32 : index
    %swap3A_160 = tpu.vector_load %arg7[%swap3A_157, %swap3A_158, %swap3A_159] {strides = array<i32>} : memref<2x208x64xi32, #tpu.memory_space<vmem>>, vector<1x1x16xi32>,
    %swap3A_161 = vector.shape_cast %swap3A_160 : vector<1x1x16xi32> to vector<16xi32>
    %swap3A_162 = vector.shape_cast %broadcast_in_dim3A_3 : vector<16xi32> to vector<1x1x16xi32>
    tpu.vector_store %arg7[%swap3A_157, %swap3A_158, %swap3A_159], %swap3A_162 {strides = array<i32>} : memref<2x208x64xi32, #tpu.memory_space<vmem>>, vector<1x1x16xi32>,
    %swap3A_163 = arith.constant 0 : i32
    %swap3A_164 = arith.constant 204 : i32
    %swap3A_165 = arith.index_cast %swap3A_163 : i32 to index
    %swap3A_166 = arith.index_cast %swap3A_164 : i32 to index
    %swap3A_167 = arith.constant 48 : index
    %swap3A_168 = tpu.vector_load %arg7[%swap3A_165, %swap3A_166, %swap3A_167] {strides = array<i32>} : memref<2x208x64xi32, #tpu.memory_space<vmem>>, vector<1x1x16xi32>,
    %swap3A_169 = vector.shape_cast %swap3A_168 : vector<1x1x16xi32> to vector<16xi32>
    %swap3A_170 = vector.shape_cast %broadcast_in_dim3A_3 : vector<16xi32> to vector<1x1x16xi32>
    tpu.vector_store %arg7[%swap3A_165, %swap3A_166, %swap3A_167], %swap3A_170 {strides = array<i32>} : memref<2x208x64xi32, #tpu.memory_space<vmem>>, vector<1x1x16xi32>,
    %swap3A_171 = arith.constant 0 : i32
    %swap3A_172 = arith.constant 205 : i32
    %swap3A_173 = arith.index_cast %swap3A_171 : i32 to index
    %swap3A_174 = arith.index_cast %swap3A_172 : i32 to index
    %swap3A_175 = arith.constant 0 : index
    %swap3A_176 = tpu.vector_load %arg7[%swap3A_173, %swap3A_174, %swap3A_175] {strides = array<i32>} : memref<2x208x64xi32, #tpu.memory_space<vmem>>, vector<1x1x16xi32>,
    %swap3A_177 = vector.shape_cast %swap3A_176 : vector<1x1x16xi32> to vector<16xi32>
    %swap3A_178 = vector.shape_cast %broadcast_in_dim3A_3 : vector<16xi32> to vector<1x1x16xi32>
    tpu.vector_store %arg7[%swap3A_173, %swap3A_174, %swap3A_175], %swap3A_178 {strides = array<i32>} : memref<2x208x64xi32, #tpu.memory_space<vmem>>, vector<1x1x16xi32>,
    %swap3A_179 = arith.constant 0 : i32
    %swap3A_180 = arith.constant 205 : i32
    %swap3A_181 = arith.index_cast %swap3A_179 : i32 to index
    %swap3A_182 = arith.index_cast %swap3A_180 : i32 to index
    %swap3A_183 = arith.constant 16 : index
    %swap3A_184 = tpu.vector_load %arg7[%swap3A_181, %swap3A_182, %swap3A_183] {strides = array<i32>} : memref<2x208x64xi32, #tpu.memory_space<vmem>>, vector<1x1x16xi32>,
    %swap3A_185 = vector.shape_cast %swap3A_184 : vector<1x1x16xi32> to vector<16xi32>
    %swap3A_186 = vector.shape_cast %broadcast_in_dim3A_3 : vector<16xi32> to vector<1x1x16xi32>
    tpu.vector_store %arg7[%swap3A_181, %swap3A_182, %swap3A_183], %swap3A_186 {strides = array<i32>} : memref<2x208x64xi32, #tpu.memory_space<vmem>>, vector<1x1x16xi32>,
    %swap3A_187 = arith.constant 0 : i32
    %swap3A_188 = arith.constant 205 : i32
    %swap3A_189 = arith.index_cast %swap3A_187 : i32 to index
    %swap3A_190 = arith.index_cast %swap3A_188 : i32 to index
    %swap3A_191 = arith.constant 32 : index
    %swap3A_192 = tpu.vector_load %arg7[%swap3A_189, %swap3A_190, %swap3A_191] {strides = array<i32>} : memref<2x208x64xi32, #tpu.memory_space<vmem>>, vector<1x1x16xi32>,
    %swap3A_193 = vector.shape_cast %swap3A_192 : vector<1x1x16xi32> to vector<16xi32>
    %swap3A_194 = vector.shape_cast %broadcast_in_dim3A_3 : vector<16xi32> to vector<1x1x16xi32>
    tpu.vector_store %arg7[%swap3A_189, %swap3A_190, %swap3A_191], %swap3A_194 {strides = array<i32>} : memref<2x208x64xi32, #tpu.memory_space<vmem>>, vector<1x1x16xi32>,
    %swap3A_195 = arith.constant 0 : i32
    %swap3A_196 = arith.constant 205 : i32
    %swap3A_197 = arith.index_cast %swap3A_195 : i32 to index
    %swap3A_198 = arith.index_cast %swap3A_196 : i32 to index
    %swap3A_199 = arith.constant 48 : index
    %swap3A_200 = tpu.vector_load %arg7[%swap3A_197, %swap3A_198, %swap3A_199] {strides = array<i32>} : memref<2x208x64xi32, #tpu.memory_space<vmem>>, vector<1x1x16xi32>,
    %swap3A_201 = vector.shape_cast %swap3A_200 : vector<1x1x16xi32> to vector<16xi32>
    %swap3A_202 = vector.shape_cast %broadcast_in_dim3A_3 : vector<16xi32> to vector<1x1x16xi32>
    tpu.vector_store %arg7[%swap3A_197, %swap3A_198, %swap3A_199], %swap3A_202 {strides = array<i32>} : memref<2x208x64xi32, #tpu.memory_space<vmem>>, vector<1x1x16xi32>,
    %swap3A_203 = arith.constant 0 : i32
    %swap3A_204 = arith.constant 206 : i32
    %swap3A_205 = arith.index_cast %swap3A_203 : i32 to index
    %swap3A_206 = arith.index_cast %swap3A_204 : i32 to index
    %swap3A_207 = arith.constant 0 : index
    %swap3A_208 = tpu.vector_load %arg7[%swap3A_205, %swap3A_206, %swap3A_207] {strides = array<i32>} : memref<2x208x64xi32, #tpu.memory_space<vmem>>, vector<1x1x16xi32>,
    %swap3A_209 = vector.shape_cast %swap3A_208 : vector<1x1x16xi32> to vector<16xi32>
    %swap3A_210 = vector.shape_cast %broadcast_in_dim3A_3 : vector<16xi32> to vector<1x1x16xi32>
    tpu.vector_store %arg7[%swap3A_205, %swap3A_206, %swap3A_207], %swap3A_210 {strides = array<i32>} : memref<2x208x64xi32, #tpu.memory_space<vmem>>, vector<1x1x16xi32>,
    %swap3A_211 = arith.constant 0 : i32
    %swap3A_212 = arith.constant 206 : i32
    %swap3A_213 = arith.index_cast %swap3A_211 : i32 to index
    %swap3A_214 = arith.index_cast %swap3A_212 : i32 to index
    %swap3A_215 = arith.constant 16 : index
    %swap3A_216 = tpu.vector_load %arg7[%swap3A_213, %swap3A_214, %swap3A_215] {strides = array<i32>} : memref<2x208x64xi32, #tpu.memory_space<vmem>>, vector<1x1x16xi32>,
    %swap3A_217 = vector.shape_cast %swap3A_216 : vector<1x1x16xi32> to vector<16xi32>
    %swap3A_218 = vector.shape_cast %broadcast_in_dim3A_3 : vector<16xi32> to vector<1x1x16xi32>
    tpu.vector_store %arg7[%swap3A_213, %swap3A_214, %swap3A_215], %swap3A_218 {strides = array<i32>} : memref<2x208x64xi32, #tpu.memory_space<vmem>>, vector<1x1x16xi32>,
    %swap3A_219 = arith.constant 0 : i32
    %swap3A_220 = arith.constant 206 : i32
    %swap3A_221 = arith.index_cast %swap3A_219 : i32 to index
    %swap3A_222 = arith.index_cast %swap3A_220 : i32 to index
    %swap3A_223 = arith.constant 32 : index
    %swap3A_224 = tpu.vector_load %arg7[%swap3A_221, %swap3A_222, %swap3A_223] {strides = array<i32>} : memref<2x208x64xi32, #tpu.memory_space<vmem>>, vector<1x1x16xi32>,
    %swap3A_225 = vector.shape_cast %swap3A_224 : vector<1x1x16xi32> to vector<16xi32>
    %swap3A_226 = vector.shape_cast %broadcast_in_dim3A_3 : vector<16xi32> to vector<1x1x16xi32>
    tpu.vector_store %arg7[%swap3A_221, %swap3A_222, %swap3A_223], %swap3A_226 {strides = array<i32>} : memref<2x208x64xi32, #tpu.memory_space<vmem>>, vector<1x1x16xi32>,
    %swap3A_227 = arith.constant 0 : i32
    %swap3A_228 = arith.constant 206 : i32
    %swap3A_229 = arith.index_cast %swap3A_227 : i32 to index
    %swap3A_230 = arith.index_cast %swap3A_228 : i32 to index
    %swap3A_231 = arith.constant 48 : index
    %swap3A_232 = tpu.vector_load %arg7[%swap3A_229, %swap3A_230, %swap3A_231] {strides = array<i32>} : memref<2x208x64xi32, #tpu.memory_space<vmem>>, vector<1x1x16xi32>,
    %swap3A_233 = vector.shape_cast %swap3A_232 : vector<1x1x16xi32> to vector<16xi32>
    %swap3A_234 = vector.shape_cast %broadcast_in_dim3A_3 : vector<16xi32> to vector<1x1x16xi32>
    tpu.vector_store %arg7[%swap3A_229, %swap3A_230, %swap3A_231], %swap3A_234 {strides = array<i32>} : memref<2x208x64xi32, #tpu.memory_space<vmem>>, vector<1x1x16xi32>,
    %swap3A_235 = arith.constant 0 : i32
    %swap3A_236 = arith.constant 207 : i32
    %swap3A_237 = arith.index_cast %swap3A_235 : i32 to index
    %swap3A_238 = arith.index_cast %swap3A_236 : i32 to index
    %swap3A_239 = arith.constant 0 : index
    %swap3A_240 = tpu.vector_load %arg7[%swap3A_237, %swap3A_238, %swap3A_239] {strides = array<i32>} : memref<2x208x64xi32, #tpu.memory_space<vmem>>, vector<1x1x16xi32>,
    %swap3A_241 = vector.shape_cast %swap3A_240 : vector<1x1x16xi32> to vector<16xi32>
    %swap3A_242 = vector.shape_cast %broadcast_in_dim3A_3 : vector<16xi32> to vector<1x1x16xi32>
    tpu.vector_store %arg7[%swap3A_237, %swap3A_238, %swap3A_239], %swap3A_242 {strides = array<i32>} : memref<2x208x64xi32, #tpu.memory_space<vmem>>, vector<1x1x16xi32>,
    %swap3A_243 = arith.constant 0 : i32
    %swap3A_244 = arith.constant 207 : i32
    %swap3A_245 = arith.index_cast %swap3A_243 : i32 to index
    %swap3A_246 = arith.index_cast %swap3A_244 : i32 to index
    %swap3A_247 = arith.constant 16 : index
    %swap3A_248 = tpu.vector_load %arg7[%swap3A_245, %swap3A_246, %swap3A_247] {strides = array<i32>} : memref<2x208x64xi32, #tpu.memory_space<vmem>>, vector<1x1x16xi32>,
    %swap3A_249 = vector.shape_cast %swap3A_248 : vector<1x1x16xi32> to vector<16xi32>
    %swap3A_250 = vector.shape_cast %broadcast_in_dim3A_3 : vector<16xi32> to vector<1x1x16xi32>
    tpu.vector_store %arg7[%swap3A_245, %swap3A_246, %swap3A_247], %swap3A_250 {strides = array<i32>} : memref<2x208x64xi32, #tpu.memory_space<vmem>>, vector<1x1x16xi32>,
    %swap3A_251 = arith.constant 0 : i32
    %swap3A_252 = arith.constant 207 : i32
    %swap3A_253 = arith.index_cast %swap3A_251 : i32 to index
    %swap3A_254 = arith.index_cast %swap3A_252 : i32 to index
    %swap3A_255 = arith.constant 32 : index
    %swap3A_256 = tpu.vector_load %arg7[%swap3A_253, %swap3A_254, %swap3A_255] {strides = array<i32>} : memref<2x208x64xi32, #tpu.memory_space<vmem>>, vector<1x1x16xi32>,
    %swap3A_257 = vector.shape_cast %swap3A_256 : vector<1x1x16xi32> to vector<16xi32>
    %swap3A_258 = vector.shape_cast %broadcast_in_dim3A_3 : vector<16xi32> to vector<1x1x16xi32>
    tpu.vector_store %arg7[%swap3A_253, %swap3A_254, %swap3A_255], %swap3A_258 {strides = array<i32>} : memref<2x208x64xi32, #tpu.memory_space<vmem>>, vector<1x1x16xi32>,
    %swap3A_259 = arith.constant 0 : i32
    %swap3A_260 = arith.constant 207 : i32
    %swap3A_261 = arith.index_cast %swap3A_259 : i32 to index
    %swap3A_262 = arith.index_cast %swap3A_260 : i32 to index
    %swap3A_263 = arith.constant 48 : index
    %swap3A_264 = tpu.vector_load %arg7[%swap3A_261, %swap3A_262, %swap3A_263] {strides = array<i32>} : memref<2x208x64xi32, #tpu.memory_space<vmem>>, vector<1x1x16xi32>,
    %swap3A_265 = vector.shape_cast %swap3A_264 : vector<1x1x16xi32> to vector<16xi32>
    %swap3A_266 = vector.shape_cast %broadcast_in_dim3A_3 : vector<16xi32> to vector<1x1x16xi32>
    tpu.vector_store %arg7[%swap3A_261, %swap3A_262, %swap3A_263], %swap3A_266 {strides = array<i32>} : memref<2x208x64xi32, #tpu.memory_space<vmem>>, vector<1x1x16xi32>,
    %broadcast_in_dim3A_267 = arith.constant -1.000000e+30 : f32
    %broadcast_in_dim3A_268 = vector.broadcast %broadcast_in_dim3A_267 : f32 to vector<16xf32>
    %swap3A_269 = arith.constant 1 : i32
    %swap3A_270 = arith.index_cast %swap3A_269 : i32 to index
    %swap3A_271 = arith.constant 192 : index
    %swap3A_272 = tpu.vector_load %arg8[%swap3A_270, %swap3A_271] {strides = array<i32>} : memref<2x208xf32, #tpu.memory_space<vmem>>, vector<1x16xf32>,
    %swap3A_273 = vector.shape_cast %swap3A_272 : vector<1x16xf32> to vector<16xf32>
    %swap3A_274 = vector.shape_cast %broadcast_in_dim3A_268 : vector<16xf32> to vector<1x16xf32>
    tpu.vector_store %arg8[%swap3A_270, %swap3A_271], %swap3A_274 {strides = array<i32>} : memref<2x208xf32, #tpu.memory_space<vmem>>, vector<1x16xf32>,
    %swap3A_275 = arith.constant 1 : i32
    %swap3A_276 = arith.constant 200 : i32
    %swap3A_277 = arith.index_cast %swap3A_275 : i32 to index
    %swap3A_278 = arith.index_cast %swap3A_276 : i32 to index
    %swap3A_279 = arith.constant 0 : index
    %swap3A_280 = tpu.vector_load %arg7[%swap3A_277, %swap3A_278, %swap3A_279] {strides = array<i32>} : memref<2x208x64xi32, #tpu.memory_space<vmem>>, vector<1x1x16xi32>,
    %swap3A_281 = vector.shape_cast %swap3A_280 : vector<1x1x16xi32> to vector<16xi32>
    %swap3A_282 = vector.shape_cast %broadcast_in_dim3A_3 : vector<16xi32> to vector<1x1x16xi32>
    tpu.vector_store %arg7[%swap3A_277, %swap3A_278, %swap3A_279], %swap3A_282 {strides = array<i32>} : memref<2x208x64xi32, #tpu.memory_space<vmem>>, vector<1x1x16xi32>,
    %swap3A_283 = arith.constant 1 : i32
    %swap3A_284 = arith.constant 200 : i32
    %swap3A_285 = arith.index_cast %swap3A_283 : i32 to index
    %swap3A_286 = arith.index_cast %swap3A_284 : i32 to index
    %swap3A_287 = arith.constant 16 : index
    %swap3A_288 = tpu.vector_load %arg7[%swap3A_285, %swap3A_286, %swap3A_287] {strides = array<i32>} : memref<2x208x64xi32, #tpu.memory_space<vmem>>, vector<1x1x16xi32>,
    %swap3A_289 = vector.shape_cast %swap3A_288 : vector<1x1x16xi32> to vector<16xi32>
    %swap3A_290 = vector.shape_cast %broadcast_in_dim3A_3 : vector<16xi32> to vector<1x1x16xi32>
    tpu.vector_store %arg7[%swap3A_285, %swap3A_286, %swap3A_287], %swap3A_290 {strides = array<i32>} : memref<2x208x64xi32, #tpu.memory_space<vmem>>, vector<1x1x16xi32>,
    %swap3A_291 = arith.constant 1 : i32
    %swap3A_292 = arith.constant 200 : i32
    %swap3A_293 = arith.index_cast %swap3A_291 : i32 to index
    %swap3A_294 = arith.index_cast %swap3A_292 : i32 to index
    %swap3A_295 = arith.constant 32 : index
    %swap3A_296 = tpu.vector_load %arg7[%swap3A_293, %swap3A_294, %swap3A_295] {strides = array<i32>} : memref<2x208x64xi32, #tpu.memory_space<vmem>>, vector<1x1x16xi32>,
    %swap3A_297 = vector.shape_cast %swap3A_296 : vector<1x1x16xi32> to vector<16xi32>
    %swap3A_298 = vector.shape_cast %broadcast_in_dim3A_3 : vector<16xi32> to vector<1x1x16xi32>
    tpu.vector_store %arg7[%swap3A_293, %swap3A_294, %swap3A_295], %swap3A_298 {strides = array<i32>} : memref<2x208x64xi32, #tpu.memory_space<vmem>>, vector<1x1x16xi32>,
    %swap3A_299 = arith.constant 1 : i32
    %swap3A_300 = arith.constant 200 : i32
    %swap3A_301 = arith.index_cast %swap3A_299 : i32 to index
    %swap3A_302 = arith.index_cast %swap3A_300 : i32 to index
    %swap3A_303 = arith.constant 48 : index
    %swap3A_304 = tpu.vector_load %arg7[%swap3A_301, %swap3A_302, %swap3A_303] {strides = array<i32>} : memref<2x208x64xi32, #tpu.memory_space<vmem>>, vector<1x1x16xi32>,
    %swap3A_305 = vector.shape_cast %swap3A_304 : vector<1x1x16xi32> to vector<16xi32>
    %swap3A_306 = vector.shape_cast %broadcast_in_dim3A_3 : vector<16xi32> to vector<1x1x16xi32>
    tpu.vector_store %arg7[%swap3A_301, %swap3A_302, %swap3A_303], %swap3A_306 {strides = array<i32>} : memref<2x208x64xi32, #tpu.memory_space<vmem>>, vector<1x1x16xi32>,
    %swap3A_307 = arith.constant 1 : i32
    %swap3A_308 = arith.constant 201 : i32
    %swap3A_309 = arith.index_cast %swap3A_307 : i32 to index
    %swap3A_310 = arith.index_cast %swap3A_308 : i32 to index
    %swap3A_311 = arith.constant 0 : index
    %swap3A_312 = tpu.vector_load %arg7[%swap3A_309, %swap3A_310, %swap3A_311] {strides = array<i32>} : memref<2x208x64xi32, #tpu.memory_space<vmem>>, vector<1x1x16xi32>,
    %swap3A_313 = vector.shape_cast %swap3A_312 : vector<1x1x16xi32> to vector<16xi32>
    %swap3A_314 = vector.shape_cast %broadcast_in_dim3A_3 : vector<16xi32> to vector<1x1x16xi32>
    tpu.vector_store %arg7[%swap3A_309, %swap3A_310, %swap3A_311], %swap3A_314 {strides = array<i32>} : memref<2x208x64xi32, #tpu.memory_space<vmem>>, vector<1x1x16xi32>,
    %swap3A_315 = arith.constant 1 : i32
    %swap3A_316 = arith.constant 201 : i32
    %swap3A_317 = arith.index_cast %swap3A_315 : i32 to index
    %swap3A_318 = arith.index_cast %swap3A_316 : i32 to index
    %swap3A_319 = arith.constant 16 : index
    %swap3A_320 = tpu.vector_load %arg7[%swap3A_317, %swap3A_318, %swap3A_319] {strides = array<i32>} : memref<2x208x64xi32, #tpu.memory_space<vmem>>, vector<1x1x16xi32>,
    %swap3A_321 = vector.shape_cast %swap3A_320 : vector<1x1x16xi32> to vector<16xi32>
    %swap3A_322 = vector.shape_cast %broadcast_in_dim3A_3 : vector<16xi32> to vector<1x1x16xi32>
    tpu.vector_store %arg7[%swap3A_317, %swap3A_318, %swap3A_319], %swap3A_322 {strides = array<i32>} : memref<2x208x64xi32, #tpu.memory_space<vmem>>, vector<1x1x16xi32>,
    %swap3A_323 = arith.constant 1 : i32
    %swap3A_324 = arith.constant 201 : i32
    %swap3A_325 = arith.index_cast %swap3A_323 : i32 to index
    %swap3A_326 = arith.index_cast %swap3A_324 : i32 to index
    %swap3A_327 = arith.constant 32 : index
    %swap3A_328 = tpu.vector_load %arg7[%swap3A_325, %swap3A_326, %swap3A_327] {strides = array<i32>} : memref<2x208x64xi32, #tpu.memory_space<vmem>>, vector<1x1x16xi32>,
    %swap3A_329 = vector.shape_cast %swap3A_328 : vector<1x1x16xi32> to vector<16xi32>
    %swap3A_330 = vector.shape_cast %broadcast_in_dim3A_3 : vector<16xi32> to vector<1x1x16xi32>
    tpu.vector_store %arg7[%swap3A_325, %swap3A_326, %swap3A_327], %swap3A_330 {strides = array<i32>} : memref<2x208x64xi32, #tpu.memory_space<vmem>>, vector<1x1x16xi32>,
    %swap3A_331 = arith.constant 1 : i32
    %swap3A_332 = arith.constant 201 : i32
    %swap3A_333 = arith.index_cast %swap3A_331 : i32 to index
    %swap3A_334 = arith.index_cast %swap3A_332 : i32 to index
    %swap3A_335 = arith.constant 48 : index
    %swap3A_336 = tpu.vector_load %arg7[%swap3A_333, %swap3A_334, %swap3A_335] {strides = array<i32>} : memref<2x208x64xi32, #tpu.memory_space<vmem>>, vector<1x1x16xi32>,
    %swap3A_337 = vector.shape_cast %swap3A_336 : vector<1x1x16xi32> to vector<16xi32>
    %swap3A_338 = vector.shape_cast %broadcast_in_dim3A_3 : vector<16xi32> to vector<1x1x16xi32>
    tpu.vector_store %arg7[%swap3A_333, %swap3A_334, %swap3A_335], %swap3A_338 {strides = array<i32>} : memref<2x208x64xi32, #tpu.memory_space<vmem>>, vector<1x1x16xi32>,
    %swap3A_339 = arith.constant 1 : i32
    %swap3A_340 = arith.constant 202 : i32
    %swap3A_341 = arith.index_cast %swap3A_339 : i32 to index
    %swap3A_342 = arith.index_cast %swap3A_340 : i32 to index
    %swap3A_343 = arith.constant 0 : index
    %swap3A_344 = tpu.vector_load %arg7[%swap3A_341, %swap3A_342, %swap3A_343] {strides = array<i32>} : memref<2x208x64xi32, #tpu.memory_space<vmem>>, vector<1x1x16xi32>,
    %swap3A_345 = vector.shape_cast %swap3A_344 : vector<1x1x16xi32> to vector<16xi32>
    %swap3A_346 = vector.shape_cast %broadcast_in_dim3A_3 : vector<16xi32> to vector<1x1x16xi32>
    tpu.vector_store %arg7[%swap3A_341, %swap3A_342, %swap3A_343], %swap3A_346 {strides = array<i32>} : memref<2x208x64xi32, #tpu.memory_space<vmem>>, vector<1x1x16xi32>,
    %swap3A_347 = arith.constant 1 : i32
    %swap3A_348 = arith.constant 202 : i32
    %swap3A_349 = arith.index_cast %swap3A_347 : i32 to index
    %swap3A_350 = arith.index_cast %swap3A_348 : i32 to index
    %swap3A_351 = arith.constant 16 : index
    %swap3A_352 = tpu.vector_load %arg7[%swap3A_349, %swap3A_350, %swap3A_351] {strides = array<i32>} : memref<2x208x64xi32, #tpu.memory_space<vmem>>, vector<1x1x16xi32>,
    %swap3A_353 = vector.shape_cast %swap3A_352 : vector<1x1x16xi32> to vector<16xi32>
    %swap3A_354 = vector.shape_cast %broadcast_in_dim3A_3 : vector<16xi32> to vector<1x1x16xi32>
    tpu.vector_store %arg7[%swap3A_349, %swap3A_350, %swap3A_351], %swap3A_354 {strides = array<i32>} : memref<2x208x64xi32, #tpu.memory_space<vmem>>, vector<1x1x16xi32>,
    %swap3A_355 = arith.constant 1 : i32
    %swap3A_356 = arith.constant 202 : i32
    %swap3A_357 = arith.index_cast %swap3A_355 : i32 to index
    %swap3A_358 = arith.index_cast %swap3A_356 : i32 to index
    %swap3A_359 = arith.constant 32 : index
    %swap3A_360 = tpu.vector_load %arg7[%swap3A_357, %swap3A_358, %swap3A_359] {strides = array<i32>} : memref<2x208x64xi32, #tpu.memory_space<vmem>>, vector<1x1x16xi32>,
    %swap3A_361 = vector.shape_cast %swap3A_360 : vector<1x1x16xi32> to vector<16xi32>
    %swap3A_362 = vector.shape_cast %broadcast_in_dim3A_3 : vector<16xi32> to vector<1x1x16xi32>
    tpu.vector_store %arg7[%swap3A_357, %swap3A_358, %swap3A_359], %swap3A_362 {strides = array<i32>} : memref<2x208x64xi32, #tpu.memory_space<vmem>>, vector<1x1x16xi32>,
    %swap3A_363 = arith.constant 1 : i32
    %swap3A_364 = arith.constant 202 : i32
    %swap3A_365 = arith.index_cast %swap3A_363 : i32 to index
    %swap3A_366 = arith.index_cast %swap3A_364 : i32 to index
    %swap3A_367 = arith.constant 48 : index
    %swap3A_368 = tpu.vector_load %arg7[%swap3A_365, %swap3A_366, %swap3A_367] {strides = array<i32>} : memref<2x208x64xi32, #tpu.memory_space<vmem>>, vector<1x1x16xi32>,
    %swap3A_369 = vector.shape_cast %swap3A_368 : vector<1x1x16xi32> to vector<16xi32>
    %swap3A_370 = vector.shape_cast %broadcast_in_dim3A_3 : vector<16xi32> to vector<1x1x16xi32>
    tpu.vector_store %arg7[%swap3A_365, %swap3A_366, %swap3A_367], %swap3A_370 {strides = array<i32>} : memref<2x208x64xi32, #tpu.memory_space<vmem>>, vector<1x1x16xi32>,
    %swap3A_371 = arith.constant 1 : i32
    %swap3A_372 = arith.constant 203 : i32
    %swap3A_373 = arith.index_cast %swap3A_371 : i32 to index
    %swap3A_374 = arith.index_cast %swap3A_372 : i32 to index
    %swap3A_375 = arith.constant 0 : index
    %swap3A_376 = tpu.vector_load %arg7[%swap3A_373, %swap3A_374, %swap3A_375] {strides = array<i32>} : memref<2x208x64xi32, #tpu.memory_space<vmem>>, vector<1x1x16xi32>,
    %swap3A_377 = vector.shape_cast %swap3A_376 : vector<1x1x16xi32> to vector<16xi32>
    %swap3A_378 = vector.shape_cast %broadcast_in_dim3A_3 : vector<16xi32> to vector<1x1x16xi32>
    tpu.vector_store %arg7[%swap3A_373, %swap3A_374, %swap3A_375], %swap3A_378 {strides = array<i32>} : memref<2x208x64xi32, #tpu.memory_space<vmem>>, vector<1x1x16xi32>,
    %swap3A_379 = arith.constant 1 : i32
    %swap3A_380 = arith.constant 203 : i32
    %swap3A_381 = arith.index_cast %swap3A_379 : i32 to index
    %swap3A_382 = arith.index_cast %swap3A_380 : i32 to index
    %swap3A_383 = arith.constant 16 : index
    %swap3A_384 = tpu.vector_load %arg7[%swap3A_381, %swap3A_382, %swap3A_383] {strides = array<i32>} : memref<2x208x64xi32, #tpu.memory_space<vmem>>, vector<1x1x16xi32>,
    %swap3A_385 = vector.shape_cast %swap3A_384 : vector<1x1x16xi32> to vector<16xi32>
    %swap3A_386 = vector.shape_cast %broadcast_in_dim3A_3 : vector<16xi32> to vector<1x1x16xi32>
    tpu.vector_store %arg7[%swap3A_381, %swap3A_382, %swap3A_383], %swap3A_386 {strides = array<i32>} : memref<2x208x64xi32, #tpu.memory_space<vmem>>, vector<1x1x16xi32>,
    %swap3A_387 = arith.constant 1 : i32
    %swap3A_388 = arith.constant 203 : i32
    %swap3A_389 = arith.index_cast %swap3A_387 : i32 to index
    %swap3A_390 = arith.index_cast %swap3A_388 : i32 to index
    %swap3A_391 = arith.constant 32 : index
    %swap3A_392 = tpu.vector_load %arg7[%swap3A_389, %swap3A_390, %swap3A_391] {strides = array<i32>} : memref<2x208x64xi32, #tpu.memory_space<vmem>>, vector<1x1x16xi32>,
    %swap3A_393 = vector.shape_cast %swap3A_392 : vector<1x1x16xi32> to vector<16xi32>
    %swap3A_394 = vector.shape_cast %broadcast_in_dim3A_3 : vector<16xi32> to vector<1x1x16xi32>
    tpu.vector_store %arg7[%swap3A_389, %swap3A_390, %swap3A_391], %swap3A_394 {strides = array<i32>} : memref<2x208x64xi32, #tpu.memory_space<vmem>>, vector<1x1x16xi32>,
    %swap3A_395 = arith.constant 1 : i32
    %swap3A_396 = arith.constant 203 : i32
    %swap3A_397 = arith.index_cast %swap3A_395 : i32 to index
    %swap3A_398 = arith.index_cast %swap3A_396 : i32 to index
    %swap3A_399 = arith.constant 48 : index
    %swap3A_400 = tpu.vector_load %arg7[%swap3A_397, %swap3A_398, %swap3A_399] {strides = array<i32>} : memref<2x208x64xi32, #tpu.memory_space<vmem>>, vector<1x1x16xi32>,
    %swap3A_401 = vector.shape_cast %swap3A_400 : vector<1x1x16xi32> to vector<16xi32>
    %swap3A_402 = vector.shape_cast %broadcast_in_dim3A_3 : vector<16xi32> to vector<1x1x16xi32>
    tpu.vector_store %arg7[%swap3A_397, %swap3A_398, %swap3A_399], %swap3A_402 {strides = array<i32>} : memref<2x208x64xi32, #tpu.memory_space<vmem>>, vector<1x1x16xi32>,
    %swap3A_403 = arith.constant 1 : i32
    %swap3A_404 = arith.constant 204 : i32
    %swap3A_405 = arith.index_cast %swap3A_403 : i32 to index
    %swap3A_406 = arith.index_cast %swap3A_404 : i32 to index
    %swap3A_407 = arith.constant 0 : index
    %swap3A_408 = tpu.vector_load %arg7[%swap3A_405, %swap3A_406, %swap3A_407] {strides = array<i32>} : memref<2x208x64xi32, #tpu.memory_space<vmem>>, vector<1x1x16xi32>,
    %swap3A_409 = vector.shape_cast %swap3A_408 : vector<1x1x16xi32> to vector<16xi32>
    %swap3A_410 = vector.shape_cast %broadcast_in_dim3A_3 : vector<16xi32> to vector<1x1x16xi32>
    tpu.vector_store %arg7[%swap3A_405, %swap3A_406, %swap3A_407], %swap3A_410 {strides = array<i32>} : memref<2x208x64xi32, #tpu.memory_space<vmem>>, vector<1x1x16xi32>,
    %swap3A_411 = arith.constant 1 : i32
    %swap3A_412 = arith.constant 204 : i32
    %swap3A_413 = arith.index_cast %swap3A_411 : i32 to index
    %swap3A_414 = arith.index_cast %swap3A_412 : i32 to index
    %swap3A_415 = arith.constant 16 : index
    %swap3A_416 = tpu.vector_load %arg7[%swap3A_413, %swap3A_414, %swap3A_415] {strides = array<i32>} : memref<2x208x64xi32, #tpu.memory_space<vmem>>, vector<1x1x16xi32>,
    %swap3A_417 = vector.shape_cast %swap3A_416 : vector<1x1x16xi32> to vector<16xi32>
    %swap3A_418 = vector.shape_cast %broadcast_in_dim3A_3 : vector<16xi32> to vector<1x1x16xi32>
    tpu.vector_store %arg7[%swap3A_413, %swap3A_414, %swap3A_415], %swap3A_418 {strides = array<i32>} : memref<2x208x64xi32, #tpu.memory_space<vmem>>, vector<1x1x16xi32>,
    %swap3A_419 = arith.constant 1 : i32
    %swap3A_420 = arith.constant 204 : i32
    %swap3A_421 = arith.index_cast %swap3A_419 : i32 to index
    %swap3A_422 = arith.index_cast %swap3A_420 : i32 to index
    %swap3A_423 = arith.constant 32 : index
    %swap3A_424 = tpu.vector_load %arg7[%swap3A_421, %swap3A_422, %swap3A_423] {strides = array<i32>} : memref<2x208x64xi32, #tpu.memory_space<vmem>>, vector<1x1x16xi32>,
    %swap3A_425 = vector.shape_cast %swap3A_424 : vector<1x1x16xi32> to vector<16xi32>
    %swap3A_426 = vector.shape_cast %broadcast_in_dim3A_3 : vector<16xi32> to vector<1x1x16xi32>
    tpu.vector_store %arg7[%swap3A_421, %swap3A_422, %swap3A_423], %swap3A_426 {strides = array<i32>} : memref<2x208x64xi32, #tpu.memory_space<vmem>>, vector<1x1x16xi32>,
    %swap3A_427 = arith.constant 1 : i32
    %swap3A_428 = arith.constant 204 : i32
    %swap3A_429 = arith.index_cast %swap3A_427 : i32 to index
    %swap3A_430 = arith.index_cast %swap3A_428 : i32 to index
    %swap3A_431 = arith.constant 48 : index
    %swap3A_432 = tpu.vector_load %arg7[%swap3A_429, %swap3A_430, %swap3A_431] {strides = array<i32>} : memref<2x208x64xi32, #tpu.memory_space<vmem>>, vector<1x1x16xi32>,
    %swap3A_433 = vector.shape_cast %swap3A_432 : vector<1x1x16xi32> to vector<16xi32>
    %swap3A_434 = vector.shape_cast %broadcast_in_dim3A_3 : vector<16xi32> to vector<1x1x16xi32>
    tpu.vector_store %arg7[%swap3A_429, %swap3A_430, %swap3A_431], %swap3A_434 {strides = array<i32>} : memref<2x208x64xi32, #tpu.memory_space<vmem>>, vector<1x1x16xi32>,
    %swap3A_435 = arith.constant 1 : i32
    %swap3A_436 = arith.constant 205 : i32
    %swap3A_437 = arith.index_cast %swap3A_435 : i32 to index
    %swap3A_438 = arith.index_cast %swap3A_436 : i32 to index
    %swap3A_439 = arith.constant 0 : index
    %swap3A_440 = tpu.vector_load %arg7[%swap3A_437, %swap3A_438, %swap3A_439] {strides = array<i32>} : memref<2x208x64xi32, #tpu.memory_space<vmem>>, vector<1x1x16xi32>,
    %swap3A_441 = vector.shape_cast %swap3A_440 : vector<1x1x16xi32> to vector<16xi32>
    %swap3A_442 = vector.shape_cast %broadcast_in_dim3A_3 : vector<16xi32> to vector<1x1x16xi32>
    tpu.vector_store %arg7[%swap3A_437, %swap3A_438, %swap3A_439], %swap3A_442 {strides = array<i32>} : memref<2x208x64xi32, #tpu.memory_space<vmem>>, vector<1x1x16xi32>,
    %swap3A_443 = arith.constant 1 : i32
    %swap3A_444 = arith.constant 205 : i32
    %swap3A_445 = arith.index_cast %swap3A_443 : i32 to index
    %swap3A_446 = arith.index_cast %swap3A_444 : i32 to index
    %swap3A_447 = arith.constant 16 : index
    %swap3A_448 = tpu.vector_load %arg7[%swap3A_445, %swap3A_446, %swap3A_447] {strides = array<i32>} : memref<2x208x64xi32, #tpu.memory_space<vmem>>, vector<1x1x16xi32>,
    %swap3A_449 = vector.shape_cast %swap3A_448 : vector<1x1x16xi32> to vector<16xi32>
    %swap3A_450 = vector.shape_cast %broadcast_in_dim3A_3 : vector<16xi32> to vector<1x1x16xi32>
    tpu.vector_store %arg7[%swap3A_445, %swap3A_446, %swap3A_447], %swap3A_450 {strides = array<i32>} : memref<2x208x64xi32, #tpu.memory_space<vmem>>, vector<1x1x16xi32>,
    %swap3A_451 = arith.constant 1 : i32
    %swap3A_452 = arith.constant 205 : i32
    %swap3A_453 = arith.index_cast %swap3A_451 : i32 to index
    %swap3A_454 = arith.index_cast %swap3A_452 : i32 to index
    %swap3A_455 = arith.constant 32 : index
    %swap3A_456 = tpu.vector_load %arg7[%swap3A_453, %swap3A_454, %swap3A_455] {strides = array<i32>} : memref<2x208x64xi32, #tpu.memory_space<vmem>>, vector<1x1x16xi32>,
    %swap3A_457 = vector.shape_cast %swap3A_456 : vector<1x1x16xi32> to vector<16xi32>
    %swap3A_458 = vector.shape_cast %broadcast_in_dim3A_3 : vector<16xi32> to vector<1x1x16xi32>
    tpu.vector_store %arg7[%swap3A_453, %swap3A_454, %swap3A_455], %swap3A_458 {strides = array<i32>} : memref<2x208x64xi32, #tpu.memory_space<vmem>>, vector<1x1x16xi32>,
    %swap3A_459 = arith.constant 1 : i32
    %swap3A_460 = arith.constant 205 : i32
    %swap3A_461 = arith.index_cast %swap3A_459 : i32 to index
    %swap3A_462 = arith.index_cast %swap3A_460 : i32 to index
    %swap3A_463 = arith.constant 48 : index
    %swap3A_464 = tpu.vector_load %arg7[%swap3A_461, %swap3A_462, %swap3A_463] {strides = array<i32>} : memref<2x208x64xi32, #tpu.memory_space<vmem>>, vector<1x1x16xi32>,
    %swap3A_465 = vector.shape_cast %swap3A_464 : vector<1x1x16xi32> to vector<16xi32>
    %swap3A_466 = vector.shape_cast %broadcast_in_dim3A_3 : vector<16xi32> to vector<1x1x16xi32>
    tpu.vector_store %arg7[%swap3A_461, %swap3A_462, %swap3A_463], %swap3A_466 {strides = array<i32>} : memref<2x208x64xi32, #tpu.memory_space<vmem>>, vector<1x1x16xi32>,
    %swap3A_467 = arith.constant 1 : i32
    %swap3A_468 = arith.constant 206 : i32
    %swap3A_469 = arith.index_cast %swap3A_467 : i32 to index
    %swap3A_470 = arith.index_cast %swap3A_468 : i32 to index
    %swap3A_471 = arith.constant 0 : index
    %swap3A_472 = tpu.vector_load %arg7[%swap3A_469, %swap3A_470, %swap3A_471] {strides = array<i32>} : memref<2x208x64xi32, #tpu.memory_space<vmem>>, vector<1x1x16xi32>,
    %swap3A_473 = vector.shape_cast %swap3A_472 : vector<1x1x16xi32> to vector<16xi32>
    %swap3A_474 = vector.shape_cast %broadcast_in_dim3A_3 : vector<16xi32> to vector<1x1x16xi32>
    tpu.vector_store %arg7[%swap3A_469, %swap3A_470, %swap3A_471], %swap3A_474 {strides = array<i32>} : memref<2x208x64xi32, #tpu.memory_space<vmem>>, vector<1x1x16xi32>,
    %swap3A_475 = arith.constant 1 : i32
    %swap3A_476 = arith.constant 206 : i32
    %swap3A_477 = arith.index_cast %swap3A_475 : i32 to index
    %swap3A_478 = arith.index_cast %swap3A_476 : i32 to index
    %swap3A_479 = arith.constant 16 : index
    %swap3A_480 = tpu.vector_load %arg7[%swap3A_477, %swap3A_478, %swap3A_479] {strides = array<i32>} : memref<2x208x64xi32, #tpu.memory_space<vmem>>, vector<1x1x16xi32>,
    %swap3A_481 = vector.shape_cast %swap3A_480 : vector<1x1x16xi32> to vector<16xi32>
    %swap3A_482 = vector.shape_cast %broadcast_in_dim3A_3 : vector<16xi32> to vector<1x1x16xi32>
    tpu.vector_store %arg7[%swap3A_477, %swap3A_478, %swap3A_479], %swap3A_482 {strides = array<i32>} : memref<2x208x64xi32, #tpu.memory_space<vmem>>, vector<1x1x16xi32>,
    %swap3A_483 = arith.constant 1 : i32
    %swap3A_484 = arith.constant 206 : i32
    %swap3A_485 = arith.index_cast %swap3A_483 : i32 to index
    %swap3A_486 = arith.index_cast %swap3A_484 : i32 to index
    %swap3A_487 = arith.constant 32 : index
    %swap3A_488 = tpu.vector_load %arg7[%swap3A_485, %swap3A_486, %swap3A_487] {strides = array<i32>} : memref<2x208x64xi32, #tpu.memory_space<vmem>>, vector<1x1x16xi32>,
    %swap3A_489 = vector.shape_cast %swap3A_488 : vector<1x1x16xi32> to vector<16xi32>
    %swap3A_490 = vector.shape_cast %broadcast_in_dim3A_3 : vector<16xi32> to vector<1x1x16xi32>
    tpu.vector_store %arg7[%swap3A_485, %swap3A_486, %swap3A_487], %swap3A_490 {strides = array<i32>} : memref<2x208x64xi32, #tpu.memory_space<vmem>>, vector<1x1x16xi32>,
    %swap3A_491 = arith.constant 1 : i32
    %swap3A_492 = arith.constant 206 : i32
    %swap3A_493 = arith.index_cast %swap3A_491 : i32 to index
    %swap3A_494 = arith.index_cast %swap3A_492 : i32 to index
    %swap3A_495 = arith.constant 48 : index
    %swap3A_496 = tpu.vector_load %arg7[%swap3A_493, %swap3A_494, %swap3A_495] {strides = array<i32>} : memref<2x208x64xi32, #tpu.memory_space<vmem>>, vector<1x1x16xi32>,
    %swap3A_497 = vector.shape_cast %swap3A_496 : vector<1x1x16xi32> to vector<16xi32>
    %swap3A_498 = vector.shape_cast %broadcast_in_dim3A_3 : vector<16xi32> to vector<1x1x16xi32>
    tpu.vector_store %arg7[%swap3A_493, %swap3A_494, %swap3A_495], %swap3A_498 {strides = array<i32>} : memref<2x208x64xi32, #tpu.memory_space<vmem>>, vector<1x1x16xi32>,
    %swap3A_499 = arith.constant 1 : i32
    %swap3A_500 = arith.constant 207 : i32
    %swap3A_501 = arith.index_cast %swap3A_499 : i32 to index
    %swap3A_502 = arith.index_cast %swap3A_500 : i32 to index
    %swap3A_503 = arith.constant 0 : index
    %swap3A_504 = tpu.vector_load %arg7[%swap3A_501, %swap3A_502, %swap3A_503] {strides = array<i32>} : memref<2x208x64xi32, #tpu.memory_space<vmem>>, vector<1x1x16xi32>,
    %swap3A_505 = vector.shape_cast %swap3A_504 : vector<1x1x16xi32> to vector<16xi32>
    %swap3A_506 = vector.shape_cast %broadcast_in_dim3A_3 : vector<16xi32> to vector<1x1x16xi32>
    tpu.vector_store %arg7[%swap3A_501, %swap3A_502, %swap3A_503], %swap3A_506 {strides = array<i32>} : memref<2x208x64xi32, #tpu.memory_space<vmem>>, vector<1x1x16xi32>,
    %swap3A_507 = arith.constant 1 : i32
    %swap3A_508 = arith.constant 207 : i32
    %swap3A_509 = arith.index_cast %swap3A_507 : i32 to index
    %swap3A_510 = arith.index_cast %swap3A_508 : i32 to index
    %swap3A_511 = arith.constant 16 : index
    %swap3A_512 = tpu.vector_load %arg7[%swap3A_509, %swap3A_510, %swap3A_511] {strides = array<i32>} : memref<2x208x64xi32, #tpu.memory_space<vmem>>, vector<1x1x16xi32>,
    %swap3A_513 = vector.shape_cast %swap3A_512 : vector<1x1x16xi32> to vector<16xi32>
    %swap3A_514 = vector.shape_cast %broadcast_in_dim3A_3 : vector<16xi32> to vector<1x1x16xi32>
    tpu.vector_store %arg7[%swap3A_509, %swap3A_510, %swap3A_511], %swap3A_514 {strides = array<i32>} : memref<2x208x64xi32, #tpu.memory_space<vmem>>, vector<1x1x16xi32>,
    %swap3A_515 = arith.constant 1 : i32
    %swap3A_516 = arith.constant 207 : i32
    %swap3A_517 = arith.index_cast %swap3A_515 : i32 to index
    %swap3A_518 = arith.index_cast %swap3A_516 : i32 to index
    %swap3A_519 = arith.constant 32 : index
    %swap3A_520 = tpu.vector_load %arg7[%swap3A_517, %swap3A_518, %swap3A_519] {strides = array<i32>} : memref<2x208x64xi32, #tpu.memory_space<vmem>>, vector<1x1x16xi32>,
    %swap3A_521 = vector.shape_cast %swap3A_520 : vector<1x1x16xi32> to vector<16xi32>
    %swap3A_522 = vector.shape_cast %broadcast_in_dim3A_3 : vector<16xi32> to vector<1x1x16xi32>
    tpu.vector_store %arg7[%swap3A_517, %swap3A_518, %swap3A_519], %swap3A_522 {strides = array<i32>} : memref<2x208x64xi32, #tpu.memory_space<vmem>>, vector<1x1x16xi32>,
    %swap3A_523 = arith.constant 1 : i32
    %swap3A_524 = arith.constant 207 : i32
    %swap3A_525 = arith.index_cast %swap3A_523 : i32 to index
    %swap3A_526 = arith.index_cast %swap3A_524 : i32 to index
    %swap3A_527 = arith.constant 48 : index
    %swap3A_528 = tpu.vector_load %arg7[%swap3A_525, %swap3A_526, %swap3A_527] {strides = array<i32>} : memref<2x208x64xi32, #tpu.memory_space<vmem>>, vector<1x1x16xi32>,
    %swap3A_529 = vector.shape_cast %swap3A_528 : vector<1x1x16xi32> to vector<16xi32>
    %swap3A_530 = vector.shape_cast %broadcast_in_dim3A_3 : vector<16xi32> to vector<1x1x16xi32>
    tpu.vector_store %arg7[%swap3A_525, %swap3A_526, %swap3A_527], %swap3A_530 {strides = array<i32>} : memref<2x208x64xi32, #tpu.memory_space<vmem>>, vector<1x1x16xi32>,
    %dma_start3A = arith.constant 0 : i32
    %dma_start3A_531 = arith.constant 0 : i32
    %dma_start3A_532 = arith.constant 0 : i32
    %dma_start3A_533 = arith.constant 0 : i32
    %dma_start3A_534 = arith.constant 0 : i32
    %dma_start3A_535 = tpu.memref_slice %arg7[%dma_start3A_531, %dma_start3A_533, %dma_start3A_534] : memref<2x208x64xi32, #tpu.memory_space<vmem>> -> memref<1x96x64xi32, #tpu.memory_space<vmem>>
    %dma_start3A_536 = tpu.memref_squeeze %dma_start3A_535 : memref<1x96x64xi32, #tpu.memory_space<vmem>> -> memref<96x64xi32, #tpu.memory_space<vmem>>
    %dma_start3A_537 = arith.constant 0 : i32
    %dma_start3A_538 = tpu.memref_slice %arg6[%dma_start3A, %dma_start3A_537] : memref<128x200xi32, #tpu.memory_space<vmem>> -> memref<1x96xi32, #tpu.memory_space<vmem>>
    %dma_start3A_539 = tpu.memref_squeeze %dma_start3A_538 : memref<1x96xi32, #tpu.memory_space<vmem>> -> memref<96xi32, #tpu.memory_space<vmem>>
    %dma_start3A_540 = arith.constant 0 : i32
    %dma_start3A_541 = arith.constant 0 : i32
    %dma_start3A_542 = tpu.memref_slice %arg4[%dma_start3A_540, %dma_start3A_541] : memref<100000x64xi32, #tpu.memory_space<hbm>> -> memref<100000x64xi32, #tpu.memory_space<hbm>>
    %dma_start3A_543 = tpu.memref_slice %arg10[%dma_start3A_532] : memref<2x!tpu.dma_semaphore, #tpu.memory_space<semaphore_mem>> -> memref<1x!tpu.dma_semaphore, #tpu.memory_space<semaphore_mem>>
    %dma_start3A_544 = tpu.memref_squeeze %dma_start3A_543 : memref<1x!tpu.dma_semaphore, #tpu.memory_space<semaphore_mem>> -> memref<!tpu.dma_semaphore, #tpu.memory_space<semaphore_mem>>
    tpu.enqueue_indirect_dma source(%dma_start3A_542 : memref<100000x64xi32, #tpu.memory_space<hbm>>) target(%dma_start3A_536 : memref<96x64xi32, #tpu.memory_space<vmem>>) offsets(%dma_start3A_539 : memref<96xi32, #tpu.memory_space<vmem>>) semaphore(%dma_start3A_544 : memref<!tpu.dma_semaphore, #tpu.memory_space<semaphore_mem>>)
    %dma_start3A_545 = arith.constant 0 : i32
    %dma_start3A_546 = arith.constant 0 : i32
    %dma_start3A_547 = arith.constant 0 : i32
    %dma_start3A_548 = arith.constant 0 : i32
    %dma_start3A_549 = tpu.memref_slice %arg8[%dma_start3A_546, %dma_start3A_548] : memref<2x208xf32, #tpu.memory_space<vmem>> -> memref<1x96xf32, #tpu.memory_space<vmem>>
    %dma_start3A_550 = tpu.memref_squeeze %dma_start3A_549 : memref<1x96xf32, #tpu.memory_space<vmem>> -> memref<96xf32, #tpu.memory_space<vmem>>
    %dma_start3A_551 = arith.constant 0 : i32
    %dma_start3A_552 = tpu.memref_slice %arg6[%dma_start3A_545, %dma_start3A_551] : memref<128x200xi32, #tpu.memory_space<vmem>> -> memref<1x96xi32, #tpu.memory_space<vmem>>
    %dma_start3A_553 = tpu.memref_squeeze %dma_start3A_552 : memref<1x96xi32, #tpu.memory_space<vmem>> -> memref<96xi32, #tpu.memory_space<vmem>>
    %dma_start3A_554 = arith.constant 0 : i32
    %dma_start3A_555 = tpu.memref_slice %arg3[%dma_start3A_554] : memref<100000xf32, #tpu.memory_space<hbm>> -> memref<100000xf32, #tpu.memory_space<hbm>>
    %dma_start3A_556 = tpu.memref_slice %arg10[%dma_start3A_547] : memref<2x!tpu.dma_semaphore, #tpu.memory_space<semaphore_mem>> -> memref<1x!tpu.dma_semaphore, #tpu.memory_space<semaphore_mem>>
    %dma_start3A_557 = tpu.memref_squeeze %dma_start3A_556 : memref<1x!tpu.dma_semaphore, #tpu.memory_space<semaphore_mem>> -> memref<!tpu.dma_semaphore, #tpu.memory_space<semaphore_mem>>
    tpu.enqueue_indirect_dma source(%dma_start3A_555 : memref<100000xf32, #tpu.memory_space<hbm>>) target(%dma_start3A_550 : memref<96xf32, #tpu.memory_space<vmem>>) offsets(%dma_start3A_553 : memref<96xi32, #tpu.memory_space<vmem>>) semaphore(%dma_start3A_557 : memref<!tpu.dma_semaphore, #tpu.memory_space<semaphore_mem>>)
    %dma_start3A_558 = arith.constant 0 : i32
    %dma_start3A_559 = arith.constant 0 : i32
    %dma_start3A_560 = arith.constant 0 : i32
    %dma_start3A_561 = arith.constant 96 : i32
    %dma_start3A_562 = arith.constant 0 : i32
    %dma_start3A_563 = tpu.memref_slice %arg7[%dma_start3A_559, %dma_start3A_561, %dma_start3A_562] : memref<2x208x64xi32, #tpu.memory_space<vmem>> -> memref<1x104x64xi32, #tpu.memory_space<vmem>>
    %dma_start3A_564 = tpu.memref_squeeze %dma_start3A_563 : memref<1x104x64xi32, #tpu.memory_space<vmem>> -> memref<104x64xi32, #tpu.memory_space<vmem>>
    %dma_start3A_565 = arith.constant 96 : i32
    %dma_start3A_566 = tpu.memref_slice %arg6[%dma_start3A_558, %dma_start3A_565] : memref<128x200xi32, #tpu.memory_space<vmem>> -> memref<1x104xi32, #tpu.memory_space<vmem>>
    %dma_start3A_567 = tpu.memref_squeeze %dma_start3A_566 : memref<1x104xi32, #tpu.memory_space<vmem>> -> memref<104xi32, #tpu.memory_space<vmem>>
    %dma_start3A_568 = arith.constant 0 : i32
    %dma_start3A_569 = arith.constant 0 : i32
    %dma_start3A_570 = tpu.memref_slice %arg4[%dma_start3A_568, %dma_start3A_569] : memref<100000x64xi32, #tpu.memory_space<hbm>> -> memref<100000x64xi32, #tpu.memory_space<hbm>>
    %dma_start3A_571 = tpu.memref_slice %arg10[%dma_start3A_560] : memref<2x!tpu.dma_semaphore, #tpu.memory_space<semaphore_mem>> -> memref<1x!tpu.dma_semaphore, #tpu.memory_space<semaphore_mem>>
    %dma_start3A_572 = tpu.memref_squeeze %dma_start3A_571 : memref<1x!tpu.dma_semaphore, #tpu.memory_space<semaphore_mem>> -> memref<!tpu.dma_semaphore, #tpu.memory_space<semaphore_mem>>
    tpu.enqueue_indirect_dma source(%dma_start3A_570 : memref<100000x64xi32, #tpu.memory_space<hbm>>) target(%dma_start3A_564 : memref<104x64xi32, #tpu.memory_space<vmem>>) offsets(%dma_start3A_567 : memref<104xi32, #tpu.memory_space<vmem>>) semaphore(%dma_start3A_572 : memref<!tpu.dma_semaphore, #tpu.memory_space<semaphore_mem>>)
    %dma_start3A_573 = arith.constant 0 : i32
    %dma_start3A_574 = arith.constant 0 : i32
    %dma_start3A_575 = arith.constant 0 : i32
    %dma_start3A_576 = arith.constant 96 : i32
    %dma_start3A_577 = tpu.memref_slice %arg8[%dma_start3A_574, %dma_start3A_576] : memref<2x208xf32, #tpu.memory_space<vmem>> -> memref<1x104xf32, #tpu.memory_space<vmem>>
    %dma_start3A_578 = tpu.memref_squeeze %dma_start3A_577 : memref<1x104xf32, #tpu.memory_space<vmem>> -> memref<104xf32, #tpu.memory_space<vmem>>
    %dma_start3A_579 = arith.constant 96 : i32
    %dma_start3A_580 = tpu.memref_slice %arg6[%dma_start3A_573, %dma_start3A_579] : memref<128x200xi32, #tpu.memory_space<vmem>> -> memref<1x104xi32, #tpu.memory_space<vmem>>
    %dma_start3A_581 = tpu.memref_squeeze %dma_start3A_580 : memref<1x104xi32, #tpu.memory_space<vmem>> -> memref<104xi32, #tpu.memory_space<vmem>>
    %dma_start3A_582 = arith.constant 0 : i32
    %dma_start3A_583 = tpu.memref_slice %arg3[%dma_start3A_582] : memref<100000xf32, #tpu.memory_space<hbm>> -> memref<100000xf32, #tpu.memory_space<hbm>>
    %dma_start3A_584 = tpu.memref_slice %arg10[%dma_start3A_575] : memref<2x!tpu.dma_semaphore, #tpu.memory_space<semaphore_mem>> -> memref<1x!tpu.dma_semaphore, #tpu.memory_space<semaphore_mem>>
    %dma_start3A_585 = tpu.memref_squeeze %dma_start3A_584 : memref<1x!tpu.dma_semaphore, #tpu.memory_space<semaphore_mem>> -> memref<!tpu.dma_semaphore, #tpu.memory_space<semaphore_mem>>
    tpu.enqueue_indirect_dma source(%dma_start3A_583 : memref<100000xf32, #tpu.memory_space<hbm>>) target(%dma_start3A_578 : memref<104xf32, #tpu.memory_space<vmem>>) offsets(%dma_start3A_581 : memref<104xi32, #tpu.memory_space<vmem>>) semaphore(%dma_start3A_585 : memref<!tpu.dma_semaphore, #tpu.memory_space<semaphore_mem>>)
    %scan3A = arith.constant 0 : i32
    %scan3A_586 = arith.constant 0 : i32
    %scan3A_587 = arith.constant 64 : i32
    %scan3A_588 = arith.addi %scan3A_586, %scan3A_587 : i32
    %scan3A_589 = arith.constant 1 : i32
    %scan3A_590 = scf.for %scan3A_592 = %scan3A_586 to %scan3A_588 step %scan3A_589 iter_args(%scan3A_593 = %scan3A) -> (i32)  : i32 {
      %mul3A_594 = arith.constant 2 : i32
      %mul3A_595 = arith.muli %mul3A_594, %scan3A_592 : i32
      %add3A_596 = arith.constant 1 : i32
      %add3A_597 = arith.addi %mul3A_595, %add3A_596 : i32
      %dma_start3A_598 = arith.constant 1 : i32
      %dma_start3A_599 = arith.constant 1 : i32
      %dma_start3A_600 = arith.constant 0 : i32
      %dma_start3A_601 = arith.constant 0 : i32
      %dma_start3A_602 = tpu.memref_slice %arg7[%dma_start3A_598, %dma_start3A_600, %dma_start3A_601] : memref<2x208x64xi32, #tpu.memory_space<vmem>> -> memref<1x96x64xi32, #tpu.memory_space<vmem>>
      %dma_start3A_603 = tpu.memref_squeeze %dma_start3A_602 : memref<1x96x64xi32, #tpu.memory_space<vmem>> -> memref<96x64xi32, #tpu.memory_space<vmem>>
      %dma_start3A_604 = arith.constant 0 : i32
      %dma_start3A_605 = tpu.memref_slice %arg6[%add3A_597, %dma_start3A_604] : memref<128x200xi32, #tpu.memory_space<vmem>> -> memref<1x96xi32, #tpu.memory_space<vmem>>
      %dma_start3A_606 = tpu.memref_squeeze %dma_start3A_605 : memref<1x96xi32, #tpu.memory_space<vmem>> -> memref<96xi32, #tpu.memory_space<vmem>>
      %dma_start3A_607 = arith.constant 0 : i32
      %dma_start3A_608 = arith.constant 0 : i32
      %dma_start3A_609 = tpu.memref_slice %arg4[%dma_start3A_607, %dma_start3A_608] : memref<100000x64xi32, #tpu.memory_space<hbm>> -> memref<100000x64xi32, #tpu.memory_space<hbm>>
      %dma_start3A_610 = tpu.memref_slice %arg10[%dma_start3A_599] : memref<2x!tpu.dma_semaphore, #tpu.memory_space<semaphore_mem>> -> memref<1x!tpu.dma_semaphore, #tpu.memory_space<semaphore_mem>>
      %dma_start3A_611 = tpu.memref_squeeze %dma_start3A_610 : memref<1x!tpu.dma_semaphore, #tpu.memory_space<semaphore_mem>> -> memref<!tpu.dma_semaphore, #tpu.memory_space<semaphore_mem>>
      tpu.enqueue_indirect_dma source(%dma_start3A_609 : memref<100000x64xi32, #tpu.memory_space<hbm>>) target(%dma_start3A_603 : memref<96x64xi32, #tpu.memory_space<vmem>>) offsets(%dma_start3A_606 : memref<96xi32, #tpu.memory_space<vmem>>) semaphore(%dma_start3A_611 : memref<!tpu.dma_semaphore, #tpu.memory_space<semaphore_mem>>)
      %dma_start3A_612 = arith.constant 1 : i32
      %dma_start3A_613 = arith.constant 1 : i32
      %dma_start3A_614 = arith.constant 0 : i32
      %dma_start3A_615 = tpu.memref_slice %arg8[%dma_start3A_612, %dma_start3A_614] : memref<2x208xf32, #tpu.memory_space<vmem>> -> memref<1x96xf32, #tpu.memory_space<vmem>>
      %dma_start3A_616 = tpu.memref_squeeze %dma_start3A_615 : memref<1x96xf32, #tpu.memory_space<vmem>> -> memref<96xf32, #tpu.memory_space<vmem>>
      %dma_start3A_617 = arith.constant 0 : i32
      %dma_start3A_618 = tpu.memref_slice %arg6[%add3A_597, %dma_start3A_617] : memref<128x200xi32, #tpu.memory_space<vmem>> -> memref<1x96xi32, #tpu.memory_space<vmem>>
      %dma_start3A_619 = tpu.memref_squeeze %dma_start3A_618 : memref<1x96xi32, #tpu.memory_space<vmem>> -> memref<96xi32, #tpu.memory_space<vmem>>
      %dma_start3A_620 = arith.constant 0 : i32
      %dma_start3A_621 = tpu.memref_slice %arg3[%dma_start3A_620] : memref<100000xf32, #tpu.memory_space<hbm>> -> memref<100000xf32, #tpu.memory_space<hbm>>
      %dma_start3A_622 = tpu.memref_slice %arg10[%dma_start3A_613] : memref<2x!tpu.dma_semaphore, #tpu.memory_space<semaphore_mem>> -> memref<1x!tpu.dma_semaphore, #tpu.memory_space<semaphore_mem>>
      %dma_start3A_623 = tpu.memref_squeeze %dma_start3A_622 : memref<1x!tpu.dma_semaphore, #tpu.memory_space<semaphore_mem>> -> memref<!tpu.dma_semaphore, #tpu.memory_space<semaphore_mem>>
      tpu.enqueue_indirect_dma source(%dma_start3A_621 : memref<100000xf32, #tpu.memory_space<hbm>>) target(%dma_start3A_616 : memref<96xf32, #tpu.memory_space<vmem>>) offsets(%dma_start3A_619 : memref<96xi32, #tpu.memory_space<vmem>>) semaphore(%dma_start3A_623 : memref<!tpu.dma_semaphore, #tpu.memory_space<semaphore_mem>>)
      %dma_start3A_624 = arith.constant 1 : i32
      %dma_start3A_625 = arith.constant 1 : i32
      %dma_start3A_626 = arith.constant 96 : i32
      %dma_start3A_627 = arith.constant 0 : i32
      %dma_start3A_628 = tpu.memref_slice %arg7[%dma_start3A_624, %dma_start3A_626, %dma_start3A_627] : memref<2x208x64xi32, #tpu.memory_space<vmem>> -> memref<1x104x64xi32, #tpu.memory_space<vmem>>
      %dma_start3A_629 = tpu.memref_squeeze %dma_start3A_628 : memref<1x104x64xi32, #tpu.memory_space<vmem>> -> memref<104x64xi32, #tpu.memory_space<vmem>>
      %dma_start3A_630 = arith.constant 96 : i32
      %dma_start3A_631 = tpu.memref_slice %arg6[%add3A_597, %dma_start3A_630] : memref<128x200xi32, #tpu.memory_space<vmem>> -> memref<1x104xi32, #tpu.memory_space<vmem>>
      %dma_start3A_632 = tpu.memref_squeeze %dma_start3A_631 : memref<1x104xi32, #tpu.memory_space<vmem>> -> memref<104xi32, #tpu.memory_space<vmem>>
      %dma_start3A_633 = arith.constant 0 : i32
      %dma_start3A_634 = arith.constant 0 : i32
      %dma_start3A_635 = tpu.memref_slice %arg4[%dma_start3A_633, %dma_start3A_634] : memref<100000x64xi32, #tpu.memory_space<hbm>> -> memref<100000x64xi32, #tpu.memory_space<hbm>>
      %dma_start3A_636 = tpu.memref_slice %arg10[%dma_start3A_625] : memref<2x!tpu.dma_semaphore, #tpu.memory_space<semaphore_mem>> -> memref<1x!tpu.dma_semaphore, #tpu.memory_space<semaphore_mem>>
      %dma_start3A_637 = tpu.memref_squeeze %dma_start3A_636 : memref<1x!tpu.dma_semaphore, #tpu.memory_space<semaphore_mem>> -> memref<!tpu.dma_semaphore, #tpu.memory_space<semaphore_mem>>
      tpu.enqueue_indirect_dma source(%dma_start3A_635 : memref<100000x64xi32, #tpu.memory_space<hbm>>) target(%dma_start3A_629 : memref<104x64xi32, #tpu.memory_space<vmem>>) offsets(%dma_start3A_632 : memref<104xi32, #tpu.memory_space<vmem>>) semaphore(%dma_start3A_637 : memref<!tpu.dma_semaphore, #tpu.memory_space<semaphore_mem>>)
      %dma_start3A_638 = arith.constant 1 : i32
      %dma_start3A_639 = arith.constant 1 : i32
      %dma_start3A_640 = arith.constant 96 : i32
      %dma_start3A_641 = tpu.memref_slice %arg8[%dma_start3A_638, %dma_start3A_640] : memref<2x208xf32, #tpu.memory_space<vmem>> -> memref<1x104xf32, #tpu.memory_space<vmem>>
      %dma_start3A_642 = tpu.memref_squeeze %dma_start3A_641 : memref<1x104xf32, #tpu.memory_space<vmem>> -> memref<104xf32, #tpu.memory_space<vmem>>
      %dma_start3A_643 = arith.constant 96 : i32
      %dma_start3A_644 = tpu.memref_slice %arg6[%add3A_597, %dma_start3A_643] : memref<128x200xi32, #tpu.memory_space<vmem>> -> memref<1x104xi32, #tpu.memory_space<vmem>>
      %dma_start3A_645 = tpu.memref_squeeze %dma_start3A_644 : memref<1x104xi32, #tpu.memory_space<vmem>> -> memref<104xi32, #tpu.memory_space<vmem>>
      %dma_start3A_646 = arith.constant 0 : i32
      %dma_start3A_647 = tpu.memref_slice %arg3[%dma_start3A_646] : memref<100000xf32, #tpu.memory_space<hbm>> -> memref<100000xf32, #tpu.memory_space<hbm>>
      %dma_start3A_648 = tpu.memref_slice %arg10[%dma_start3A_639] : memref<2x!tpu.dma_semaphore, #tpu.memory_space<semaphore_mem>> -> memref<1x!tpu.dma_semaphore, #tpu.memory_space<semaphore_mem>>
      %dma_start3A_649 = tpu.memref_squeeze %dma_start3A_648 : memref<1x!tpu.dma_semaphore, #tpu.memory_space<semaphore_mem>> -> memref<!tpu.dma_semaphore, #tpu.memory_space<semaphore_mem>>
      tpu.enqueue_indirect_dma source(%dma_start3A_647 : memref<100000xf32, #tpu.memory_space<hbm>>) target(%dma_start3A_642 : memref<104xf32, #tpu.memory_space<vmem>>) offsets(%dma_start3A_645 : memref<104xi32, #tpu.memory_space<vmem>>) semaphore(%dma_start3A_649 : memref<!tpu.dma_semaphore, #tpu.memory_space<semaphore_mem>>)
      %dma_wait3A = arith.constant 0 : i32
      %dma_wait3A_650 = arith.constant 0 : i32
      %dma_wait3A_651 = arith.constant 0 : i32
      %dma_wait3A_652 = arith.constant 0 : i32
      %dma_wait3A_653 = tpu.memref_slice %arg7[%dma_wait3A, %dma_wait3A_651, %dma_wait3A_652] : memref<2x208x64xi32, #tpu.memory_space<vmem>> -> memref<1x96x64xi32, #tpu.memory_space<vmem>>
      %dma_wait3A_654 = tpu.memref_squeeze %dma_wait3A_653 : memref<1x96x64xi32, #tpu.memory_space<vmem>> -> memref<96x64xi32, #tpu.memory_space<vmem>>
      %dma_wait3A_655 = arith.constant 0 : i32
      %dma_wait3A_656 = tpu.memref_slice %arg6[%mul3A_595, %dma_wait3A_655] : memref<128x200xi32, #tpu.memory_space<vmem>> -> memref<1x96xi32, #tpu.memory_space<vmem>>
      %dma_wait3A_657 = tpu.memref_squeeze %dma_wait3A_656 : memref<1x96xi32, #tpu.memory_space<vmem>> -> memref<96xi32, #tpu.memory_space<vmem>>
      %dma_wait3A_658 = arith.constant 0 : i32
      %dma_wait3A_659 = arith.constant 0 : i32
      %dma_wait3A_660 = tpu.memref_slice %arg4[%dma_wait3A_658, %dma_wait3A_659] : memref<100000x64xi32, #tpu.memory_space<hbm>> -> memref<100000x64xi32, #tpu.memory_space<hbm>>
      %dma_wait3A_661 = tpu.memref_slice %arg10[%dma_wait3A_650] : memref<2x!tpu.dma_semaphore, #tpu.memory_space<semaphore_mem>> -> memref<1x!tpu.dma_semaphore, #tpu.memory_space<semaphore_mem>>
      %dma_wait3A_662 = tpu.memref_squeeze %dma_wait3A_661 : memref<1x!tpu.dma_semaphore, #tpu.memory_space<semaphore_mem>> -> memref<!tpu.dma_semaphore, #tpu.memory_space<semaphore_mem>>
      tpu.wait_indirect_dma semaphore(%dma_wait3A_662 : memref<!tpu.dma_semaphore, #tpu.memory_space<semaphore_mem>>) src(%dma_wait3A_660 : memref<100000x64xi32, #tpu.memory_space<hbm>>) dst(%dma_wait3A_654 : memref<96x64xi32, #tpu.memory_space<vmem>>)
      %dma_wait3A_663 = arith.constant 0 : i32
      %dma_wait3A_664 = arith.constant 0 : i32
      %dma_wait3A_665 = arith.constant 0 : i32
      %dma_wait3A_666 = tpu.memref_slice %arg8[%dma_wait3A_663, %dma_wait3A_665] : memref<2x208xf32, #tpu.memory_space<vmem>> -> memref<1x96xf32, #tpu.memory_space<vmem>>
      %dma_wait3A_667 = tpu.memref_squeeze %dma_wait3A_666 : memref<1x96xf32, #tpu.memory_space<vmem>> -> memref<96xf32, #tpu.memory_space<vmem>>
      %dma_wait3A_668 = arith.constant 0 : i32
      %dma_wait3A_669 = tpu.memref_slice %arg6[%mul3A_595, %dma_wait3A_668] : memref<128x200xi32, #tpu.memory_space<vmem>> -> memref<1x96xi32, #tpu.memory_space<vmem>>
      %dma_wait3A_670 = tpu.memref_squeeze %dma_wait3A_669 : memref<1x96xi32, #tpu.memory_space<vmem>> -> memref<96xi32, #tpu.memory_space<vmem>>
      %dma_wait3A_671 = arith.constant 0 : i32
      %dma_wait3A_672 = tpu.memref_slice %arg3[%dma_wait3A_671] : memref<100000xf32, #tpu.memory_space<hbm>> -> memref<100000xf32, #tpu.memory_space<hbm>>
      %dma_wait3A_673 = tpu.memref_slice %arg10[%dma_wait3A_664] : memref<2x!tpu.dma_semaphore, #tpu.memory_space<semaphore_mem>> -> memref<1x!tpu.dma_semaphore, #tpu.memory_space<semaphore_mem>>
      %dma_wait3A_674 = tpu.memref_squeeze %dma_wait3A_673 : memref<1x!tpu.dma_semaphore, #tpu.memory_space<semaphore_mem>> -> memref<!tpu.dma_semaphore, #tpu.memory_space<semaphore_mem>>
      tpu.wait_indirect_dma semaphore(%dma_wait3A_674 : memref<!tpu.dma_semaphore, #tpu.memory_space<semaphore_mem>>) src(%dma_wait3A_672 : memref<100000xf32, #tpu.memory_space<hbm>>) dst(%dma_wait3A_667 : memref<96xf32, #tpu.memory_space<vmem>>)
      %dma_wait3A_675 = arith.constant 0 : i32
      %dma_wait3A_676 = arith.constant 0 : i32
      %dma_wait3A_677 = arith.constant 96 : i32
      %dma_wait3A_678 = arith.constant 0 : i32
      %dma_wait3A_679 = tpu.memref_slice %arg7[%dma_wait3A_675, %dma_wait3A_677, %dma_wait3A_678] : memref<2x208x64xi32, #tpu.memory_space<vmem>> -> memref<1x104x64xi32, #tpu.memory_space<vmem>>
      %dma_wait3A_680 = tpu.memref_squeeze %dma_wait3A_679 : memref<1x104x64xi32, #tpu.memory_space<vmem>> -> memref<104x64xi32, #tpu.memory_space<vmem>>
      %dma_wait3A_681 = arith.constant 96 : i32
      %dma_wait3A_682 = tpu.memref_slice %arg6[%mul3A_595, %dma_wait3A_681] : memref<128x200xi32, #tpu.memory_space<vmem>> -> memref<1x104xi32, #tpu.memory_space<vmem>>
      %dma_wait3A_683 = tpu.memref_squeeze %dma_wait3A_682 : memref<1x104xi32, #tpu.memory_space<vmem>> -> memref<104xi32, #tpu.memory_space<vmem>>
      %dma_wait3A_684 = arith.constant 0 : i32
      %dma_wait3A_685 = arith.constant 0 : i32
      %dma_wait3A_686 = tpu.memref_slice %arg4[%dma_wait3A_684, %dma_wait3A_685] : memref<100000x64xi32, #tpu.memory_space<hbm>> -> memref<100000x64xi32, #tpu.memory_space<hbm>>
      %dma_wait3A_687 = tpu.memref_slice %arg10[%dma_wait3A_676] : memref<2x!tpu.dma_semaphore, #tpu.memory_space<semaphore_mem>> -> memref<1x!tpu.dma_semaphore, #tpu.memory_space<semaphore_mem>>
      %dma_wait3A_688 = tpu.memref_squeeze %dma_wait3A_687 : memref<1x!tpu.dma_semaphore, #tpu.memory_space<semaphore_mem>> -> memref<!tpu.dma_semaphore, #tpu.memory_space<semaphore_mem>>
      tpu.wait_indirect_dma semaphore(%dma_wait3A_688 : memref<!tpu.dma_semaphore, #tpu.memory_space<semaphore_mem>>) src(%dma_wait3A_686 : memref<100000x64xi32, #tpu.memory_space<hbm>>) dst(%dma_wait3A_680 : memref<104x64xi32, #tpu.memory_space<vmem>>)
      %dma_wait3A_689 = arith.constant 0 : i32
      %dma_wait3A_690 = arith.constant 0 : i32
      %dma_wait3A_691 = arith.constant 96 : i32
      %dma_wait3A_692 = tpu.memref_slice %arg8[%dma_wait3A_689, %dma_wait3A_691] : memref<2x208xf32, #tpu.memory_space<vmem>> -> memref<1x104xf32, #tpu.memory_space<vmem>>
      %dma_wait3A_693 = tpu.memref_squeeze %dma_wait3A_692 : memref<1x104xf32, #tpu.memory_space<vmem>> -> memref<104xf32, #tpu.memory_space<vmem>>
      %dma_wait3A_694 = arith.constant 96 : i32
      %dma_wait3A_695 = tpu.memref_slice %arg6[%mul3A_595, %dma_wait3A_694] : memref<128x200xi32, #tpu.memory_space<vmem>> -> memref<1x104xi32, #tpu.memory_space<vmem>>
      %dma_wait3A_696 = tpu.memref_squeeze %dma_wait3A_695 : memref<1x104xi32, #tpu.memory_space<vmem>> -> memref<104xi32, #tpu.memory_space<vmem>>
      %dma_wait3A_697 = arith.constant 0 : i32
      %dma_wait3A_698 = tpu.memref_slice %arg3[%dma_wait3A_697] : memref<100000xf32, #tpu.memory_space<hbm>> -> memref<100000xf32, #tpu.memory_space<hbm>>
      %dma_wait3A_699 = tpu.memref_slice %arg10[%dma_wait3A_690] : memref<2x!tpu.dma_semaphore, #tpu.memory_space<semaphore_mem>> -> memref<1x!tpu.dma_semaphore, #tpu.memory_space<semaphore_mem>>
      %dma_wait3A_700 = tpu.memref_squeeze %dma_wait3A_699 : memref<1x!tpu.dma_semaphore, #tpu.memory_space<semaphore_mem>> -> memref<!tpu.dma_semaphore, #tpu.memory_space<semaphore_mem>>
      tpu.wait_indirect_dma semaphore(%dma_wait3A_700 : memref<!tpu.dma_semaphore, #tpu.memory_space<semaphore_mem>>) src(%dma_wait3A_698 : memref<100000xf32, #tpu.memory_space<hbm>>) dst(%dma_wait3A_693 : memref<104xf32, #tpu.memory_space<vmem>>)
      %broadcast_in_dim3A_701 = arith.constant 0.000000e+00 : f32
      %broadcast_in_dim3A_702 = vector.broadcast %broadcast_in_dim3A_701 : f32 to vector<16xf32>
      %broadcast_in_dim3A_703 = arith.constant 0.000000e+00 : f32
      %broadcast_in_dim3A_704 = vector.broadcast %broadcast_in_dim3A_703 : f32 to vector<16xf32>
      %broadcast_in_dim3A_705 = arith.constant 0.000000e+00 : f32
      %broadcast_in_dim3A_706 = vector.broadcast %broadcast_in_dim3A_705 : f32 to vector<16xf32>
      %broadcast_in_dim3A_707 = arith.constant 0.000000e+00 : f32
      %broadcast_in_dim3A_708 = vector.broadcast %broadcast_in_dim3A_707 : f32 to vector<16xf32>
      %broadcast_in_dim3A_709 = arith.constant 0.000000e+00 : f32
      %broadcast_in_dim3A_710 = vector.broadcast %broadcast_in_dim3A_709 : f32 to vector<16xf32>
      %broadcast_in_dim3A_711 = arith.constant 0.000000e+00 : f32
      %broadcast_in_dim3A_712 = vector.broadcast %broadcast_in_dim3A_711 : f32 to vector<16xf32>
      %broadcast_in_dim3A_713 = arith.constant 0.000000e+00 : f32
      %broadcast_in_dim3A_714 = vector.broadcast %broadcast_in_dim3A_713 : f32 to vector<16xf32>
      %broadcast_in_dim3A_715 = arith.constant 0.000000e+00 : f32
      %broadcast_in_dim3A_716 = vector.broadcast %broadcast_in_dim3A_715 : f32 to vector<16xf32>
      %broadcast_in_dim3A_717 = arith.constant 0.000000e+00 : f32
      %broadcast_in_dim3A_718 = vector.broadcast %broadcast_in_dim3A_717 : f32 to vector<16xf32>
      %scan3A_719 = arith.constant 0 : i32
      %scan3A_720 = arith.constant 13 : i32
      %scan3A_721 = arith.addi %scan3A_719, %scan3A_720 : i32
      %scan3A_722 = arith.constant 1 : i32
      %scan3A_723:9 = scf.for %scan3A_1001 = %scan3A_719 to %scan3A_721 step %scan3A_722 iter_args(%scan3A_1002 = %broadcast_in_dim3A_702, %scan3A_1003 = %broadcast_in_dim3A_704, %scan3A_1004 = %broadcast_in_dim3A_706, %scan3A_1005 = %broadcast_in_dim3A_708, %scan3A_1006 = %broadcast_in_dim3A_710, %scan3A_1007 = %broadcast_in_dim3A_712, %scan3A_1008 = %broadcast_in_dim3A_714, %scan3A_1009 = %broadcast_in_dim3A_716, %scan3A_1010 = %broadcast_in_dim3A_718) -> (vector<16xf32>, vector<16xf32>, vector<16xf32>, vector<16xf32>, vector<16xf32>, vector<16xf32>, vector<16xf32>, vector<16xf32>, vector<16xf32>)  : i32 {
        %mul3A_1011 = arith.constant 16 : i32
        %mul3A_1012 = arith.muli %scan3A_1001, %mul3A_1011 : i32
        %get3A = arith.constant 0 : i32
        %get3A_1013 = arith.index_cast %get3A : i32 to index
        %get3A_1014 = arith.index_cast %mul3A_1012 : i32 to index
        %get3A_1015 = tpu.vector_load %arg8[%get3A_1013, %get3A_1014] {strides = array<i32>} : memref<2x208xf32, #tpu.memory_space<vmem>>, vector<1x16xf32>,
        %get3A_1016 = vector.shape_cast %get3A_1015 : vector<1x16xf32> to vector<16xf32>
        %neg3A = arith.constant 0.000000e+00 : f32
        %neg3A_1017 = vector.broadcast %neg3A : f32 to vector<16xf32>
        %neg3A_1018 = arith.subf %neg3A_1017, %get3A_1016 : vector<16xf32>
        %exp3A = math.exp %neg3A_1018 : vector<16xf32>
        %add3A_1019 = arith.constant 1.000000e+00 : f32
        %add3A_1020 = vector.broadcast %add3A_1019 : f32 to vector<16xf32>
        %add3A_1021 = arith.addf %add3A_1020, %exp3A : vector<16xf32>
        %div3A_1022 = arith.constant 1.000000e+00 : f32
        %div3A_1023 = vector.broadcast %div3A_1022 : f32 to vector<16xf32>
        %div3A_1024 = arith.divf %div3A_1023, %add3A_1021 : vector<16xf32>
        %mul3A_1025 = arith.constant 16 : i32
        %mul3A_1026 = arith.muli %scan3A_1001, %mul3A_1025 : i32
        %add3A_1027 = arith.constant 0 : i32
        %add3A_1028 = arith.addi %mul3A_1026, %add3A_1027 : i32
        %slice3A_1029 = vector.extract_strided_slice %div3A_1024 {offsets = [0], sizes = [1], strides = [1]} : vector<16xf32> to vector<1xf32>
        %squeeze3A_1030 = vector.extract %slice3A_1029[0] : f32 from vector<1xf32>
        %broadcast_in_dim3A_1031 = vector.broadcast %squeeze3A_1030 : f32 to vector<16xf32>
        %get3A_1032 = arith.constant 0 : i32
        %get3A_1033 = arith.index_cast %get3A_1032 : i32 to index
        %get3A_1034 = arith.index_cast %add3A_1028 : i32 to index
        %get3A_1035 = arith.constant 0 : index
        %get3A_1036 = tpu.vector_load %arg7[%get3A_1033, %get3A_1034, %get3A_1035] {strides = array<i32>} : memref<2x208x64xi32, #tpu.memory_space<vmem>>, vector<1x1x16xi32>,
        %get3A_1037 = vector.shape_cast %get3A_1036 : vector<1x1x16xi32> to vector<16xi32>
        %shift_left3A = arith.constant 16 : i32
        %shift_left3A_1038 = vector.broadcast %shift_left3A : i32 to vector<16xi32>
        %shift_left3A_1039 = arith.shli %get3A_1037, %shift_left3A_1038 : vector<16xi32>
        %bitcast_convert_type3A = tpu.bitcast %shift_left3A_1039 : vector<16xi32> -> vector<16xf32>
        %and3A = arith.constant -65536 : i32
        %and3A_1040 = vector.broadcast %and3A : i32 to vector<16xi32>
        %and3A_1041 = arith.andi %get3A_1037, %and3A_1040 : vector<16xi32>
        %bitcast_convert_type3A_1042 = tpu.bitcast %and3A_1041 : vector<16xi32> -> vector<16xf32>
        %mul3A_1043 = arith.mulf %broadcast_in_dim3A_1031, %bitcast_convert_type3A : vector<16xf32>
        %add3A_1044 = arith.addf %scan3A_1002, %mul3A_1043 : vector<16xf32>
        %mul3A_1045 = arith.mulf %broadcast_in_dim3A_1031, %bitcast_convert_type3A_1042 : vector<16xf32>
        %add3A_1046 = arith.addf %scan3A_1003, %mul3A_1045 : vector<16xf32>
        %get3A_1047 = arith.constant 0 : i32
        %get3A_1048 = arith.index_cast %get3A_1047 : i32 to index
        %get3A_1049 = arith.index_cast %add3A_1028 : i32 to index
        %get3A_1050 = arith.constant 16 : index
        %get3A_1051 = tpu.vector_load %arg7[%get3A_1048, %get3A_1049, %get3A_1050] {strides = array<i32>} : memref<2x208x64xi32, #tpu.memory_space<vmem>>, vector<1x1x16xi32>,
        %get3A_1052 = vector.shape_cast %get3A_1051 : vector<1x1x16xi32> to vector<16xi32>
        %shift_left3A_1053 = arith.constant 16 : i32
        %shift_left3A_1054 = vector.broadcast %shift_left3A_1053 : i32 to vector<16xi32>
        %shift_left3A_1055 = arith.shli %get3A_1052, %shift_left3A_1054 : vector<16xi32>
        %bitcast_convert_type3A_1056 = tpu.bitcast %shift_left3A_1055 : vector<16xi32> -> vector<16xf32>
        %and3A_1057 = arith.constant -65536 : i32
        %and3A_1058 = vector.broadcast %and3A_1057 : i32 to vector<16xi32>
        %and3A_1059 = arith.andi %get3A_1052, %and3A_1058 : vector<16xi32>
        %bitcast_convert_type3A_1060 = tpu.bitcast %and3A_1059 : vector<16xi32> -> vector<16xf32>
        %mul3A_1061 = arith.mulf %broadcast_in_dim3A_1031, %bitcast_convert_type3A_1056 : vector<16xf32>
        %add3A_1062 = arith.addf %scan3A_1004, %mul3A_1061 : vector<16xf32>
        %mul3A_1063 = arith.mulf %broadcast_in_dim3A_1031, %bitcast_convert_type3A_1060 : vector<16xf32>
        %add3A_1064 = arith.addf %scan3A_1005, %mul3A_1063 : vector<16xf32>
        %get3A_1065 = arith.constant 0 : i32
        %get3A_1066 = arith.index_cast %get3A_1065 : i32 to index
        %get3A_1067 = arith.index_cast %add3A_1028 : i32 to index
        %get3A_1068 = arith.constant 32 : index
        %get3A_1069 = tpu.vector_load %arg7[%get3A_1066, %get3A_1067, %get3A_1068] {strides = array<i32>} : memref<2x208x64xi32, #tpu.memory_space<vmem>>, vector<1x1x16xi32>,
        %get3A_1070 = vector.shape_cast %get3A_1069 : vector<1x1x16xi32> to vector<16xi32>
        %shift_left3A_1071 = arith.constant 16 : i32
        %shift_left3A_1072 = vector.broadcast %shift_left3A_1071 : i32 to vector<16xi32>
        %shift_left3A_1073 = arith.shli %get3A_1070, %shift_left3A_1072 : vector<16xi32>
        %bitcast_convert_type3A_1074 = tpu.bitcast %shift_left3A_1073 : vector<16xi32> -> vector<16xf32>
        %and3A_1075 = arith.constant -65536 : i32
        %and3A_1076 = vector.broadcast %and3A_1075 : i32 to vector<16xi32>
        %and3A_1077 = arith.andi %get3A_1070, %and3A_1076 : vector<16xi32>
        %bitcast_convert_type3A_1078 = tpu.bitcast %and3A_1077 : vector<16xi32> -> vector<16xf32>
        %mul3A_1079 = arith.mulf %broadcast_in_dim3A_1031, %bitcast_convert_type3A_1074 : vector<16xf32>
        %add3A_1080 = arith.addf %scan3A_1006, %mul3A_1079 : vector<16xf32>
        %mul3A_1081 = arith.mulf %broadcast_in_dim3A_1031, %bitcast_convert_type3A_1078 : vector<16xf32>
        %add3A_1082 = arith.addf %scan3A_1007, %mul3A_1081 : vector<16xf32>
        %get3A_1083 = arith.constant 0 : i32
        %get3A_1084 = arith.index_cast %get3A_1083 : i32 to index
        %get3A_1085 = arith.index_cast %add3A_1028 : i32 to index
        %get3A_1086 = arith.constant 48 : index
        %get3A_1087 = tpu.vector_load %arg7[%get3A_1084, %get3A_1085, %get3A_1086] {strides = array<i32>} : memref<2x208x64xi32, #tpu.memory_space<vmem>>, vector<1x1x16xi32>,
        %get3A_1088 = vector.shape_cast %get3A_1087 : vector<1x1x16xi32> to vector<16xi32>
        %shift_left3A_1089 = arith.constant 16 : i32
        %shift_left3A_1090 = vector.broadcast %shift_left3A_1089 : i32 to vector<16xi32>
        %shift_left3A_1091 = arith.shli %get3A_1088, %shift_left3A_1090 : vector<16xi32>
        %bitcast_convert_type3A_1092 = tpu.bitcast %shift_left3A_1091 : vector<16xi32> -> vector<16xf32>
        %and3A_1093 = arith.constant -65536 : i32
        %and3A_1094 = vector.broadcast %and3A_1093 : i32 to vector<16xi32>
        %and3A_1095 = arith.andi %get3A_1088, %and3A_1094 : vector<16xi32>
        %bitcast_convert_type3A_1096 = tpu.bitcast %and3A_1095 : vector<16xi32> -> vector<16xf32>
        %mul3A_1097 = arith.mulf %broadcast_in_dim3A_1031, %bitcast_convert_type3A_1092 : vector<16xf32>
        %add3A_1098 = arith.addf %scan3A_1008, %mul3A_1097 : vector<16xf32>
        %mul3A_1099 = arith.mulf %broadcast_in_dim3A_1031, %bitcast_convert_type3A_1096 : vector<16xf32>
        %add3A_1100 = arith.addf %scan3A_1009, %mul3A_1099 : vector<16xf32>
        %mul3A_1101 = arith.constant 16 : i32
        %mul3A_1102 = arith.muli %scan3A_1001, %mul3A_1101 : i32
        %add3A_1103 = arith.constant 1 : i32
        %add3A_1104 = arith.addi %mul3A_1102, %add3A_1103 : i32
        %slice3A_1105 = vector.extract_strided_slice %div3A_1024 {offsets = [1], sizes = [1], strides = [1]} : vector<16xf32> to vector<1xf32>
        %squeeze3A_1106 = vector.extract %slice3A_1105[0] : f32 from vector<1xf32>
        %broadcast_in_dim3A_1107 = vector.broadcast %squeeze3A_1106 : f32 to vector<16xf32>
        %get3A_1108 = arith.constant 0 : i32
        %get3A_1109 = arith.index_cast %get3A_1108 : i32 to index
        %get3A_1110 = arith.index_cast %add3A_1104 : i32 to index
        %get3A_1111 = arith.constant 0 : index
        %get3A_1112 = tpu.vector_load %arg7[%get3A_1109, %get3A_1110, %get3A_1111] {strides = array<i32>} : memref<2x208x64xi32, #tpu.memory_space<vmem>>, vector<1x1x16xi32>,
        %get3A_1113 = vector.shape_cast %get3A_1112 : vector<1x1x16xi32> to vector<16xi32>
        %shift_left3A_1114 = arith.constant 16 : i32
        %shift_left3A_1115 = vector.broadcast %shift_left3A_1114 : i32 to vector<16xi32>
        %shift_left3A_1116 = arith.shli %get3A_1113, %shift_left3A_1115 : vector<16xi32>
        %bitcast_convert_type3A_1117 = tpu.bitcast %shift_left3A_1116 : vector<16xi32> -> vector<16xf32>
        %and3A_1118 = arith.constant -65536 : i32
        %and3A_1119 = vector.broadcast %and3A_1118 : i32 to vector<16xi32>
        %and3A_1120 = arith.andi %get3A_1113, %and3A_1119 : vector<16xi32>
        %bitcast_convert_type3A_1121 = tpu.bitcast %and3A_1120 : vector<16xi32> -> vector<16xf32>
        %mul3A_1122 = arith.mulf %broadcast_in_dim3A_1107, %bitcast_convert_type3A_1117 : vector<16xf32>
        %add3A_1123 = arith.addf %add3A_1044, %mul3A_1122 : vector<16xf32>
        %mul3A_1124 = arith.mulf %broadcast_in_dim3A_1107, %bitcast_convert_type3A_1121 : vector<16xf32>
        %add3A_1125 = arith.addf %add3A_1046, %mul3A_1124 : vector<16xf32>
        %get3A_1126 = arith.constant 0 : i32
        %get3A_1127 = arith.index_cast %get3A_1126 : i32 to index
        %get3A_1128 = arith.index_cast %add3A_1104 : i32 to index
        %get3A_1129 = arith.constant 16 : index
        %get3A_1130 = tpu.vector_load %arg7[%get3A_1127, %get3A_1128, %get3A_1129] {strides = array<i32>} : memref<2x208x64xi32, #tpu.memory_space<vmem>>, vector<1x1x16xi32>,
        %get3A_1131 = vector.shape_cast %get3A_1130 : vector<1x1x16xi32> to vector<16xi32>
        %shift_left3A_1132 = arith.constant 16 : i32
        %shift_left3A_1133 = vector.broadcast %shift_left3A_1132 : i32 to vector<16xi32>
        %shift_left3A_1134 = arith.shli %get3A_1131, %shift_left3A_1133 : vector<16xi32>
        %bitcast_convert_type3A_1135 = tpu.bitcast %shift_left3A_1134 : vector<16xi32> -> vector<16xf32>
        %and3A_1136 = arith.constant -65536 : i32
        %and3A_1137 = vector.broadcast %and3A_1136 : i32 to vector<16xi32>
        %and3A_1138 = arith.andi %get3A_1131, %and3A_1137 : vector<16xi32>
        %bitcast_convert_type3A_1139 = tpu.bitcast %and3A_1138 : vector<16xi32> -> vector<16xf32>
        %mul3A_1140 = arith.mulf %broadcast_in_dim3A_1107, %bitcast_convert_type3A_1135 : vector<16xf32>
        %add3A_1141 = arith.addf %add3A_1062, %mul3A_1140 : vector<16xf32>
        %mul3A_1142 = arith.mulf %broadcast_in_dim3A_1107, %bitcast_convert_type3A_1139 : vector<16xf32>
        %add3A_1143 = arith.addf %add3A_1064, %mul3A_1142 : vector<16xf32>
        %get3A_1144 = arith.constant 0 : i32
        %get3A_1145 = arith.index_cast %get3A_1144 : i32 to index
        %get3A_1146 = arith.index_cast %add3A_1104 : i32 to index
        %get3A_1147 = arith.constant 32 : index
        %get3A_1148 = tpu.vector_load %arg7[%get3A_1145, %get3A_1146, %get3A_1147] {strides = array<i32>} : memref<2x208x64xi32, #tpu.memory_space<vmem>>, vector<1x1x16xi32>,
        %get3A_1149 = vector.shape_cast %get3A_1148 : vector<1x1x16xi32> to vector<16xi32>
        %shift_left3A_1150 = arith.constant 16 : i32
        %shift_left3A_1151 = vector.broadcast %shift_left3A_1150 : i32 to vector<16xi32>
        %shift_left3A_1152 = arith.shli %get3A_1149, %shift_left3A_1151 : vector<16xi32>
        %bitcast_convert_type3A_1153 = tpu.bitcast %shift_left3A_1152 : vector<16xi32> -> vector<16xf32>
        %and3A_1154 = arith.constant -65536 : i32
        %and3A_1155 = vector.broadcast %and3A_1154 : i32 to vector<16xi32>
        %and3A_1156 = arith.andi %get3A_1149, %and3A_1155 : vector<16xi32>
        %bitcast_convert_type3A_1157 = tpu.bitcast %and3A_1156 : vector<16xi32> -> vector<16xf32>
        %mul3A_1158 = arith.mulf %broadcast_in_dim3A_1107, %bitcast_convert_type3A_1153 : vector<16xf32>
        %add3A_1159 = arith.addf %add3A_1080, %mul3A_1158 : vector<16xf32>
        %mul3A_1160 = arith.mulf %broadcast_in_dim3A_1107, %bitcast_convert_type3A_1157 : vector<16xf32>
        %add3A_1161 = arith.addf %add3A_1082, %mul3A_1160 : vector<16xf32>
        %get3A_1162 = arith.constant 0 : i32
        %get3A_1163 = arith.index_cast %get3A_1162 : i32 to index
        %get3A_1164 = arith.index_cast %add3A_1104 : i32 to index
        %get3A_1165 = arith.constant 48 : index
        %get3A_1166 = tpu.vector_load %arg7[%get3A_1163, %get3A_1164, %get3A_1165] {strides = array<i32>} : memref<2x208x64xi32, #tpu.memory_space<vmem>>, vector<1x1x16xi32>,
        %get3A_1167 = vector.shape_cast %get3A_1166 : vector<1x1x16xi32> to vector<16xi32>
        %shift_left3A_1168 = arith.constant 16 : i32
        %shift_left3A_1169 = vector.broadcast %shift_left3A_1168 : i32 to vector<16xi32>
        %shift_left3A_1170 = arith.shli %get3A_1167, %shift_left3A_1169 : vector<16xi32>
        %bitcast_convert_type3A_1171 = tpu.bitcast %shift_left3A_1170 : vector<16xi32> -> vector<16xf32>
        %and3A_1172 = arith.constant -65536 : i32
        %and3A_1173 = vector.broadcast %and3A_1172 : i32 to vector<16xi32>
        %and3A_1174 = arith.andi %get3A_1167, %and3A_1173 : vector<16xi32>
        %bitcast_convert_type3A_1175 = tpu.bitcast %and3A_1174 : vector<16xi32> -> vector<16xf32>
        %mul3A_1176 = arith.mulf %broadcast_in_dim3A_1107, %bitcast_convert_type3A_1171 : vector<16xf32>
        %add3A_1177 = arith.addf %add3A_1098, %mul3A_1176 : vector<16xf32>
        %mul3A_1178 = arith.mulf %broadcast_in_dim3A_1107, %bitcast_convert_type3A_1175 : vector<16xf32>
        %add3A_1179 = arith.addf %add3A_1100, %mul3A_1178 : vector<16xf32>
        %mul3A_1180 = arith.constant 16 : i32
        %mul3A_1181 = arith.muli %scan3A_1001, %mul3A_1180 : i32
        %add3A_1182 = arith.constant 2 : i32
        %add3A_1183 = arith.addi %mul3A_1181, %add3A_1182 : i32
        %slice3A_1184 = vector.extract_strided_slice %div3A_1024 {offsets = [2], sizes = [1], strides = [1]} : vector<16xf32> to vector<1xf32>
        %squeeze3A_1185 = vector.extract %slice3A_1184[0] : f32 from vector<1xf32>
        %broadcast_in_dim3A_1186 = vector.broadcast %squeeze3A_1185 : f32 to vector<16xf32>
        %get3A_1187 = arith.constant 0 : i32
        %get3A_1188 = arith.index_cast %get3A_1187 : i32 to index
        %get3A_1189 = arith.index_cast %add3A_1183 : i32 to index
        %get3A_1190 = arith.constant 0 : index
        %get3A_1191 = tpu.vector_load %arg7[%get3A_1188, %get3A_1189, %get3A_1190] {strides = array<i32>} : memref<2x208x64xi32, #tpu.memory_space<vmem>>, vector<1x1x16xi32>,
        %get3A_1192 = vector.shape_cast %get3A_1191 : vector<1x1x16xi32> to vector<16xi32>
        %shift_left3A_1193 = arith.constant 16 : i32
        %shift_left3A_1194 = vector.broadcast %shift_left3A_1193 : i32 to vector<16xi32>
        %shift_left3A_1195 = arith.shli %get3A_1192, %shift_left3A_1194 : vector<16xi32>
        %bitcast_convert_type3A_1196 = tpu.bitcast %shift_left3A_1195 : vector<16xi32> -> vector<16xf32>
        %and3A_1197 = arith.constant -65536 : i32
        %and3A_1198 = vector.broadcast %and3A_1197 : i32 to vector<16xi32>
        %and3A_1199 = arith.andi %get3A_1192, %and3A_1198 : vector<16xi32>
        %bitcast_convert_type3A_1200 = tpu.bitcast %and3A_1199 : vector<16xi32> -> vector<16xf32>
        %mul3A_1201 = arith.mulf %broadcast_in_dim3A_1186, %bitcast_convert_type3A_1196 : vector<16xf32>
        %add3A_1202 = arith.addf %add3A_1123, %mul3A_1201 : vector<16xf32>
        %mul3A_1203 = arith.mulf %broadcast_in_dim3A_1186, %bitcast_convert_type3A_1200 : vector<16xf32>
        %add3A_1204 = arith.addf %add3A_1125, %mul3A_1203 : vector<16xf32>
        %get3A_1205 = arith.constant 0 : i32
        %get3A_1206 = arith.index_cast %get3A_1205 : i32 to index
        %get3A_1207 = arith.index_cast %add3A_1183 : i32 to index
        %get3A_1208 = arith.constant 16 : index
        %get3A_1209 = tpu.vector_load %arg7[%get3A_1206, %get3A_1207, %get3A_1208] {strides = array<i32>} : memref<2x208x64xi32, #tpu.memory_space<vmem>>, vector<1x1x16xi32>,
        %get3A_1210 = vector.shape_cast %get3A_1209 : vector<1x1x16xi32> to vector<16xi32>
        %shift_left3A_1211 = arith.constant 16 : i32
        %shift_left3A_1212 = vector.broadcast %shift_left3A_1211 : i32 to vector<16xi32>
        %shift_left3A_1213 = arith.shli %get3A_1210, %shift_left3A_1212 : vector<16xi32>
        %bitcast_convert_type3A_1214 = tpu.bitcast %shift_left3A_1213 : vector<16xi32> -> vector<16xf32>
        %and3A_1215 = arith.constant -65536 : i32
        %and3A_1216 = vector.broadcast %and3A_1215 : i32 to vector<16xi32>
        %and3A_1217 = arith.andi %get3A_1210, %and3A_1216 : vector<16xi32>
        %bitcast_convert_type3A_1218 = tpu.bitcast %and3A_1217 : vector<16xi32> -> vector<16xf32>
        %mul3A_1219 = arith.mulf %broadcast_in_dim3A_1186, %bitcast_convert_type3A_1214 : vector<16xf32>
        %add3A_1220 = arith.addf %add3A_1141, %mul3A_1219 : vector<16xf32>
        %mul3A_1221 = arith.mulf %broadcast_in_dim3A_1186, %bitcast_convert_type3A_1218 : vector<16xf32>
        %add3A_1222 = arith.addf %add3A_1143, %mul3A_1221 : vector<16xf32>
        %get3A_1223 = arith.constant 0 : i32
        %get3A_1224 = arith.index_cast %get3A_1223 : i32 to index
        %get3A_1225 = arith.index_cast %add3A_1183 : i32 to index
        %get3A_1226 = arith.constant 32 : index
        %get3A_1227 = tpu.vector_load %arg7[%get3A_1224, %get3A_1225, %get3A_1226] {strides = array<i32>} : memref<2x208x64xi32, #tpu.memory_space<vmem>>, vector<1x1x16xi32>,
        %get3A_1228 = vector.shape_cast %get3A_1227 : vector<1x1x16xi32> to vector<16xi32>
        %shift_left3A_1229 = arith.constant 16 : i32
        %shift_left3A_1230 = vector.broadcast %shift_left3A_1229 : i32 to vector<16xi32>
        %shift_left3A_1231 = arith.shli %get3A_1228, %shift_left3A_1230 : vector<16xi32>
        %bitcast_convert_type3A_1232 = tpu.bitcast %shift_left3A_1231 : vector<16xi32> -> vector<16xf32>
        %and3A_1233 = arith.constant -65536 : i32
        %and3A_1234 = vector.broadcast %and3A_1233 : i32 to vector<16xi32>
        %and3A_1235 = arith.andi %get3A_1228, %and3A_1234 : vector<16xi32>
        %bitcast_convert_type3A_1236 = tpu.bitcast %and3A_1235 : vector<16xi32> -> vector<16xf32>
        %mul3A_1237 = arith.mulf %broadcast_in_dim3A_1186, %bitcast_convert_type3A_1232 : vector<16xf32>
        %add3A_1238 = arith.addf %add3A_1159, %mul3A_1237 : vector<16xf32>
        %mul3A_1239 = arith.mulf %broadcast_in_dim3A_1186, %bitcast_convert_type3A_1236 : vector<16xf32>
        %add3A_1240 = arith.addf %add3A_1161, %mul3A_1239 : vector<16xf32>
        %get3A_1241 = arith.constant 0 : i32
        %get3A_1242 = arith.index_cast %get3A_1241 : i32 to index
        %get3A_1243 = arith.index_cast %add3A_1183 : i32 to index
        %get3A_1244 = arith.constant 48 : index
        %get3A_1245 = tpu.vector_load %arg7[%get3A_1242, %get3A_1243, %get3A_1244] {strides = array<i32>} : memref<2x208x64xi32, #tpu.memory_space<vmem>>, vector<1x1x16xi32>,
        %get3A_1246 = vector.shape_cast %get3A_1245 : vector<1x1x16xi32> to vector<16xi32>
        %shift_left3A_1247 = arith.constant 16 : i32
        %shift_left3A_1248 = vector.broadcast %shift_left3A_1247 : i32 to vector<16xi32>
        %shift_left3A_1249 = arith.shli %get3A_1246, %shift_left3A_1248 : vector<16xi32>
        %bitcast_convert_type3A_1250 = tpu.bitcast %shift_left3A_1249 : vector<16xi32> -> vector<16xf32>
        %and3A_1251 = arith.constant -65536 : i32
        %and3A_1252 = vector.broadcast %and3A_1251 : i32 to vector<16xi32>
        %and3A_1253 = arith.andi %get3A_1246, %and3A_1252 : vector<16xi32>
        %bitcast_convert_type3A_1254 = tpu.bitcast %and3A_1253 : vector<16xi32> -> vector<16xf32>
        %mul3A_1255 = arith.mulf %broadcast_in_dim3A_1186, %bitcast_convert_type3A_1250 : vector<16xf32>
        %add3A_1256 = arith.addf %add3A_1177, %mul3A_1255 : vector<16xf32>
        %mul3A_1257 = arith.mulf %broadcast_in_dim3A_1186, %bitcast_convert_type3A_1254 : vector<16xf32>
        %add3A_1258 = arith.addf %add3A_1179, %mul3A_1257 : vector<16xf32>
        %mul3A_1259 = arith.constant 16 : i32
        %mul3A_1260 = arith.muli %scan3A_1001, %mul3A_1259 : i32
        %add3A_1261 = arith.constant 3 : i32
        %add3A_1262 = arith.addi %mul3A_1260, %add3A_1261 : i32
        %slice3A_1263 = vector.extract_strided_slice %div3A_1024 {offsets = [3], sizes = [1], strides = [1]} : vector<16xf32> to vector<1xf32>
        %squeeze3A_1264 = vector.extract %slice3A_1263[0] : f32 from vector<1xf32>
        %broadcast_in_dim3A_1265 = vector.broadcast %squeeze3A_1264 : f32 to vector<16xf32>
        %get3A_1266 = arith.constant 0 : i32
        %get3A_1267 = arith.index_cast %get3A_1266 : i32 to index
        %get3A_1268 = arith.index_cast %add3A_1262 : i32 to index
        %get3A_1269 = arith.constant 0 : index
        %get3A_1270 = tpu.vector_load %arg7[%get3A_1267, %get3A_1268, %get3A_1269] {strides = array<i32>} : memref<2x208x64xi32, #tpu.memory_space<vmem>>, vector<1x1x16xi32>,
        %get3A_1271 = vector.shape_cast %get3A_1270 : vector<1x1x16xi32> to vector<16xi32>
        %shift_left3A_1272 = arith.constant 16 : i32
        %shift_left3A_1273 = vector.broadcast %shift_left3A_1272 : i32 to vector<16xi32>
        %shift_left3A_1274 = arith.shli %get3A_1271, %shift_left3A_1273 : vector<16xi32>
        %bitcast_convert_type3A_1275 = tpu.bitcast %shift_left3A_1274 : vector<16xi32> -> vector<16xf32>
        %and3A_1276 = arith.constant -65536 : i32
        %and3A_1277 = vector.broadcast %and3A_1276 : i32 to vector<16xi32>
        %and3A_1278 = arith.andi %get3A_1271, %and3A_1277 : vector<16xi32>
        %bitcast_convert_type3A_1279 = tpu.bitcast %and3A_1278 : vector<16xi32> -> vector<16xf32>
        %mul3A_1280 = arith.mulf %broadcast_in_dim3A_1265, %bitcast_convert_type3A_1275 : vector<16xf32>
        %add3A_1281 = arith.addf %add3A_1202, %mul3A_1280 : vector<16xf32>
        %mul3A_1282 = arith.mulf %broadcast_in_dim3A_1265, %bitcast_convert_type3A_1279 : vector<16xf32>
        %add3A_1283 = arith.addf %add3A_1204, %mul3A_1282 : vector<16xf32>
        %get3A_1284 = arith.constant 0 : i32
        %get3A_1285 = arith.index_cast %get3A_1284 : i32 to index
        %get3A_1286 = arith.index_cast %add3A_1262 : i32 to index
        %get3A_1287 = arith.constant 16 : index
        %get3A_1288 = tpu.vector_load %arg7[%get3A_1285, %get3A_1286, %get3A_1287] {strides = array<i32>} : memref<2x208x64xi32, #tpu.memory_space<vmem>>, vector<1x1x16xi32>,
        %get3A_1289 = vector.shape_cast %get3A_1288 : vector<1x1x16xi32> to vector<16xi32>
        %shift_left3A_1290 = arith.constant 16 : i32
        %shift_left3A_1291 = vector.broadcast %shift_left3A_1290 : i32 to vector<16xi32>
        %shift_left3A_1292 = arith.shli %get3A_1289, %shift_left3A_1291 : vector<16xi32>
        %bitcast_convert_type3A_1293 = tpu.bitcast %shift_left3A_1292 : vector<16xi32> -> vector<16xf32>
        %and3A_1294 = arith.constant -65536 : i32
        %and3A_1295 = vector.broadcast %and3A_1294 : i32 to vector<16xi32>
        %and3A_1296 = arith.andi %get3A_1289, %and3A_1295 : vector<16xi32>
        %bitcast_convert_type3A_1297 = tpu.bitcast %and3A_1296 : vector<16xi32> -> vector<16xf32>
        %mul3A_1298 = arith.mulf %broadcast_in_dim3A_1265, %bitcast_convert_type3A_1293 : vector<16xf32>
        %add3A_1299 = arith.addf %add3A_1220, %mul3A_1298 : vector<16xf32>
        %mul3A_1300 = arith.mulf %broadcast_in_dim3A_1265, %bitcast_convert_type3A_1297 : vector<16xf32>
        %add3A_1301 = arith.addf %add3A_1222, %mul3A_1300 : vector<16xf32>
        %get3A_1302 = arith.constant 0 : i32
        %get3A_1303 = arith.index_cast %get3A_1302 : i32 to index
        %get3A_1304 = arith.index_cast %add3A_1262 : i32 to index
        %get3A_1305 = arith.constant 32 : index
        %get3A_1306 = tpu.vector_load %arg7[%get3A_1303, %get3A_1304, %get3A_1305] {strides = array<i32>} : memref<2x208x64xi32, #tpu.memory_space<vmem>>, vector<1x1x16xi32>,
        %get3A_1307 = vector.shape_cast %get3A_1306 : vector<1x1x16xi32> to vector<16xi32>
        %shift_left3A_1308 = arith.constant 16 : i32
        %shift_left3A_1309 = vector.broadcast %shift_left3A_1308 : i32 to vector<16xi32>
        %shift_left3A_1310 = arith.shli %get3A_1307, %shift_left3A_1309 : vector<16xi32>
        %bitcast_convert_type3A_1311 = tpu.bitcast %shift_left3A_1310 : vector<16xi32> -> vector<16xf32>
        %and3A_1312 = arith.constant -65536 : i32
        %and3A_1313 = vector.broadcast %and3A_1312 : i32 to vector<16xi32>
        %and3A_1314 = arith.andi %get3A_1307, %and3A_1313 : vector<16xi32>
        %bitcast_convert_type3A_1315 = tpu.bitcast %and3A_1314 : vector<16xi32> -> vector<16xf32>
        %mul3A_1316 = arith.mulf %broadcast_in_dim3A_1265, %bitcast_convert_type3A_1311 : vector<16xf32>
        %add3A_1317 = arith.addf %add3A_1238, %mul3A_1316 : vector<16xf32>
        %mul3A_1318 = arith.mulf %broadcast_in_dim3A_1265, %bitcast_convert_type3A_1315 : vector<16xf32>
        %add3A_1319 = arith.addf %add3A_1240, %mul3A_1318 : vector<16xf32>
        %get3A_1320 = arith.constant 0 : i32
        %get3A_1321 = arith.index_cast %get3A_1320 : i32 to index
        %get3A_1322 = arith.index_cast %add3A_1262 : i32 to index
        %get3A_1323 = arith.constant 48 : index
        %get3A_1324 = tpu.vector_load %arg7[%get3A_1321, %get3A_1322, %get3A_1323] {strides = array<i32>} : memref<2x208x64xi32, #tpu.memory_space<vmem>>, vector<1x1x16xi32>,
        %get3A_1325 = vector.shape_cast %get3A_1324 : vector<1x1x16xi32> to vector<16xi32>
        %shift_left3A_1326 = arith.constant 16 : i32
        %shift_left3A_1327 = vector.broadcast %shift_left3A_1326 : i32 to vector<16xi32>
        %shift_left3A_1328 = arith.shli %get3A_1325, %shift_left3A_1327 : vector<16xi32>
        %bitcast_convert_type3A_1329 = tpu.bitcast %shift_left3A_1328 : vector<16xi32> -> vector<16xf32>
        %and3A_1330 = arith.constant -65536 : i32
        %and3A_1331 = vector.broadcast %and3A_1330 : i32 to vector<16xi32>
        %and3A_1332 = arith.andi %get3A_1325, %and3A_1331 : vector<16xi32>
        %bitcast_convert_type3A_1333 = tpu.bitcast %and3A_1332 : vector<16xi32> -> vector<16xf32>
        %mul3A_1334 = arith.mulf %broadcast_in_dim3A_1265, %bitcast_convert_type3A_1329 : vector<16xf32>
        %add3A_1335 = arith.addf %add3A_1256, %mul3A_1334 : vector<16xf32>
        %mul3A_1336 = arith.mulf %broadcast_in_dim3A_1265, %bitcast_convert_type3A_1333 : vector<16xf32>
        %add3A_1337 = arith.addf %add3A_1258, %mul3A_1336 : vector<16xf32>
        %mul3A_1338 = arith.constant 16 : i32
        %mul3A_1339 = arith.muli %scan3A_1001, %mul3A_1338 : i32
        %add3A_1340 = arith.constant 4 : i32
        %add3A_1341 = arith.addi %mul3A_1339, %add3A_1340 : i32
        %slice3A_1342 = vector.extract_strided_slice %div3A_1024 {offsets = [4], sizes = [1], strides = [1]} : vector<16xf32> to vector<1xf32>
        %squeeze3A_1343 = vector.extract %slice3A_1342[0] : f32 from vector<1xf32>
        %broadcast_in_dim3A_1344 = vector.broadcast %squeeze3A_1343 : f32 to vector<16xf32>
        %get3A_1345 = arith.constant 0 : i32
        %get3A_1346 = arith.index_cast %get3A_1345 : i32 to index
        %get3A_1347 = arith.index_cast %add3A_1341 : i32 to index
        %get3A_1348 = arith.constant 0 : index
        %get3A_1349 = tpu.vector_load %arg7[%get3A_1346, %get3A_1347, %get3A_1348] {strides = array<i32>} : memref<2x208x64xi32, #tpu.memory_space<vmem>>, vector<1x1x16xi32>,
        %get3A_1350 = vector.shape_cast %get3A_1349 : vector<1x1x16xi32> to vector<16xi32>
        %shift_left3A_1351 = arith.constant 16 : i32
        %shift_left3A_1352 = vector.broadcast %shift_left3A_1351 : i32 to vector<16xi32>
        %shift_left3A_1353 = arith.shli %get3A_1350, %shift_left3A_1352 : vector<16xi32>
        %bitcast_convert_type3A_1354 = tpu.bitcast %shift_left3A_1353 : vector<16xi32> -> vector<16xf32>
        %and3A_1355 = arith.constant -65536 : i32
        %and3A_1356 = vector.broadcast %and3A_1355 : i32 to vector<16xi32>
        %and3A_1357 = arith.andi %get3A_1350, %and3A_1356 : vector<16xi32>
        %bitcast_convert_type3A_1358 = tpu.bitcast %and3A_1357 : vector<16xi32> -> vector<16xf32>
        %mul3A_1359 = arith.mulf %broadcast_in_dim3A_1344, %bitcast_convert_type3A_1354 : vector<16xf32>
        %add3A_1360 = arith.addf %add3A_1281, %mul3A_1359 : vector<16xf32>
        %mul3A_1361 = arith.mulf %broadcast_in_dim3A_1344, %bitcast_convert_type3A_1358 : vector<16xf32>
        %add3A_1362 = arith.addf %add3A_1283, %mul3A_1361 : vector<16xf32>
        %get3A_1363 = arith.constant 0 : i32
        %get3A_1364 = arith.index_cast %get3A_1363 : i32 to index
        %get3A_1365 = arith.index_cast %add3A_1341 : i32 to index
        %get3A_1366 = arith.constant 16 : index
        %get3A_1367 = tpu.vector_load %arg7[%get3A_1364, %get3A_1365, %get3A_1366] {strides = array<i32>} : memref<2x208x64xi32, #tpu.memory_space<vmem>>, vector<1x1x16xi32>,
        %get3A_1368 = vector.shape_cast %get3A_1367 : vector<1x1x16xi32> to vector<16xi32>
        %shift_left3A_1369 = arith.constant 16 : i32
        %shift_left3A_1370 = vector.broadcast %shift_left3A_1369 : i32 to vector<16xi32>
        %shift_left3A_1371 = arith.shli %get3A_1368, %shift_left3A_1370 : vector<16xi32>
        %bitcast_convert_type3A_1372 = tpu.bitcast %shift_left3A_1371 : vector<16xi32> -> vector<16xf32>
        %and3A_1373 = arith.constant -65536 : i32
        %and3A_1374 = vector.broadcast %and3A_1373 : i32 to vector<16xi32>
        %and3A_1375 = arith.andi %get3A_1368, %and3A_1374 : vector<16xi32>
        %bitcast_convert_type3A_1376 = tpu.bitcast %and3A_1375 : vector<16xi32> -> vector<16xf32>
        %mul3A_1377 = arith.mulf %broadcast_in_dim3A_1344, %bitcast_convert_type3A_1372 : vector<16xf32>
        %add3A_1378 = arith.addf %add3A_1299, %mul3A_1377 : vector<16xf32>
        %mul3A_1379 = arith.mulf %broadcast_in_dim3A_1344, %bitcast_convert_type3A_1376 : vector<16xf32>
        %add3A_1380 = arith.addf %add3A_1301, %mul3A_1379 : vector<16xf32>
        %get3A_1381 = arith.constant 0 : i32
        %get3A_1382 = arith.index_cast %get3A_1381 : i32 to index
        %get3A_1383 = arith.index_cast %add3A_1341 : i32 to index
        %get3A_1384 = arith.constant 32 : index
        %get3A_1385 = tpu.vector_load %arg7[%get3A_1382, %get3A_1383, %get3A_1384] {strides = array<i32>} : memref<2x208x64xi32, #tpu.memory_space<vmem>>, vector<1x1x16xi32>,
        %get3A_1386 = vector.shape_cast %get3A_1385 : vector<1x1x16xi32> to vector<16xi32>
        %shift_left3A_1387 = arith.constant 16 : i32
        %shift_left3A_1388 = vector.broadcast %shift_left3A_1387 : i32 to vector<16xi32>
        %shift_left3A_1389 = arith.shli %get3A_1386, %shift_left3A_1388 : vector<16xi32>
        %bitcast_convert_type3A_1390 = tpu.bitcast %shift_left3A_1389 : vector<16xi32> -> vector<16xf32>
        %and3A_1391 = arith.constant -65536 : i32
        %and3A_1392 = vector.broadcast %and3A_1391 : i32 to vector<16xi32>
        %and3A_1393 = arith.andi %get3A_1386, %and3A_1392 : vector<16xi32>
        %bitcast_convert_type3A_1394 = tpu.bitcast %and3A_1393 : vector<16xi32> -> vector<16xf32>
        %mul3A_1395 = arith.mulf %broadcast_in_dim3A_1344, %bitcast_convert_type3A_1390 : vector<16xf32>
        %add3A_1396 = arith.addf %add3A_1317, %mul3A_1395 : vector<16xf32>
        %mul3A_1397 = arith.mulf %broadcast_in_dim3A_1344, %bitcast_convert_type3A_1394 : vector<16xf32>
        %add3A_1398 = arith.addf %add3A_1319, %mul3A_1397 : vector<16xf32>
        %get3A_1399 = arith.constant 0 : i32
        %get3A_1400 = arith.index_cast %get3A_1399 : i32 to index
        %get3A_1401 = arith.index_cast %add3A_1341 : i32 to index
        %get3A_1402 = arith.constant 48 : index
        %get3A_1403 = tpu.vector_load %arg7[%get3A_1400, %get3A_1401, %get3A_1402] {strides = array<i32>} : memref<2x208x64xi32, #tpu.memory_space<vmem>>, vector<1x1x16xi32>,
        %get3A_1404 = vector.shape_cast %get3A_1403 : vector<1x1x16xi32> to vector<16xi32>
        %shift_left3A_1405 = arith.constant 16 : i32
        %shift_left3A_1406 = vector.broadcast %shift_left3A_1405 : i32 to vector<16xi32>
        %shift_left3A_1407 = arith.shli %get3A_1404, %shift_left3A_1406 : vector<16xi32>
        %bitcast_convert_type3A_1408 = tpu.bitcast %shift_left3A_1407 : vector<16xi32> -> vector<16xf32>
        %and3A_1409 = arith.constant -65536 : i32
        %and3A_1410 = vector.broadcast %and3A_1409 : i32 to vector<16xi32>
        %and3A_1411 = arith.andi %get3A_1404, %and3A_1410 : vector<16xi32>
        %bitcast_convert_type3A_1412 = tpu.bitcast %and3A_1411 : vector<16xi32> -> vector<16xf32>
        %mul3A_1413 = arith.mulf %broadcast_in_dim3A_1344, %bitcast_convert_type3A_1408 : vector<16xf32>
        %add3A_1414 = arith.addf %add3A_1335, %mul3A_1413 : vector<16xf32>
        %mul3A_1415 = arith.mulf %broadcast_in_dim3A_1344, %bitcast_convert_type3A_1412 : vector<16xf32>
        %add3A_1416 = arith.addf %add3A_1337, %mul3A_1415 : vector<16xf32>
        %mul3A_1417 = arith.constant 16 : i32
        %mul3A_1418 = arith.muli %scan3A_1001, %mul3A_1417 : i32
        %add3A_1419 = arith.constant 5 : i32
        %add3A_1420 = arith.addi %mul3A_1418, %add3A_1419 : i32
        %slice3A_1421 = vector.extract_strided_slice %div3A_1024 {offsets = [5], sizes = [1], strides = [1]} : vector<16xf32> to vector<1xf32>
        %squeeze3A_1422 = vector.extract %slice3A_1421[0] : f32 from vector<1xf32>
        %broadcast_in_dim3A_1423 = vector.broadcast %squeeze3A_1422 : f32 to vector<16xf32>
        %get3A_1424 = arith.constant 0 : i32
        %get3A_1425 = arith.index_cast %get3A_1424 : i32 to index
        %get3A_1426 = arith.index_cast %add3A_1420 : i32 to index
        %get3A_1427 = arith.constant 0 : index
        %get3A_1428 = tpu.vector_load %arg7[%get3A_1425, %get3A_1426, %get3A_1427] {strides = array<i32>} : memref<2x208x64xi32, #tpu.memory_space<vmem>>, vector<1x1x16xi32>,
        %get3A_1429 = vector.shape_cast %get3A_1428 : vector<1x1x16xi32> to vector<16xi32>
        %shift_left3A_1430 = arith.constant 16 : i32
        %shift_left3A_1431 = vector.broadcast %shift_left3A_1430 : i32 to vector<16xi32>
        %shift_left3A_1432 = arith.shli %get3A_1429, %shift_left3A_1431 : vector<16xi32>
        %bitcast_convert_type3A_1433 = tpu.bitcast %shift_left3A_1432 : vector<16xi32> -> vector<16xf32>
        %and3A_1434 = arith.constant -65536 : i32
        %and3A_1435 = vector.broadcast %and3A_1434 : i32 to vector<16xi32>
        %and3A_1436 = arith.andi %get3A_1429, %and3A_1435 : vector<16xi32>
        %bitcast_convert_type3A_1437 = tpu.bitcast %and3A_1436 : vector<16xi32> -> vector<16xf32>
        %mul3A_1438 = arith.mulf %broadcast_in_dim3A_1423, %bitcast_convert_type3A_1433 : vector<16xf32>
        %add3A_1439 = arith.addf %add3A_1360, %mul3A_1438 : vector<16xf32>
        %mul3A_1440 = arith.mulf %broadcast_in_dim3A_1423, %bitcast_convert_type3A_1437 : vector<16xf32>
        %add3A_1441 = arith.addf %add3A_1362, %mul3A_1440 : vector<16xf32>
        %get3A_1442 = arith.constant 0 : i32
        %get3A_1443 = arith.index_cast %get3A_1442 : i32 to index
        %get3A_1444 = arith.index_cast %add3A_1420 : i32 to index
        %get3A_1445 = arith.constant 16 : index
        %get3A_1446 = tpu.vector_load %arg7[%get3A_1443, %get3A_1444, %get3A_1445] {strides = array<i32>} : memref<2x208x64xi32, #tpu.memory_space<vmem>>, vector<1x1x16xi32>,
        %get3A_1447 = vector.shape_cast %get3A_1446 : vector<1x1x16xi32> to vector<16xi32>
        %shift_left3A_1448 = arith.constant 16 : i32
        %shift_left3A_1449 = vector.broadcast %shift_left3A_1448 : i32 to vector<16xi32>
        %shift_left3A_1450 = arith.shli %get3A_1447, %shift_left3A_1449 : vector<16xi32>
        %bitcast_convert_type3A_1451 = tpu.bitcast %shift_left3A_1450 : vector<16xi32> -> vector<16xf32>
        %and3A_1452 = arith.constant -65536 : i32
        %and3A_1453 = vector.broadcast %and3A_1452 : i32 to vector<16xi32>
        %and3A_1454 = arith.andi %get3A_1447, %and3A_1453 : vector<16xi32>
        %bitcast_convert_type3A_1455 = tpu.bitcast %and3A_1454 : vector<16xi32> -> vector<16xf32>
        %mul3A_1456 = arith.mulf %broadcast_in_dim3A_1423, %bitcast_convert_type3A_1451 : vector<16xf32>
        %add3A_1457 = arith.addf %add3A_1378, %mul3A_1456 : vector<16xf32>
        %mul3A_1458 = arith.mulf %broadcast_in_dim3A_1423, %bitcast_convert_type3A_1455 : vector<16xf32>
        %add3A_1459 = arith.addf %add3A_1380, %mul3A_1458 : vector<16xf32>
        %get3A_1460 = arith.constant 0 : i32
        %get3A_1461 = arith.index_cast %get3A_1460 : i32 to index
        %get3A_1462 = arith.index_cast %add3A_1420 : i32 to index
        %get3A_1463 = arith.constant 32 : index
        %get3A_1464 = tpu.vector_load %arg7[%get3A_1461, %get3A_1462, %get3A_1463] {strides = array<i32>} : memref<2x208x64xi32, #tpu.memory_space<vmem>>, vector<1x1x16xi32>,
        %get3A_1465 = vector.shape_cast %get3A_1464 : vector<1x1x16xi32> to vector<16xi32>
        %shift_left3A_1466 = arith.constant 16 : i32
        %shift_left3A_1467 = vector.broadcast %shift_left3A_1466 : i32 to vector<16xi32>
        %shift_left3A_1468 = arith.shli %get3A_1465, %shift_left3A_1467 : vector<16xi32>
        %bitcast_convert_type3A_1469 = tpu.bitcast %shift_left3A_1468 : vector<16xi32> -> vector<16xf32>
        %and3A_1470 = arith.constant -65536 : i32
        %and3A_1471 = vector.broadcast %and3A_1470 : i32 to vector<16xi32>
        %and3A_1472 = arith.andi %get3A_1465, %and3A_1471 : vector<16xi32>
        %bitcast_convert_type3A_1473 = tpu.bitcast %and3A_1472 : vector<16xi32> -> vector<16xf32>
        %mul3A_1474 = arith.mulf %broadcast_in_dim3A_1423, %bitcast_convert_type3A_1469 : vector<16xf32>
        %add3A_1475 = arith.addf %add3A_1396, %mul3A_1474 : vector<16xf32>
        %mul3A_1476 = arith.mulf %broadcast_in_dim3A_1423, %bitcast_convert_type3A_1473 : vector<16xf32>
        %add3A_1477 = arith.addf %add3A_1398, %mul3A_1476 : vector<16xf32>
        %get3A_1478 = arith.constant 0 : i32
        %get3A_1479 = arith.index_cast %get3A_1478 : i32 to index
        %get3A_1480 = arith.index_cast %add3A_1420 : i32 to index
        %get3A_1481 = arith.constant 48 : index
        %get3A_1482 = tpu.vector_load %arg7[%get3A_1479, %get3A_1480, %get3A_1481] {strides = array<i32>} : memref<2x208x64xi32, #tpu.memory_space<vmem>>, vector<1x1x16xi32>,
        %get3A_1483 = vector.shape_cast %get3A_1482 : vector<1x1x16xi32> to vector<16xi32>
        %shift_left3A_1484 = arith.constant 16 : i32
        %shift_left3A_1485 = vector.broadcast %shift_left3A_1484 : i32 to vector<16xi32>
        %shift_left3A_1486 = arith.shli %get3A_1483, %shift_left3A_1485 : vector<16xi32>
        %bitcast_convert_type3A_1487 = tpu.bitcast %shift_left3A_1486 : vector<16xi32> -> vector<16xf32>
        %and3A_1488 = arith.constant -65536 : i32
        %and3A_1489 = vector.broadcast %and3A_1488 : i32 to vector<16xi32>
        %and3A_1490 = arith.andi %get3A_1483, %and3A_1489 : vector<16xi32>
        %bitcast_convert_type3A_1491 = tpu.bitcast %and3A_1490 : vector<16xi32> -> vector<16xf32>
        %mul3A_1492 = arith.mulf %broadcast_in_dim3A_1423, %bitcast_convert_type3A_1487 : vector<16xf32>
        %add3A_1493 = arith.addf %add3A_1414, %mul3A_1492 : vector<16xf32>
        %mul3A_1494 = arith.mulf %broadcast_in_dim3A_1423, %bitcast_convert_type3A_1491 : vector<16xf32>
        %add3A_1495 = arith.addf %add3A_1416, %mul3A_1494 : vector<16xf32>
        %mul3A_1496 = arith.constant 16 : i32
        %mul3A_1497 = arith.muli %scan3A_1001, %mul3A_1496 : i32
        %add3A_1498 = arith.constant 6 : i32
        %add3A_1499 = arith.addi %mul3A_1497, %add3A_1498 : i32
        %slice3A_1500 = vector.extract_strided_slice %div3A_1024 {offsets = [6], sizes = [1], strides = [1]} : vector<16xf32> to vector<1xf32>
        %squeeze3A_1501 = vector.extract %slice3A_1500[0] : f32 from vector<1xf32>
        %broadcast_in_dim3A_1502 = vector.broadcast %squeeze3A_1501 : f32 to vector<16xf32>
        %get3A_1503 = arith.constant 0 : i32
        %get3A_1504 = arith.index_cast %get3A_1503 : i32 to index
        %get3A_1505 = arith.index_cast %add3A_1499 : i32 to index
        %get3A_1506 = arith.constant 0 : index
        %get3A_1507 = tpu.vector_load %arg7[%get3A_1504, %get3A_1505, %get3A_1506] {strides = array<i32>} : memref<2x208x64xi32, #tpu.memory_space<vmem>>, vector<1x1x16xi32>,
        %get3A_1508 = vector.shape_cast %get3A_1507 : vector<1x1x16xi32> to vector<16xi32>
        %shift_left3A_1509 = arith.constant 16 : i32
        %shift_left3A_1510 = vector.broadcast %shift_left3A_1509 : i32 to vector<16xi32>
        %shift_left3A_1511 = arith.shli %get3A_1508, %shift_left3A_1510 : vector<16xi32>
        %bitcast_convert_type3A_1512 = tpu.bitcast %shift_left3A_1511 : vector<16xi32> -> vector<16xf32>
        %and3A_1513 = arith.constant -65536 : i32
        %and3A_1514 = vector.broadcast %and3A_1513 : i32 to vector<16xi32>
        %and3A_1515 = arith.andi %get3A_1508, %and3A_1514 : vector<16xi32>
        %bitcast_convert_type3A_1516 = tpu.bitcast %and3A_1515 : vector<16xi32> -> vector<16xf32>
        %mul3A_1517 = arith.mulf %broadcast_in_dim3A_1502, %bitcast_convert_type3A_1512 : vector<16xf32>
        %add3A_1518 = arith.addf %add3A_1439, %mul3A_1517 : vector<16xf32>
        %mul3A_1519 = arith.mulf %broadcast_in_dim3A_1502, %bitcast_convert_type3A_1516 : vector<16xf32>
        %add3A_1520 = arith.addf %add3A_1441, %mul3A_1519 : vector<16xf32>
        %get3A_1521 = arith.constant 0 : i32
        %get3A_1522 = arith.index_cast %get3A_1521 : i32 to index
        %get3A_1523 = arith.index_cast %add3A_1499 : i32 to index
        %get3A_1524 = arith.constant 16 : index
        %get3A_1525 = tpu.vector_load %arg7[%get3A_1522, %get3A_1523, %get3A_1524] {strides = array<i32>} : memref<2x208x64xi32, #tpu.memory_space<vmem>>, vector<1x1x16xi32>,
        %get3A_1526 = vector.shape_cast %get3A_1525 : vector<1x1x16xi32> to vector<16xi32>
        %shift_left3A_1527 = arith.constant 16 : i32
        %shift_left3A_1528 = vector.broadcast %shift_left3A_1527 : i32 to vector<16xi32>
        %shift_left3A_1529 = arith.shli %get3A_1526, %shift_left3A_1528 : vector<16xi32>
        %bitcast_convert_type3A_1530 = tpu.bitcast %shift_left3A_1529 : vector<16xi32> -> vector<16xf32>
        %and3A_1531 = arith.constant -65536 : i32
        %and3A_1532 = vector.broadcast %and3A_1531 : i32 to vector<16xi32>
        %and3A_1533 = arith.andi %get3A_1526, %and3A_1532 : vector<16xi32>
        %bitcast_convert_type3A_1534 = tpu.bitcast %and3A_1533 : vector<16xi32> -> vector<16xf32>
        %mul3A_1535 = arith.mulf %broadcast_in_dim3A_1502, %bitcast_convert_type3A_1530 : vector<16xf32>
        %add3A_1536 = arith.addf %add3A_1457, %mul3A_1535 : vector<16xf32>
        %mul3A_1537 = arith.mulf %broadcast_in_dim3A_1502, %bitcast_convert_type3A_1534 : vector<16xf32>
        %add3A_1538 = arith.addf %add3A_1459, %mul3A_1537 : vector<16xf32>
        %get3A_1539 = arith.constant 0 : i32
        %get3A_1540 = arith.index_cast %get3A_1539 : i32 to index
        %get3A_1541 = arith.index_cast %add3A_1499 : i32 to index
        %get3A_1542 = arith.constant 32 : index
        %get3A_1543 = tpu.vector_load %arg7[%get3A_1540, %get3A_1541, %get3A_1542] {strides = array<i32>} : memref<2x208x64xi32, #tpu.memory_space<vmem>>, vector<1x1x16xi32>,
        %get3A_1544 = vector.shape_cast %get3A_1543 : vector<1x1x16xi32> to vector<16xi32>
        %shift_left3A_1545 = arith.constant 16 : i32
        %shift_left3A_1546 = vector.broadcast %shift_left3A_1545 : i32 to vector<16xi32>
        %shift_left3A_1547 = arith.shli %get3A_1544, %shift_left3A_1546 : vector<16xi32>
        %bitcast_convert_type3A_1548 = tpu.bitcast %shift_left3A_1547 : vector<16xi32> -> vector<16xf32>
        %and3A_1549 = arith.constant -65536 : i32
        %and3A_1550 = vector.broadcast %and3A_1549 : i32 to vector<16xi32>
        %and3A_1551 = arith.andi %get3A_1544, %and3A_1550 : vector<16xi32>
        %bitcast_convert_type3A_1552 = tpu.bitcast %and3A_1551 : vector<16xi32> -> vector<16xf32>
        %mul3A_1553 = arith.mulf %broadcast_in_dim3A_1502, %bitcast_convert_type3A_1548 : vector<16xf32>
        %add3A_1554 = arith.addf %add3A_1475, %mul3A_1553 : vector<16xf32>
        %mul3A_1555 = arith.mulf %broadcast_in_dim3A_1502, %bitcast_convert_type3A_1552 : vector<16xf32>
        %add3A_1556 = arith.addf %add3A_1477, %mul3A_1555 : vector<16xf32>
        %get3A_1557 = arith.constant 0 : i32
        %get3A_1558 = arith.index_cast %get3A_1557 : i32 to index
        %get3A_1559 = arith.index_cast %add3A_1499 : i32 to index
        %get3A_1560 = arith.constant 48 : index
        %get3A_1561 = tpu.vector_load %arg7[%get3A_1558, %get3A_1559, %get3A_1560] {strides = array<i32>} : memref<2x208x64xi32, #tpu.memory_space<vmem>>, vector<1x1x16xi32>,
        %get3A_1562 = vector.shape_cast %get3A_1561 : vector<1x1x16xi32> to vector<16xi32>
        %shift_left3A_1563 = arith.constant 16 : i32
        %shift_left3A_1564 = vector.broadcast %shift_left3A_1563 : i32 to vector<16xi32>
        %shift_left3A_1565 = arith.shli %get3A_1562, %shift_left3A_1564 : vector<16xi32>
        %bitcast_convert_type3A_1566 = tpu.bitcast %shift_left3A_1565 : vector<16xi32> -> vector<16xf32>
        %and3A_1567 = arith.constant -65536 : i32
        %and3A_1568 = vector.broadcast %and3A_1567 : i32 to vector<16xi32>
        %and3A_1569 = arith.andi %get3A_1562, %and3A_1568 : vector<16xi32>
        %bitcast_convert_type3A_1570 = tpu.bitcast %and3A_1569 : vector<16xi32> -> vector<16xf32>
        %mul3A_1571 = arith.mulf %broadcast_in_dim3A_1502, %bitcast_convert_type3A_1566 : vector<16xf32>
        %add3A_1572 = arith.addf %add3A_1493, %mul3A_1571 : vector<16xf32>
        %mul3A_1573 = arith.mulf %broadcast_in_dim3A_1502, %bitcast_convert_type3A_1570 : vector<16xf32>
        %add3A_1574 = arith.addf %add3A_1495, %mul3A_1573 : vector<16xf32>
        %mul3A_1575 = arith.constant 16 : i32
        %mul3A_1576 = arith.muli %scan3A_1001, %mul3A_1575 : i32
        %add3A_1577 = arith.constant 7 : i32
        %add3A_1578 = arith.addi %mul3A_1576, %add3A_1577 : i32
        %slice3A_1579 = vector.extract_strided_slice %div3A_1024 {offsets = [7], sizes = [1], strides = [1]} : vector<16xf32> to vector<1xf32>
        %squeeze3A_1580 = vector.extract %slice3A_1579[0] : f32 from vector<1xf32>
        %broadcast_in_dim3A_1581 = vector.broadcast %squeeze3A_1580 : f32 to vector<16xf32>
        %get3A_1582 = arith.constant 0 : i32
        %get3A_1583 = arith.index_cast %get3A_1582 : i32 to index
        %get3A_1584 = arith.index_cast %add3A_1578 : i32 to index
        %get3A_1585 = arith.constant 0 : index
        %get3A_1586 = tpu.vector_load %arg7[%get3A_1583, %get3A_1584, %get3A_1585] {strides = array<i32>} : memref<2x208x64xi32, #tpu.memory_space<vmem>>, vector<1x1x16xi32>,
        %get3A_1587 = vector.shape_cast %get3A_1586 : vector<1x1x16xi32> to vector<16xi32>
        %shift_left3A_1588 = arith.constant 16 : i32
        %shift_left3A_1589 = vector.broadcast %shift_left3A_1588 : i32 to vector<16xi32>
        %shift_left3A_1590 = arith.shli %get3A_1587, %shift_left3A_1589 : vector<16xi32>
        %bitcast_convert_type3A_1591 = tpu.bitcast %shift_left3A_1590 : vector<16xi32> -> vector<16xf32>
        %and3A_1592 = arith.constant -65536 : i32
        %and3A_1593 = vector.broadcast %and3A_1592 : i32 to vector<16xi32>
        %and3A_1594 = arith.andi %get3A_1587, %and3A_1593 : vector<16xi32>
        %bitcast_convert_type3A_1595 = tpu.bitcast %and3A_1594 : vector<16xi32> -> vector<16xf32>
        %mul3A_1596 = arith.mulf %broadcast_in_dim3A_1581, %bitcast_convert_type3A_1591 : vector<16xf32>
        %add3A_1597 = arith.addf %add3A_1518, %mul3A_1596 : vector<16xf32>
        %mul3A_1598 = arith.mulf %broadcast_in_dim3A_1581, %bitcast_convert_type3A_1595 : vector<16xf32>
        %add3A_1599 = arith.addf %add3A_1520, %mul3A_1598 : vector<16xf32>
        %get3A_1600 = arith.constant 0 : i32
        %get3A_1601 = arith.index_cast %get3A_1600 : i32 to index
        %get3A_1602 = arith.index_cast %add3A_1578 : i32 to index
        %get3A_1603 = arith.constant 16 : index
        %get3A_1604 = tpu.vector_load %arg7[%get3A_1601, %get3A_1602, %get3A_1603] {strides = array<i32>} : memref<2x208x64xi32, #tpu.memory_space<vmem>>, vector<1x1x16xi32>,
        %get3A_1605 = vector.shape_cast %get3A_1604 : vector<1x1x16xi32> to vector<16xi32>
        %shift_left3A_1606 = arith.constant 16 : i32
        %shift_left3A_1607 = vector.broadcast %shift_left3A_1606 : i32 to vector<16xi32>
        %shift_left3A_1608 = arith.shli %get3A_1605, %shift_left3A_1607 : vector<16xi32>
        %bitcast_convert_type3A_1609 = tpu.bitcast %shift_left3A_1608 : vector<16xi32> -> vector<16xf32>
        %and3A_1610 = arith.constant -65536 : i32
        %and3A_1611 = vector.broadcast %and3A_1610 : i32 to vector<16xi32>
        %and3A_1612 = arith.andi %get3A_1605, %and3A_1611 : vector<16xi32>
        %bitcast_convert_type3A_1613 = tpu.bitcast %and3A_1612 : vector<16xi32> -> vector<16xf32>
        %mul3A_1614 = arith.mulf %broadcast_in_dim3A_1581, %bitcast_convert_type3A_1609 : vector<16xf32>
        %add3A_1615 = arith.addf %add3A_1536, %mul3A_1614 : vector<16xf32>
        %mul3A_1616 = arith.mulf %broadcast_in_dim3A_1581, %bitcast_convert_type3A_1613 : vector<16xf32>
        %add3A_1617 = arith.addf %add3A_1538, %mul3A_1616 : vector<16xf32>
        %get3A_1618 = arith.constant 0 : i32
        %get3A_1619 = arith.index_cast %get3A_1618 : i32 to index
        %get3A_1620 = arith.index_cast %add3A_1578 : i32 to index
        %get3A_1621 = arith.constant 32 : index
        %get3A_1622 = tpu.vector_load %arg7[%get3A_1619, %get3A_1620, %get3A_1621] {strides = array<i32>} : memref<2x208x64xi32, #tpu.memory_space<vmem>>, vector<1x1x16xi32>,
        %get3A_1623 = vector.shape_cast %get3A_1622 : vector<1x1x16xi32> to vector<16xi32>
        %shift_left3A_1624 = arith.constant 16 : i32
        %shift_left3A_1625 = vector.broadcast %shift_left3A_1624 : i32 to vector<16xi32>
        %shift_left3A_1626 = arith.shli %get3A_1623, %shift_left3A_1625 : vector<16xi32>
        %bitcast_convert_type3A_1627 = tpu.bitcast %shift_left3A_1626 : vector<16xi32> -> vector<16xf32>
        %and3A_1628 = arith.constant -65536 : i32
        %and3A_1629 = vector.broadcast %and3A_1628 : i32 to vector<16xi32>
        %and3A_1630 = arith.andi %get3A_1623, %and3A_1629 : vector<16xi32>
        %bitcast_convert_type3A_1631 = tpu.bitcast %and3A_1630 : vector<16xi32> -> vector<16xf32>
        %mul3A_1632 = arith.mulf %broadcast_in_dim3A_1581, %bitcast_convert_type3A_1627 : vector<16xf32>
        %add3A_1633 = arith.addf %add3A_1554, %mul3A_1632 : vector<16xf32>
        %mul3A_1634 = arith.mulf %broadcast_in_dim3A_1581, %bitcast_convert_type3A_1631 : vector<16xf32>
        %add3A_1635 = arith.addf %add3A_1556, %mul3A_1634 : vector<16xf32>
        %get3A_1636 = arith.constant 0 : i32
        %get3A_1637 = arith.index_cast %get3A_1636 : i32 to index
        %get3A_1638 = arith.index_cast %add3A_1578 : i32 to index
        %get3A_1639 = arith.constant 48 : index
        %get3A_1640 = tpu.vector_load %arg7[%get3A_1637, %get3A_1638, %get3A_1639] {strides = array<i32>} : memref<2x208x64xi32, #tpu.memory_space<vmem>>, vector<1x1x16xi32>,
        %get3A_1641 = vector.shape_cast %get3A_1640 : vector<1x1x16xi32> to vector<16xi32>
        %shift_left3A_1642 = arith.constant 16 : i32
        %shift_left3A_1643 = vector.broadcast %shift_left3A_1642 : i32 to vector<16xi32>
        %shift_left3A_1644 = arith.shli %get3A_1641, %shift_left3A_1643 : vector<16xi32>
        %bitcast_convert_type3A_1645 = tpu.bitcast %shift_left3A_1644 : vector<16xi32> -> vector<16xf32>
        %and3A_1646 = arith.constant -65536 : i32
        %and3A_1647 = vector.broadcast %and3A_1646 : i32 to vector<16xi32>
        %and3A_1648 = arith.andi %get3A_1641, %and3A_1647 : vector<16xi32>
        %bitcast_convert_type3A_1649 = tpu.bitcast %and3A_1648 : vector<16xi32> -> vector<16xf32>
        %mul3A_1650 = arith.mulf %broadcast_in_dim3A_1581, %bitcast_convert_type3A_1645 : vector<16xf32>
        %add3A_1651 = arith.addf %add3A_1572, %mul3A_1650 : vector<16xf32>
        %mul3A_1652 = arith.mulf %broadcast_in_dim3A_1581, %bitcast_convert_type3A_1649 : vector<16xf32>
        %add3A_1653 = arith.addf %add3A_1574, %mul3A_1652 : vector<16xf32>
        %mul3A_1654 = arith.constant 16 : i32
        %mul3A_1655 = arith.muli %scan3A_1001, %mul3A_1654 : i32
        %add3A_1656 = arith.constant 8 : i32
        %add3A_1657 = arith.addi %mul3A_1655, %add3A_1656 : i32
        %slice3A_1658 = vector.extract_strided_slice %div3A_1024 {offsets = [8], sizes = [1], strides = [1]} : vector<16xf32> to vector<1xf32>
        %squeeze3A_1659 = vector.extract %slice3A_1658[0] : f32 from vector<1xf32>
        %broadcast_in_dim3A_1660 = vector.broadcast %squeeze3A_1659 : f32 to vector<16xf32>
        %get3A_1661 = arith.constant 0 : i32
        %get3A_1662 = arith.index_cast %get3A_1661 : i32 to index
        %get3A_1663 = arith.index_cast %add3A_1657 : i32 to index
        %get3A_1664 = arith.constant 0 : index
        %get3A_1665 = tpu.vector_load %arg7[%get3A_1662, %get3A_1663, %get3A_1664] {strides = array<i32>} : memref<2x208x64xi32, #tpu.memory_space<vmem>>, vector<1x1x16xi32>,
        %get3A_1666 = vector.shape_cast %get3A_1665 : vector<1x1x16xi32> to vector<16xi32>
        %shift_left3A_1667 = arith.constant 16 : i32
        %shift_left3A_1668 = vector.broadcast %shift_left3A_1667 : i32 to vector<16xi32>
        %shift_left3A_1669 = arith.shli %get3A_1666, %shift_left3A_1668 : vector<16xi32>
        %bitcast_convert_type3A_1670 = tpu.bitcast %shift_left3A_1669 : vector<16xi32> -> vector<16xf32>
        %and3A_1671 = arith.constant -65536 : i32
        %and3A_1672 = vector.broadcast %and3A_1671 : i32 to vector<16xi32>
        %and3A_1673 = arith.andi %get3A_1666, %and3A_1672 : vector<16xi32>
        %bitcast_convert_type3A_1674 = tpu.bitcast %and3A_1673 : vector<16xi32> -> vector<16xf32>
        %mul3A_1675 = arith.mulf %broadcast_in_dim3A_1660, %bitcast_convert_type3A_1670 : vector<16xf32>
        %add3A_1676 = arith.addf %add3A_1597, %mul3A_1675 : vector<16xf32>
        %mul3A_1677 = arith.mulf %broadcast_in_dim3A_1660, %bitcast_convert_type3A_1674 : vector<16xf32>
        %add3A_1678 = arith.addf %add3A_1599, %mul3A_1677 : vector<16xf32>
        %get3A_1679 = arith.constant 0 : i32
        %get3A_1680 = arith.index_cast %get3A_1679 : i32 to index
        %get3A_1681 = arith.index_cast %add3A_1657 : i32 to index
        %get3A_1682 = arith.constant 16 : index
        %get3A_1683 = tpu.vector_load %arg7[%get3A_1680, %get3A_1681, %get3A_1682] {strides = array<i32>} : memref<2x208x64xi32, #tpu.memory_space<vmem>>, vector<1x1x16xi32>,
        %get3A_1684 = vector.shape_cast %get3A_1683 : vector<1x1x16xi32> to vector<16xi32>
        %shift_left3A_1685 = arith.constant 16 : i32
        %shift_left3A_1686 = vector.broadcast %shift_left3A_1685 : i32 to vector<16xi32>
        %shift_left3A_1687 = arith.shli %get3A_1684, %shift_left3A_1686 : vector<16xi32>
        %bitcast_convert_type3A_1688 = tpu.bitcast %shift_left3A_1687 : vector<16xi32> -> vector<16xf32>
        %and3A_1689 = arith.constant -65536 : i32
        %and3A_1690 = vector.broadcast %and3A_1689 : i32 to vector<16xi32>
        %and3A_1691 = arith.andi %get3A_1684, %and3A_1690 : vector<16xi32>
        %bitcast_convert_type3A_1692 = tpu.bitcast %and3A_1691 : vector<16xi32> -> vector<16xf32>
        %mul3A_1693 = arith.mulf %broadcast_in_dim3A_1660, %bitcast_convert_type3A_1688 : vector<16xf32>
        %add3A_1694 = arith.addf %add3A_1615, %mul3A_1693 : vector<16xf32>
        %mul3A_1695 = arith.mulf %broadcast_in_dim3A_1660, %bitcast_convert_type3A_1692 : vector<16xf32>
        %add3A_1696 = arith.addf %add3A_1617, %mul3A_1695 : vector<16xf32>
        %get3A_1697 = arith.constant 0 : i32
        %get3A_1698 = arith.index_cast %get3A_1697 : i32 to index
        %get3A_1699 = arith.index_cast %add3A_1657 : i32 to index
        %get3A_1700 = arith.constant 32 : index
        %get3A_1701 = tpu.vector_load %arg7[%get3A_1698, %get3A_1699, %get3A_1700] {strides = array<i32>} : memref<2x208x64xi32, #tpu.memory_space<vmem>>, vector<1x1x16xi32>,
        %get3A_1702 = vector.shape_cast %get3A_1701 : vector<1x1x16xi32> to vector<16xi32>
        %shift_left3A_1703 = arith.constant 16 : i32
        %shift_left3A_1704 = vector.broadcast %shift_left3A_1703 : i32 to vector<16xi32>
        %shift_left3A_1705 = arith.shli %get3A_1702, %shift_left3A_1704 : vector<16xi32>
        %bitcast_convert_type3A_1706 = tpu.bitcast %shift_left3A_1705 : vector<16xi32> -> vector<16xf32>
        %and3A_1707 = arith.constant -65536 : i32
        %and3A_1708 = vector.broadcast %and3A_1707 : i32 to vector<16xi32>
        %and3A_1709 = arith.andi %get3A_1702, %and3A_1708 : vector<16xi32>
        %bitcast_convert_type3A_1710 = tpu.bitcast %and3A_1709 : vector<16xi32> -> vector<16xf32>
        %mul3A_1711 = arith.mulf %broadcast_in_dim3A_1660, %bitcast_convert_type3A_1706 : vector<16xf32>
        %add3A_1712 = arith.addf %add3A_1633, %mul3A_1711 : vector<16xf32>
        %mul3A_1713 = arith.mulf %broadcast_in_dim3A_1660, %bitcast_convert_type3A_1710 : vector<16xf32>
        %add3A_1714 = arith.addf %add3A_1635, %mul3A_1713 : vector<16xf32>
        %get3A_1715 = arith.constant 0 : i32
        %get3A_1716 = arith.index_cast %get3A_1715 : i32 to index
        %get3A_1717 = arith.index_cast %add3A_1657 : i32 to index
        %get3A_1718 = arith.constant 48 : index
        %get3A_1719 = tpu.vector_load %arg7[%get3A_1716, %get3A_1717, %get3A_1718] {strides = array<i32>} : memref<2x208x64xi32, #tpu.memory_space<vmem>>, vector<1x1x16xi32>,
        %get3A_1720 = vector.shape_cast %get3A_1719 : vector<1x1x16xi32> to vector<16xi32>
        %shift_left3A_1721 = arith.constant 16 : i32
        %shift_left3A_1722 = vector.broadcast %shift_left3A_1721 : i32 to vector<16xi32>
        %shift_left3A_1723 = arith.shli %get3A_1720, %shift_left3A_1722 : vector<16xi32>
        %bitcast_convert_type3A_1724 = tpu.bitcast %shift_left3A_1723 : vector<16xi32> -> vector<16xf32>
        %and3A_1725 = arith.constant -65536 : i32
        %and3A_1726 = vector.broadcast %and3A_1725 : i32 to vector<16xi32>
        %and3A_1727 = arith.andi %get3A_1720, %and3A_1726 : vector<16xi32>
        %bitcast_convert_type3A_1728 = tpu.bitcast %and3A_1727 : vector<16xi32> -> vector<16xf32>
        %mul3A_1729 = arith.mulf %broadcast_in_dim3A_1660, %bitcast_convert_type3A_1724 : vector<16xf32>
        %add3A_1730 = arith.addf %add3A_1651, %mul3A_1729 : vector<16xf32>
        %mul3A_1731 = arith.mulf %broadcast_in_dim3A_1660, %bitcast_convert_type3A_1728 : vector<16xf32>
        %add3A_1732 = arith.addf %add3A_1653, %mul3A_1731 : vector<16xf32>
        %mul3A_1733 = arith.constant 16 : i32
        %mul3A_1734 = arith.muli %scan3A_1001, %mul3A_1733 : i32
        %add3A_1735 = arith.constant 9 : i32
        %add3A_1736 = arith.addi %mul3A_1734, %add3A_1735 : i32
        %slice3A_1737 = vector.extract_strided_slice %div3A_1024 {offsets = [9], sizes = [1], strides = [1]} : vector<16xf32> to vector<1xf32>
        %squeeze3A_1738 = vector.extract %slice3A_1737[0] : f32 from vector<1xf32>
        %broadcast_in_dim3A_1739 = vector.broadcast %squeeze3A_1738 : f32 to vector<16xf32>
        %get3A_1740 = arith.constant 0 : i32
        %get3A_1741 = arith.index_cast %get3A_1740 : i32 to index
        %get3A_1742 = arith.index_cast %add3A_1736 : i32 to index
        %get3A_1743 = arith.constant 0 : index
        %get3A_1744 = tpu.vector_load %arg7[%get3A_1741, %get3A_1742, %get3A_1743] {strides = array<i32>} : memref<2x208x64xi32, #tpu.memory_space<vmem>>, vector<1x1x16xi32>,
        %get3A_1745 = vector.shape_cast %get3A_1744 : vector<1x1x16xi32> to vector<16xi32>
        %shift_left3A_1746 = arith.constant 16 : i32
        %shift_left3A_1747 = vector.broadcast %shift_left3A_1746 : i32 to vector<16xi32>
        %shift_left3A_1748 = arith.shli %get3A_1745, %shift_left3A_1747 : vector<16xi32>
        %bitcast_convert_type3A_1749 = tpu.bitcast %shift_left3A_1748 : vector<16xi32> -> vector<16xf32>
        %and3A_1750 = arith.constant -65536 : i32
        %and3A_1751 = vector.broadcast %and3A_1750 : i32 to vector<16xi32>
        %and3A_1752 = arith.andi %get3A_1745, %and3A_1751 : vector<16xi32>
        %bitcast_convert_type3A_1753 = tpu.bitcast %and3A_1752 : vector<16xi32> -> vector<16xf32>
        %mul3A_1754 = arith.mulf %broadcast_in_dim3A_1739, %bitcast_convert_type3A_1749 : vector<16xf32>
        %add3A_1755 = arith.addf %add3A_1676, %mul3A_1754 : vector<16xf32>
        %mul3A_1756 = arith.mulf %broadcast_in_dim3A_1739, %bitcast_convert_type3A_1753 : vector<16xf32>
        %add3A_1757 = arith.addf %add3A_1678, %mul3A_1756 : vector<16xf32>
        %get3A_1758 = arith.constant 0 : i32
        %get3A_1759 = arith.index_cast %get3A_1758 : i32 to index
        %get3A_1760 = arith.index_cast %add3A_1736 : i32 to index
        %get3A_1761 = arith.constant 16 : index
        %get3A_1762 = tpu.vector_load %arg7[%get3A_1759, %get3A_1760, %get3A_1761] {strides = array<i32>} : memref<2x208x64xi32, #tpu.memory_space<vmem>>, vector<1x1x16xi32>,
        %get3A_1763 = vector.shape_cast %get3A_1762 : vector<1x1x16xi32> to vector<16xi32>
        %shift_left3A_1764 = arith.constant 16 : i32
        %shift_left3A_1765 = vector.broadcast %shift_left3A_1764 : i32 to vector<16xi32>
        %shift_left3A_1766 = arith.shli %get3A_1763, %shift_left3A_1765 : vector<16xi32>
        %bitcast_convert_type3A_1767 = tpu.bitcast %shift_left3A_1766 : vector<16xi32> -> vector<16xf32>
        %and3A_1768 = arith.constant -65536 : i32
        %and3A_1769 = vector.broadcast %and3A_1768 : i32 to vector<16xi32>
        %and3A_1770 = arith.andi %get3A_1763, %and3A_1769 : vector<16xi32>
        %bitcast_convert_type3A_1771 = tpu.bitcast %and3A_1770 : vector<16xi32> -> vector<16xf32>
        %mul3A_1772 = arith.mulf %broadcast_in_dim3A_1739, %bitcast_convert_type3A_1767 : vector<16xf32>
        %add3A_1773 = arith.addf %add3A_1694, %mul3A_1772 : vector<16xf32>
        %mul3A_1774 = arith.mulf %broadcast_in_dim3A_1739, %bitcast_convert_type3A_1771 : vector<16xf32>
        %add3A_1775 = arith.addf %add3A_1696, %mul3A_1774 : vector<16xf32>
        %get3A_1776 = arith.constant 0 : i32
        %get3A_1777 = arith.index_cast %get3A_1776 : i32 to index
        %get3A_1778 = arith.index_cast %add3A_1736 : i32 to index
        %get3A_1779 = arith.constant 32 : index
        %get3A_1780 = tpu.vector_load %arg7[%get3A_1777, %get3A_1778, %get3A_1779] {strides = array<i32>} : memref<2x208x64xi32, #tpu.memory_space<vmem>>, vector<1x1x16xi32>,
        %get3A_1781 = vector.shape_cast %get3A_1780 : vector<1x1x16xi32> to vector<16xi32>
        %shift_left3A_1782 = arith.constant 16 : i32
        %shift_left3A_1783 = vector.broadcast %shift_left3A_1782 : i32 to vector<16xi32>
        %shift_left3A_1784 = arith.shli %get3A_1781, %shift_left3A_1783 : vector<16xi32>
        %bitcast_convert_type3A_1785 = tpu.bitcast %shift_left3A_1784 : vector<16xi32> -> vector<16xf32>
        %and3A_1786 = arith.constant -65536 : i32
        %and3A_1787 = vector.broadcast %and3A_1786 : i32 to vector<16xi32>
        %and3A_1788 = arith.andi %get3A_1781, %and3A_1787 : vector<16xi32>
        %bitcast_convert_type3A_1789 = tpu.bitcast %and3A_1788 : vector<16xi32> -> vector<16xf32>
        %mul3A_1790 = arith.mulf %broadcast_in_dim3A_1739, %bitcast_convert_type3A_1785 : vector<16xf32>
        %add3A_1791 = arith.addf %add3A_1712, %mul3A_1790 : vector<16xf32>
        %mul3A_1792 = arith.mulf %broadcast_in_dim3A_1739, %bitcast_convert_type3A_1789 : vector<16xf32>
        %add3A_1793 = arith.addf %add3A_1714, %mul3A_1792 : vector<16xf32>
        %get3A_1794 = arith.constant 0 : i32
        %get3A_1795 = arith.index_cast %get3A_1794 : i32 to index
        %get3A_1796 = arith.index_cast %add3A_1736 : i32 to index
        %get3A_1797 = arith.constant 48 : index
        %get3A_1798 = tpu.vector_load %arg7[%get3A_1795, %get3A_1796, %get3A_1797] {strides = array<i32>} : memref<2x208x64xi32, #tpu.memory_space<vmem>>, vector<1x1x16xi32>,
        %get3A_1799 = vector.shape_cast %get3A_1798 : vector<1x1x16xi32> to vector<16xi32>
        %shift_left3A_1800 = arith.constant 16 : i32
        %shift_left3A_1801 = vector.broadcast %shift_left3A_1800 : i32 to vector<16xi32>
        %shift_left3A_1802 = arith.shli %get3A_1799, %shift_left3A_1801 : vector<16xi32>
        %bitcast_convert_type3A_1803 = tpu.bitcast %shift_left3A_1802 : vector<16xi32> -> vector<16xf32>
        %and3A_1804 = arith.constant -65536 : i32
        %and3A_1805 = vector.broadcast %and3A_1804 : i32 to vector<16xi32>
        %and3A_1806 = arith.andi %get3A_1799, %and3A_1805 : vector<16xi32>
        %bitcast_convert_type3A_1807 = tpu.bitcast %and3A_1806 : vector<16xi32> -> vector<16xf32>
        %mul3A_1808 = arith.mulf %broadcast_in_dim3A_1739, %bitcast_convert_type3A_1803 : vector<16xf32>
        %add3A_1809 = arith.addf %add3A_1730, %mul3A_1808 : vector<16xf32>
        %mul3A_1810 = arith.mulf %broadcast_in_dim3A_1739, %bitcast_convert_type3A_1807 : vector<16xf32>
        %add3A_1811 = arith.addf %add3A_1732, %mul3A_1810 : vector<16xf32>
        %mul3A_1812 = arith.constant 16 : i32
        %mul3A_1813 = arith.muli %scan3A_1001, %mul3A_1812 : i32
        %add3A_1814 = arith.constant 10 : i32
        %add3A_1815 = arith.addi %mul3A_1813, %add3A_1814 : i32
        %slice3A_1816 = vector.extract_strided_slice %div3A_1024 {offsets = [10], sizes = [1], strides = [1]} : vector<16xf32> to vector<1xf32>
        %squeeze3A_1817 = vector.extract %slice3A_1816[0] : f32 from vector<1xf32>
        %broadcast_in_dim3A_1818 = vector.broadcast %squeeze3A_1817 : f32 to vector<16xf32>
        %get3A_1819 = arith.constant 0 : i32
        %get3A_1820 = arith.index_cast %get3A_1819 : i32 to index
        %get3A_1821 = arith.index_cast %add3A_1815 : i32 to index
        %get3A_1822 = arith.constant 0 : index
        %get3A_1823 = tpu.vector_load %arg7[%get3A_1820, %get3A_1821, %get3A_1822] {strides = array<i32>} : memref<2x208x64xi32, #tpu.memory_space<vmem>>, vector<1x1x16xi32>,
        %get3A_1824 = vector.shape_cast %get3A_1823 : vector<1x1x16xi32> to vector<16xi32>
        %shift_left3A_1825 = arith.constant 16 : i32
        %shift_left3A_1826 = vector.broadcast %shift_left3A_1825 : i32 to vector<16xi32>
        %shift_left3A_1827 = arith.shli %get3A_1824, %shift_left3A_1826 : vector<16xi32>
        %bitcast_convert_type3A_1828 = tpu.bitcast %shift_left3A_1827 : vector<16xi32> -> vector<16xf32>
        %and3A_1829 = arith.constant -65536 : i32
        %and3A_1830 = vector.broadcast %and3A_1829 : i32 to vector<16xi32>
        %and3A_1831 = arith.andi %get3A_1824, %and3A_1830 : vector<16xi32>
        %bitcast_convert_type3A_1832 = tpu.bitcast %and3A_1831 : vector<16xi32> -> vector<16xf32>
        %mul3A_1833 = arith.mulf %broadcast_in_dim3A_1818, %bitcast_convert_type3A_1828 : vector<16xf32>
        %add3A_1834 = arith.addf %add3A_1755, %mul3A_1833 : vector<16xf32>
        %mul3A_1835 = arith.mulf %broadcast_in_dim3A_1818, %bitcast_convert_type3A_1832 : vector<16xf32>
        %add3A_1836 = arith.addf %add3A_1757, %mul3A_1835 : vector<16xf32>
        %get3A_1837 = arith.constant 0 : i32
        %get3A_1838 = arith.index_cast %get3A_1837 : i32 to index
        %get3A_1839 = arith.index_cast %add3A_1815 : i32 to index
        %get3A_1840 = arith.constant 16 : index
        %get3A_1841 = tpu.vector_load %arg7[%get3A_1838, %get3A_1839, %get3A_1840] {strides = array<i32>} : memref<2x208x64xi32, #tpu.memory_space<vmem>>, vector<1x1x16xi32>,
        %get3A_1842 = vector.shape_cast %get3A_1841 : vector<1x1x16xi32> to vector<16xi32>
        %shift_left3A_1843 = arith.constant 16 : i32
        %shift_left3A_1844 = vector.broadcast %shift_left3A_1843 : i32 to vector<16xi32>
        %shift_left3A_1845 = arith.shli %get3A_1842, %shift_left3A_1844 : vector<16xi32>
        %bitcast_convert_type3A_1846 = tpu.bitcast %shift_left3A_1845 : vector<16xi32> -> vector<16xf32>
        %and3A_1847 = arith.constant -65536 : i32
        %and3A_1848 = vector.broadcast %and3A_1847 : i32 to vector<16xi32>
        %and3A_1849 = arith.andi %get3A_1842, %and3A_1848 : vector<16xi32>
        %bitcast_convert_type3A_1850 = tpu.bitcast %and3A_1849 : vector<16xi32> -> vector<16xf32>
        %mul3A_1851 = arith.mulf %broadcast_in_dim3A_1818, %bitcast_convert_type3A_1846 : vector<16xf32>
        %add3A_1852 = arith.addf %add3A_1773, %mul3A_1851 : vector<16xf32>
        %mul3A_1853 = arith.mulf %broadcast_in_dim3A_1818, %bitcast_convert_type3A_1850 : vector<16xf32>
        %add3A_1854 = arith.addf %add3A_1775, %mul3A_1853 : vector<16xf32>
        %get3A_1855 = arith.constant 0 : i32
        %get3A_1856 = arith.index_cast %get3A_1855 : i32 to index
        %get3A_1857 = arith.index_cast %add3A_1815 : i32 to index
        %get3A_1858 = arith.constant 32 : index
        %get3A_1859 = tpu.vector_load %arg7[%get3A_1856, %get3A_1857, %get3A_1858] {strides = array<i32>} : memref<2x208x64xi32, #tpu.memory_space<vmem>>, vector<1x1x16xi32>,
        %get3A_1860 = vector.shape_cast %get3A_1859 : vector<1x1x16xi32> to vector<16xi32>
        %shift_left3A_1861 = arith.constant 16 : i32
        %shift_left3A_1862 = vector.broadcast %shift_left3A_1861 : i32 to vector<16xi32>
        %shift_left3A_1863 = arith.shli %get3A_1860, %shift_left3A_1862 : vector<16xi32>
        %bitcast_convert_type3A_1864 = tpu.bitcast %shift_left3A_1863 : vector<16xi32> -> vector<16xf32>
        %and3A_1865 = arith.constant -65536 : i32
        %and3A_1866 = vector.broadcast %and3A_1865 : i32 to vector<16xi32>
        %and3A_1867 = arith.andi %get3A_1860, %and3A_1866 : vector<16xi32>
        %bitcast_convert_type3A_1868 = tpu.bitcast %and3A_1867 : vector<16xi32> -> vector<16xf32>
        %mul3A_1869 = arith.mulf %broadcast_in_dim3A_1818, %bitcast_convert_type3A_1864 : vector<16xf32>
        %add3A_1870 = arith.addf %add3A_1791, %mul3A_1869 : vector<16xf32>
        %mul3A_1871 = arith.mulf %broadcast_in_dim3A_1818, %bitcast_convert_type3A_1868 : vector<16xf32>
        %add3A_1872 = arith.addf %add3A_1793, %mul3A_1871 : vector<16xf32>
        %get3A_1873 = arith.constant 0 : i32
        %get3A_1874 = arith.index_cast %get3A_1873 : i32 to index
        %get3A_1875 = arith.index_cast %add3A_1815 : i32 to index
        %get3A_1876 = arith.constant 48 : index
        %get3A_1877 = tpu.vector_load %arg7[%get3A_1874, %get3A_1875, %get3A_1876] {strides = array<i32>} : memref<2x208x64xi32, #tpu.memory_space<vmem>>, vector<1x1x16xi32>,
        %get3A_1878 = vector.shape_cast %get3A_1877 : vector<1x1x16xi32> to vector<16xi32>
        %shift_left3A_1879 = arith.constant 16 : i32
        %shift_left3A_1880 = vector.broadcast %shift_left3A_1879 : i32 to vector<16xi32>
        %shift_left3A_1881 = arith.shli %get3A_1878, %shift_left3A_1880 : vector<16xi32>
        %bitcast_convert_type3A_1882 = tpu.bitcast %shift_left3A_1881 : vector<16xi32> -> vector<16xf32>
        %and3A_1883 = arith.constant -65536 : i32
        %and3A_1884 = vector.broadcast %and3A_1883 : i32 to vector<16xi32>
        %and3A_1885 = arith.andi %get3A_1878, %and3A_1884 : vector<16xi32>
        %bitcast_convert_type3A_1886 = tpu.bitcast %and3A_1885 : vector<16xi32> -> vector<16xf32>
        %mul3A_1887 = arith.mulf %broadcast_in_dim3A_1818, %bitcast_convert_type3A_1882 : vector<16xf32>
        %add3A_1888 = arith.addf %add3A_1809, %mul3A_1887 : vector<16xf32>
        %mul3A_1889 = arith.mulf %broadcast_in_dim3A_1818, %bitcast_convert_type3A_1886 : vector<16xf32>
        %add3A_1890 = arith.addf %add3A_1811, %mul3A_1889 : vector<16xf32>
        %mul3A_1891 = arith.constant 16 : i32
        %mul3A_1892 = arith.muli %scan3A_1001, %mul3A_1891 : i32
        %add3A_1893 = arith.constant 11 : i32
        %add3A_1894 = arith.addi %mul3A_1892, %add3A_1893 : i32
        %slice3A_1895 = vector.extract_strided_slice %div3A_1024 {offsets = [11], sizes = [1], strides = [1]} : vector<16xf32> to vector<1xf32>
        %squeeze3A_1896 = vector.extract %slice3A_1895[0] : f32 from vector<1xf32>
        %broadcast_in_dim3A_1897 = vector.broadcast %squeeze3A_1896 : f32 to vector<16xf32>
        %get3A_1898 = arith.constant 0 : i32
        %get3A_1899 = arith.index_cast %get3A_1898 : i32 to index
        %get3A_1900 = arith.index_cast %add3A_1894 : i32 to index
        %get3A_1901 = arith.constant 0 : index
        %get3A_1902 = tpu.vector_load %arg7[%get3A_1899, %get3A_1900, %get3A_1901] {strides = array<i32>} : memref<2x208x64xi32, #tpu.memory_space<vmem>>, vector<1x1x16xi32>,
        %get3A_1903 = vector.shape_cast %get3A_1902 : vector<1x1x16xi32> to vector<16xi32>
        %shift_left3A_1904 = arith.constant 16 : i32
        %shift_left3A_1905 = vector.broadcast %shift_left3A_1904 : i32 to vector<16xi32>
        %shift_left3A_1906 = arith.shli %get3A_1903, %shift_left3A_1905 : vector<16xi32>
        %bitcast_convert_type3A_1907 = tpu.bitcast %shift_left3A_1906 : vector<16xi32> -> vector<16xf32>
        %and3A_1908 = arith.constant -65536 : i32
        %and3A_1909 = vector.broadcast %and3A_1908 : i32 to vector<16xi32>
        %and3A_1910 = arith.andi %get3A_1903, %and3A_1909 : vector<16xi32>
        %bitcast_convert_type3A_1911 = tpu.bitcast %and3A_1910 : vector<16xi32> -> vector<16xf32>
        %mul3A_1912 = arith.mulf %broadcast_in_dim3A_1897, %bitcast_convert_type3A_1907 : vector<16xf32>
        %add3A_1913 = arith.addf %add3A_1834, %mul3A_1912 : vector<16xf32>
        %mul3A_1914 = arith.mulf %broadcast_in_dim3A_1897, %bitcast_convert_type3A_1911 : vector<16xf32>
        %add3A_1915 = arith.addf %add3A_1836, %mul3A_1914 : vector<16xf32>
        %get3A_1916 = arith.constant 0 : i32
        %get3A_1917 = arith.index_cast %get3A_1916 : i32 to index
        %get3A_1918 = arith.index_cast %add3A_1894 : i32 to index
        %get3A_1919 = arith.constant 16 : index
        %get3A_1920 = tpu.vector_load %arg7[%get3A_1917, %get3A_1918, %get3A_1919] {strides = array<i32>} : memref<2x208x64xi32, #tpu.memory_space<vmem>>, vector<1x1x16xi32>,
        %get3A_1921 = vector.shape_cast %get3A_1920 : vector<1x1x16xi32> to vector<16xi32>
        %shift_left3A_1922 = arith.constant 16 : i32
        %shift_left3A_1923 = vector.broadcast %shift_left3A_1922 : i32 to vector<16xi32>
        %shift_left3A_1924 = arith.shli %get3A_1921, %shift_left3A_1923 : vector<16xi32>
        %bitcast_convert_type3A_1925 = tpu.bitcast %shift_left3A_1924 : vector<16xi32> -> vector<16xf32>
        %and3A_1926 = arith.constant -65536 : i32
        %and3A_1927 = vector.broadcast %and3A_1926 : i32 to vector<16xi32>
        %and3A_1928 = arith.andi %get3A_1921, %and3A_1927 : vector<16xi32>
        %bitcast_convert_type3A_1929 = tpu.bitcast %and3A_1928 : vector<16xi32> -> vector<16xf32>
        %mul3A_1930 = arith.mulf %broadcast_in_dim3A_1897, %bitcast_convert_type3A_1925 : vector<16xf32>
        %add3A_1931 = arith.addf %add3A_1852, %mul3A_1930 : vector<16xf32>
        %mul3A_1932 = arith.mulf %broadcast_in_dim3A_1897, %bitcast_convert_type3A_1929 : vector<16xf32>
        %add3A_1933 = arith.addf %add3A_1854, %mul3A_1932 : vector<16xf32>
        %get3A_1934 = arith.constant 0 : i32
        %get3A_1935 = arith.index_cast %get3A_1934 : i32 to index
        %get3A_1936 = arith.index_cast %add3A_1894 : i32 to index
        %get3A_1937 = arith.constant 32 : index
        %get3A_1938 = tpu.vector_load %arg7[%get3A_1935, %get3A_1936, %get3A_1937] {strides = array<i32>} : memref<2x208x64xi32, #tpu.memory_space<vmem>>, vector<1x1x16xi32>,
        %get3A_1939 = vector.shape_cast %get3A_1938 : vector<1x1x16xi32> to vector<16xi32>
        %shift_left3A_1940 = arith.constant 16 : i32
        %shift_left3A_1941 = vector.broadcast %shift_left3A_1940 : i32 to vector<16xi32>
        %shift_left3A_1942 = arith.shli %get3A_1939, %shift_left3A_1941 : vector<16xi32>
        %bitcast_convert_type3A_1943 = tpu.bitcast %shift_left3A_1942 : vector<16xi32> -> vector<16xf32>
        %and3A_1944 = arith.constant -65536 : i32
        %and3A_1945 = vector.broadcast %and3A_1944 : i32 to vector<16xi32>
        %and3A_1946 = arith.andi %get3A_1939, %and3A_1945 : vector<16xi32>
        %bitcast_convert_type3A_1947 = tpu.bitcast %and3A_1946 : vector<16xi32> -> vector<16xf32>
        %mul3A_1948 = arith.mulf %broadcast_in_dim3A_1897, %bitcast_convert_type3A_1943 : vector<16xf32>
        %add3A_1949 = arith.addf %add3A_1870, %mul3A_1948 : vector<16xf32>
        %mul3A_1950 = arith.mulf %broadcast_in_dim3A_1897, %bitcast_convert_type3A_1947 : vector<16xf32>
        %add3A_1951 = arith.addf %add3A_1872, %mul3A_1950 : vector<16xf32>
        %get3A_1952 = arith.constant 0 : i32
        %get3A_1953 = arith.index_cast %get3A_1952 : i32 to index
        %get3A_1954 = arith.index_cast %add3A_1894 : i32 to index
        %get3A_1955 = arith.constant 48 : index
        %get3A_1956 = tpu.vector_load %arg7[%get3A_1953, %get3A_1954, %get3A_1955] {strides = array<i32>} : memref<2x208x64xi32, #tpu.memory_space<vmem>>, vector<1x1x16xi32>,
        %get3A_1957 = vector.shape_cast %get3A_1956 : vector<1x1x16xi32> to vector<16xi32>
        %shift_left3A_1958 = arith.constant 16 : i32
        %shift_left3A_1959 = vector.broadcast %shift_left3A_1958 : i32 to vector<16xi32>
        %shift_left3A_1960 = arith.shli %get3A_1957, %shift_left3A_1959 : vector<16xi32>
        %bitcast_convert_type3A_1961 = tpu.bitcast %shift_left3A_1960 : vector<16xi32> -> vector<16xf32>
        %and3A_1962 = arith.constant -65536 : i32
        %and3A_1963 = vector.broadcast %and3A_1962 : i32 to vector<16xi32>
        %and3A_1964 = arith.andi %get3A_1957, %and3A_1963 : vector<16xi32>
        %bitcast_convert_type3A_1965 = tpu.bitcast %and3A_1964 : vector<16xi32> -> vector<16xf32>
        %mul3A_1966 = arith.mulf %broadcast_in_dim3A_1897, %bitcast_convert_type3A_1961 : vector<16xf32>
        %add3A_1967 = arith.addf %add3A_1888, %mul3A_1966 : vector<16xf32>
        %mul3A_1968 = arith.mulf %broadcast_in_dim3A_1897, %bitcast_convert_type3A_1965 : vector<16xf32>
        %add3A_1969 = arith.addf %add3A_1890, %mul3A_1968 : vector<16xf32>
        %mul3A_1970 = arith.constant 16 : i32
        %mul3A_1971 = arith.muli %scan3A_1001, %mul3A_1970 : i32
        %add3A_1972 = arith.constant 12 : i32
        %add3A_1973 = arith.addi %mul3A_1971, %add3A_1972 : i32
        %slice3A_1974 = vector.extract_strided_slice %div3A_1024 {offsets = [12], sizes = [1], strides = [1]} : vector<16xf32> to vector<1xf32>
        %squeeze3A_1975 = vector.extract %slice3A_1974[0] : f32 from vector<1xf32>
        %broadcast_in_dim3A_1976 = vector.broadcast %squeeze3A_1975 : f32 to vector<16xf32>
        %get3A_1977 = arith.constant 0 : i32
        %get3A_1978 = arith.index_cast %get3A_1977 : i32 to index
        %get3A_1979 = arith.index_cast %add3A_1973 : i32 to index
        %get3A_1980 = arith.constant 0 : index
        %get3A_1981 = tpu.vector_load %arg7[%get3A_1978, %get3A_1979, %get3A_1980] {strides = array<i32>} : memref<2x208x64xi32, #tpu.memory_space<vmem>>, vector<1x1x16xi32>,
        %get3A_1982 = vector.shape_cast %get3A_1981 : vector<1x1x16xi32> to vector<16xi32>
        %shift_left3A_1983 = arith.constant 16 : i32
        %shift_left3A_1984 = vector.broadcast %shift_left3A_1983 : i32 to vector<16xi32>
        %shift_left3A_1985 = arith.shli %get3A_1982, %shift_left3A_1984 : vector<16xi32>
        %bitcast_convert_type3A_1986 = tpu.bitcast %shift_left3A_1985 : vector<16xi32> -> vector<16xf32>
        %and3A_1987 = arith.constant -65536 : i32
        %and3A_1988 = vector.broadcast %and3A_1987 : i32 to vector<16xi32>
        %and3A_1989 = arith.andi %get3A_1982, %and3A_1988 : vector<16xi32>
        %bitcast_convert_type3A_1990 = tpu.bitcast %and3A_1989 : vector<16xi32> -> vector<16xf32>
        %mul3A_1991 = arith.mulf %broadcast_in_dim3A_1976, %bitcast_convert_type3A_1986 : vector<16xf32>
        %add3A_1992 = arith.addf %add3A_1913, %mul3A_1991 : vector<16xf32>
        %mul3A_1993 = arith.mulf %broadcast_in_dim3A_1976, %bitcast_convert_type3A_1990 : vector<16xf32>
        %add3A_1994 = arith.addf %add3A_1915, %mul3A_1993 : vector<16xf32>
        %get3A_1995 = arith.constant 0 : i32
        %get3A_1996 = arith.index_cast %get3A_1995 : i32 to index
        %get3A_1997 = arith.index_cast %add3A_1973 : i32 to index
        %get3A_1998 = arith.constant 16 : index
        %get3A_1999 = tpu.vector_load %arg7[%get3A_1996, %get3A_1997, %get3A_1998] {strides = array<i32>} : memref<2x208x64xi32, #tpu.memory_space<vmem>>, vector<1x1x16xi32>,
        %get3A_2000 = vector.shape_cast %get3A_1999 : vector<1x1x16xi32> to vector<16xi32>
        %shift_left3A_2001 = arith.constant 16 : i32
        %shift_left3A_2002 = vector.broadcast %shift_left3A_2001 : i32 to vector<16xi32>
        %shift_left3A_2003 = arith.shli %get3A_2000, %shift_left3A_2002 : vector<16xi32>
        %bitcast_convert_type3A_2004 = tpu.bitcast %shift_left3A_2003 : vector<16xi32> -> vector<16xf32>
        %and3A_2005 = arith.constant -65536 : i32
        %and3A_2006 = vector.broadcast %and3A_2005 : i32 to vector<16xi32>
        %and3A_2007 = arith.andi %get3A_2000, %and3A_2006 : vector<16xi32>
        %bitcast_convert_type3A_2008 = tpu.bitcast %and3A_2007 : vector<16xi32> -> vector<16xf32>
        %mul3A_2009 = arith.mulf %broadcast_in_dim3A_1976, %bitcast_convert_type3A_2004 : vector<16xf32>
        %add3A_2010 = arith.addf %add3A_1931, %mul3A_2009 : vector<16xf32>
        %mul3A_2011 = arith.mulf %broadcast_in_dim3A_1976, %bitcast_convert_type3A_2008 : vector<16xf32>
        %add3A_2012 = arith.addf %add3A_1933, %mul3A_2011 : vector<16xf32>
        %get3A_2013 = arith.constant 0 : i32
        %get3A_2014 = arith.index_cast %get3A_2013 : i32 to index
        %get3A_2015 = arith.index_cast %add3A_1973 : i32 to index
        %get3A_2016 = arith.constant 32 : index
        %get3A_2017 = tpu.vector_load %arg7[%get3A_2014, %get3A_2015, %get3A_2016] {strides = array<i32>} : memref<2x208x64xi32, #tpu.memory_space<vmem>>, vector<1x1x16xi32>,
        %get3A_2018 = vector.shape_cast %get3A_2017 : vector<1x1x16xi32> to vector<16xi32>
        %shift_left3A_2019 = arith.constant 16 : i32
        %shift_left3A_2020 = vector.broadcast %shift_left3A_2019 : i32 to vector<16xi32>
        %shift_left3A_2021 = arith.shli %get3A_2018, %shift_left3A_2020 : vector<16xi32>
        %bitcast_convert_type3A_2022 = tpu.bitcast %shift_left3A_2021 : vector<16xi32> -> vector<16xf32>
        %and3A_2023 = arith.constant -65536 : i32
        %and3A_2024 = vector.broadcast %and3A_2023 : i32 to vector<16xi32>
        %and3A_2025 = arith.andi %get3A_2018, %and3A_2024 : vector<16xi32>
        %bitcast_convert_type3A_2026 = tpu.bitcast %and3A_2025 : vector<16xi32> -> vector<16xf32>
        %mul3A_2027 = arith.mulf %broadcast_in_dim3A_1976, %bitcast_convert_type3A_2022 : vector<16xf32>
        %add3A_2028 = arith.addf %add3A_1949, %mul3A_2027 : vector<16xf32>
        %mul3A_2029 = arith.mulf %broadcast_in_dim3A_1976, %bitcast_convert_type3A_2026 : vector<16xf32>
        %add3A_2030 = arith.addf %add3A_1951, %mul3A_2029 : vector<16xf32>
        %get3A_2031 = arith.constant 0 : i32
        %get3A_2032 = arith.index_cast %get3A_2031 : i32 to index
        %get3A_2033 = arith.index_cast %add3A_1973 : i32 to index
        %get3A_2034 = arith.constant 48 : index
        %get3A_2035 = tpu.vector_load %arg7[%get3A_2032, %get3A_2033, %get3A_2034] {strides = array<i32>} : memref<2x208x64xi32, #tpu.memory_space<vmem>>, vector<1x1x16xi32>,
        %get3A_2036 = vector.shape_cast %get3A_2035 : vector<1x1x16xi32> to vector<16xi32>
        %shift_left3A_2037 = arith.constant 16 : i32
        %shift_left3A_2038 = vector.broadcast %shift_left3A_2037 : i32 to vector<16xi32>
        %shift_left3A_2039 = arith.shli %get3A_2036, %shift_left3A_2038 : vector<16xi32>
        %bitcast_convert_type3A_2040 = tpu.bitcast %shift_left3A_2039 : vector<16xi32> -> vector<16xf32>
        %and3A_2041 = arith.constant -65536 : i32
        %and3A_2042 = vector.broadcast %and3A_2041 : i32 to vector<16xi32>
        %and3A_2043 = arith.andi %get3A_2036, %and3A_2042 : vector<16xi32>
        %bitcast_convert_type3A_2044 = tpu.bitcast %and3A_2043 : vector<16xi32> -> vector<16xf32>
        %mul3A_2045 = arith.mulf %broadcast_in_dim3A_1976, %bitcast_convert_type3A_2040 : vector<16xf32>
        %add3A_2046 = arith.addf %add3A_1967, %mul3A_2045 : vector<16xf32>
        %mul3A_2047 = arith.mulf %broadcast_in_dim3A_1976, %bitcast_convert_type3A_2044 : vector<16xf32>
        %add3A_2048 = arith.addf %add3A_1969, %mul3A_2047 : vector<16xf32>
        %mul3A_2049 = arith.constant 16 : i32
        %mul3A_2050 = arith.muli %scan3A_1001, %mul3A_2049 : i32
        %add3A_2051 = arith.constant 13 : i32
        %add3A_2052 = arith.addi %mul3A_2050, %add3A_2051 : i32
        %slice3A_2053 = vector.extract_strided_slice %div3A_1024 {offsets = [13], sizes = [1], strides = [1]} : vector<16xf32> to vector<1xf32>
        %squeeze3A_2054 = vector.extract %slice3A_2053[0] : f32 from vector<1xf32>
        %broadcast_in_dim3A_2055 = vector.broadcast %squeeze3A_2054 : f32 to vector<16xf32>
        %get3A_2056 = arith.constant 0 : i32
        %get3A_2057 = arith.index_cast %get3A_2056 : i32 to index
        %get3A_2058 = arith.index_cast %add3A_2052 : i32 to index
        %get3A_2059 = arith.constant 0 : index
        %get3A_2060 = tpu.vector_load %arg7[%get3A_2057, %get3A_2058, %get3A_2059] {strides = array<i32>} : memref<2x208x64xi32, #tpu.memory_space<vmem>>, vector<1x1x16xi32>,
        %get3A_2061 = vector.shape_cast %get3A_2060 : vector<1x1x16xi32> to vector<16xi32>
        %shift_left3A_2062 = arith.constant 16 : i32
        %shift_left3A_2063 = vector.broadcast %shift_left3A_2062 : i32 to vector<16xi32>
        %shift_left3A_2064 = arith.shli %get3A_2061, %shift_left3A_2063 : vector<16xi32>
        %bitcast_convert_type3A_2065 = tpu.bitcast %shift_left3A_2064 : vector<16xi32> -> vector<16xf32>
        %and3A_2066 = arith.constant -65536 : i32
        %and3A_2067 = vector.broadcast %and3A_2066 : i32 to vector<16xi32>
        %and3A_2068 = arith.andi %get3A_2061, %and3A_2067 : vector<16xi32>
        %bitcast_convert_type3A_2069 = tpu.bitcast %and3A_2068 : vector<16xi32> -> vector<16xf32>
        %mul3A_2070 = arith.mulf %broadcast_in_dim3A_2055, %bitcast_convert_type3A_2065 : vector<16xf32>
        %add3A_2071 = arith.addf %add3A_1992, %mul3A_2070 : vector<16xf32>
        %mul3A_2072 = arith.mulf %broadcast_in_dim3A_2055, %bitcast_convert_type3A_2069 : vector<16xf32>
        %add3A_2073 = arith.addf %add3A_1994, %mul3A_2072 : vector<16xf32>
        %get3A_2074 = arith.constant 0 : i32
        %get3A_2075 = arith.index_cast %get3A_2074 : i32 to index
        %get3A_2076 = arith.index_cast %add3A_2052 : i32 to index
        %get3A_2077 = arith.constant 16 : index
        %get3A_2078 = tpu.vector_load %arg7[%get3A_2075, %get3A_2076, %get3A_2077] {strides = array<i32>} : memref<2x208x64xi32, #tpu.memory_space<vmem>>, vector<1x1x16xi32>,
        %get3A_2079 = vector.shape_cast %get3A_2078 : vector<1x1x16xi32> to vector<16xi32>
        %shift_left3A_2080 = arith.constant 16 : i32
        %shift_left3A_2081 = vector.broadcast %shift_left3A_2080 : i32 to vector<16xi32>
        %shift_left3A_2082 = arith.shli %get3A_2079, %shift_left3A_2081 : vector<16xi32>
        %bitcast_convert_type3A_2083 = tpu.bitcast %shift_left3A_2082 : vector<16xi32> -> vector<16xf32>
        %and3A_2084 = arith.constant -65536 : i32
        %and3A_2085 = vector.broadcast %and3A_2084 : i32 to vector<16xi32>
        %and3A_2086 = arith.andi %get3A_2079, %and3A_2085 : vector<16xi32>
        %bitcast_convert_type3A_2087 = tpu.bitcast %and3A_2086 : vector<16xi32> -> vector<16xf32>
        %mul3A_2088 = arith.mulf %broadcast_in_dim3A_2055, %bitcast_convert_type3A_2083 : vector<16xf32>
        %add3A_2089 = arith.addf %add3A_2010, %mul3A_2088 : vector<16xf32>
        %mul3A_2090 = arith.mulf %broadcast_in_dim3A_2055, %bitcast_convert_type3A_2087 : vector<16xf32>
        %add3A_2091 = arith.addf %add3A_2012, %mul3A_2090 : vector<16xf32>
        %get3A_2092 = arith.constant 0 : i32
        %get3A_2093 = arith.index_cast %get3A_2092 : i32 to index
        %get3A_2094 = arith.index_cast %add3A_2052 : i32 to index
        %get3A_2095 = arith.constant 32 : index
        %get3A_2096 = tpu.vector_load %arg7[%get3A_2093, %get3A_2094, %get3A_2095] {strides = array<i32>} : memref<2x208x64xi32, #tpu.memory_space<vmem>>, vector<1x1x16xi32>,
        %get3A_2097 = vector.shape_cast %get3A_2096 : vector<1x1x16xi32> to vector<16xi32>
        %shift_left3A_2098 = arith.constant 16 : i32
        %shift_left3A_2099 = vector.broadcast %shift_left3A_2098 : i32 to vector<16xi32>
        %shift_left3A_2100 = arith.shli %get3A_2097, %shift_left3A_2099 : vector<16xi32>
        %bitcast_convert_type3A_2101 = tpu.bitcast %shift_left3A_2100 : vector<16xi32> -> vector<16xf32>
        %and3A_2102 = arith.constant -65536 : i32
        %and3A_2103 = vector.broadcast %and3A_2102 : i32 to vector<16xi32>
        %and3A_2104 = arith.andi %get3A_2097, %and3A_2103 : vector<16xi32>
        %bitcast_convert_type3A_2105 = tpu.bitcast %and3A_2104 : vector<16xi32> -> vector<16xf32>
        %mul3A_2106 = arith.mulf %broadcast_in_dim3A_2055, %bitcast_convert_type3A_2101 : vector<16xf32>
        %add3A_2107 = arith.addf %add3A_2028, %mul3A_2106 : vector<16xf32>
        %mul3A_2108 = arith.mulf %broadcast_in_dim3A_2055, %bitcast_convert_type3A_2105 : vector<16xf32>
        %add3A_2109 = arith.addf %add3A_2030, %mul3A_2108 : vector<16xf32>
        %get3A_2110 = arith.constant 0 : i32
        %get3A_2111 = arith.index_cast %get3A_2110 : i32 to index
        %get3A_2112 = arith.index_cast %add3A_2052 : i32 to index
        %get3A_2113 = arith.constant 48 : index
        %get3A_2114 = tpu.vector_load %arg7[%get3A_2111, %get3A_2112, %get3A_2113] {strides = array<i32>} : memref<2x208x64xi32, #tpu.memory_space<vmem>>, vector<1x1x16xi32>,
        %get3A_2115 = vector.shape_cast %get3A_2114 : vector<1x1x16xi32> to vector<16xi32>
        %shift_left3A_2116 = arith.constant 16 : i32
        %shift_left3A_2117 = vector.broadcast %shift_left3A_2116 : i32 to vector<16xi32>
        %shift_left3A_2118 = arith.shli %get3A_2115, %shift_left3A_2117 : vector<16xi32>
        %bitcast_convert_type3A_2119 = tpu.bitcast %shift_left3A_2118 : vector<16xi32> -> vector<16xf32>
        %and3A_2120 = arith.constant -65536 : i32
        %and3A_2121 = vector.broadcast %and3A_2120 : i32 to vector<16xi32>
        %and3A_2122 = arith.andi %get3A_2115, %and3A_2121 : vector<16xi32>
        %bitcast_convert_type3A_2123 = tpu.bitcast %and3A_2122 : vector<16xi32> -> vector<16xf32>
        %mul3A_2124 = arith.mulf %broadcast_in_dim3A_2055, %bitcast_convert_type3A_2119 : vector<16xf32>
        %add3A_2125 = arith.addf %add3A_2046, %mul3A_2124 : vector<16xf32>
        %mul3A_2126 = arith.mulf %broadcast_in_dim3A_2055, %bitcast_convert_type3A_2123 : vector<16xf32>
        %add3A_2127 = arith.addf %add3A_2048, %mul3A_2126 : vector<16xf32>
        %mul3A_2128 = arith.constant 16 : i32
        %mul3A_2129 = arith.muli %scan3A_1001, %mul3A_2128 : i32
        %add3A_2130 = arith.constant 14 : i32
        %add3A_2131 = arith.addi %mul3A_2129, %add3A_2130 : i32
        %slice3A_2132 = vector.extract_strided_slice %div3A_1024 {offsets = [14], sizes = [1], strides = [1]} : vector<16xf32> to vector<1xf32>
        %squeeze3A_2133 = vector.extract %slice3A_2132[0] : f32 from vector<1xf32>
        %broadcast_in_dim3A_2134 = vector.broadcast %squeeze3A_2133 : f32 to vector<16xf32>
        %get3A_2135 = arith.constant 0 : i32
        %get3A_2136 = arith.index_cast %get3A_2135 : i32 to index
        %get3A_2137 = arith.index_cast %add3A_2131 : i32 to index
        %get3A_2138 = arith.constant 0 : index
        %get3A_2139 = tpu.vector_load %arg7[%get3A_2136, %get3A_2137, %get3A_2138] {strides = array<i32>} : memref<2x208x64xi32, #tpu.memory_space<vmem>>, vector<1x1x16xi32>,
        %get3A_2140 = vector.shape_cast %get3A_2139 : vector<1x1x16xi32> to vector<16xi32>
        %shift_left3A_2141 = arith.constant 16 : i32
        %shift_left3A_2142 = vector.broadcast %shift_left3A_2141 : i32 to vector<16xi32>
        %shift_left3A_2143 = arith.shli %get3A_2140, %shift_left3A_2142 : vector<16xi32>
        %bitcast_convert_type3A_2144 = tpu.bitcast %shift_left3A_2143 : vector<16xi32> -> vector<16xf32>
        %and3A_2145 = arith.constant -65536 : i32
        %and3A_2146 = vector.broadcast %and3A_2145 : i32 to vector<16xi32>
        %and3A_2147 = arith.andi %get3A_2140, %and3A_2146 : vector<16xi32>
        %bitcast_convert_type3A_2148 = tpu.bitcast %and3A_2147 : vector<16xi32> -> vector<16xf32>
        %mul3A_2149 = arith.mulf %broadcast_in_dim3A_2134, %bitcast_convert_type3A_2144 : vector<16xf32>
        %add3A_2150 = arith.addf %add3A_2071, %mul3A_2149 : vector<16xf32>
        %mul3A_2151 = arith.mulf %broadcast_in_dim3A_2134, %bitcast_convert_type3A_2148 : vector<16xf32>
        %add3A_2152 = arith.addf %add3A_2073, %mul3A_2151 : vector<16xf32>
        %get3A_2153 = arith.constant 0 : i32
        %get3A_2154 = arith.index_cast %get3A_2153 : i32 to index
        %get3A_2155 = arith.index_cast %add3A_2131 : i32 to index
        %get3A_2156 = arith.constant 16 : index
        %get3A_2157 = tpu.vector_load %arg7[%get3A_2154, %get3A_2155, %get3A_2156] {strides = array<i32>} : memref<2x208x64xi32, #tpu.memory_space<vmem>>, vector<1x1x16xi32>,
        %get3A_2158 = vector.shape_cast %get3A_2157 : vector<1x1x16xi32> to vector<16xi32>
        %shift_left3A_2159 = arith.constant 16 : i32
        %shift_left3A_2160 = vector.broadcast %shift_left3A_2159 : i32 to vector<16xi32>
        %shift_left3A_2161 = arith.shli %get3A_2158, %shift_left3A_2160 : vector<16xi32>
        %bitcast_convert_type3A_2162 = tpu.bitcast %shift_left3A_2161 : vector<16xi32> -> vector<16xf32>
        %and3A_2163 = arith.constant -65536 : i32
        %and3A_2164 = vector.broadcast %and3A_2163 : i32 to vector<16xi32>
        %and3A_2165 = arith.andi %get3A_2158, %and3A_2164 : vector<16xi32>
        %bitcast_convert_type3A_2166 = tpu.bitcast %and3A_2165 : vector<16xi32> -> vector<16xf32>
        %mul3A_2167 = arith.mulf %broadcast_in_dim3A_2134, %bitcast_convert_type3A_2162 : vector<16xf32>
        %add3A_2168 = arith.addf %add3A_2089, %mul3A_2167 : vector<16xf32>
        %mul3A_2169 = arith.mulf %broadcast_in_dim3A_2134, %bitcast_convert_type3A_2166 : vector<16xf32>
        %add3A_2170 = arith.addf %add3A_2091, %mul3A_2169 : vector<16xf32>
        %get3A_2171 = arith.constant 0 : i32
        %get3A_2172 = arith.index_cast %get3A_2171 : i32 to index
        %get3A_2173 = arith.index_cast %add3A_2131 : i32 to index
        %get3A_2174 = arith.constant 32 : index
        %get3A_2175 = tpu.vector_load %arg7[%get3A_2172, %get3A_2173, %get3A_2174] {strides = array<i32>} : memref<2x208x64xi32, #tpu.memory_space<vmem>>, vector<1x1x16xi32>,
        %get3A_2176 = vector.shape_cast %get3A_2175 : vector<1x1x16xi32> to vector<16xi32>
        %shift_left3A_2177 = arith.constant 16 : i32
        %shift_left3A_2178 = vector.broadcast %shift_left3A_2177 : i32 to vector<16xi32>
        %shift_left3A_2179 = arith.shli %get3A_2176, %shift_left3A_2178 : vector<16xi32>
        %bitcast_convert_type3A_2180 = tpu.bitcast %shift_left3A_2179 : vector<16xi32> -> vector<16xf32>
        %and3A_2181 = arith.constant -65536 : i32
        %and3A_2182 = vector.broadcast %and3A_2181 : i32 to vector<16xi32>
        %and3A_2183 = arith.andi %get3A_2176, %and3A_2182 : vector<16xi32>
        %bitcast_convert_type3A_2184 = tpu.bitcast %and3A_2183 : vector<16xi32> -> vector<16xf32>
        %mul3A_2185 = arith.mulf %broadcast_in_dim3A_2134, %bitcast_convert_type3A_2180 : vector<16xf32>
        %add3A_2186 = arith.addf %add3A_2107, %mul3A_2185 : vector<16xf32>
        %mul3A_2187 = arith.mulf %broadcast_in_dim3A_2134, %bitcast_convert_type3A_2184 : vector<16xf32>
        %add3A_2188 = arith.addf %add3A_2109, %mul3A_2187 : vector<16xf32>
        %get3A_2189 = arith.constant 0 : i32
        %get3A_2190 = arith.index_cast %get3A_2189 : i32 to index
        %get3A_2191 = arith.index_cast %add3A_2131 : i32 to index
        %get3A_2192 = arith.constant 48 : index
        %get3A_2193 = tpu.vector_load %arg7[%get3A_2190, %get3A_2191, %get3A_2192] {strides = array<i32>} : memref<2x208x64xi32, #tpu.memory_space<vmem>>, vector<1x1x16xi32>,
        %get3A_2194 = vector.shape_cast %get3A_2193 : vector<1x1x16xi32> to vector<16xi32>
        %shift_left3A_2195 = arith.constant 16 : i32
        %shift_left3A_2196 = vector.broadcast %shift_left3A_2195 : i32 to vector<16xi32>
        %shift_left3A_2197 = arith.shli %get3A_2194, %shift_left3A_2196 : vector<16xi32>
        %bitcast_convert_type3A_2198 = tpu.bitcast %shift_left3A_2197 : vector<16xi32> -> vector<16xf32>
        %and3A_2199 = arith.constant -65536 : i32
        %and3A_2200 = vector.broadcast %and3A_2199 : i32 to vector<16xi32>
        %and3A_2201 = arith.andi %get3A_2194, %and3A_2200 : vector<16xi32>
        %bitcast_convert_type3A_2202 = tpu.bitcast %and3A_2201 : vector<16xi32> -> vector<16xf32>
        %mul3A_2203 = arith.mulf %broadcast_in_dim3A_2134, %bitcast_convert_type3A_2198 : vector<16xf32>
        %add3A_2204 = arith.addf %add3A_2125, %mul3A_2203 : vector<16xf32>
        %mul3A_2205 = arith.mulf %broadcast_in_dim3A_2134, %bitcast_convert_type3A_2202 : vector<16xf32>
        %add3A_2206 = arith.addf %add3A_2127, %mul3A_2205 : vector<16xf32>
        %mul3A_2207 = arith.constant 16 : i32
        %mul3A_2208 = arith.muli %scan3A_1001, %mul3A_2207 : i32
        %add3A_2209 = arith.constant 15 : i32
        %add3A_2210 = arith.addi %mul3A_2208, %add3A_2209 : i32
        %slice3A_2211 = vector.extract_strided_slice %div3A_1024 {offsets = [15], sizes = [1], strides = [1]} : vector<16xf32> to vector<1xf32>
        %squeeze3A_2212 = vector.extract %slice3A_2211[0] : f32 from vector<1xf32>
        %broadcast_in_dim3A_2213 = vector.broadcast %squeeze3A_2212 : f32 to vector<16xf32>
        %get3A_2214 = arith.constant 0 : i32
        %get3A_2215 = arith.index_cast %get3A_2214 : i32 to index
        %get3A_2216 = arith.index_cast %add3A_2210 : i32 to index
        %get3A_2217 = arith.constant 0 : index
        %get3A_2218 = tpu.vector_load %arg7[%get3A_2215, %get3A_2216, %get3A_2217] {strides = array<i32>} : memref<2x208x64xi32, #tpu.memory_space<vmem>>, vector<1x1x16xi32>,
        %get3A_2219 = vector.shape_cast %get3A_2218 : vector<1x1x16xi32> to vector<16xi32>
        %shift_left3A_2220 = arith.constant 16 : i32
        %shift_left3A_2221 = vector.broadcast %shift_left3A_2220 : i32 to vector<16xi32>
        %shift_left3A_2222 = arith.shli %get3A_2219, %shift_left3A_2221 : vector<16xi32>
        %bitcast_convert_type3A_2223 = tpu.bitcast %shift_left3A_2222 : vector<16xi32> -> vector<16xf32>
        %and3A_2224 = arith.constant -65536 : i32
        %and3A_2225 = vector.broadcast %and3A_2224 : i32 to vector<16xi32>
        %and3A_2226 = arith.andi %get3A_2219, %and3A_2225 : vector<16xi32>
        %bitcast_convert_type3A_2227 = tpu.bitcast %and3A_2226 : vector<16xi32> -> vector<16xf32>
        %mul3A_2228 = arith.mulf %broadcast_in_dim3A_2213, %bitcast_convert_type3A_2223 : vector<16xf32>
        %add3A_2229 = arith.addf %add3A_2150, %mul3A_2228 : vector<16xf32>
        %mul3A_2230 = arith.mulf %broadcast_in_dim3A_2213, %bitcast_convert_type3A_2227 : vector<16xf32>
        %add3A_2231 = arith.addf %add3A_2152, %mul3A_2230 : vector<16xf32>
        %get3A_2232 = arith.constant 0 : i32
        %get3A_2233 = arith.index_cast %get3A_2232 : i32 to index
        %get3A_2234 = arith.index_cast %add3A_2210 : i32 to index
        %get3A_2235 = arith.constant 16 : index
        %get3A_2236 = tpu.vector_load %arg7[%get3A_2233, %get3A_2234, %get3A_2235] {strides = array<i32>} : memref<2x208x64xi32, #tpu.memory_space<vmem>>, vector<1x1x16xi32>,
        %get3A_2237 = vector.shape_cast %get3A_2236 : vector<1x1x16xi32> to vector<16xi32>
        %shift_left3A_2238 = arith.constant 16 : i32
        %shift_left3A_2239 = vector.broadcast %shift_left3A_2238 : i32 to vector<16xi32>
        %shift_left3A_2240 = arith.shli %get3A_2237, %shift_left3A_2239 : vector<16xi32>
        %bitcast_convert_type3A_2241 = tpu.bitcast %shift_left3A_2240 : vector<16xi32> -> vector<16xf32>
        %and3A_2242 = arith.constant -65536 : i32
        %and3A_2243 = vector.broadcast %and3A_2242 : i32 to vector<16xi32>
        %and3A_2244 = arith.andi %get3A_2237, %and3A_2243 : vector<16xi32>
        %bitcast_convert_type3A_2245 = tpu.bitcast %and3A_2244 : vector<16xi32> -> vector<16xf32>
        %mul3A_2246 = arith.mulf %broadcast_in_dim3A_2213, %bitcast_convert_type3A_2241 : vector<16xf32>
        %add3A_2247 = arith.addf %add3A_2168, %mul3A_2246 : vector<16xf32>
        %mul3A_2248 = arith.mulf %broadcast_in_dim3A_2213, %bitcast_convert_type3A_2245 : vector<16xf32>
        %add3A_2249 = arith.addf %add3A_2170, %mul3A_2248 : vector<16xf32>
        %get3A_2250 = arith.constant 0 : i32
        %get3A_2251 = arith.index_cast %get3A_2250 : i32 to index
        %get3A_2252 = arith.index_cast %add3A_2210 : i32 to index
        %get3A_2253 = arith.constant 32 : index
        %get3A_2254 = tpu.vector_load %arg7[%get3A_2251, %get3A_2252, %get3A_2253] {strides = array<i32>} : memref<2x208x64xi32, #tpu.memory_space<vmem>>, vector<1x1x16xi32>,
        %get3A_2255 = vector.shape_cast %get3A_2254 : vector<1x1x16xi32> to vector<16xi32>
        %shift_left3A_2256 = arith.constant 16 : i32
        %shift_left3A_2257 = vector.broadcast %shift_left3A_2256 : i32 to vector<16xi32>
        %shift_left3A_2258 = arith.shli %get3A_2255, %shift_left3A_2257 : vector<16xi32>
        %bitcast_convert_type3A_2259 = tpu.bitcast %shift_left3A_2258 : vector<16xi32> -> vector<16xf32>
        %and3A_2260 = arith.constant -65536 : i32
        %and3A_2261 = vector.broadcast %and3A_2260 : i32 to vector<16xi32>
        %and3A_2262 = arith.andi %get3A_2255, %and3A_2261 : vector<16xi32>
        %bitcast_convert_type3A_2263 = tpu.bitcast %and3A_2262 : vector<16xi32> -> vector<16xf32>
        %mul3A_2264 = arith.mulf %broadcast_in_dim3A_2213, %bitcast_convert_type3A_2259 : vector<16xf32>
        %add3A_2265 = arith.addf %add3A_2186, %mul3A_2264 : vector<16xf32>
        %mul3A_2266 = arith.mulf %broadcast_in_dim3A_2213, %bitcast_convert_type3A_2263 : vector<16xf32>
        %add3A_2267 = arith.addf %add3A_2188, %mul3A_2266 : vector<16xf32>
        %get3A_2268 = arith.constant 0 : i32
        %get3A_2269 = arith.index_cast %get3A_2268 : i32 to index
        %get3A_2270 = arith.index_cast %add3A_2210 : i32 to index
        %get3A_2271 = arith.constant 48 : index
        %get3A_2272 = tpu.vector_load %arg7[%get3A_2269, %get3A_2270, %get3A_2271] {strides = array<i32>} : memref<2x208x64xi32, #tpu.memory_space<vmem>>, vector<1x1x16xi32>,
        %get3A_2273 = vector.shape_cast %get3A_2272 : vector<1x1x16xi32> to vector<16xi32>
        %shift_left3A_2274 = arith.constant 16 : i32
        %shift_left3A_2275 = vector.broadcast %shift_left3A_2274 : i32 to vector<16xi32>
        %shift_left3A_2276 = arith.shli %get3A_2273, %shift_left3A_2275 : vector<16xi32>
        %bitcast_convert_type3A_2277 = tpu.bitcast %shift_left3A_2276 : vector<16xi32> -> vector<16xf32>
        %and3A_2278 = arith.constant -65536 : i32
        %and3A_2279 = vector.broadcast %and3A_2278 : i32 to vector<16xi32>
        %and3A_2280 = arith.andi %get3A_2273, %and3A_2279 : vector<16xi32>
        %bitcast_convert_type3A_2281 = tpu.bitcast %and3A_2280 : vector<16xi32> -> vector<16xf32>
        %mul3A_2282 = arith.mulf %broadcast_in_dim3A_2213, %bitcast_convert_type3A_2277 : vector<16xf32>
        %add3A_2283 = arith.addf %add3A_2204, %mul3A_2282 : vector<16xf32>
        %mul3A_2284 = arith.mulf %broadcast_in_dim3A_2213, %bitcast_convert_type3A_2281 : vector<16xf32>
        %add3A_2285 = arith.addf %add3A_2206, %mul3A_2284 : vector<16xf32>
        %add3A_2286 = arith.addf %scan3A_1010, %div3A_1024 : vector<16xf32>
        scf.yield %add3A_2229, %add3A_2231, %add3A_2247, %add3A_2249, %add3A_2265, %add3A_2267, %add3A_2283, %add3A_2285, %add3A_2286 : vector<16xf32>, vector<16xf32>, vector<16xf32>, vector<16xf32>, vector<16xf32>, vector<16xf32>, vector<16xf32>, vector<16xf32>, vector<16xf32>
      }
      %scan3A_724 = arith.constant 13 : i32
      %slice3A = vector.extract_strided_slice %scan3A_723#8 {offsets = [0], sizes = [1], strides = [1]} : vector<16xf32> to vector<1xf32>
      %squeeze3A = vector.extract %slice3A[0] : f32 from vector<1xf32>
      %slice3A_725 = vector.extract_strided_slice %scan3A_723#8 {offsets = [1], sizes = [1], strides = [1]} : vector<16xf32> to vector<1xf32>
      %squeeze3A_726 = vector.extract %slice3A_725[0] : f32 from vector<1xf32>
      %slice3A_727 = vector.extract_strided_slice %scan3A_723#8 {offsets = [2], sizes = [1], strides = [1]} : vector<16xf32> to vector<1xf32>
      %squeeze3A_728 = vector.extract %slice3A_727[0] : f32 from vector<1xf32>
      %slice3A_729 = vector.extract_strided_slice %scan3A_723#8 {offsets = [3], sizes = [1], strides = [1]} : vector<16xf32> to vector<1xf32>
      %squeeze3A_730 = vector.extract %slice3A_729[0] : f32 from vector<1xf32>
      %slice3A_731 = vector.extract_strided_slice %scan3A_723#8 {offsets = [4], sizes = [1], strides = [1]} : vector<16xf32> to vector<1xf32>
      %squeeze3A_732 = vector.extract %slice3A_731[0] : f32 from vector<1xf32>
      %slice3A_733 = vector.extract_strided_slice %scan3A_723#8 {offsets = [5], sizes = [1], strides = [1]} : vector<16xf32> to vector<1xf32>
      %squeeze3A_734 = vector.extract %slice3A_733[0] : f32 from vector<1xf32>
      %slice3A_735 = vector.extract_strided_slice %scan3A_723#8 {offsets = [6], sizes = [1], strides = [1]} : vector<16xf32> to vector<1xf32>
      %squeeze3A_736 = vector.extract %slice3A_735[0] : f32 from vector<1xf32>
      %slice3A_737 = vector.extract_strided_slice %scan3A_723#8 {offsets = [7], sizes = [1], strides = [1]} : vector<16xf32> to vector<1xf32>
      %squeeze3A_738 = vector.extract %slice3A_737[0] : f32 from vector<1xf32>
      %slice3A_739 = vector.extract_strided_slice %scan3A_723#8 {offsets = [8], sizes = [1], strides = [1]} : vector<16xf32> to vector<1xf32>
      %squeeze3A_740 = vector.extract %slice3A_739[0] : f32 from vector<1xf32>
      %slice3A_741 = vector.extract_strided_slice %scan3A_723#8 {offsets = [9], sizes = [1], strides = [1]} : vector<16xf32> to vector<1xf32>
      %squeeze3A_742 = vector.extract %slice3A_741[0] : f32 from vector<1xf32>
      %slice3A_743 = vector.extract_strided_slice %scan3A_723#8 {offsets = [10], sizes = [1], strides = [1]} : vector<16xf32> to vector<1xf32>
      %squeeze3A_744 = vector.extract %slice3A_743[0] : f32 from vector<1xf32>
      %slice3A_745 = vector.extract_strided_slice %scan3A_723#8 {offsets = [11], sizes = [1], strides = [1]} : vector<16xf32> to vector<1xf32>
      %squeeze3A_746 = vector.extract %slice3A_745[0] : f32 from vector<1xf32>
      %slice3A_747 = vector.extract_strided_slice %scan3A_723#8 {offsets = [12], sizes = [1], strides = [1]} : vector<16xf32> to vector<1xf32>
      %squeeze3A_748 = vector.extract %slice3A_747[0] : f32 from vector<1xf32>
      %slice3A_749 = vector.extract_strided_slice %scan3A_723#8 {offsets = [13], sizes = [1], strides = [1]} : vector<16xf32> to vector<1xf32>
      %squeeze3A_750 = vector.extract %slice3A_749[0] : f32 from vector<1xf32>
      %slice3A_751 = vector.extract_strided_slice %scan3A_723#8 {offsets = [14], sizes = [1], strides = [1]} : vector<16xf32> to vector<1xf32>
      %squeeze3A_752 = vector.extract %slice3A_751[0] : f32 from vector<1xf32>
      %slice3A_753 = vector.extract_strided_slice %scan3A_723#8 {offsets = [15], sizes = [1], strides = [1]} : vector<16xf32> to vector<1xf32>
      %squeeze3A_754 = vector.extract %slice3A_753[0] : f32 from vector<1xf32>
      %add3A_755 = arith.addf %squeeze3A, %squeeze3A_726 : f32
      %add3A_756 = arith.addf %squeeze3A_728, %squeeze3A_730 : f32
      %add3A_757 = arith.addf %squeeze3A_732, %squeeze3A_734 : f32
      %add3A_758 = arith.addf %squeeze3A_736, %squeeze3A_738 : f32
      %add3A_759 = arith.addf %squeeze3A_740, %squeeze3A_742 : f32
      %add3A_760 = arith.addf %squeeze3A_744, %squeeze3A_746 : f32
      %add3A_761 = arith.addf %squeeze3A_748, %squeeze3A_750 : f32
      %add3A_762 = arith.addf %squeeze3A_752, %squeeze3A_754 : f32
      %add3A_763 = arith.addf %add3A_755, %add3A_756 : f32
      %add3A_764 = arith.addf %add3A_757, %add3A_758 : f32
      %add3A_765 = arith.addf %add3A_759, %add3A_760 : f32
      %add3A_766 = arith.addf %add3A_761, %add3A_762 : f32
      %add3A_767 = arith.addf %add3A_763, %add3A_764 : f32
      %add3A_768 = arith.addf %add3A_765, %add3A_766 : f32
      %add3A_769 = arith.addf %add3A_767, %add3A_768 : f32
      %add3A_770 = arith.constant 1.000000e-16 : f32
      %add3A_771 = arith.addf %add3A_769, %add3A_770 : f32
      %broadcast_in_dim3A_772 = vector.broadcast %add3A_771 : f32 to vector<16xf32>
      %div3A = arith.divf %scan3A_723#0, %broadcast_in_dim3A_772 : vector<16xf32>
      %swap3A_773 = arith.index_cast %mul3A_595 : i32 to index
      %swap3A_774 = arith.constant 0 : index
      %swap3A_775 = tpu.vector_load %arg9[%swap3A_773, %swap3A_774] {strides = array<i32>} : memref<128x128xf32, #tpu.memory_space<vmem>>, vector<1x16xf32>,
      %swap3A_776 = vector.shape_cast %swap3A_775 : vector<1x16xf32> to vector<16xf32>
      %swap3A_777 = vector.shape_cast %div3A : vector<16xf32> to vector<1x16xf32>
      tpu.vector_store %arg9[%swap3A_773, %swap3A_774], %swap3A_777 {strides = array<i32>} : memref<128x128xf32, #tpu.memory_space<vmem>>, vector<1x16xf32>,
      %div3A_778 = arith.divf %scan3A_723#1, %broadcast_in_dim3A_772 : vector<16xf32>
      %swap3A_779 = arith.index_cast %mul3A_595 : i32 to index
      %swap3A_780 = arith.constant 16 : index
      %swap3A_781 = tpu.vector_load %arg9[%swap3A_779, %swap3A_780] {strides = array<i32>} : memref<128x128xf32, #tpu.memory_space<vmem>>, vector<1x16xf32>,
      %swap3A_782 = vector.shape_cast %swap3A_781 : vector<1x16xf32> to vector<16xf32>
      %swap3A_783 = vector.shape_cast %div3A_778 : vector<16xf32> to vector<1x16xf32>
      tpu.vector_store %arg9[%swap3A_779, %swap3A_780], %swap3A_783 {strides = array<i32>} : memref<128x128xf32, #tpu.memory_space<vmem>>, vector<1x16xf32>,
      %div3A_784 = arith.divf %scan3A_723#2, %broadcast_in_dim3A_772 : vector<16xf32>
      %swap3A_785 = arith.index_cast %mul3A_595 : i32 to index
      %swap3A_786 = arith.constant 32 : index
      %swap3A_787 = tpu.vector_load %arg9[%swap3A_785, %swap3A_786] {strides = array<i32>} : memref<128x128xf32, #tpu.memory_space<vmem>>, vector<1x16xf32>,
      %swap3A_788 = vector.shape_cast %swap3A_787 : vector<1x16xf32> to vector<16xf32>
      %swap3A_789 = vector.shape_cast %div3A_784 : vector<16xf32> to vector<1x16xf32>
      tpu.vector_store %arg9[%swap3A_785, %swap3A_786], %swap3A_789 {strides = array<i32>} : memref<128x128xf32, #tpu.memory_space<vmem>>, vector<1x16xf32>,
      %div3A_790 = arith.divf %scan3A_723#3, %broadcast_in_dim3A_772 : vector<16xf32>
      %swap3A_791 = arith.index_cast %mul3A_595 : i32 to index
      %swap3A_792 = arith.constant 48 : index
      %swap3A_793 = tpu.vector_load %arg9[%swap3A_791, %swap3A_792] {strides = array<i32>} : memref<128x128xf32, #tpu.memory_space<vmem>>, vector<1x16xf32>,
      %swap3A_794 = vector.shape_cast %swap3A_793 : vector<1x16xf32> to vector<16xf32>
      %swap3A_795 = vector.shape_cast %div3A_790 : vector<16xf32> to vector<1x16xf32>
      tpu.vector_store %arg9[%swap3A_791, %swap3A_792], %swap3A_795 {strides = array<i32>} : memref<128x128xf32, #tpu.memory_space<vmem>>, vector<1x16xf32>,
      %div3A_796 = arith.divf %scan3A_723#4, %broadcast_in_dim3A_772 : vector<16xf32>
      %swap3A_797 = arith.index_cast %mul3A_595 : i32 to index
      %swap3A_798 = arith.constant 64 : index
      %swap3A_799 = tpu.vector_load %arg9[%swap3A_797, %swap3A_798] {strides = array<i32>} : memref<128x128xf32, #tpu.memory_space<vmem>>, vector<1x16xf32>,
      %swap3A_800 = vector.shape_cast %swap3A_799 : vector<1x16xf32> to vector<16xf32>
      %swap3A_801 = vector.shape_cast %div3A_796 : vector<16xf32> to vector<1x16xf32>
      tpu.vector_store %arg9[%swap3A_797, %swap3A_798], %swap3A_801 {strides = array<i32>} : memref<128x128xf32, #tpu.memory_space<vmem>>, vector<1x16xf32>,
      %div3A_802 = arith.divf %scan3A_723#5, %broadcast_in_dim3A_772 : vector<16xf32>
      %swap3A_803 = arith.index_cast %mul3A_595 : i32 to index
      %swap3A_804 = arith.constant 80 : index
      %swap3A_805 = tpu.vector_load %arg9[%swap3A_803, %swap3A_804] {strides = array<i32>} : memref<128x128xf32, #tpu.memory_space<vmem>>, vector<1x16xf32>,
      %swap3A_806 = vector.shape_cast %swap3A_805 : vector<1x16xf32> to vector<16xf32>
      %swap3A_807 = vector.shape_cast %div3A_802 : vector<16xf32> to vector<1x16xf32>
      tpu.vector_store %arg9[%swap3A_803, %swap3A_804], %swap3A_807 {strides = array<i32>} : memref<128x128xf32, #tpu.memory_space<vmem>>, vector<1x16xf32>,
      %div3A_808 = arith.divf %scan3A_723#6, %broadcast_in_dim3A_772 : vector<16xf32>
      %swap3A_809 = arith.index_cast %mul3A_595 : i32 to index
      %swap3A_810 = arith.constant 96 : index
      %swap3A_811 = tpu.vector_load %arg9[%swap3A_809, %swap3A_810] {strides = array<i32>} : memref<128x128xf32, #tpu.memory_space<vmem>>, vector<1x16xf32>,
      %swap3A_812 = vector.shape_cast %swap3A_811 : vector<1x16xf32> to vector<16xf32>
      %swap3A_813 = vector.shape_cast %div3A_808 : vector<16xf32> to vector<1x16xf32>
      tpu.vector_store %arg9[%swap3A_809, %swap3A_810], %swap3A_813 {strides = array<i32>} : memref<128x128xf32, #tpu.memory_space<vmem>>, vector<1x16xf32>,
      %div3A_814 = arith.divf %scan3A_723#7, %broadcast_in_dim3A_772 : vector<16xf32>
      %swap3A_815 = arith.index_cast %mul3A_595 : i32 to index
      %swap3A_816 = arith.constant 112 : index
      %swap3A_817 = tpu.vector_load %arg9[%swap3A_815, %swap3A_816] {strides = array<i32>} : memref<128x128xf32, #tpu.memory_space<vmem>>, vector<1x16xf32>,
      %swap3A_818 = vector.shape_cast %swap3A_817 : vector<1x16xf32> to vector<16xf32>
      %swap3A_819 = vector.shape_cast %div3A_814 : vector<16xf32> to vector<1x16xf32>
      tpu.vector_store %arg9[%swap3A_815, %swap3A_816], %swap3A_819 {strides = array<i32>} : memref<128x128xf32, #tpu.memory_space<vmem>>, vector<1x16xf32>,
      %lt3A = arith.constant 63 : i32
      %lt3A_820 = arith.cmpi slt, %scan3A_592, %lt3A : i32
      %convert_element_type3A = arith.extui %lt3A_820 : i1 to i32
      %cond3A = arith.constant 0 : i32
      %cond3A_821 = arith.cmpi ne, %convert_element_type3A, %cond3A : i32
      scf.if %cond3A_821 {
        %add3A_1001 = arith.constant 2 : i32
        %add3A_1002 = arith.addi %mul3A_595, %add3A_1001 : i32
        %dma_start3A_1003 = arith.constant 0 : i32
        %dma_start3A_1004 = arith.constant 0 : i32
        %dma_start3A_1005 = arith.constant 0 : i32
        %dma_start3A_1006 = arith.constant 0 : i32
        %dma_start3A_1007 = tpu.memref_slice %arg7[%dma_start3A_1003, %dma_start3A_1005, %dma_start3A_1006] : memref<2x208x64xi32, #tpu.memory_space<vmem>> -> memref<1x96x64xi32, #tpu.memory_space<vmem>>
        %dma_start3A_1008 = tpu.memref_squeeze %dma_start3A_1007 : memref<1x96x64xi32, #tpu.memory_space<vmem>> -> memref<96x64xi32, #tpu.memory_space<vmem>>
        %dma_start3A_1009 = arith.constant 0 : i32
        %dma_start3A_1010 = tpu.memref_slice %arg6[%add3A_1002, %dma_start3A_1009] : memref<128x200xi32, #tpu.memory_space<vmem>> -> memref<1x96xi32, #tpu.memory_space<vmem>>
        %dma_start3A_1011 = tpu.memref_squeeze %dma_start3A_1010 : memref<1x96xi32, #tpu.memory_space<vmem>> -> memref<96xi32, #tpu.memory_space<vmem>>
        %dma_start3A_1012 = arith.constant 0 : i32
        %dma_start3A_1013 = arith.constant 0 : i32
        %dma_start3A_1014 = tpu.memref_slice %arg4[%dma_start3A_1012, %dma_start3A_1013] : memref<100000x64xi32, #tpu.memory_space<hbm>> -> memref<100000x64xi32, #tpu.memory_space<hbm>>
        %dma_start3A_1015 = tpu.memref_slice %arg10[%dma_start3A_1004] : memref<2x!tpu.dma_semaphore, #tpu.memory_space<semaphore_mem>> -> memref<1x!tpu.dma_semaphore, #tpu.memory_space<semaphore_mem>>
        %dma_start3A_1016 = tpu.memref_squeeze %dma_start3A_1015 : memref<1x!tpu.dma_semaphore, #tpu.memory_space<semaphore_mem>> -> memref<!tpu.dma_semaphore, #tpu.memory_space<semaphore_mem>>
        tpu.enqueue_indirect_dma source(%dma_start3A_1014 : memref<100000x64xi32, #tpu.memory_space<hbm>>) target(%dma_start3A_1008 : memref<96x64xi32, #tpu.memory_space<vmem>>) offsets(%dma_start3A_1011 : memref<96xi32, #tpu.memory_space<vmem>>) semaphore(%dma_start3A_1016 : memref<!tpu.dma_semaphore, #tpu.memory_space<semaphore_mem>>)
        %dma_start3A_1017 = arith.constant 0 : i32
        %dma_start3A_1018 = arith.constant 0 : i32
        %dma_start3A_1019 = arith.constant 0 : i32
        %dma_start3A_1020 = tpu.memref_slice %arg8[%dma_start3A_1017, %dma_start3A_1019] : memref<2x208xf32, #tpu.memory_space<vmem>> -> memref<1x96xf32, #tpu.memory_space<vmem>>
        %dma_start3A_1021 = tpu.memref_squeeze %dma_start3A_1020 : memref<1x96xf32, #tpu.memory_space<vmem>> -> memref<96xf32, #tpu.memory_space<vmem>>
        %dma_start3A_1022 = arith.constant 0 : i32
        %dma_start3A_1023 = tpu.memref_slice %arg6[%add3A_1002, %dma_start3A_1022] : memref<128x200xi32, #tpu.memory_space<vmem>> -> memref<1x96xi32, #tpu.memory_space<vmem>>
        %dma_start3A_1024 = tpu.memref_squeeze %dma_start3A_1023 : memref<1x96xi32, #tpu.memory_space<vmem>> -> memref<96xi32, #tpu.memory_space<vmem>>
        %dma_start3A_1025 = arith.constant 0 : i32
        %dma_start3A_1026 = tpu.memref_slice %arg3[%dma_start3A_1025] : memref<100000xf32, #tpu.memory_space<hbm>> -> memref<100000xf32, #tpu.memory_space<hbm>>
        %dma_start3A_1027 = tpu.memref_slice %arg10[%dma_start3A_1018] : memref<2x!tpu.dma_semaphore, #tpu.memory_space<semaphore_mem>> -> memref<1x!tpu.dma_semaphore, #tpu.memory_space<semaphore_mem>>
        %dma_start3A_1028 = tpu.memref_squeeze %dma_start3A_1027 : memref<1x!tpu.dma_semaphore, #tpu.memory_space<semaphore_mem>> -> memref<!tpu.dma_semaphore, #tpu.memory_space<semaphore_mem>>
        tpu.enqueue_indirect_dma source(%dma_start3A_1026 : memref<100000xf32, #tpu.memory_space<hbm>>) target(%dma_start3A_1021 : memref<96xf32, #tpu.memory_space<vmem>>) offsets(%dma_start3A_1024 : memref<96xi32, #tpu.memory_space<vmem>>) semaphore(%dma_start3A_1028 : memref<!tpu.dma_semaphore, #tpu.memory_space<semaphore_mem>>)
        %dma_start3A_1029 = arith.constant 0 : i32
        %dma_start3A_1030 = arith.constant 0 : i32
        %dma_start3A_1031 = arith.constant 96 : i32
        %dma_start3A_1032 = arith.constant 0 : i32
        %dma_start3A_1033 = tpu.memref_slice %arg7[%dma_start3A_1029, %dma_start3A_1031, %dma_start3A_1032] : memref<2x208x64xi32, #tpu.memory_space<vmem>> -> memref<1x104x64xi32, #tpu.memory_space<vmem>>
        %dma_start3A_1034 = tpu.memref_squeeze %dma_start3A_1033 : memref<1x104x64xi32, #tpu.memory_space<vmem>> -> memref<104x64xi32, #tpu.memory_space<vmem>>
        %dma_start3A_1035 = arith.constant 96 : i32
        %dma_start3A_1036 = tpu.memref_slice %arg6[%add3A_1002, %dma_start3A_1035] : memref<128x200xi32, #tpu.memory_space<vmem>> -> memref<1x104xi32, #tpu.memory_space<vmem>>
        %dma_start3A_1037 = tpu.memref_squeeze %dma_start3A_1036 : memref<1x104xi32, #tpu.memory_space<vmem>> -> memref<104xi32, #tpu.memory_space<vmem>>
        %dma_start3A_1038 = arith.constant 0 : i32
        %dma_start3A_1039 = arith.constant 0 : i32
        %dma_start3A_1040 = tpu.memref_slice %arg4[%dma_start3A_1038, %dma_start3A_1039] : memref<100000x64xi32, #tpu.memory_space<hbm>> -> memref<100000x64xi32, #tpu.memory_space<hbm>>
        %dma_start3A_1041 = tpu.memref_slice %arg10[%dma_start3A_1030] : memref<2x!tpu.dma_semaphore, #tpu.memory_space<semaphore_mem>> -> memref<1x!tpu.dma_semaphore, #tpu.memory_space<semaphore_mem>>
        %dma_start3A_1042 = tpu.memref_squeeze %dma_start3A_1041 : memref<1x!tpu.dma_semaphore, #tpu.memory_space<semaphore_mem>> -> memref<!tpu.dma_semaphore, #tpu.memory_space<semaphore_mem>>
        tpu.enqueue_indirect_dma source(%dma_start3A_1040 : memref<100000x64xi32, #tpu.memory_space<hbm>>) target(%dma_start3A_1034 : memref<104x64xi32, #tpu.memory_space<vmem>>) offsets(%dma_start3A_1037 : memref<104xi32, #tpu.memory_space<vmem>>) semaphore(%dma_start3A_1042 : memref<!tpu.dma_semaphore, #tpu.memory_space<semaphore_mem>>)
        %dma_start3A_1043 = arith.constant 0 : i32
        %dma_start3A_1044 = arith.constant 0 : i32
        %dma_start3A_1045 = arith.constant 96 : i32
        %dma_start3A_1046 = tpu.memref_slice %arg8[%dma_start3A_1043, %dma_start3A_1045] : memref<2x208xf32, #tpu.memory_space<vmem>> -> memref<1x104xf32, #tpu.memory_space<vmem>>
        %dma_start3A_1047 = tpu.memref_squeeze %dma_start3A_1046 : memref<1x104xf32, #tpu.memory_space<vmem>> -> memref<104xf32, #tpu.memory_space<vmem>>
        %dma_start3A_1048 = arith.constant 96 : i32
        %dma_start3A_1049 = tpu.memref_slice %arg6[%add3A_1002, %dma_start3A_1048] : memref<128x200xi32, #tpu.memory_space<vmem>> -> memref<1x104xi32, #tpu.memory_space<vmem>>
        %dma_start3A_1050 = tpu.memref_squeeze %dma_start3A_1049 : memref<1x104xi32, #tpu.memory_space<vmem>> -> memref<104xi32, #tpu.memory_space<vmem>>
        %dma_start3A_1051 = arith.constant 0 : i32
        %dma_start3A_1052 = tpu.memref_slice %arg3[%dma_start3A_1051] : memref<100000xf32, #tpu.memory_space<hbm>> -> memref<100000xf32, #tpu.memory_space<hbm>>
        %dma_start3A_1053 = tpu.memref_slice %arg10[%dma_start3A_1044] : memref<2x!tpu.dma_semaphore, #tpu.memory_space<semaphore_mem>> -> memref<1x!tpu.dma_semaphore, #tpu.memory_space<semaphore_mem>>
        %dma_start3A_1054 = tpu.memref_squeeze %dma_start3A_1053 : memref<1x!tpu.dma_semaphore, #tpu.memory_space<semaphore_mem>> -> memref<!tpu.dma_semaphore, #tpu.memory_space<semaphore_mem>>
        tpu.enqueue_indirect_dma source(%dma_start3A_1052 : memref<100000xf32, #tpu.memory_space<hbm>>) target(%dma_start3A_1047 : memref<104xf32, #tpu.memory_space<vmem>>) offsets(%dma_start3A_1050 : memref<104xi32, #tpu.memory_space<vmem>>) semaphore(%dma_start3A_1054 : memref<!tpu.dma_semaphore, #tpu.memory_space<semaphore_mem>>)
      } else {
      }
      %add3A_822 = arith.constant 1 : i32
      %add3A_823 = arith.addi %mul3A_595, %add3A_822 : i32
      %dma_wait3A_824 = arith.constant 1 : i32
      %dma_wait3A_825 = arith.constant 1 : i32
      %dma_wait3A_826 = arith.constant 0 : i32
      %dma_wait3A_827 = arith.constant 0 : i32
      %dma_wait3A_828 = tpu.memref_slice %arg7[%dma_wait3A_824, %dma_wait3A_826, %dma_wait3A_827] : memref<2x208x64xi32, #tpu.memory_space<vmem>> -> memref<1x96x64xi32, #tpu.memory_space<vmem>>
      %dma_wait3A_829 = tpu.memref_squeeze %dma_wait3A_828 : memref<1x96x64xi32, #tpu.memory_space<vmem>> -> memref<96x64xi32, #tpu.memory_space<vmem>>
      %dma_wait3A_830 = arith.constant 0 : i32
      %dma_wait3A_831 = tpu.memref_slice %arg6[%add3A_823, %dma_wait3A_830] : memref<128x200xi32, #tpu.memory_space<vmem>> -> memref<1x96xi32, #tpu.memory_space<vmem>>
      %dma_wait3A_832 = tpu.memref_squeeze %dma_wait3A_831 : memref<1x96xi32, #tpu.memory_space<vmem>> -> memref<96xi32, #tpu.memory_space<vmem>>
      %dma_wait3A_833 = arith.constant 0 : i32
      %dma_wait3A_834 = arith.constant 0 : i32
      %dma_wait3A_835 = tpu.memref_slice %arg4[%dma_wait3A_833, %dma_wait3A_834] : memref<100000x64xi32, #tpu.memory_space<hbm>> -> memref<100000x64xi32, #tpu.memory_space<hbm>>
      %dma_wait3A_836 = tpu.memref_slice %arg10[%dma_wait3A_825] : memref<2x!tpu.dma_semaphore, #tpu.memory_space<semaphore_mem>> -> memref<1x!tpu.dma_semaphore, #tpu.memory_space<semaphore_mem>>
      %dma_wait3A_837 = tpu.memref_squeeze %dma_wait3A_836 : memref<1x!tpu.dma_semaphore, #tpu.memory_space<semaphore_mem>> -> memref<!tpu.dma_semaphore, #tpu.memory_space<semaphore_mem>>
      tpu.wait_indirect_dma semaphore(%dma_wait3A_837 : memref<!tpu.dma_semaphore, #tpu.memory_space<semaphore_mem>>) src(%dma_wait3A_835 : memref<100000x64xi32, #tpu.memory_space<hbm>>) dst(%dma_wait3A_829 : memref<96x64xi32, #tpu.memory_space<vmem>>)
      %dma_wait3A_838 = arith.constant 1 : i32
      %dma_wait3A_839 = arith.constant 1 : i32
      %dma_wait3A_840 = arith.constant 0 : i32
      %dma_wait3A_841 = tpu.memref_slice %arg8[%dma_wait3A_838, %dma_wait3A_840] : memref<2x208xf32, #tpu.memory_space<vmem>> -> memref<1x96xf32, #tpu.memory_space<vmem>>
      %dma_wait3A_842 = tpu.memref_squeeze %dma_wait3A_841 : memref<1x96xf32, #tpu.memory_space<vmem>> -> memref<96xf32, #tpu.memory_space<vmem>>
      %dma_wait3A_843 = arith.constant 0 : i32
      %dma_wait3A_844 = tpu.memref_slice %arg6[%add3A_823, %dma_wait3A_843] : memref<128x200xi32, #tpu.memory_space<vmem>> -> memref<1x96xi32, #tpu.memory_space<vmem>>
      %dma_wait3A_845 = tpu.memref_squeeze %dma_wait3A_844 : memref<1x96xi32, #tpu.memory_space<vmem>> -> memref<96xi32, #tpu.memory_space<vmem>>
      %dma_wait3A_846 = arith.constant 0 : i32
      %dma_wait3A_847 = tpu.memref_slice %arg3[%dma_wait3A_846] : memref<100000xf32, #tpu.memory_space<hbm>> -> memref<100000xf32, #tpu.memory_space<hbm>>
      %dma_wait3A_848 = tpu.memref_slice %arg10[%dma_wait3A_839] : memref<2x!tpu.dma_semaphore, #tpu.memory_space<semaphore_mem>> -> memref<1x!tpu.dma_semaphore, #tpu.memory_space<semaphore_mem>>
      %dma_wait3A_849 = tpu.memref_squeeze %dma_wait3A_848 : memref<1x!tpu.dma_semaphore, #tpu.memory_space<semaphore_mem>> -> memref<!tpu.dma_semaphore, #tpu.memory_space<semaphore_mem>>
      tpu.wait_indirect_dma semaphore(%dma_wait3A_849 : memref<!tpu.dma_semaphore, #tpu.memory_space<semaphore_mem>>) src(%dma_wait3A_847 : memref<100000xf32, #tpu.memory_space<hbm>>) dst(%dma_wait3A_842 : memref<96xf32, #tpu.memory_space<vmem>>)
      %dma_wait3A_850 = arith.constant 1 : i32
      %dma_wait3A_851 = arith.constant 1 : i32
      %dma_wait3A_852 = arith.constant 96 : i32
      %dma_wait3A_853 = arith.constant 0 : i32
      %dma_wait3A_854 = tpu.memref_slice %arg7[%dma_wait3A_850, %dma_wait3A_852, %dma_wait3A_853] : memref<2x208x64xi32, #tpu.memory_space<vmem>> -> memref<1x104x64xi32, #tpu.memory_space<vmem>>
      %dma_wait3A_855 = tpu.memref_squeeze %dma_wait3A_854 : memref<1x104x64xi32, #tpu.memory_space<vmem>> -> memref<104x64xi32, #tpu.memory_space<vmem>>
      %dma_wait3A_856 = arith.constant 96 : i32
      %dma_wait3A_857 = tpu.memref_slice %arg6[%add3A_823, %dma_wait3A_856] : memref<128x200xi32, #tpu.memory_space<vmem>> -> memref<1x104xi32, #tpu.memory_space<vmem>>
      %dma_wait3A_858 = tpu.memref_squeeze %dma_wait3A_857 : memref<1x104xi32, #tpu.memory_space<vmem>> -> memref<104xi32, #tpu.memory_space<vmem>>
      %dma_wait3A_859 = arith.constant 0 : i32
      %dma_wait3A_860 = arith.constant 0 : i32
      %dma_wait3A_861 = tpu.memref_slice %arg4[%dma_wait3A_859, %dma_wait3A_860] : memref<100000x64xi32, #tpu.memory_space<hbm>> -> memref<100000x64xi32, #tpu.memory_space<hbm>>
      %dma_wait3A_862 = tpu.memref_slice %arg10[%dma_wait3A_851] : memref<2x!tpu.dma_semaphore, #tpu.memory_space<semaphore_mem>> -> memref<1x!tpu.dma_semaphore, #tpu.memory_space<semaphore_mem>>
      %dma_wait3A_863 = tpu.memref_squeeze %dma_wait3A_862 : memref<1x!tpu.dma_semaphore, #tpu.memory_space<semaphore_mem>> -> memref<!tpu.dma_semaphore, #tpu.memory_space<semaphore_mem>>
      tpu.wait_indirect_dma semaphore(%dma_wait3A_863 : memref<!tpu.dma_semaphore, #tpu.memory_space<semaphore_mem>>) src(%dma_wait3A_861 : memref<100000x64xi32, #tpu.memory_space<hbm>>) dst(%dma_wait3A_855 : memref<104x64xi32, #tpu.memory_space<vmem>>)
      %dma_wait3A_864 = arith.constant 1 : i32
      %dma_wait3A_865 = arith.constant 1 : i32
      %dma_wait3A_866 = arith.constant 96 : i32
      %dma_wait3A_867 = tpu.memref_slice %arg8[%dma_wait3A_864, %dma_wait3A_866] : memref<2x208xf32, #tpu.memory_space<vmem>> -> memref<1x104xf32, #tpu.memory_space<vmem>>
      %dma_wait3A_868 = tpu.memref_squeeze %dma_wait3A_867 : memref<1x104xf32, #tpu.memory_space<vmem>> -> memref<104xf32, #tpu.memory_space<vmem>>
      %dma_wait3A_869 = arith.constant 96 : i32
      %dma_wait3A_870 = tpu.memref_slice %arg6[%add3A_823, %dma_wait3A_869] : memref<128x200xi32, #tpu.memory_space<vmem>> -> memref<1x104xi32, #tpu.memory_space<vmem>>
      %dma_wait3A_871 = tpu.memref_squeeze %dma_wait3A_870 : memref<1x104xi32, #tpu.memory_space<vmem>> -> memref<104xi32, #tpu.memory_space<vmem>>
      %dma_wait3A_872 = arith.constant 0 : i32
      %dma_wait3A_873 = tpu.memref_slice %arg3[%dma_wait3A_872] : memref<100000xf32, #tpu.memory_space<hbm>> -> memref<100000xf32, #tpu.memory_space<hbm>>
      %dma_wait3A_874 = tpu.memref_slice %arg10[%dma_wait3A_865] : memref<2x!tpu.dma_semaphore, #tpu.memory_space<semaphore_mem>> -> memref<1x!tpu.dma_semaphore, #tpu.memory_space<semaphore_mem>>
      %dma_wait3A_875 = tpu.memref_squeeze %dma_wait3A_874 : memref<1x!tpu.dma_semaphore, #tpu.memory_space<semaphore_mem>> -> memref<!tpu.dma_semaphore, #tpu.memory_space<semaphore_mem>>
      tpu.wait_indirect_dma semaphore(%dma_wait3A_875 : memref<!tpu.dma_semaphore, #tpu.memory_space<semaphore_mem>>) src(%dma_wait3A_873 : memref<100000xf32, #tpu.memory_space<hbm>>) dst(%dma_wait3A_868 : memref<104xf32, #tpu.memory_space<vmem>>)
      %add3A_876 = arith.constant 1 : i32
      %add3A_877 = arith.addi %mul3A_595, %add3A_876 : i32
      %broadcast_in_dim3A_878 = arith.constant 0.000000e+00 : f32
      %broadcast_in_dim3A_879 = vector.broadcast %broadcast_in_dim3A_878 : f32 to vector<16xf32>
      %broadcast_in_dim3A_880 = arith.constant 0.000000e+00 : f32
      %broadcast_in_dim3A_881 = vector.broadcast %broadcast_in_dim3A_880 : f32 to vector<16xf32>
      %broadcast_in_dim3A_882 = arith.constant 0.000000e+00 : f32
      %broadcast_in_dim3A_883 = vector.broadcast %broadcast_in_dim3A_882 : f32 to vector<16xf32>
      %broadcast_in_dim3A_884 = arith.constant 0.000000e+00 : f32
      %broadcast_in_dim3A_885 = vector.broadcast %broadcast_in_dim3A_884 : f32 to vector<16xf32>
      %broadcast_in_dim3A_886 = arith.constant 0.000000e+00 : f32
      %broadcast_in_dim3A_887 = vector.broadcast %broadcast_in_dim3A_886 : f32 to vector<16xf32>
      %broadcast_in_dim3A_888 = arith.constant 0.000000e+00 : f32
      %broadcast_in_dim3A_889 = vector.broadcast %broadcast_in_dim3A_888 : f32 to vector<16xf32>
      %broadcast_in_dim3A_890 = arith.constant 0.000000e+00 : f32
      %broadcast_in_dim3A_891 = vector.broadcast %broadcast_in_dim3A_890 : f32 to vector<16xf32>
      %broadcast_in_dim3A_892 = arith.constant 0.000000e+00 : f32
      %broadcast_in_dim3A_893 = vector.broadcast %broadcast_in_dim3A_892 : f32 to vector<16xf32>
      %broadcast_in_dim3A_894 = arith.constant 0.000000e+00 : f32
      %broadcast_in_dim3A_895 = vector.broadcast %broadcast_in_dim3A_894 : f32 to vector<16xf32>
      %scan3A_896 = arith.constant 0 : i32
      %scan3A_897 = arith.constant 13 : i32
      %scan3A_898 = arith.addi %scan3A_896, %scan3A_897 : i32
      %scan3A_899 = arith.constant 1 : i32
      %scan3A_900:9 = scf.for %scan3A_1001 = %scan3A_896 to %scan3A_898 step %scan3A_899 iter_args(%scan3A_1002 = %broadcast_in_dim3A_879, %scan3A_1003 = %broadcast_in_dim3A_881, %scan3A_1004 = %broadcast_in_dim3A_883, %scan3A_1005 = %broadcast_in_dim3A_885, %scan3A_1006 = %broadcast_in_dim3A_887, %scan3A_1007 = %broadcast_in_dim3A_889, %scan3A_1008 = %broadcast_in_dim3A_891, %scan3A_1009 = %broadcast_in_dim3A_893, %scan3A_1010 = %broadcast_in_dim3A_895) -> (vector<16xf32>, vector<16xf32>, vector<16xf32>, vector<16xf32>, vector<16xf32>, vector<16xf32>, vector<16xf32>, vector<16xf32>, vector<16xf32>)  : i32 {
        %mul3A_1011 = arith.constant 16 : i32
        %mul3A_1012 = arith.muli %scan3A_1001, %mul3A_1011 : i32
        %get3A = arith.constant 1 : i32
        %get3A_1013 = arith.index_cast %get3A : i32 to index
        %get3A_1014 = arith.index_cast %mul3A_1012 : i32 to index
        %get3A_1015 = tpu.vector_load %arg8[%get3A_1013, %get3A_1014] {strides = array<i32>} : memref<2x208xf32, #tpu.memory_space<vmem>>, vector<1x16xf32>,
        %get3A_1016 = vector.shape_cast %get3A_1015 : vector<1x16xf32> to vector<16xf32>
        %neg3A = arith.constant 0.000000e+00 : f32
        %neg3A_1017 = vector.broadcast %neg3A : f32 to vector<16xf32>
        %neg3A_1018 = arith.subf %neg3A_1017, %get3A_1016 : vector<16xf32>
        %exp3A = math.exp %neg3A_1018 : vector<16xf32>
        %add3A_1019 = arith.constant 1.000000e+00 : f32
        %add3A_1020 = vector.broadcast %add3A_1019 : f32 to vector<16xf32>
        %add3A_1021 = arith.addf %add3A_1020, %exp3A : vector<16xf32>
        %div3A_1022 = arith.constant 1.000000e+00 : f32
        %div3A_1023 = vector.broadcast %div3A_1022 : f32 to vector<16xf32>
        %div3A_1024 = arith.divf %div3A_1023, %add3A_1021 : vector<16xf32>
        %mul3A_1025 = arith.constant 16 : i32
        %mul3A_1026 = arith.muli %scan3A_1001, %mul3A_1025 : i32
        %add3A_1027 = arith.constant 0 : i32
        %add3A_1028 = arith.addi %mul3A_1026, %add3A_1027 : i32
        %slice3A_1029 = vector.extract_strided_slice %div3A_1024 {offsets = [0], sizes = [1], strides = [1]} : vector<16xf32> to vector<1xf32>
        %squeeze3A_1030 = vector.extract %slice3A_1029[0] : f32 from vector<1xf32>
        %broadcast_in_dim3A_1031 = vector.broadcast %squeeze3A_1030 : f32 to vector<16xf32>
        %get3A_1032 = arith.constant 1 : i32
        %get3A_1033 = arith.index_cast %get3A_1032 : i32 to index
        %get3A_1034 = arith.index_cast %add3A_1028 : i32 to index
        %get3A_1035 = arith.constant 0 : index
        %get3A_1036 = tpu.vector_load %arg7[%get3A_1033, %get3A_1034, %get3A_1035] {strides = array<i32>} : memref<2x208x64xi32, #tpu.memory_space<vmem>>, vector<1x1x16xi32>,
        %get3A_1037 = vector.shape_cast %get3A_1036 : vector<1x1x16xi32> to vector<16xi32>
        %shift_left3A = arith.constant 16 : i32
        %shift_left3A_1038 = vector.broadcast %shift_left3A : i32 to vector<16xi32>
        %shift_left3A_1039 = arith.shli %get3A_1037, %shift_left3A_1038 : vector<16xi32>
        %bitcast_convert_type3A = tpu.bitcast %shift_left3A_1039 : vector<16xi32> -> vector<16xf32>
        %and3A = arith.constant -65536 : i32
        %and3A_1040 = vector.broadcast %and3A : i32 to vector<16xi32>
        %and3A_1041 = arith.andi %get3A_1037, %and3A_1040 : vector<16xi32>
        %bitcast_convert_type3A_1042 = tpu.bitcast %and3A_1041 : vector<16xi32> -> vector<16xf32>
        %mul3A_1043 = arith.mulf %broadcast_in_dim3A_1031, %bitcast_convert_type3A : vector<16xf32>
        %add3A_1044 = arith.addf %scan3A_1002, %mul3A_1043 : vector<16xf32>
        %mul3A_1045 = arith.mulf %broadcast_in_dim3A_1031, %bitcast_convert_type3A_1042 : vector<16xf32>
        %add3A_1046 = arith.addf %scan3A_1003, %mul3A_1045 : vector<16xf32>
        %get3A_1047 = arith.constant 1 : i32
        %get3A_1048 = arith.index_cast %get3A_1047 : i32 to index
        %get3A_1049 = arith.index_cast %add3A_1028 : i32 to index
        %get3A_1050 = arith.constant 16 : index
        %get3A_1051 = tpu.vector_load %arg7[%get3A_1048, %get3A_1049, %get3A_1050] {strides = array<i32>} : memref<2x208x64xi32, #tpu.memory_space<vmem>>, vector<1x1x16xi32>,
        %get3A_1052 = vector.shape_cast %get3A_1051 : vector<1x1x16xi32> to vector<16xi32>
        %shift_left3A_1053 = arith.constant 16 : i32
        %shift_left3A_1054 = vector.broadcast %shift_left3A_1053 : i32 to vector<16xi32>
        %shift_left3A_1055 = arith.shli %get3A_1052, %shift_left3A_1054 : vector<16xi32>
        %bitcast_convert_type3A_1056 = tpu.bitcast %shift_left3A_1055 : vector<16xi32> -> vector<16xf32>
        %and3A_1057 = arith.constant -65536 : i32
        %and3A_1058 = vector.broadcast %and3A_1057 : i32 to vector<16xi32>
        %and3A_1059 = arith.andi %get3A_1052, %and3A_1058 : vector<16xi32>
        %bitcast_convert_type3A_1060 = tpu.bitcast %and3A_1059 : vector<16xi32> -> vector<16xf32>
        %mul3A_1061 = arith.mulf %broadcast_in_dim3A_1031, %bitcast_convert_type3A_1056 : vector<16xf32>
        %add3A_1062 = arith.addf %scan3A_1004, %mul3A_1061 : vector<16xf32>
        %mul3A_1063 = arith.mulf %broadcast_in_dim3A_1031, %bitcast_convert_type3A_1060 : vector<16xf32>
        %add3A_1064 = arith.addf %scan3A_1005, %mul3A_1063 : vector<16xf32>
        %get3A_1065 = arith.constant 1 : i32
        %get3A_1066 = arith.index_cast %get3A_1065 : i32 to index
        %get3A_1067 = arith.index_cast %add3A_1028 : i32 to index
        %get3A_1068 = arith.constant 32 : index
        %get3A_1069 = tpu.vector_load %arg7[%get3A_1066, %get3A_1067, %get3A_1068] {strides = array<i32>} : memref<2x208x64xi32, #tpu.memory_space<vmem>>, vector<1x1x16xi32>,
        %get3A_1070 = vector.shape_cast %get3A_1069 : vector<1x1x16xi32> to vector<16xi32>
        %shift_left3A_1071 = arith.constant 16 : i32
        %shift_left3A_1072 = vector.broadcast %shift_left3A_1071 : i32 to vector<16xi32>
        %shift_left3A_1073 = arith.shli %get3A_1070, %shift_left3A_1072 : vector<16xi32>
        %bitcast_convert_type3A_1074 = tpu.bitcast %shift_left3A_1073 : vector<16xi32> -> vector<16xf32>
        %and3A_1075 = arith.constant -65536 : i32
        %and3A_1076 = vector.broadcast %and3A_1075 : i32 to vector<16xi32>
        %and3A_1077 = arith.andi %get3A_1070, %and3A_1076 : vector<16xi32>
        %bitcast_convert_type3A_1078 = tpu.bitcast %and3A_1077 : vector<16xi32> -> vector<16xf32>
        %mul3A_1079 = arith.mulf %broadcast_in_dim3A_1031, %bitcast_convert_type3A_1074 : vector<16xf32>
        %add3A_1080 = arith.addf %scan3A_1006, %mul3A_1079 : vector<16xf32>
        %mul3A_1081 = arith.mulf %broadcast_in_dim3A_1031, %bitcast_convert_type3A_1078 : vector<16xf32>
        %add3A_1082 = arith.addf %scan3A_1007, %mul3A_1081 : vector<16xf32>
        %get3A_1083 = arith.constant 1 : i32
        %get3A_1084 = arith.index_cast %get3A_1083 : i32 to index
        %get3A_1085 = arith.index_cast %add3A_1028 : i32 to index
        %get3A_1086 = arith.constant 48 : index
        %get3A_1087 = tpu.vector_load %arg7[%get3A_1084, %get3A_1085, %get3A_1086] {strides = array<i32>} : memref<2x208x64xi32, #tpu.memory_space<vmem>>, vector<1x1x16xi32>,
        %get3A_1088 = vector.shape_cast %get3A_1087 : vector<1x1x16xi32> to vector<16xi32>
        %shift_left3A_1089 = arith.constant 16 : i32
        %shift_left3A_1090 = vector.broadcast %shift_left3A_1089 : i32 to vector<16xi32>
        %shift_left3A_1091 = arith.shli %get3A_1088, %shift_left3A_1090 : vector<16xi32>
        %bitcast_convert_type3A_1092 = tpu.bitcast %shift_left3A_1091 : vector<16xi32> -> vector<16xf32>
        %and3A_1093 = arith.constant -65536 : i32
        %and3A_1094 = vector.broadcast %and3A_1093 : i32 to vector<16xi32>
        %and3A_1095 = arith.andi %get3A_1088, %and3A_1094 : vector<16xi32>
        %bitcast_convert_type3A_1096 = tpu.bitcast %and3A_1095 : vector<16xi32> -> vector<16xf32>
        %mul3A_1097 = arith.mulf %broadcast_in_dim3A_1031, %bitcast_convert_type3A_1092 : vector<16xf32>
        %add3A_1098 = arith.addf %scan3A_1008, %mul3A_1097 : vector<16xf32>
        %mul3A_1099 = arith.mulf %broadcast_in_dim3A_1031, %bitcast_convert_type3A_1096 : vector<16xf32>
        %add3A_1100 = arith.addf %scan3A_1009, %mul3A_1099 : vector<16xf32>
        %mul3A_1101 = arith.constant 16 : i32
        %mul3A_1102 = arith.muli %scan3A_1001, %mul3A_1101 : i32
        %add3A_1103 = arith.constant 1 : i32
        %add3A_1104 = arith.addi %mul3A_1102, %add3A_1103 : i32
        %slice3A_1105 = vector.extract_strided_slice %div3A_1024 {offsets = [1], sizes = [1], strides = [1]} : vector<16xf32> to vector<1xf32>
        %squeeze3A_1106 = vector.extract %slice3A_1105[0] : f32 from vector<1xf32>
        %broadcast_in_dim3A_1107 = vector.broadcast %squeeze3A_1106 : f32 to vector<16xf32>
        %get3A_1108 = arith.constant 1 : i32
        %get3A_1109 = arith.index_cast %get3A_1108 : i32 to index
        %get3A_1110 = arith.index_cast %add3A_1104 : i32 to index
        %get3A_1111 = arith.constant 0 : index
        %get3A_1112 = tpu.vector_load %arg7[%get3A_1109, %get3A_1110, %get3A_1111] {strides = array<i32>} : memref<2x208x64xi32, #tpu.memory_space<vmem>>, vector<1x1x16xi32>,
        %get3A_1113 = vector.shape_cast %get3A_1112 : vector<1x1x16xi32> to vector<16xi32>
        %shift_left3A_1114 = arith.constant 16 : i32
        %shift_left3A_1115 = vector.broadcast %shift_left3A_1114 : i32 to vector<16xi32>
        %shift_left3A_1116 = arith.shli %get3A_1113, %shift_left3A_1115 : vector<16xi32>
        %bitcast_convert_type3A_1117 = tpu.bitcast %shift_left3A_1116 : vector<16xi32> -> vector<16xf32>
        %and3A_1118 = arith.constant -65536 : i32
        %and3A_1119 = vector.broadcast %and3A_1118 : i32 to vector<16xi32>
        %and3A_1120 = arith.andi %get3A_1113, %and3A_1119 : vector<16xi32>
        %bitcast_convert_type3A_1121 = tpu.bitcast %and3A_1120 : vector<16xi32> -> vector<16xf32>
        %mul3A_1122 = arith.mulf %broadcast_in_dim3A_1107, %bitcast_convert_type3A_1117 : vector<16xf32>
        %add3A_1123 = arith.addf %add3A_1044, %mul3A_1122 : vector<16xf32>
        %mul3A_1124 = arith.mulf %broadcast_in_dim3A_1107, %bitcast_convert_type3A_1121 : vector<16xf32>
        %add3A_1125 = arith.addf %add3A_1046, %mul3A_1124 : vector<16xf32>
        %get3A_1126 = arith.constant 1 : i32
        %get3A_1127 = arith.index_cast %get3A_1126 : i32 to index
        %get3A_1128 = arith.index_cast %add3A_1104 : i32 to index
        %get3A_1129 = arith.constant 16 : index
        %get3A_1130 = tpu.vector_load %arg7[%get3A_1127, %get3A_1128, %get3A_1129] {strides = array<i32>} : memref<2x208x64xi32, #tpu.memory_space<vmem>>, vector<1x1x16xi32>,
        %get3A_1131 = vector.shape_cast %get3A_1130 : vector<1x1x16xi32> to vector<16xi32>
        %shift_left3A_1132 = arith.constant 16 : i32
        %shift_left3A_1133 = vector.broadcast %shift_left3A_1132 : i32 to vector<16xi32>
        %shift_left3A_1134 = arith.shli %get3A_1131, %shift_left3A_1133 : vector<16xi32>
        %bitcast_convert_type3A_1135 = tpu.bitcast %shift_left3A_1134 : vector<16xi32> -> vector<16xf32>
        %and3A_1136 = arith.constant -65536 : i32
        %and3A_1137 = vector.broadcast %and3A_1136 : i32 to vector<16xi32>
        %and3A_1138 = arith.andi %get3A_1131, %and3A_1137 : vector<16xi32>
        %bitcast_convert_type3A_1139 = tpu.bitcast %and3A_1138 : vector<16xi32> -> vector<16xf32>
        %mul3A_1140 = arith.mulf %broadcast_in_dim3A_1107, %bitcast_convert_type3A_1135 : vector<16xf32>
        %add3A_1141 = arith.addf %add3A_1062, %mul3A_1140 : vector<16xf32>
        %mul3A_1142 = arith.mulf %broadcast_in_dim3A_1107, %bitcast_convert_type3A_1139 : vector<16xf32>
        %add3A_1143 = arith.addf %add3A_1064, %mul3A_1142 : vector<16xf32>
        %get3A_1144 = arith.constant 1 : i32
        %get3A_1145 = arith.index_cast %get3A_1144 : i32 to index
        %get3A_1146 = arith.index_cast %add3A_1104 : i32 to index
        %get3A_1147 = arith.constant 32 : index
        %get3A_1148 = tpu.vector_load %arg7[%get3A_1145, %get3A_1146, %get3A_1147] {strides = array<i32>} : memref<2x208x64xi32, #tpu.memory_space<vmem>>, vector<1x1x16xi32>,
        %get3A_1149 = vector.shape_cast %get3A_1148 : vector<1x1x16xi32> to vector<16xi32>
        %shift_left3A_1150 = arith.constant 16 : i32
        %shift_left3A_1151 = vector.broadcast %shift_left3A_1150 : i32 to vector<16xi32>
        %shift_left3A_1152 = arith.shli %get3A_1149, %shift_left3A_1151 : vector<16xi32>
        %bitcast_convert_type3A_1153 = tpu.bitcast %shift_left3A_1152 : vector<16xi32> -> vector<16xf32>
        %and3A_1154 = arith.constant -65536 : i32
        %and3A_1155 = vector.broadcast %and3A_1154 : i32 to vector<16xi32>
        %and3A_1156 = arith.andi %get3A_1149, %and3A_1155 : vector<16xi32>
        %bitcast_convert_type3A_1157 = tpu.bitcast %and3A_1156 : vector<16xi32> -> vector<16xf32>
        %mul3A_1158 = arith.mulf %broadcast_in_dim3A_1107, %bitcast_convert_type3A_1153 : vector<16xf32>
        %add3A_1159 = arith.addf %add3A_1080, %mul3A_1158 : vector<16xf32>
        %mul3A_1160 = arith.mulf %broadcast_in_dim3A_1107, %bitcast_convert_type3A_1157 : vector<16xf32>
        %add3A_1161 = arith.addf %add3A_1082, %mul3A_1160 : vector<16xf32>
        %get3A_1162 = arith.constant 1 : i32
        %get3A_1163 = arith.index_cast %get3A_1162 : i32 to index
        %get3A_1164 = arith.index_cast %add3A_1104 : i32 to index
        %get3A_1165 = arith.constant 48 : index
        %get3A_1166 = tpu.vector_load %arg7[%get3A_1163, %get3A_1164, %get3A_1165] {strides = array<i32>} : memref<2x208x64xi32, #tpu.memory_space<vmem>>, vector<1x1x16xi32>,
        %get3A_1167 = vector.shape_cast %get3A_1166 : vector<1x1x16xi32> to vector<16xi32>
        %shift_left3A_1168 = arith.constant 16 : i32
        %shift_left3A_1169 = vector.broadcast %shift_left3A_1168 : i32 to vector<16xi32>
        %shift_left3A_1170 = arith.shli %get3A_1167, %shift_left3A_1169 : vector<16xi32>
        %bitcast_convert_type3A_1171 = tpu.bitcast %shift_left3A_1170 : vector<16xi32> -> vector<16xf32>
        %and3A_1172 = arith.constant -65536 : i32
        %and3A_1173 = vector.broadcast %and3A_1172 : i32 to vector<16xi32>
        %and3A_1174 = arith.andi %get3A_1167, %and3A_1173 : vector<16xi32>
        %bitcast_convert_type3A_1175 = tpu.bitcast %and3A_1174 : vector<16xi32> -> vector<16xf32>
        %mul3A_1176 = arith.mulf %broadcast_in_dim3A_1107, %bitcast_convert_type3A_1171 : vector<16xf32>
        %add3A_1177 = arith.addf %add3A_1098, %mul3A_1176 : vector<16xf32>
        %mul3A_1178 = arith.mulf %broadcast_in_dim3A_1107, %bitcast_convert_type3A_1175 : vector<16xf32>
        %add3A_1179 = arith.addf %add3A_1100, %mul3A_1178 : vector<16xf32>
        %mul3A_1180 = arith.constant 16 : i32
        %mul3A_1181 = arith.muli %scan3A_1001, %mul3A_1180 : i32
        %add3A_1182 = arith.constant 2 : i32
        %add3A_1183 = arith.addi %mul3A_1181, %add3A_1182 : i32
        %slice3A_1184 = vector.extract_strided_slice %div3A_1024 {offsets = [2], sizes = [1], strides = [1]} : vector<16xf32> to vector<1xf32>
        %squeeze3A_1185 = vector.extract %slice3A_1184[0] : f32 from vector<1xf32>
        %broadcast_in_dim3A_1186 = vector.broadcast %squeeze3A_1185 : f32 to vector<16xf32>
        %get3A_1187 = arith.constant 1 : i32
        %get3A_1188 = arith.index_cast %get3A_1187 : i32 to index
        %get3A_1189 = arith.index_cast %add3A_1183 : i32 to index
        %get3A_1190 = arith.constant 0 : index
        %get3A_1191 = tpu.vector_load %arg7[%get3A_1188, %get3A_1189, %get3A_1190] {strides = array<i32>} : memref<2x208x64xi32, #tpu.memory_space<vmem>>, vector<1x1x16xi32>,
        %get3A_1192 = vector.shape_cast %get3A_1191 : vector<1x1x16xi32> to vector<16xi32>
        %shift_left3A_1193 = arith.constant 16 : i32
        %shift_left3A_1194 = vector.broadcast %shift_left3A_1193 : i32 to vector<16xi32>
        %shift_left3A_1195 = arith.shli %get3A_1192, %shift_left3A_1194 : vector<16xi32>
        %bitcast_convert_type3A_1196 = tpu.bitcast %shift_left3A_1195 : vector<16xi32> -> vector<16xf32>
        %and3A_1197 = arith.constant -65536 : i32
        %and3A_1198 = vector.broadcast %and3A_1197 : i32 to vector<16xi32>
        %and3A_1199 = arith.andi %get3A_1192, %and3A_1198 : vector<16xi32>
        %bitcast_convert_type3A_1200 = tpu.bitcast %and3A_1199 : vector<16xi32> -> vector<16xf32>
        %mul3A_1201 = arith.mulf %broadcast_in_dim3A_1186, %bitcast_convert_type3A_1196 : vector<16xf32>
        %add3A_1202 = arith.addf %add3A_1123, %mul3A_1201 : vector<16xf32>
        %mul3A_1203 = arith.mulf %broadcast_in_dim3A_1186, %bitcast_convert_type3A_1200 : vector<16xf32>
        %add3A_1204 = arith.addf %add3A_1125, %mul3A_1203 : vector<16xf32>
        %get3A_1205 = arith.constant 1 : i32
        %get3A_1206 = arith.index_cast %get3A_1205 : i32 to index
        %get3A_1207 = arith.index_cast %add3A_1183 : i32 to index
        %get3A_1208 = arith.constant 16 : index
        %get3A_1209 = tpu.vector_load %arg7[%get3A_1206, %get3A_1207, %get3A_1208] {strides = array<i32>} : memref<2x208x64xi32, #tpu.memory_space<vmem>>, vector<1x1x16xi32>,
        %get3A_1210 = vector.shape_cast %get3A_1209 : vector<1x1x16xi32> to vector<16xi32>
        %shift_left3A_1211 = arith.constant 16 : i32
        %shift_left3A_1212 = vector.broadcast %shift_left3A_1211 : i32 to vector<16xi32>
        %shift_left3A_1213 = arith.shli %get3A_1210, %shift_left3A_1212 : vector<16xi32>
        %bitcast_convert_type3A_1214 = tpu.bitcast %shift_left3A_1213 : vector<16xi32> -> vector<16xf32>
        %and3A_1215 = arith.constant -65536 : i32
        %and3A_1216 = vector.broadcast %and3A_1215 : i32 to vector<16xi32>
        %and3A_1217 = arith.andi %get3A_1210, %and3A_1216 : vector<16xi32>
        %bitcast_convert_type3A_1218 = tpu.bitcast %and3A_1217 : vector<16xi32> -> vector<16xf32>
        %mul3A_1219 = arith.mulf %broadcast_in_dim3A_1186, %bitcast_convert_type3A_1214 : vector<16xf32>
        %add3A_1220 = arith.addf %add3A_1141, %mul3A_1219 : vector<16xf32>
        %mul3A_1221 = arith.mulf %broadcast_in_dim3A_1186, %bitcast_convert_type3A_1218 : vector<16xf32>
        %add3A_1222 = arith.addf %add3A_1143, %mul3A_1221 : vector<16xf32>
        %get3A_1223 = arith.constant 1 : i32
        %get3A_1224 = arith.index_cast %get3A_1223 : i32 to index
        %get3A_1225 = arith.index_cast %add3A_1183 : i32 to index
        %get3A_1226 = arith.constant 32 : index
        %get3A_1227 = tpu.vector_load %arg7[%get3A_1224, %get3A_1225, %get3A_1226] {strides = array<i32>} : memref<2x208x64xi32, #tpu.memory_space<vmem>>, vector<1x1x16xi32>,
        %get3A_1228 = vector.shape_cast %get3A_1227 : vector<1x1x16xi32> to vector<16xi32>
        %shift_left3A_1229 = arith.constant 16 : i32
        %shift_left3A_1230 = vector.broadcast %shift_left3A_1229 : i32 to vector<16xi32>
        %shift_left3A_1231 = arith.shli %get3A_1228, %shift_left3A_1230 : vector<16xi32>
        %bitcast_convert_type3A_1232 = tpu.bitcast %shift_left3A_1231 : vector<16xi32> -> vector<16xf32>
        %and3A_1233 = arith.constant -65536 : i32
        %and3A_1234 = vector.broadcast %and3A_1233 : i32 to vector<16xi32>
        %and3A_1235 = arith.andi %get3A_1228, %and3A_1234 : vector<16xi32>
        %bitcast_convert_type3A_1236 = tpu.bitcast %and3A_1235 : vector<16xi32> -> vector<16xf32>
        %mul3A_1237 = arith.mulf %broadcast_in_dim3A_1186, %bitcast_convert_type3A_1232 : vector<16xf32>
        %add3A_1238 = arith.addf %add3A_1159, %mul3A_1237 : vector<16xf32>
        %mul3A_1239 = arith.mulf %broadcast_in_dim3A_1186, %bitcast_convert_type3A_1236 : vector<16xf32>
        %add3A_1240 = arith.addf %add3A_1161, %mul3A_1239 : vector<16xf32>
        %get3A_1241 = arith.constant 1 : i32
        %get3A_1242 = arith.index_cast %get3A_1241 : i32 to index
        %get3A_1243 = arith.index_cast %add3A_1183 : i32 to index
        %get3A_1244 = arith.constant 48 : index
        %get3A_1245 = tpu.vector_load %arg7[%get3A_1242, %get3A_1243, %get3A_1244] {strides = array<i32>} : memref<2x208x64xi32, #tpu.memory_space<vmem>>, vector<1x1x16xi32>,
        %get3A_1246 = vector.shape_cast %get3A_1245 : vector<1x1x16xi32> to vector<16xi32>
        %shift_left3A_1247 = arith.constant 16 : i32
        %shift_left3A_1248 = vector.broadcast %shift_left3A_1247 : i32 to vector<16xi32>
        %shift_left3A_1249 = arith.shli %get3A_1246, %shift_left3A_1248 : vector<16xi32>
        %bitcast_convert_type3A_1250 = tpu.bitcast %shift_left3A_1249 : vector<16xi32> -> vector<16xf32>
        %and3A_1251 = arith.constant -65536 : i32
        %and3A_1252 = vector.broadcast %and3A_1251 : i32 to vector<16xi32>
        %and3A_1253 = arith.andi %get3A_1246, %and3A_1252 : vector<16xi32>
        %bitcast_convert_type3A_1254 = tpu.bitcast %and3A_1253 : vector<16xi32> -> vector<16xf32>
        %mul3A_1255 = arith.mulf %broadcast_in_dim3A_1186, %bitcast_convert_type3A_1250 : vector<16xf32>
        %add3A_1256 = arith.addf %add3A_1177, %mul3A_1255 : vector<16xf32>
        %mul3A_1257 = arith.mulf %broadcast_in_dim3A_1186, %bitcast_convert_type3A_1254 : vector<16xf32>
        %add3A_1258 = arith.addf %add3A_1179, %mul3A_1257 : vector<16xf32>
        %mul3A_1259 = arith.constant 16 : i32
        %mul3A_1260 = arith.muli %scan3A_1001, %mul3A_1259 : i32
        %add3A_1261 = arith.constant 3 : i32
        %add3A_1262 = arith.addi %mul3A_1260, %add3A_1261 : i32
        %slice3A_1263 = vector.extract_strided_slice %div3A_1024 {offsets = [3], sizes = [1], strides = [1]} : vector<16xf32> to vector<1xf32>
        %squeeze3A_1264 = vector.extract %slice3A_1263[0] : f32 from vector<1xf32>
        %broadcast_in_dim3A_1265 = vector.broadcast %squeeze3A_1264 : f32 to vector<16xf32>
        %get3A_1266 = arith.constant 1 : i32
        %get3A_1267 = arith.index_cast %get3A_1266 : i32 to index
        %get3A_1268 = arith.index_cast %add3A_1262 : i32 to index
        %get3A_1269 = arith.constant 0 : index
        %get3A_1270 = tpu.vector_load %arg7[%get3A_1267, %get3A_1268, %get3A_1269] {strides = array<i32>} : memref<2x208x64xi32, #tpu.memory_space<vmem>>, vector<1x1x16xi32>,
        %get3A_1271 = vector.shape_cast %get3A_1270 : vector<1x1x16xi32> to vector<16xi32>
        %shift_left3A_1272 = arith.constant 16 : i32
        %shift_left3A_1273 = vector.broadcast %shift_left3A_1272 : i32 to vector<16xi32>
        %shift_left3A_1274 = arith.shli %get3A_1271, %shift_left3A_1273 : vector<16xi32>
        %bitcast_convert_type3A_1275 = tpu.bitcast %shift_left3A_1274 : vector<16xi32> -> vector<16xf32>
        %and3A_1276 = arith.constant -65536 : i32
        %and3A_1277 = vector.broadcast %and3A_1276 : i32 to vector<16xi32>
        %and3A_1278 = arith.andi %get3A_1271, %and3A_1277 : vector<16xi32>
        %bitcast_convert_type3A_1279 = tpu.bitcast %and3A_1278 : vector<16xi32> -> vector<16xf32>
        %mul3A_1280 = arith.mulf %broadcast_in_dim3A_1265, %bitcast_convert_type3A_1275 : vector<16xf32>
        %add3A_1281 = arith.addf %add3A_1202, %mul3A_1280 : vector<16xf32>
        %mul3A_1282 = arith.mulf %broadcast_in_dim3A_1265, %bitcast_convert_type3A_1279 : vector<16xf32>
        %add3A_1283 = arith.addf %add3A_1204, %mul3A_1282 : vector<16xf32>
        %get3A_1284 = arith.constant 1 : i32
        %get3A_1285 = arith.index_cast %get3A_1284 : i32 to index
        %get3A_1286 = arith.index_cast %add3A_1262 : i32 to index
        %get3A_1287 = arith.constant 16 : index
        %get3A_1288 = tpu.vector_load %arg7[%get3A_1285, %get3A_1286, %get3A_1287] {strides = array<i32>} : memref<2x208x64xi32, #tpu.memory_space<vmem>>, vector<1x1x16xi32>,
        %get3A_1289 = vector.shape_cast %get3A_1288 : vector<1x1x16xi32> to vector<16xi32>
        %shift_left3A_1290 = arith.constant 16 : i32
        %shift_left3A_1291 = vector.broadcast %shift_left3A_1290 : i32 to vector<16xi32>
        %shift_left3A_1292 = arith.shli %get3A_1289, %shift_left3A_1291 : vector<16xi32>
        %bitcast_convert_type3A_1293 = tpu.bitcast %shift_left3A_1292 : vector<16xi32> -> vector<16xf32>
        %and3A_1294 = arith.constant -65536 : i32
        %and3A_1295 = vector.broadcast %and3A_1294 : i32 to vector<16xi32>
        %and3A_1296 = arith.andi %get3A_1289, %and3A_1295 : vector<16xi32>
        %bitcast_convert_type3A_1297 = tpu.bitcast %and3A_1296 : vector<16xi32> -> vector<16xf32>
        %mul3A_1298 = arith.mulf %broadcast_in_dim3A_1265, %bitcast_convert_type3A_1293 : vector<16xf32>
        %add3A_1299 = arith.addf %add3A_1220, %mul3A_1298 : vector<16xf32>
        %mul3A_1300 = arith.mulf %broadcast_in_dim3A_1265, %bitcast_convert_type3A_1297 : vector<16xf32>
        %add3A_1301 = arith.addf %add3A_1222, %mul3A_1300 : vector<16xf32>
        %get3A_1302 = arith.constant 1 : i32
        %get3A_1303 = arith.index_cast %get3A_1302 : i32 to index
        %get3A_1304 = arith.index_cast %add3A_1262 : i32 to index
        %get3A_1305 = arith.constant 32 : index
        %get3A_1306 = tpu.vector_load %arg7[%get3A_1303, %get3A_1304, %get3A_1305] {strides = array<i32>} : memref<2x208x64xi32, #tpu.memory_space<vmem>>, vector<1x1x16xi32>,
        %get3A_1307 = vector.shape_cast %get3A_1306 : vector<1x1x16xi32> to vector<16xi32>
        %shift_left3A_1308 = arith.constant 16 : i32
        %shift_left3A_1309 = vector.broadcast %shift_left3A_1308 : i32 to vector<16xi32>
        %shift_left3A_1310 = arith.shli %get3A_1307, %shift_left3A_1309 : vector<16xi32>
        %bitcast_convert_type3A_1311 = tpu.bitcast %shift_left3A_1310 : vector<16xi32> -> vector<16xf32>
        %and3A_1312 = arith.constant -65536 : i32
        %and3A_1313 = vector.broadcast %and3A_1312 : i32 to vector<16xi32>
        %and3A_1314 = arith.andi %get3A_1307, %and3A_1313 : vector<16xi32>
        %bitcast_convert_type3A_1315 = tpu.bitcast %and3A_1314 : vector<16xi32> -> vector<16xf32>
        %mul3A_1316 = arith.mulf %broadcast_in_dim3A_1265, %bitcast_convert_type3A_1311 : vector<16xf32>
        %add3A_1317 = arith.addf %add3A_1238, %mul3A_1316 : vector<16xf32>
        %mul3A_1318 = arith.mulf %broadcast_in_dim3A_1265, %bitcast_convert_type3A_1315 : vector<16xf32>
        %add3A_1319 = arith.addf %add3A_1240, %mul3A_1318 : vector<16xf32>
        %get3A_1320 = arith.constant 1 : i32
        %get3A_1321 = arith.index_cast %get3A_1320 : i32 to index
        %get3A_1322 = arith.index_cast %add3A_1262 : i32 to index
        %get3A_1323 = arith.constant 48 : index
        %get3A_1324 = tpu.vector_load %arg7[%get3A_1321, %get3A_1322, %get3A_1323] {strides = array<i32>} : memref<2x208x64xi32, #tpu.memory_space<vmem>>, vector<1x1x16xi32>,
        %get3A_1325 = vector.shape_cast %get3A_1324 : vector<1x1x16xi32> to vector<16xi32>
        %shift_left3A_1326 = arith.constant 16 : i32
        %shift_left3A_1327 = vector.broadcast %shift_left3A_1326 : i32 to vector<16xi32>
        %shift_left3A_1328 = arith.shli %get3A_1325, %shift_left3A_1327 : vector<16xi32>
        %bitcast_convert_type3A_1329 = tpu.bitcast %shift_left3A_1328 : vector<16xi32> -> vector<16xf32>
        %and3A_1330 = arith.constant -65536 : i32
        %and3A_1331 = vector.broadcast %and3A_1330 : i32 to vector<16xi32>
        %and3A_1332 = arith.andi %get3A_1325, %and3A_1331 : vector<16xi32>
        %bitcast_convert_type3A_1333 = tpu.bitcast %and3A_1332 : vector<16xi32> -> vector<16xf32>
        %mul3A_1334 = arith.mulf %broadcast_in_dim3A_1265, %bitcast_convert_type3A_1329 : vector<16xf32>
        %add3A_1335 = arith.addf %add3A_1256, %mul3A_1334 : vector<16xf32>
        %mul3A_1336 = arith.mulf %broadcast_in_dim3A_1265, %bitcast_convert_type3A_1333 : vector<16xf32>
        %add3A_1337 = arith.addf %add3A_1258, %mul3A_1336 : vector<16xf32>
        %mul3A_1338 = arith.constant 16 : i32
        %mul3A_1339 = arith.muli %scan3A_1001, %mul3A_1338 : i32
        %add3A_1340 = arith.constant 4 : i32
        %add3A_1341 = arith.addi %mul3A_1339, %add3A_1340 : i32
        %slice3A_1342 = vector.extract_strided_slice %div3A_1024 {offsets = [4], sizes = [1], strides = [1]} : vector<16xf32> to vector<1xf32>
        %squeeze3A_1343 = vector.extract %slice3A_1342[0] : f32 from vector<1xf32>
        %broadcast_in_dim3A_1344 = vector.broadcast %squeeze3A_1343 : f32 to vector<16xf32>
        %get3A_1345 = arith.constant 1 : i32
        %get3A_1346 = arith.index_cast %get3A_1345 : i32 to index
        %get3A_1347 = arith.index_cast %add3A_1341 : i32 to index
        %get3A_1348 = arith.constant 0 : index
        %get3A_1349 = tpu.vector_load %arg7[%get3A_1346, %get3A_1347, %get3A_1348] {strides = array<i32>} : memref<2x208x64xi32, #tpu.memory_space<vmem>>, vector<1x1x16xi32>,
        %get3A_1350 = vector.shape_cast %get3A_1349 : vector<1x1x16xi32> to vector<16xi32>
        %shift_left3A_1351 = arith.constant 16 : i32
        %shift_left3A_1352 = vector.broadcast %shift_left3A_1351 : i32 to vector<16xi32>
        %shift_left3A_1353 = arith.shli %get3A_1350, %shift_left3A_1352 : vector<16xi32>
        %bitcast_convert_type3A_1354 = tpu.bitcast %shift_left3A_1353 : vector<16xi32> -> vector<16xf32>
        %and3A_1355 = arith.constant -65536 : i32
        %and3A_1356 = vector.broadcast %and3A_1355 : i32 to vector<16xi32>
        %and3A_1357 = arith.andi %get3A_1350, %and3A_1356 : vector<16xi32>
        %bitcast_convert_type3A_1358 = tpu.bitcast %and3A_1357 : vector<16xi32> -> vector<16xf32>
        %mul3A_1359 = arith.mulf %broadcast_in_dim3A_1344, %bitcast_convert_type3A_1354 : vector<16xf32>
        %add3A_1360 = arith.addf %add3A_1281, %mul3A_1359 : vector<16xf32>
        %mul3A_1361 = arith.mulf %broadcast_in_dim3A_1344, %bitcast_convert_type3A_1358 : vector<16xf32>
        %add3A_1362 = arith.addf %add3A_1283, %mul3A_1361 : vector<16xf32>
        %get3A_1363 = arith.constant 1 : i32
        %get3A_1364 = arith.index_cast %get3A_1363 : i32 to index
        %get3A_1365 = arith.index_cast %add3A_1341 : i32 to index
        %get3A_1366 = arith.constant 16 : index
        %get3A_1367 = tpu.vector_load %arg7[%get3A_1364, %get3A_1365, %get3A_1366] {strides = array<i32>} : memref<2x208x64xi32, #tpu.memory_space<vmem>>, vector<1x1x16xi32>,
        %get3A_1368 = vector.shape_cast %get3A_1367 : vector<1x1x16xi32> to vector<16xi32>
        %shift_left3A_1369 = arith.constant 16 : i32
        %shift_left3A_1370 = vector.broadcast %shift_left3A_1369 : i32 to vector<16xi32>
        %shift_left3A_1371 = arith.shli %get3A_1368, %shift_left3A_1370 : vector<16xi32>
        %bitcast_convert_type3A_1372 = tpu.bitcast %shift_left3A_1371 : vector<16xi32> -> vector<16xf32>
        %and3A_1373 = arith.constant -65536 : i32
        %and3A_1374 = vector.broadcast %and3A_1373 : i32 to vector<16xi32>
        %and3A_1375 = arith.andi %get3A_1368, %and3A_1374 : vector<16xi32>
        %bitcast_convert_type3A_1376 = tpu.bitcast %and3A_1375 : vector<16xi32> -> vector<16xf32>
        %mul3A_1377 = arith.mulf %broadcast_in_dim3A_1344, %bitcast_convert_type3A_1372 : vector<16xf32>
        %add3A_1378 = arith.addf %add3A_1299, %mul3A_1377 : vector<16xf32>
        %mul3A_1379 = arith.mulf %broadcast_in_dim3A_1344, %bitcast_convert_type3A_1376 : vector<16xf32>
        %add3A_1380 = arith.addf %add3A_1301, %mul3A_1379 : vector<16xf32>
        %get3A_1381 = arith.constant 1 : i32
        %get3A_1382 = arith.index_cast %get3A_1381 : i32 to index
        %get3A_1383 = arith.index_cast %add3A_1341 : i32 to index
        %get3A_1384 = arith.constant 32 : index
        %get3A_1385 = tpu.vector_load %arg7[%get3A_1382, %get3A_1383, %get3A_1384] {strides = array<i32>} : memref<2x208x64xi32, #tpu.memory_space<vmem>>, vector<1x1x16xi32>,
        %get3A_1386 = vector.shape_cast %get3A_1385 : vector<1x1x16xi32> to vector<16xi32>
        %shift_left3A_1387 = arith.constant 16 : i32
        %shift_left3A_1388 = vector.broadcast %shift_left3A_1387 : i32 to vector<16xi32>
        %shift_left3A_1389 = arith.shli %get3A_1386, %shift_left3A_1388 : vector<16xi32>
        %bitcast_convert_type3A_1390 = tpu.bitcast %shift_left3A_1389 : vector<16xi32> -> vector<16xf32>
        %and3A_1391 = arith.constant -65536 : i32
        %and3A_1392 = vector.broadcast %and3A_1391 : i32 to vector<16xi32>
        %and3A_1393 = arith.andi %get3A_1386, %and3A_1392 : vector<16xi32>
        %bitcast_convert_type3A_1394 = tpu.bitcast %and3A_1393 : vector<16xi32> -> vector<16xf32>
        %mul3A_1395 = arith.mulf %broadcast_in_dim3A_1344, %bitcast_convert_type3A_1390 : vector<16xf32>
        %add3A_1396 = arith.addf %add3A_1317, %mul3A_1395 : vector<16xf32>
        %mul3A_1397 = arith.mulf %broadcast_in_dim3A_1344, %bitcast_convert_type3A_1394 : vector<16xf32>
        %add3A_1398 = arith.addf %add3A_1319, %mul3A_1397 : vector<16xf32>
        %get3A_1399 = arith.constant 1 : i32
        %get3A_1400 = arith.index_cast %get3A_1399 : i32 to index
        %get3A_1401 = arith.index_cast %add3A_1341 : i32 to index
        %get3A_1402 = arith.constant 48 : index
        %get3A_1403 = tpu.vector_load %arg7[%get3A_1400, %get3A_1401, %get3A_1402] {strides = array<i32>} : memref<2x208x64xi32, #tpu.memory_space<vmem>>, vector<1x1x16xi32>,
        %get3A_1404 = vector.shape_cast %get3A_1403 : vector<1x1x16xi32> to vector<16xi32>
        %shift_left3A_1405 = arith.constant 16 : i32
        %shift_left3A_1406 = vector.broadcast %shift_left3A_1405 : i32 to vector<16xi32>
        %shift_left3A_1407 = arith.shli %get3A_1404, %shift_left3A_1406 : vector<16xi32>
        %bitcast_convert_type3A_1408 = tpu.bitcast %shift_left3A_1407 : vector<16xi32> -> vector<16xf32>
        %and3A_1409 = arith.constant -65536 : i32
        %and3A_1410 = vector.broadcast %and3A_1409 : i32 to vector<16xi32>
        %and3A_1411 = arith.andi %get3A_1404, %and3A_1410 : vector<16xi32>
        %bitcast_convert_type3A_1412 = tpu.bitcast %and3A_1411 : vector<16xi32> -> vector<16xf32>
        %mul3A_1413 = arith.mulf %broadcast_in_dim3A_1344, %bitcast_convert_type3A_1408 : vector<16xf32>
        %add3A_1414 = arith.addf %add3A_1335, %mul3A_1413 : vector<16xf32>
        %mul3A_1415 = arith.mulf %broadcast_in_dim3A_1344, %bitcast_convert_type3A_1412 : vector<16xf32>
        %add3A_1416 = arith.addf %add3A_1337, %mul3A_1415 : vector<16xf32>
        %mul3A_1417 = arith.constant 16 : i32
        %mul3A_1418 = arith.muli %scan3A_1001, %mul3A_1417 : i32
        %add3A_1419 = arith.constant 5 : i32
        %add3A_1420 = arith.addi %mul3A_1418, %add3A_1419 : i32
        %slice3A_1421 = vector.extract_strided_slice %div3A_1024 {offsets = [5], sizes = [1], strides = [1]} : vector<16xf32> to vector<1xf32>
        %squeeze3A_1422 = vector.extract %slice3A_1421[0] : f32 from vector<1xf32>
        %broadcast_in_dim3A_1423 = vector.broadcast %squeeze3A_1422 : f32 to vector<16xf32>
        %get3A_1424 = arith.constant 1 : i32
        %get3A_1425 = arith.index_cast %get3A_1424 : i32 to index
        %get3A_1426 = arith.index_cast %add3A_1420 : i32 to index
        %get3A_1427 = arith.constant 0 : index
        %get3A_1428 = tpu.vector_load %arg7[%get3A_1425, %get3A_1426, %get3A_1427] {strides = array<i32>} : memref<2x208x64xi32, #tpu.memory_space<vmem>>, vector<1x1x16xi32>,
        %get3A_1429 = vector.shape_cast %get3A_1428 : vector<1x1x16xi32> to vector<16xi32>
        %shift_left3A_1430 = arith.constant 16 : i32
        %shift_left3A_1431 = vector.broadcast %shift_left3A_1430 : i32 to vector<16xi32>
        %shift_left3A_1432 = arith.shli %get3A_1429, %shift_left3A_1431 : vector<16xi32>
        %bitcast_convert_type3A_1433 = tpu.bitcast %shift_left3A_1432 : vector<16xi32> -> vector<16xf32>
        %and3A_1434 = arith.constant -65536 : i32
        %and3A_1435 = vector.broadcast %and3A_1434 : i32 to vector<16xi32>
        %and3A_1436 = arith.andi %get3A_1429, %and3A_1435 : vector<16xi32>
        %bitcast_convert_type3A_1437 = tpu.bitcast %and3A_1436 : vector<16xi32> -> vector<16xf32>
        %mul3A_1438 = arith.mulf %broadcast_in_dim3A_1423, %bitcast_convert_type3A_1433 : vector<16xf32>
        %add3A_1439 = arith.addf %add3A_1360, %mul3A_1438 : vector<16xf32>
        %mul3A_1440 = arith.mulf %broadcast_in_dim3A_1423, %bitcast_convert_type3A_1437 : vector<16xf32>
        %add3A_1441 = arith.addf %add3A_1362, %mul3A_1440 : vector<16xf32>
        %get3A_1442 = arith.constant 1 : i32
        %get3A_1443 = arith.index_cast %get3A_1442 : i32 to index
        %get3A_1444 = arith.index_cast %add3A_1420 : i32 to index
        %get3A_1445 = arith.constant 16 : index
        %get3A_1446 = tpu.vector_load %arg7[%get3A_1443, %get3A_1444, %get3A_1445] {strides = array<i32>} : memref<2x208x64xi32, #tpu.memory_space<vmem>>, vector<1x1x16xi32>,
        %get3A_1447 = vector.shape_cast %get3A_1446 : vector<1x1x16xi32> to vector<16xi32>
        %shift_left3A_1448 = arith.constant 16 : i32
        %shift_left3A_1449 = vector.broadcast %shift_left3A_1448 : i32 to vector<16xi32>
        %shift_left3A_1450 = arith.shli %get3A_1447, %shift_left3A_1449 : vector<16xi32>
        %bitcast_convert_type3A_1451 = tpu.bitcast %shift_left3A_1450 : vector<16xi32> -> vector<16xf32>
        %and3A_1452 = arith.constant -65536 : i32
        %and3A_1453 = vector.broadcast %and3A_1452 : i32 to vector<16xi32>
        %and3A_1454 = arith.andi %get3A_1447, %and3A_1453 : vector<16xi32>
        %bitcast_convert_type3A_1455 = tpu.bitcast %and3A_1454 : vector<16xi32> -> vector<16xf32>
        %mul3A_1456 = arith.mulf %broadcast_in_dim3A_1423, %bitcast_convert_type3A_1451 : vector<16xf32>
        %add3A_1457 = arith.addf %add3A_1378, %mul3A_1456 : vector<16xf32>
        %mul3A_1458 = arith.mulf %broadcast_in_dim3A_1423, %bitcast_convert_type3A_1455 : vector<16xf32>
        %add3A_1459 = arith.addf %add3A_1380, %mul3A_1458 : vector<16xf32>
        %get3A_1460 = arith.constant 1 : i32
        %get3A_1461 = arith.index_cast %get3A_1460 : i32 to index
        %get3A_1462 = arith.index_cast %add3A_1420 : i32 to index
        %get3A_1463 = arith.constant 32 : index
        %get3A_1464 = tpu.vector_load %arg7[%get3A_1461, %get3A_1462, %get3A_1463] {strides = array<i32>} : memref<2x208x64xi32, #tpu.memory_space<vmem>>, vector<1x1x16xi32>,
        %get3A_1465 = vector.shape_cast %get3A_1464 : vector<1x1x16xi32> to vector<16xi32>
        %shift_left3A_1466 = arith.constant 16 : i32
        %shift_left3A_1467 = vector.broadcast %shift_left3A_1466 : i32 to vector<16xi32>
        %shift_left3A_1468 = arith.shli %get3A_1465, %shift_left3A_1467 : vector<16xi32>
        %bitcast_convert_type3A_1469 = tpu.bitcast %shift_left3A_1468 : vector<16xi32> -> vector<16xf32>
        %and3A_1470 = arith.constant -65536 : i32
        %and3A_1471 = vector.broadcast %and3A_1470 : i32 to vector<16xi32>
        %and3A_1472 = arith.andi %get3A_1465, %and3A_1471 : vector<16xi32>
        %bitcast_convert_type3A_1473 = tpu.bitcast %and3A_1472 : vector<16xi32> -> vector<16xf32>
        %mul3A_1474 = arith.mulf %broadcast_in_dim3A_1423, %bitcast_convert_type3A_1469 : vector<16xf32>
        %add3A_1475 = arith.addf %add3A_1396, %mul3A_1474 : vector<16xf32>
        %mul3A_1476 = arith.mulf %broadcast_in_dim3A_1423, %bitcast_convert_type3A_1473 : vector<16xf32>
        %add3A_1477 = arith.addf %add3A_1398, %mul3A_1476 : vector<16xf32>
        %get3A_1478 = arith.constant 1 : i32
        %get3A_1479 = arith.index_cast %get3A_1478 : i32 to index
        %get3A_1480 = arith.index_cast %add3A_1420 : i32 to index
        %get3A_1481 = arith.constant 48 : index
        %get3A_1482 = tpu.vector_load %arg7[%get3A_1479, %get3A_1480, %get3A_1481] {strides = array<i32>} : memref<2x208x64xi32, #tpu.memory_space<vmem>>, vector<1x1x16xi32>,
        %get3A_1483 = vector.shape_cast %get3A_1482 : vector<1x1x16xi32> to vector<16xi32>
        %shift_left3A_1484 = arith.constant 16 : i32
        %shift_left3A_1485 = vector.broadcast %shift_left3A_1484 : i32 to vector<16xi32>
        %shift_left3A_1486 = arith.shli %get3A_1483, %shift_left3A_1485 : vector<16xi32>
        %bitcast_convert_type3A_1487 = tpu.bitcast %shift_left3A_1486 : vector<16xi32> -> vector<16xf32>
        %and3A_1488 = arith.constant -65536 : i32
        %and3A_1489 = vector.broadcast %and3A_1488 : i32 to vector<16xi32>
        %and3A_1490 = arith.andi %get3A_1483, %and3A_1489 : vector<16xi32>
        %bitcast_convert_type3A_1491 = tpu.bitcast %and3A_1490 : vector<16xi32> -> vector<16xf32>
        %mul3A_1492 = arith.mulf %broadcast_in_dim3A_1423, %bitcast_convert_type3A_1487 : vector<16xf32>
        %add3A_1493 = arith.addf %add3A_1414, %mul3A_1492 : vector<16xf32>
        %mul3A_1494 = arith.mulf %broadcast_in_dim3A_1423, %bitcast_convert_type3A_1491 : vector<16xf32>
        %add3A_1495 = arith.addf %add3A_1416, %mul3A_1494 : vector<16xf32>
        %mul3A_1496 = arith.constant 16 : i32
        %mul3A_1497 = arith.muli %scan3A_1001, %mul3A_1496 : i32
        %add3A_1498 = arith.constant 6 : i32
        %add3A_1499 = arith.addi %mul3A_1497, %add3A_1498 : i32
        %slice3A_1500 = vector.extract_strided_slice %div3A_1024 {offsets = [6], sizes = [1], strides = [1]} : vector<16xf32> to vector<1xf32>
        %squeeze3A_1501 = vector.extract %slice3A_1500[0] : f32 from vector<1xf32>
        %broadcast_in_dim3A_1502 = vector.broadcast %squeeze3A_1501 : f32 to vector<16xf32>
        %get3A_1503 = arith.constant 1 : i32
        %get3A_1504 = arith.index_cast %get3A_1503 : i32 to index
        %get3A_1505 = arith.index_cast %add3A_1499 : i32 to index
        %get3A_1506 = arith.constant 0 : index
        %get3A_1507 = tpu.vector_load %arg7[%get3A_1504, %get3A_1505, %get3A_1506] {strides = array<i32>} : memref<2x208x64xi32, #tpu.memory_space<vmem>>, vector<1x1x16xi32>,
        %get3A_1508 = vector.shape_cast %get3A_1507 : vector<1x1x16xi32> to vector<16xi32>
        %shift_left3A_1509 = arith.constant 16 : i32
        %shift_left3A_1510 = vector.broadcast %shift_left3A_1509 : i32 to vector<16xi32>
        %shift_left3A_1511 = arith.shli %get3A_1508, %shift_left3A_1510 : vector<16xi32>
        %bitcast_convert_type3A_1512 = tpu.bitcast %shift_left3A_1511 : vector<16xi32> -> vector<16xf32>
        %and3A_1513 = arith.constant -65536 : i32
        %and3A_1514 = vector.broadcast %and3A_1513 : i32 to vector<16xi32>
        %and3A_1515 = arith.andi %get3A_1508, %and3A_1514 : vector<16xi32>
        %bitcast_convert_type3A_1516 = tpu.bitcast %and3A_1515 : vector<16xi32> -> vector<16xf32>
        %mul3A_1517 = arith.mulf %broadcast_in_dim3A_1502, %bitcast_convert_type3A_1512 : vector<16xf32>
        %add3A_1518 = arith.addf %add3A_1439, %mul3A_1517 : vector<16xf32>
        %mul3A_1519 = arith.mulf %broadcast_in_dim3A_1502, %bitcast_convert_type3A_1516 : vector<16xf32>
        %add3A_1520 = arith.addf %add3A_1441, %mul3A_1519 : vector<16xf32>
        %get3A_1521 = arith.constant 1 : i32
        %get3A_1522 = arith.index_cast %get3A_1521 : i32 to index
        %get3A_1523 = arith.index_cast %add3A_1499 : i32 to index
        %get3A_1524 = arith.constant 16 : index
        %get3A_1525 = tpu.vector_load %arg7[%get3A_1522, %get3A_1523, %get3A_1524] {strides = array<i32>} : memref<2x208x64xi32, #tpu.memory_space<vmem>>, vector<1x1x16xi32>,
        %get3A_1526 = vector.shape_cast %get3A_1525 : vector<1x1x16xi32> to vector<16xi32>
        %shift_left3A_1527 = arith.constant 16 : i32
        %shift_left3A_1528 = vector.broadcast %shift_left3A_1527 : i32 to vector<16xi32>
        %shift_left3A_1529 = arith.shli %get3A_1526, %shift_left3A_1528 : vector<16xi32>
        %bitcast_convert_type3A_1530 = tpu.bitcast %shift_left3A_1529 : vector<16xi32> -> vector<16xf32>
        %and3A_1531 = arith.constant -65536 : i32
        %and3A_1532 = vector.broadcast %and3A_1531 : i32 to vector<16xi32>
        %and3A_1533 = arith.andi %get3A_1526, %and3A_1532 : vector<16xi32>
        %bitcast_convert_type3A_1534 = tpu.bitcast %and3A_1533 : vector<16xi32> -> vector<16xf32>
        %mul3A_1535 = arith.mulf %broadcast_in_dim3A_1502, %bitcast_convert_type3A_1530 : vector<16xf32>
        %add3A_1536 = arith.addf %add3A_1457, %mul3A_1535 : vector<16xf32>
        %mul3A_1537 = arith.mulf %broadcast_in_dim3A_1502, %bitcast_convert_type3A_1534 : vector<16xf32>
        %add3A_1538 = arith.addf %add3A_1459, %mul3A_1537 : vector<16xf32>
        %get3A_1539 = arith.constant 1 : i32
        %get3A_1540 = arith.index_cast %get3A_1539 : i32 to index
        %get3A_1541 = arith.index_cast %add3A_1499 : i32 to index
        %get3A_1542 = arith.constant 32 : index
        %get3A_1543 = tpu.vector_load %arg7[%get3A_1540, %get3A_1541, %get3A_1542] {strides = array<i32>} : memref<2x208x64xi32, #tpu.memory_space<vmem>>, vector<1x1x16xi32>,
        %get3A_1544 = vector.shape_cast %get3A_1543 : vector<1x1x16xi32> to vector<16xi32>
        %shift_left3A_1545 = arith.constant 16 : i32
        %shift_left3A_1546 = vector.broadcast %shift_left3A_1545 : i32 to vector<16xi32>
        %shift_left3A_1547 = arith.shli %get3A_1544, %shift_left3A_1546 : vector<16xi32>
        %bitcast_convert_type3A_1548 = tpu.bitcast %shift_left3A_1547 : vector<16xi32> -> vector<16xf32>
        %and3A_1549 = arith.constant -65536 : i32
        %and3A_1550 = vector.broadcast %and3A_1549 : i32 to vector<16xi32>
        %and3A_1551 = arith.andi %get3A_1544, %and3A_1550 : vector<16xi32>
        %bitcast_convert_type3A_1552 = tpu.bitcast %and3A_1551 : vector<16xi32> -> vector<16xf32>
        %mul3A_1553 = arith.mulf %broadcast_in_dim3A_1502, %bitcast_convert_type3A_1548 : vector<16xf32>
        %add3A_1554 = arith.addf %add3A_1475, %mul3A_1553 : vector<16xf32>
        %mul3A_1555 = arith.mulf %broadcast_in_dim3A_1502, %bitcast_convert_type3A_1552 : vector<16xf32>
        %add3A_1556 = arith.addf %add3A_1477, %mul3A_1555 : vector<16xf32>
        %get3A_1557 = arith.constant 1 : i32
        %get3A_1558 = arith.index_cast %get3A_1557 : i32 to index
        %get3A_1559 = arith.index_cast %add3A_1499 : i32 to index
        %get3A_1560 = arith.constant 48 : index
        %get3A_1561 = tpu.vector_load %arg7[%get3A_1558, %get3A_1559, %get3A_1560] {strides = array<i32>} : memref<2x208x64xi32, #tpu.memory_space<vmem>>, vector<1x1x16xi32>,
        %get3A_1562 = vector.shape_cast %get3A_1561 : vector<1x1x16xi32> to vector<16xi32>
        %shift_left3A_1563 = arith.constant 16 : i32
        %shift_left3A_1564 = vector.broadcast %shift_left3A_1563 : i32 to vector<16xi32>
        %shift_left3A_1565 = arith.shli %get3A_1562, %shift_left3A_1564 : vector<16xi32>
        %bitcast_convert_type3A_1566 = tpu.bitcast %shift_left3A_1565 : vector<16xi32> -> vector<16xf32>
        %and3A_1567 = arith.constant -65536 : i32
        %and3A_1568 = vector.broadcast %and3A_1567 : i32 to vector<16xi32>
        %and3A_1569 = arith.andi %get3A_1562, %and3A_1568 : vector<16xi32>
        %bitcast_convert_type3A_1570 = tpu.bitcast %and3A_1569 : vector<16xi32> -> vector<16xf32>
        %mul3A_1571 = arith.mulf %broadcast_in_dim3A_1502, %bitcast_convert_type3A_1566 : vector<16xf32>
        %add3A_1572 = arith.addf %add3A_1493, %mul3A_1571 : vector<16xf32>
        %mul3A_1573 = arith.mulf %broadcast_in_dim3A_1502, %bitcast_convert_type3A_1570 : vector<16xf32>
        %add3A_1574 = arith.addf %add3A_1495, %mul3A_1573 : vector<16xf32>
        %mul3A_1575 = arith.constant 16 : i32
        %mul3A_1576 = arith.muli %scan3A_1001, %mul3A_1575 : i32
        %add3A_1577 = arith.constant 7 : i32
        %add3A_1578 = arith.addi %mul3A_1576, %add3A_1577 : i32
        %slice3A_1579 = vector.extract_strided_slice %div3A_1024 {offsets = [7], sizes = [1], strides = [1]} : vector<16xf32> to vector<1xf32>
        %squeeze3A_1580 = vector.extract %slice3A_1579[0] : f32 from vector<1xf32>
        %broadcast_in_dim3A_1581 = vector.broadcast %squeeze3A_1580 : f32 to vector<16xf32>
        %get3A_1582 = arith.constant 1 : i32
        %get3A_1583 = arith.index_cast %get3A_1582 : i32 to index
        %get3A_1584 = arith.index_cast %add3A_1578 : i32 to index
        %get3A_1585 = arith.constant 0 : index
        %get3A_1586 = tpu.vector_load %arg7[%get3A_1583, %get3A_1584, %get3A_1585] {strides = array<i32>} : memref<2x208x64xi32, #tpu.memory_space<vmem>>, vector<1x1x16xi32>,
        %get3A_1587 = vector.shape_cast %get3A_1586 : vector<1x1x16xi32> to vector<16xi32>
        %shift_left3A_1588 = arith.constant 16 : i32
        %shift_left3A_1589 = vector.broadcast %shift_left3A_1588 : i32 to vector<16xi32>
        %shift_left3A_1590 = arith.shli %get3A_1587, %shift_left3A_1589 : vector<16xi32>
        %bitcast_convert_type3A_1591 = tpu.bitcast %shift_left3A_1590 : vector<16xi32> -> vector<16xf32>
        %and3A_1592 = arith.constant -65536 : i32
        %and3A_1593 = vector.broadcast %and3A_1592 : i32 to vector<16xi32>
        %and3A_1594 = arith.andi %get3A_1587, %and3A_1593 : vector<16xi32>
        %bitcast_convert_type3A_1595 = tpu.bitcast %and3A_1594 : vector<16xi32> -> vector<16xf32>
        %mul3A_1596 = arith.mulf %broadcast_in_dim3A_1581, %bitcast_convert_type3A_1591 : vector<16xf32>
        %add3A_1597 = arith.addf %add3A_1518, %mul3A_1596 : vector<16xf32>
        %mul3A_1598 = arith.mulf %broadcast_in_dim3A_1581, %bitcast_convert_type3A_1595 : vector<16xf32>
        %add3A_1599 = arith.addf %add3A_1520, %mul3A_1598 : vector<16xf32>
        %get3A_1600 = arith.constant 1 : i32
        %get3A_1601 = arith.index_cast %get3A_1600 : i32 to index
        %get3A_1602 = arith.index_cast %add3A_1578 : i32 to index
        %get3A_1603 = arith.constant 16 : index
        %get3A_1604 = tpu.vector_load %arg7[%get3A_1601, %get3A_1602, %get3A_1603] {strides = array<i32>} : memref<2x208x64xi32, #tpu.memory_space<vmem>>, vector<1x1x16xi32>,
        %get3A_1605 = vector.shape_cast %get3A_1604 : vector<1x1x16xi32> to vector<16xi32>
        %shift_left3A_1606 = arith.constant 16 : i32
        %shift_left3A_1607 = vector.broadcast %shift_left3A_1606 : i32 to vector<16xi32>
        %shift_left3A_1608 = arith.shli %get3A_1605, %shift_left3A_1607 : vector<16xi32>
        %bitcast_convert_type3A_1609 = tpu.bitcast %shift_left3A_1608 : vector<16xi32> -> vector<16xf32>
        %and3A_1610 = arith.constant -65536 : i32
        %and3A_1611 = vector.broadcast %and3A_1610 : i32 to vector<16xi32>
        %and3A_1612 = arith.andi %get3A_1605, %and3A_1611 : vector<16xi32>
        %bitcast_convert_type3A_1613 = tpu.bitcast %and3A_1612 : vector<16xi32> -> vector<16xf32>
        %mul3A_1614 = arith.mulf %broadcast_in_dim3A_1581, %bitcast_convert_type3A_1609 : vector<16xf32>
        %add3A_1615 = arith.addf %add3A_1536, %mul3A_1614 : vector<16xf32>
        %mul3A_1616 = arith.mulf %broadcast_in_dim3A_1581, %bitcast_convert_type3A_1613 : vector<16xf32>
        %add3A_1617 = arith.addf %add3A_1538, %mul3A_1616 : vector<16xf32>
        %get3A_1618 = arith.constant 1 : i32
        %get3A_1619 = arith.index_cast %get3A_1618 : i32 to index
        %get3A_1620 = arith.index_cast %add3A_1578 : i32 to index
        %get3A_1621 = arith.constant 32 : index
        %get3A_1622 = tpu.vector_load %arg7[%get3A_1619, %get3A_1620, %get3A_1621] {strides = array<i32>} : memref<2x208x64xi32, #tpu.memory_space<vmem>>, vector<1x1x16xi32>,
        %get3A_1623 = vector.shape_cast %get3A_1622 : vector<1x1x16xi32> to vector<16xi32>
        %shift_left3A_1624 = arith.constant 16 : i32
        %shift_left3A_1625 = vector.broadcast %shift_left3A_1624 : i32 to vector<16xi32>
        %shift_left3A_1626 = arith.shli %get3A_1623, %shift_left3A_1625 : vector<16xi32>
        %bitcast_convert_type3A_1627 = tpu.bitcast %shift_left3A_1626 : vector<16xi32> -> vector<16xf32>
        %and3A_1628 = arith.constant -65536 : i32
        %and3A_1629 = vector.broadcast %and3A_1628 : i32 to vector<16xi32>
        %and3A_1630 = arith.andi %get3A_1623, %and3A_1629 : vector<16xi32>
        %bitcast_convert_type3A_1631 = tpu.bitcast %and3A_1630 : vector<16xi32> -> vector<16xf32>
        %mul3A_1632 = arith.mulf %broadcast_in_dim3A_1581, %bitcast_convert_type3A_1627 : vector<16xf32>
        %add3A_1633 = arith.addf %add3A_1554, %mul3A_1632 : vector<16xf32>
        %mul3A_1634 = arith.mulf %broadcast_in_dim3A_1581, %bitcast_convert_type3A_1631 : vector<16xf32>
        %add3A_1635 = arith.addf %add3A_1556, %mul3A_1634 : vector<16xf32>
        %get3A_1636 = arith.constant 1 : i32
        %get3A_1637 = arith.index_cast %get3A_1636 : i32 to index
        %get3A_1638 = arith.index_cast %add3A_1578 : i32 to index
        %get3A_1639 = arith.constant 48 : index
        %get3A_1640 = tpu.vector_load %arg7[%get3A_1637, %get3A_1638, %get3A_1639] {strides = array<i32>} : memref<2x208x64xi32, #tpu.memory_space<vmem>>, vector<1x1x16xi32>,
        %get3A_1641 = vector.shape_cast %get3A_1640 : vector<1x1x16xi32> to vector<16xi32>
        %shift_left3A_1642 = arith.constant 16 : i32
        %shift_left3A_1643 = vector.broadcast %shift_left3A_1642 : i32 to vector<16xi32>
        %shift_left3A_1644 = arith.shli %get3A_1641, %shift_left3A_1643 : vector<16xi32>
        %bitcast_convert_type3A_1645 = tpu.bitcast %shift_left3A_1644 : vector<16xi32> -> vector<16xf32>
        %and3A_1646 = arith.constant -65536 : i32
        %and3A_1647 = vector.broadcast %and3A_1646 : i32 to vector<16xi32>
        %and3A_1648 = arith.andi %get3A_1641, %and3A_1647 : vector<16xi32>
        %bitcast_convert_type3A_1649 = tpu.bitcast %and3A_1648 : vector<16xi32> -> vector<16xf32>
        %mul3A_1650 = arith.mulf %broadcast_in_dim3A_1581, %bitcast_convert_type3A_1645 : vector<16xf32>
        %add3A_1651 = arith.addf %add3A_1572, %mul3A_1650 : vector<16xf32>
        %mul3A_1652 = arith.mulf %broadcast_in_dim3A_1581, %bitcast_convert_type3A_1649 : vector<16xf32>
        %add3A_1653 = arith.addf %add3A_1574, %mul3A_1652 : vector<16xf32>
        %mul3A_1654 = arith.constant 16 : i32
        %mul3A_1655 = arith.muli %scan3A_1001, %mul3A_1654 : i32
        %add3A_1656 = arith.constant 8 : i32
        %add3A_1657 = arith.addi %mul3A_1655, %add3A_1656 : i32
        %slice3A_1658 = vector.extract_strided_slice %div3A_1024 {offsets = [8], sizes = [1], strides = [1]} : vector<16xf32> to vector<1xf32>
        %squeeze3A_1659 = vector.extract %slice3A_1658[0] : f32 from vector<1xf32>
        %broadcast_in_dim3A_1660 = vector.broadcast %squeeze3A_1659 : f32 to vector<16xf32>
        %get3A_1661 = arith.constant 1 : i32
        %get3A_1662 = arith.index_cast %get3A_1661 : i32 to index
        %get3A_1663 = arith.index_cast %add3A_1657 : i32 to index
        %get3A_1664 = arith.constant 0 : index
        %get3A_1665 = tpu.vector_load %arg7[%get3A_1662, %get3A_1663, %get3A_1664] {strides = array<i32>} : memref<2x208x64xi32, #tpu.memory_space<vmem>>, vector<1x1x16xi32>,
        %get3A_1666 = vector.shape_cast %get3A_1665 : vector<1x1x16xi32> to vector<16xi32>
        %shift_left3A_1667 = arith.constant 16 : i32
        %shift_left3A_1668 = vector.broadcast %shift_left3A_1667 : i32 to vector<16xi32>
        %shift_left3A_1669 = arith.shli %get3A_1666, %shift_left3A_1668 : vector<16xi32>
        %bitcast_convert_type3A_1670 = tpu.bitcast %shift_left3A_1669 : vector<16xi32> -> vector<16xf32>
        %and3A_1671 = arith.constant -65536 : i32
        %and3A_1672 = vector.broadcast %and3A_1671 : i32 to vector<16xi32>
        %and3A_1673 = arith.andi %get3A_1666, %and3A_1672 : vector<16xi32>
        %bitcast_convert_type3A_1674 = tpu.bitcast %and3A_1673 : vector<16xi32> -> vector<16xf32>
        %mul3A_1675 = arith.mulf %broadcast_in_dim3A_1660, %bitcast_convert_type3A_1670 : vector<16xf32>
        %add3A_1676 = arith.addf %add3A_1597, %mul3A_1675 : vector<16xf32>
        %mul3A_1677 = arith.mulf %broadcast_in_dim3A_1660, %bitcast_convert_type3A_1674 : vector<16xf32>
        %add3A_1678 = arith.addf %add3A_1599, %mul3A_1677 : vector<16xf32>
        %get3A_1679 = arith.constant 1 : i32
        %get3A_1680 = arith.index_cast %get3A_1679 : i32 to index
        %get3A_1681 = arith.index_cast %add3A_1657 : i32 to index
        %get3A_1682 = arith.constant 16 : index
        %get3A_1683 = tpu.vector_load %arg7[%get3A_1680, %get3A_1681, %get3A_1682] {strides = array<i32>} : memref<2x208x64xi32, #tpu.memory_space<vmem>>, vector<1x1x16xi32>,
        %get3A_1684 = vector.shape_cast %get3A_1683 : vector<1x1x16xi32> to vector<16xi32>
        %shift_left3A_1685 = arith.constant 16 : i32
        %shift_left3A_1686 = vector.broadcast %shift_left3A_1685 : i32 to vector<16xi32>
        %shift_left3A_1687 = arith.shli %get3A_1684, %shift_left3A_1686 : vector<16xi32>
        %bitcast_convert_type3A_1688 = tpu.bitcast %shift_left3A_1687 : vector<16xi32> -> vector<16xf32>
        %and3A_1689 = arith.constant -65536 : i32
        %and3A_1690 = vector.broadcast %and3A_1689 : i32 to vector<16xi32>
        %and3A_1691 = arith.andi %get3A_1684, %and3A_1690 : vector<16xi32>
        %bitcast_convert_type3A_1692 = tpu.bitcast %and3A_1691 : vector<16xi32> -> vector<16xf32>
        %mul3A_1693 = arith.mulf %broadcast_in_dim3A_1660, %bitcast_convert_type3A_1688 : vector<16xf32>
        %add3A_1694 = arith.addf %add3A_1615, %mul3A_1693 : vector<16xf32>
        %mul3A_1695 = arith.mulf %broadcast_in_dim3A_1660, %bitcast_convert_type3A_1692 : vector<16xf32>
        %add3A_1696 = arith.addf %add3A_1617, %mul3A_1695 : vector<16xf32>
        %get3A_1697 = arith.constant 1 : i32
        %get3A_1698 = arith.index_cast %get3A_1697 : i32 to index
        %get3A_1699 = arith.index_cast %add3A_1657 : i32 to index
        %get3A_1700 = arith.constant 32 : index
        %get3A_1701 = tpu.vector_load %arg7[%get3A_1698, %get3A_1699, %get3A_1700] {strides = array<i32>} : memref<2x208x64xi32, #tpu.memory_space<vmem>>, vector<1x1x16xi32>,
        %get3A_1702 = vector.shape_cast %get3A_1701 : vector<1x1x16xi32> to vector<16xi32>
        %shift_left3A_1703 = arith.constant 16 : i32
        %shift_left3A_1704 = vector.broadcast %shift_left3A_1703 : i32 to vector<16xi32>
        %shift_left3A_1705 = arith.shli %get3A_1702, %shift_left3A_1704 : vector<16xi32>
        %bitcast_convert_type3A_1706 = tpu.bitcast %shift_left3A_1705 : vector<16xi32> -> vector<16xf32>
        %and3A_1707 = arith.constant -65536 : i32
        %and3A_1708 = vector.broadcast %and3A_1707 : i32 to vector<16xi32>
        %and3A_1709 = arith.andi %get3A_1702, %and3A_1708 : vector<16xi32>
        %bitcast_convert_type3A_1710 = tpu.bitcast %and3A_1709 : vector<16xi32> -> vector<16xf32>
        %mul3A_1711 = arith.mulf %broadcast_in_dim3A_1660, %bitcast_convert_type3A_1706 : vector<16xf32>
        %add3A_1712 = arith.addf %add3A_1633, %mul3A_1711 : vector<16xf32>
        %mul3A_1713 = arith.mulf %broadcast_in_dim3A_1660, %bitcast_convert_type3A_1710 : vector<16xf32>
        %add3A_1714 = arith.addf %add3A_1635, %mul3A_1713 : vector<16xf32>
        %get3A_1715 = arith.constant 1 : i32
        %get3A_1716 = arith.index_cast %get3A_1715 : i32 to index
        %get3A_1717 = arith.index_cast %add3A_1657 : i32 to index
        %get3A_1718 = arith.constant 48 : index
        %get3A_1719 = tpu.vector_load %arg7[%get3A_1716, %get3A_1717, %get3A_1718] {strides = array<i32>} : memref<2x208x64xi32, #tpu.memory_space<vmem>>, vector<1x1x16xi32>,
        %get3A_1720 = vector.shape_cast %get3A_1719 : vector<1x1x16xi32> to vector<16xi32>
        %shift_left3A_1721 = arith.constant 16 : i32
        %shift_left3A_1722 = vector.broadcast %shift_left3A_1721 : i32 to vector<16xi32>
        %shift_left3A_1723 = arith.shli %get3A_1720, %shift_left3A_1722 : vector<16xi32>
        %bitcast_convert_type3A_1724 = tpu.bitcast %shift_left3A_1723 : vector<16xi32> -> vector<16xf32>
        %and3A_1725 = arith.constant -65536 : i32
        %and3A_1726 = vector.broadcast %and3A_1725 : i32 to vector<16xi32>
        %and3A_1727 = arith.andi %get3A_1720, %and3A_1726 : vector<16xi32>
        %bitcast_convert_type3A_1728 = tpu.bitcast %and3A_1727 : vector<16xi32> -> vector<16xf32>
        %mul3A_1729 = arith.mulf %broadcast_in_dim3A_1660, %bitcast_convert_type3A_1724 : vector<16xf32>
        %add3A_1730 = arith.addf %add3A_1651, %mul3A_1729 : vector<16xf32>
        %mul3A_1731 = arith.mulf %broadcast_in_dim3A_1660, %bitcast_convert_type3A_1728 : vector<16xf32>
        %add3A_1732 = arith.addf %add3A_1653, %mul3A_1731 : vector<16xf32>
        %mul3A_1733 = arith.constant 16 : i32
        %mul3A_1734 = arith.muli %scan3A_1001, %mul3A_1733 : i32
        %add3A_1735 = arith.constant 9 : i32
        %add3A_1736 = arith.addi %mul3A_1734, %add3A_1735 : i32
        %slice3A_1737 = vector.extract_strided_slice %div3A_1024 {offsets = [9], sizes = [1], strides = [1]} : vector<16xf32> to vector<1xf32>
        %squeeze3A_1738 = vector.extract %slice3A_1737[0] : f32 from vector<1xf32>
        %broadcast_in_dim3A_1739 = vector.broadcast %squeeze3A_1738 : f32 to vector<16xf32>
        %get3A_1740 = arith.constant 1 : i32
        %get3A_1741 = arith.index_cast %get3A_1740 : i32 to index
        %get3A_1742 = arith.index_cast %add3A_1736 : i32 to index
        %get3A_1743 = arith.constant 0 : index
        %get3A_1744 = tpu.vector_load %arg7[%get3A_1741, %get3A_1742, %get3A_1743] {strides = array<i32>} : memref<2x208x64xi32, #tpu.memory_space<vmem>>, vector<1x1x16xi32>,
        %get3A_1745 = vector.shape_cast %get3A_1744 : vector<1x1x16xi32> to vector<16xi32>
        %shift_left3A_1746 = arith.constant 16 : i32
        %shift_left3A_1747 = vector.broadcast %shift_left3A_1746 : i32 to vector<16xi32>
        %shift_left3A_1748 = arith.shli %get3A_1745, %shift_left3A_1747 : vector<16xi32>
        %bitcast_convert_type3A_1749 = tpu.bitcast %shift_left3A_1748 : vector<16xi32> -> vector<16xf32>
        %and3A_1750 = arith.constant -65536 : i32
        %and3A_1751 = vector.broadcast %and3A_1750 : i32 to vector<16xi32>
        %and3A_1752 = arith.andi %get3A_1745, %and3A_1751 : vector<16xi32>
        %bitcast_convert_type3A_1753 = tpu.bitcast %and3A_1752 : vector<16xi32> -> vector<16xf32>
        %mul3A_1754 = arith.mulf %broadcast_in_dim3A_1739, %bitcast_convert_type3A_1749 : vector<16xf32>
        %add3A_1755 = arith.addf %add3A_1676, %mul3A_1754 : vector<16xf32>
        %mul3A_1756 = arith.mulf %broadcast_in_dim3A_1739, %bitcast_convert_type3A_1753 : vector<16xf32>
        %add3A_1757 = arith.addf %add3A_1678, %mul3A_1756 : vector<16xf32>
        %get3A_1758 = arith.constant 1 : i32
        %get3A_1759 = arith.index_cast %get3A_1758 : i32 to index
        %get3A_1760 = arith.index_cast %add3A_1736 : i32 to index
        %get3A_1761 = arith.constant 16 : index
        %get3A_1762 = tpu.vector_load %arg7[%get3A_1759, %get3A_1760, %get3A_1761] {strides = array<i32>} : memref<2x208x64xi32, #tpu.memory_space<vmem>>, vector<1x1x16xi32>,
        %get3A_1763 = vector.shape_cast %get3A_1762 : vector<1x1x16xi32> to vector<16xi32>
        %shift_left3A_1764 = arith.constant 16 : i32
        %shift_left3A_1765 = vector.broadcast %shift_left3A_1764 : i32 to vector<16xi32>
        %shift_left3A_1766 = arith.shli %get3A_1763, %shift_left3A_1765 : vector<16xi32>
        %bitcast_convert_type3A_1767 = tpu.bitcast %shift_left3A_1766 : vector<16xi32> -> vector<16xf32>
        %and3A_1768 = arith.constant -65536 : i32
        %and3A_1769 = vector.broadcast %and3A_1768 : i32 to vector<16xi32>
        %and3A_1770 = arith.andi %get3A_1763, %and3A_1769 : vector<16xi32>
        %bitcast_convert_type3A_1771 = tpu.bitcast %and3A_1770 : vector<16xi32> -> vector<16xf32>
        %mul3A_1772 = arith.mulf %broadcast_in_dim3A_1739, %bitcast_convert_type3A_1767 : vector<16xf32>
        %add3A_1773 = arith.addf %add3A_1694, %mul3A_1772 : vector<16xf32>
        %mul3A_1774 = arith.mulf %broadcast_in_dim3A_1739, %bitcast_convert_type3A_1771 : vector<16xf32>
        %add3A_1775 = arith.addf %add3A_1696, %mul3A_1774 : vector<16xf32>
        %get3A_1776 = arith.constant 1 : i32
        %get3A_1777 = arith.index_cast %get3A_1776 : i32 to index
        %get3A_1778 = arith.index_cast %add3A_1736 : i32 to index
        %get3A_1779 = arith.constant 32 : index
        %get3A_1780 = tpu.vector_load %arg7[%get3A_1777, %get3A_1778, %get3A_1779] {strides = array<i32>} : memref<2x208x64xi32, #tpu.memory_space<vmem>>, vector<1x1x16xi32>,
        %get3A_1781 = vector.shape_cast %get3A_1780 : vector<1x1x16xi32> to vector<16xi32>
        %shift_left3A_1782 = arith.constant 16 : i32
        %shift_left3A_1783 = vector.broadcast %shift_left3A_1782 : i32 to vector<16xi32>
        %shift_left3A_1784 = arith.shli %get3A_1781, %shift_left3A_1783 : vector<16xi32>
        %bitcast_convert_type3A_1785 = tpu.bitcast %shift_left3A_1784 : vector<16xi32> -> vector<16xf32>
        %and3A_1786 = arith.constant -65536 : i32
        %and3A_1787 = vector.broadcast %and3A_1786 : i32 to vector<16xi32>
        %and3A_1788 = arith.andi %get3A_1781, %and3A_1787 : vector<16xi32>
        %bitcast_convert_type3A_1789 = tpu.bitcast %and3A_1788 : vector<16xi32> -> vector<16xf32>
        %mul3A_1790 = arith.mulf %broadcast_in_dim3A_1739, %bitcast_convert_type3A_1785 : vector<16xf32>
        %add3A_1791 = arith.addf %add3A_1712, %mul3A_1790 : vector<16xf32>
        %mul3A_1792 = arith.mulf %broadcast_in_dim3A_1739, %bitcast_convert_type3A_1789 : vector<16xf32>
        %add3A_1793 = arith.addf %add3A_1714, %mul3A_1792 : vector<16xf32>
        %get3A_1794 = arith.constant 1 : i32
        %get3A_1795 = arith.index_cast %get3A_1794 : i32 to index
        %get3A_1796 = arith.index_cast %add3A_1736 : i32 to index
        %get3A_1797 = arith.constant 48 : index
        %get3A_1798 = tpu.vector_load %arg7[%get3A_1795, %get3A_1796, %get3A_1797] {strides = array<i32>} : memref<2x208x64xi32, #tpu.memory_space<vmem>>, vector<1x1x16xi32>,
        %get3A_1799 = vector.shape_cast %get3A_1798 : vector<1x1x16xi32> to vector<16xi32>
        %shift_left3A_1800 = arith.constant 16 : i32
        %shift_left3A_1801 = vector.broadcast %shift_left3A_1800 : i32 to vector<16xi32>
        %shift_left3A_1802 = arith.shli %get3A_1799, %shift_left3A_1801 : vector<16xi32>
        %bitcast_convert_type3A_1803 = tpu.bitcast %shift_left3A_1802 : vector<16xi32> -> vector<16xf32>
        %and3A_1804 = arith.constant -65536 : i32
        %and3A_1805 = vector.broadcast %and3A_1804 : i32 to vector<16xi32>
        %and3A_1806 = arith.andi %get3A_1799, %and3A_1805 : vector<16xi32>
        %bitcast_convert_type3A_1807 = tpu.bitcast %and3A_1806 : vector<16xi32> -> vector<16xf32>
        %mul3A_1808 = arith.mulf %broadcast_in_dim3A_1739, %bitcast_convert_type3A_1803 : vector<16xf32>
        %add3A_1809 = arith.addf %add3A_1730, %mul3A_1808 : vector<16xf32>
        %mul3A_1810 = arith.mulf %broadcast_in_dim3A_1739, %bitcast_convert_type3A_1807 : vector<16xf32>
        %add3A_1811 = arith.addf %add3A_1732, %mul3A_1810 : vector<16xf32>
        %mul3A_1812 = arith.constant 16 : i32
        %mul3A_1813 = arith.muli %scan3A_1001, %mul3A_1812 : i32
        %add3A_1814 = arith.constant 10 : i32
        %add3A_1815 = arith.addi %mul3A_1813, %add3A_1814 : i32
        %slice3A_1816 = vector.extract_strided_slice %div3A_1024 {offsets = [10], sizes = [1], strides = [1]} : vector<16xf32> to vector<1xf32>
        %squeeze3A_1817 = vector.extract %slice3A_1816[0] : f32 from vector<1xf32>
        %broadcast_in_dim3A_1818 = vector.broadcast %squeeze3A_1817 : f32 to vector<16xf32>
        %get3A_1819 = arith.constant 1 : i32
        %get3A_1820 = arith.index_cast %get3A_1819 : i32 to index
        %get3A_1821 = arith.index_cast %add3A_1815 : i32 to index
        %get3A_1822 = arith.constant 0 : index
        %get3A_1823 = tpu.vector_load %arg7[%get3A_1820, %get3A_1821, %get3A_1822] {strides = array<i32>} : memref<2x208x64xi32, #tpu.memory_space<vmem>>, vector<1x1x16xi32>,
        %get3A_1824 = vector.shape_cast %get3A_1823 : vector<1x1x16xi32> to vector<16xi32>
        %shift_left3A_1825 = arith.constant 16 : i32
        %shift_left3A_1826 = vector.broadcast %shift_left3A_1825 : i32 to vector<16xi32>
        %shift_left3A_1827 = arith.shli %get3A_1824, %shift_left3A_1826 : vector<16xi32>
        %bitcast_convert_type3A_1828 = tpu.bitcast %shift_left3A_1827 : vector<16xi32> -> vector<16xf32>
        %and3A_1829 = arith.constant -65536 : i32
        %and3A_1830 = vector.broadcast %and3A_1829 : i32 to vector<16xi32>
        %and3A_1831 = arith.andi %get3A_1824, %and3A_1830 : vector<16xi32>
        %bitcast_convert_type3A_1832 = tpu.bitcast %and3A_1831 : vector<16xi32> -> vector<16xf32>
        %mul3A_1833 = arith.mulf %broadcast_in_dim3A_1818, %bitcast_convert_type3A_1828 : vector<16xf32>
        %add3A_1834 = arith.addf %add3A_1755, %mul3A_1833 : vector<16xf32>
        %mul3A_1835 = arith.mulf %broadcast_in_dim3A_1818, %bitcast_convert_type3A_1832 : vector<16xf32>
        %add3A_1836 = arith.addf %add3A_1757, %mul3A_1835 : vector<16xf32>
        %get3A_1837 = arith.constant 1 : i32
        %get3A_1838 = arith.index_cast %get3A_1837 : i32 to index
        %get3A_1839 = arith.index_cast %add3A_1815 : i32 to index
        %get3A_1840 = arith.constant 16 : index
        %get3A_1841 = tpu.vector_load %arg7[%get3A_1838, %get3A_1839, %get3A_1840] {strides = array<i32>} : memref<2x208x64xi32, #tpu.memory_space<vmem>>, vector<1x1x16xi32>,
        %get3A_1842 = vector.shape_cast %get3A_1841 : vector<1x1x16xi32> to vector<16xi32>
        %shift_left3A_1843 = arith.constant 16 : i32
        %shift_left3A_1844 = vector.broadcast %shift_left3A_1843 : i32 to vector<16xi32>
        %shift_left3A_1845 = arith.shli %get3A_1842, %shift_left3A_1844 : vector<16xi32>
        %bitcast_convert_type3A_1846 = tpu.bitcast %shift_left3A_1845 : vector<16xi32> -> vector<16xf32>
        %and3A_1847 = arith.constant -65536 : i32
        %and3A_1848 = vector.broadcast %and3A_1847 : i32 to vector<16xi32>
        %and3A_1849 = arith.andi %get3A_1842, %and3A_1848 : vector<16xi32>
        %bitcast_convert_type3A_1850 = tpu.bitcast %and3A_1849 : vector<16xi32> -> vector<16xf32>
        %mul3A_1851 = arith.mulf %broadcast_in_dim3A_1818, %bitcast_convert_type3A_1846 : vector<16xf32>
        %add3A_1852 = arith.addf %add3A_1773, %mul3A_1851 : vector<16xf32>
        %mul3A_1853 = arith.mulf %broadcast_in_dim3A_1818, %bitcast_convert_type3A_1850 : vector<16xf32>
        %add3A_1854 = arith.addf %add3A_1775, %mul3A_1853 : vector<16xf32>
        %get3A_1855 = arith.constant 1 : i32
        %get3A_1856 = arith.index_cast %get3A_1855 : i32 to index
        %get3A_1857 = arith.index_cast %add3A_1815 : i32 to index
        %get3A_1858 = arith.constant 32 : index
        %get3A_1859 = tpu.vector_load %arg7[%get3A_1856, %get3A_1857, %get3A_1858] {strides = array<i32>} : memref<2x208x64xi32, #tpu.memory_space<vmem>>, vector<1x1x16xi32>,
        %get3A_1860 = vector.shape_cast %get3A_1859 : vector<1x1x16xi32> to vector<16xi32>
        %shift_left3A_1861 = arith.constant 16 : i32
        %shift_left3A_1862 = vector.broadcast %shift_left3A_1861 : i32 to vector<16xi32>
        %shift_left3A_1863 = arith.shli %get3A_1860, %shift_left3A_1862 : vector<16xi32>
        %bitcast_convert_type3A_1864 = tpu.bitcast %shift_left3A_1863 : vector<16xi32> -> vector<16xf32>
        %and3A_1865 = arith.constant -65536 : i32
        %and3A_1866 = vector.broadcast %and3A_1865 : i32 to vector<16xi32>
        %and3A_1867 = arith.andi %get3A_1860, %and3A_1866 : vector<16xi32>
        %bitcast_convert_type3A_1868 = tpu.bitcast %and3A_1867 : vector<16xi32> -> vector<16xf32>
        %mul3A_1869 = arith.mulf %broadcast_in_dim3A_1818, %bitcast_convert_type3A_1864 : vector<16xf32>
        %add3A_1870 = arith.addf %add3A_1791, %mul3A_1869 : vector<16xf32>
        %mul3A_1871 = arith.mulf %broadcast_in_dim3A_1818, %bitcast_convert_type3A_1868 : vector<16xf32>
        %add3A_1872 = arith.addf %add3A_1793, %mul3A_1871 : vector<16xf32>
        %get3A_1873 = arith.constant 1 : i32
        %get3A_1874 = arith.index_cast %get3A_1873 : i32 to index
        %get3A_1875 = arith.index_cast %add3A_1815 : i32 to index
        %get3A_1876 = arith.constant 48 : index
        %get3A_1877 = tpu.vector_load %arg7[%get3A_1874, %get3A_1875, %get3A_1876] {strides = array<i32>} : memref<2x208x64xi32, #tpu.memory_space<vmem>>, vector<1x1x16xi32>,
        %get3A_1878 = vector.shape_cast %get3A_1877 : vector<1x1x16xi32> to vector<16xi32>
        %shift_left3A_1879 = arith.constant 16 : i32
        %shift_left3A_1880 = vector.broadcast %shift_left3A_1879 : i32 to vector<16xi32>
        %shift_left3A_1881 = arith.shli %get3A_1878, %shift_left3A_1880 : vector<16xi32>
        %bitcast_convert_type3A_1882 = tpu.bitcast %shift_left3A_1881 : vector<16xi32> -> vector<16xf32>
        %and3A_1883 = arith.constant -65536 : i32
        %and3A_1884 = vector.broadcast %and3A_1883 : i32 to vector<16xi32>
        %and3A_1885 = arith.andi %get3A_1878, %and3A_1884 : vector<16xi32>
        %bitcast_convert_type3A_1886 = tpu.bitcast %and3A_1885 : vector<16xi32> -> vector<16xf32>
        %mul3A_1887 = arith.mulf %broadcast_in_dim3A_1818, %bitcast_convert_type3A_1882 : vector<16xf32>
        %add3A_1888 = arith.addf %add3A_1809, %mul3A_1887 : vector<16xf32>
        %mul3A_1889 = arith.mulf %broadcast_in_dim3A_1818, %bitcast_convert_type3A_1886 : vector<16xf32>
        %add3A_1890 = arith.addf %add3A_1811, %mul3A_1889 : vector<16xf32>
        %mul3A_1891 = arith.constant 16 : i32
        %mul3A_1892 = arith.muli %scan3A_1001, %mul3A_1891 : i32
        %add3A_1893 = arith.constant 11 : i32
        %add3A_1894 = arith.addi %mul3A_1892, %add3A_1893 : i32
        %slice3A_1895 = vector.extract_strided_slice %div3A_1024 {offsets = [11], sizes = [1], strides = [1]} : vector<16xf32> to vector<1xf32>
        %squeeze3A_1896 = vector.extract %slice3A_1895[0] : f32 from vector<1xf32>
        %broadcast_in_dim3A_1897 = vector.broadcast %squeeze3A_1896 : f32 to vector<16xf32>
        %get3A_1898 = arith.constant 1 : i32
        %get3A_1899 = arith.index_cast %get3A_1898 : i32 to index
        %get3A_1900 = arith.index_cast %add3A_1894 : i32 to index
        %get3A_1901 = arith.constant 0 : index
        %get3A_1902 = tpu.vector_load %arg7[%get3A_1899, %get3A_1900, %get3A_1901] {strides = array<i32>} : memref<2x208x64xi32, #tpu.memory_space<vmem>>, vector<1x1x16xi32>,
        %get3A_1903 = vector.shape_cast %get3A_1902 : vector<1x1x16xi32> to vector<16xi32>
        %shift_left3A_1904 = arith.constant 16 : i32
        %shift_left3A_1905 = vector.broadcast %shift_left3A_1904 : i32 to vector<16xi32>
        %shift_left3A_1906 = arith.shli %get3A_1903, %shift_left3A_1905 : vector<16xi32>
        %bitcast_convert_type3A_1907 = tpu.bitcast %shift_left3A_1906 : vector<16xi32> -> vector<16xf32>
        %and3A_1908 = arith.constant -65536 : i32
        %and3A_1909 = vector.broadcast %and3A_1908 : i32 to vector<16xi32>
        %and3A_1910 = arith.andi %get3A_1903, %and3A_1909 : vector<16xi32>
        %bitcast_convert_type3A_1911 = tpu.bitcast %and3A_1910 : vector<16xi32> -> vector<16xf32>
        %mul3A_1912 = arith.mulf %broadcast_in_dim3A_1897, %bitcast_convert_type3A_1907 : vector<16xf32>
        %add3A_1913 = arith.addf %add3A_1834, %mul3A_1912 : vector<16xf32>
        %mul3A_1914 = arith.mulf %broadcast_in_dim3A_1897, %bitcast_convert_type3A_1911 : vector<16xf32>
        %add3A_1915 = arith.addf %add3A_1836, %mul3A_1914 : vector<16xf32>
        %get3A_1916 = arith.constant 1 : i32
        %get3A_1917 = arith.index_cast %get3A_1916 : i32 to index
        %get3A_1918 = arith.index_cast %add3A_1894 : i32 to index
        %get3A_1919 = arith.constant 16 : index
        %get3A_1920 = tpu.vector_load %arg7[%get3A_1917, %get3A_1918, %get3A_1919] {strides = array<i32>} : memref<2x208x64xi32, #tpu.memory_space<vmem>>, vector<1x1x16xi32>,
        %get3A_1921 = vector.shape_cast %get3A_1920 : vector<1x1x16xi32> to vector<16xi32>
        %shift_left3A_1922 = arith.constant 16 : i32
        %shift_left3A_1923 = vector.broadcast %shift_left3A_1922 : i32 to vector<16xi32>
        %shift_left3A_1924 = arith.shli %get3A_1921, %shift_left3A_1923 : vector<16xi32>
        %bitcast_convert_type3A_1925 = tpu.bitcast %shift_left3A_1924 : vector<16xi32> -> vector<16xf32>
        %and3A_1926 = arith.constant -65536 : i32
        %and3A_1927 = vector.broadcast %and3A_1926 : i32 to vector<16xi32>
        %and3A_1928 = arith.andi %get3A_1921, %and3A_1927 : vector<16xi32>
        %bitcast_convert_type3A_1929 = tpu.bitcast %and3A_1928 : vector<16xi32> -> vector<16xf32>
        %mul3A_1930 = arith.mulf %broadcast_in_dim3A_1897, %bitcast_convert_type3A_1925 : vector<16xf32>
        %add3A_1931 = arith.addf %add3A_1852, %mul3A_1930 : vector<16xf32>
        %mul3A_1932 = arith.mulf %broadcast_in_dim3A_1897, %bitcast_convert_type3A_1929 : vector<16xf32>
        %add3A_1933 = arith.addf %add3A_1854, %mul3A_1932 : vector<16xf32>
        %get3A_1934 = arith.constant 1 : i32
        %get3A_1935 = arith.index_cast %get3A_1934 : i32 to index
        %get3A_1936 = arith.index_cast %add3A_1894 : i32 to index
        %get3A_1937 = arith.constant 32 : index
        %get3A_1938 = tpu.vector_load %arg7[%get3A_1935, %get3A_1936, %get3A_1937] {strides = array<i32>} : memref<2x208x64xi32, #tpu.memory_space<vmem>>, vector<1x1x16xi32>,
        %get3A_1939 = vector.shape_cast %get3A_1938 : vector<1x1x16xi32> to vector<16xi32>
        %shift_left3A_1940 = arith.constant 16 : i32
        %shift_left3A_1941 = vector.broadcast %shift_left3A_1940 : i32 to vector<16xi32>
        %shift_left3A_1942 = arith.shli %get3A_1939, %shift_left3A_1941 : vector<16xi32>
        %bitcast_convert_type3A_1943 = tpu.bitcast %shift_left3A_1942 : vector<16xi32> -> vector<16xf32>
        %and3A_1944 = arith.constant -65536 : i32
        %and3A_1945 = vector.broadcast %and3A_1944 : i32 to vector<16xi32>
        %and3A_1946 = arith.andi %get3A_1939, %and3A_1945 : vector<16xi32>
        %bitcast_convert_type3A_1947 = tpu.bitcast %and3A_1946 : vector<16xi32> -> vector<16xf32>
        %mul3A_1948 = arith.mulf %broadcast_in_dim3A_1897, %bitcast_convert_type3A_1943 : vector<16xf32>
        %add3A_1949 = arith.addf %add3A_1870, %mul3A_1948 : vector<16xf32>
        %mul3A_1950 = arith.mulf %broadcast_in_dim3A_1897, %bitcast_convert_type3A_1947 : vector<16xf32>
        %add3A_1951 = arith.addf %add3A_1872, %mul3A_1950 : vector<16xf32>
        %get3A_1952 = arith.constant 1 : i32
        %get3A_1953 = arith.index_cast %get3A_1952 : i32 to index
        %get3A_1954 = arith.index_cast %add3A_1894 : i32 to index
        %get3A_1955 = arith.constant 48 : index
        %get3A_1956 = tpu.vector_load %arg7[%get3A_1953, %get3A_1954, %get3A_1955] {strides = array<i32>} : memref<2x208x64xi32, #tpu.memory_space<vmem>>, vector<1x1x16xi32>,
        %get3A_1957 = vector.shape_cast %get3A_1956 : vector<1x1x16xi32> to vector<16xi32>
        %shift_left3A_1958 = arith.constant 16 : i32
        %shift_left3A_1959 = vector.broadcast %shift_left3A_1958 : i32 to vector<16xi32>
        %shift_left3A_1960 = arith.shli %get3A_1957, %shift_left3A_1959 : vector<16xi32>
        %bitcast_convert_type3A_1961 = tpu.bitcast %shift_left3A_1960 : vector<16xi32> -> vector<16xf32>
        %and3A_1962 = arith.constant -65536 : i32
        %and3A_1963 = vector.broadcast %and3A_1962 : i32 to vector<16xi32>
        %and3A_1964 = arith.andi %get3A_1957, %and3A_1963 : vector<16xi32>
        %bitcast_convert_type3A_1965 = tpu.bitcast %and3A_1964 : vector<16xi32> -> vector<16xf32>
        %mul3A_1966 = arith.mulf %broadcast_in_dim3A_1897, %bitcast_convert_type3A_1961 : vector<16xf32>
        %add3A_1967 = arith.addf %add3A_1888, %mul3A_1966 : vector<16xf32>
        %mul3A_1968 = arith.mulf %broadcast_in_dim3A_1897, %bitcast_convert_type3A_1965 : vector<16xf32>
        %add3A_1969 = arith.addf %add3A_1890, %mul3A_1968 : vector<16xf32>
        %mul3A_1970 = arith.constant 16 : i32
        %mul3A_1971 = arith.muli %scan3A_1001, %mul3A_1970 : i32
        %add3A_1972 = arith.constant 12 : i32
        %add3A_1973 = arith.addi %mul3A_1971, %add3A_1972 : i32
        %slice3A_1974 = vector.extract_strided_slice %div3A_1024 {offsets = [12], sizes = [1], strides = [1]} : vector<16xf32> to vector<1xf32>
        %squeeze3A_1975 = vector.extract %slice3A_1974[0] : f32 from vector<1xf32>
        %broadcast_in_dim3A_1976 = vector.broadcast %squeeze3A_1975 : f32 to vector<16xf32>
        %get3A_1977 = arith.constant 1 : i32
        %get3A_1978 = arith.index_cast %get3A_1977 : i32 to index
        %get3A_1979 = arith.index_cast %add3A_1973 : i32 to index
        %get3A_1980 = arith.constant 0 : index
        %get3A_1981 = tpu.vector_load %arg7[%get3A_1978, %get3A_1979, %get3A_1980] {strides = array<i32>} : memref<2x208x64xi32, #tpu.memory_space<vmem>>, vector<1x1x16xi32>,
        %get3A_1982 = vector.shape_cast %get3A_1981 : vector<1x1x16xi32> to vector<16xi32>
        %shift_left3A_1983 = arith.constant 16 : i32
        %shift_left3A_1984 = vector.broadcast %shift_left3A_1983 : i32 to vector<16xi32>
        %shift_left3A_1985 = arith.shli %get3A_1982, %shift_left3A_1984 : vector<16xi32>
        %bitcast_convert_type3A_1986 = tpu.bitcast %shift_left3A_1985 : vector<16xi32> -> vector<16xf32>
        %and3A_1987 = arith.constant -65536 : i32
        %and3A_1988 = vector.broadcast %and3A_1987 : i32 to vector<16xi32>
        %and3A_1989 = arith.andi %get3A_1982, %and3A_1988 : vector<16xi32>
        %bitcast_convert_type3A_1990 = tpu.bitcast %and3A_1989 : vector<16xi32> -> vector<16xf32>
        %mul3A_1991 = arith.mulf %broadcast_in_dim3A_1976, %bitcast_convert_type3A_1986 : vector<16xf32>
        %add3A_1992 = arith.addf %add3A_1913, %mul3A_1991 : vector<16xf32>
        %mul3A_1993 = arith.mulf %broadcast_in_dim3A_1976, %bitcast_convert_type3A_1990 : vector<16xf32>
        %add3A_1994 = arith.addf %add3A_1915, %mul3A_1993 : vector<16xf32>
        %get3A_1995 = arith.constant 1 : i32
        %get3A_1996 = arith.index_cast %get3A_1995 : i32 to index
        %get3A_1997 = arith.index_cast %add3A_1973 : i32 to index
        %get3A_1998 = arith.constant 16 : index
        %get3A_1999 = tpu.vector_load %arg7[%get3A_1996, %get3A_1997, %get3A_1998] {strides = array<i32>} : memref<2x208x64xi32, #tpu.memory_space<vmem>>, vector<1x1x16xi32>,
        %get3A_2000 = vector.shape_cast %get3A_1999 : vector<1x1x16xi32> to vector<16xi32>
        %shift_left3A_2001 = arith.constant 16 : i32
        %shift_left3A_2002 = vector.broadcast %shift_left3A_2001 : i32 to vector<16xi32>
        %shift_left3A_2003 = arith.shli %get3A_2000, %shift_left3A_2002 : vector<16xi32>
        %bitcast_convert_type3A_2004 = tpu.bitcast %shift_left3A_2003 : vector<16xi32> -> vector<16xf32>
        %and3A_2005 = arith.constant -65536 : i32
        %and3A_2006 = vector.broadcast %and3A_2005 : i32 to vector<16xi32>
        %and3A_2007 = arith.andi %get3A_2000, %and3A_2006 : vector<16xi32>
        %bitcast_convert_type3A_2008 = tpu.bitcast %and3A_2007 : vector<16xi32> -> vector<16xf32>
        %mul3A_2009 = arith.mulf %broadcast_in_dim3A_1976, %bitcast_convert_type3A_2004 : vector<16xf32>
        %add3A_2010 = arith.addf %add3A_1931, %mul3A_2009 : vector<16xf32>
        %mul3A_2011 = arith.mulf %broadcast_in_dim3A_1976, %bitcast_convert_type3A_2008 : vector<16xf32>
        %add3A_2012 = arith.addf %add3A_1933, %mul3A_2011 : vector<16xf32>
        %get3A_2013 = arith.constant 1 : i32
        %get3A_2014 = arith.index_cast %get3A_2013 : i32 to index
        %get3A_2015 = arith.index_cast %add3A_1973 : i32 to index
        %get3A_2016 = arith.constant 32 : index
        %get3A_2017 = tpu.vector_load %arg7[%get3A_2014, %get3A_2015, %get3A_2016] {strides = array<i32>} : memref<2x208x64xi32, #tpu.memory_space<vmem>>, vector<1x1x16xi32>,
        %get3A_2018 = vector.shape_cast %get3A_2017 : vector<1x1x16xi32> to vector<16xi32>
        %shift_left3A_2019 = arith.constant 16 : i32
        %shift_left3A_2020 = vector.broadcast %shift_left3A_2019 : i32 to vector<16xi32>
        %shift_left3A_2021 = arith.shli %get3A_2018, %shift_left3A_2020 : vector<16xi32>
        %bitcast_convert_type3A_2022 = tpu.bitcast %shift_left3A_2021 : vector<16xi32> -> vector<16xf32>
        %and3A_2023 = arith.constant -65536 : i32
        %and3A_2024 = vector.broadcast %and3A_2023 : i32 to vector<16xi32>
        %and3A_2025 = arith.andi %get3A_2018, %and3A_2024 : vector<16xi32>
        %bitcast_convert_type3A_2026 = tpu.bitcast %and3A_2025 : vector<16xi32> -> vector<16xf32>
        %mul3A_2027 = arith.mulf %broadcast_in_dim3A_1976, %bitcast_convert_type3A_2022 : vector<16xf32>
        %add3A_2028 = arith.addf %add3A_1949, %mul3A_2027 : vector<16xf32>
        %mul3A_2029 = arith.mulf %broadcast_in_dim3A_1976, %bitcast_convert_type3A_2026 : vector<16xf32>
        %add3A_2030 = arith.addf %add3A_1951, %mul3A_2029 : vector<16xf32>
        %get3A_2031 = arith.constant 1 : i32
        %get3A_2032 = arith.index_cast %get3A_2031 : i32 to index
        %get3A_2033 = arith.index_cast %add3A_1973 : i32 to index
        %get3A_2034 = arith.constant 48 : index
        %get3A_2035 = tpu.vector_load %arg7[%get3A_2032, %get3A_2033, %get3A_2034] {strides = array<i32>} : memref<2x208x64xi32, #tpu.memory_space<vmem>>, vector<1x1x16xi32>,
        %get3A_2036 = vector.shape_cast %get3A_2035 : vector<1x1x16xi32> to vector<16xi32>
        %shift_left3A_2037 = arith.constant 16 : i32
        %shift_left3A_2038 = vector.broadcast %shift_left3A_2037 : i32 to vector<16xi32>
        %shift_left3A_2039 = arith.shli %get3A_2036, %shift_left3A_2038 : vector<16xi32>
        %bitcast_convert_type3A_2040 = tpu.bitcast %shift_left3A_2039 : vector<16xi32> -> vector<16xf32>
        %and3A_2041 = arith.constant -65536 : i32
        %and3A_2042 = vector.broadcast %and3A_2041 : i32 to vector<16xi32>
        %and3A_2043 = arith.andi %get3A_2036, %and3A_2042 : vector<16xi32>
        %bitcast_convert_type3A_2044 = tpu.bitcast %and3A_2043 : vector<16xi32> -> vector<16xf32>
        %mul3A_2045 = arith.mulf %broadcast_in_dim3A_1976, %bitcast_convert_type3A_2040 : vector<16xf32>
        %add3A_2046 = arith.addf %add3A_1967, %mul3A_2045 : vector<16xf32>
        %mul3A_2047 = arith.mulf %broadcast_in_dim3A_1976, %bitcast_convert_type3A_2044 : vector<16xf32>
        %add3A_2048 = arith.addf %add3A_1969, %mul3A_2047 : vector<16xf32>
        %mul3A_2049 = arith.constant 16 : i32
        %mul3A_2050 = arith.muli %scan3A_1001, %mul3A_2049 : i32
        %add3A_2051 = arith.constant 13 : i32
        %add3A_2052 = arith.addi %mul3A_2050, %add3A_2051 : i32
        %slice3A_2053 = vector.extract_strided_slice %div3A_1024 {offsets = [13], sizes = [1], strides = [1]} : vector<16xf32> to vector<1xf32>
        %squeeze3A_2054 = vector.extract %slice3A_2053[0] : f32 from vector<1xf32>
        %broadcast_in_dim3A_2055 = vector.broadcast %squeeze3A_2054 : f32 to vector<16xf32>
        %get3A_2056 = arith.constant 1 : i32
        %get3A_2057 = arith.index_cast %get3A_2056 : i32 to index
        %get3A_2058 = arith.index_cast %add3A_2052 : i32 to index
        %get3A_2059 = arith.constant 0 : index
        %get3A_2060 = tpu.vector_load %arg7[%get3A_2057, %get3A_2058, %get3A_2059] {strides = array<i32>} : memref<2x208x64xi32, #tpu.memory_space<vmem>>, vector<1x1x16xi32>,
        %get3A_2061 = vector.shape_cast %get3A_2060 : vector<1x1x16xi32> to vector<16xi32>
        %shift_left3A_2062 = arith.constant 16 : i32
        %shift_left3A_2063 = vector.broadcast %shift_left3A_2062 : i32 to vector<16xi32>
        %shift_left3A_2064 = arith.shli %get3A_2061, %shift_left3A_2063 : vector<16xi32>
        %bitcast_convert_type3A_2065 = tpu.bitcast %shift_left3A_2064 : vector<16xi32> -> vector<16xf32>
        %and3A_2066 = arith.constant -65536 : i32
        %and3A_2067 = vector.broadcast %and3A_2066 : i32 to vector<16xi32>
        %and3A_2068 = arith.andi %get3A_2061, %and3A_2067 : vector<16xi32>
        %bitcast_convert_type3A_2069 = tpu.bitcast %and3A_2068 : vector<16xi32> -> vector<16xf32>
        %mul3A_2070 = arith.mulf %broadcast_in_dim3A_2055, %bitcast_convert_type3A_2065 : vector<16xf32>
        %add3A_2071 = arith.addf %add3A_1992, %mul3A_2070 : vector<16xf32>
        %mul3A_2072 = arith.mulf %broadcast_in_dim3A_2055, %bitcast_convert_type3A_2069 : vector<16xf32>
        %add3A_2073 = arith.addf %add3A_1994, %mul3A_2072 : vector<16xf32>
        %get3A_2074 = arith.constant 1 : i32
        %get3A_2075 = arith.index_cast %get3A_2074 : i32 to index
        %get3A_2076 = arith.index_cast %add3A_2052 : i32 to index
        %get3A_2077 = arith.constant 16 : index
        %get3A_2078 = tpu.vector_load %arg7[%get3A_2075, %get3A_2076, %get3A_2077] {strides = array<i32>} : memref<2x208x64xi32, #tpu.memory_space<vmem>>, vector<1x1x16xi32>,
        %get3A_2079 = vector.shape_cast %get3A_2078 : vector<1x1x16xi32> to vector<16xi32>
        %shift_left3A_2080 = arith.constant 16 : i32
        %shift_left3A_2081 = vector.broadcast %shift_left3A_2080 : i32 to vector<16xi32>
        %shift_left3A_2082 = arith.shli %get3A_2079, %shift_left3A_2081 : vector<16xi32>
        %bitcast_convert_type3A_2083 = tpu.bitcast %shift_left3A_2082 : vector<16xi32> -> vector<16xf32>
        %and3A_2084 = arith.constant -65536 : i32
        %and3A_2085 = vector.broadcast %and3A_2084 : i32 to vector<16xi32>
        %and3A_2086 = arith.andi %get3A_2079, %and3A_2085 : vector<16xi32>
        %bitcast_convert_type3A_2087 = tpu.bitcast %and3A_2086 : vector<16xi32> -> vector<16xf32>
        %mul3A_2088 = arith.mulf %broadcast_in_dim3A_2055, %bitcast_convert_type3A_2083 : vector<16xf32>
        %add3A_2089 = arith.addf %add3A_2010, %mul3A_2088 : vector<16xf32>
        %mul3A_2090 = arith.mulf %broadcast_in_dim3A_2055, %bitcast_convert_type3A_2087 : vector<16xf32>
        %add3A_2091 = arith.addf %add3A_2012, %mul3A_2090 : vector<16xf32>
        %get3A_2092 = arith.constant 1 : i32
        %get3A_2093 = arith.index_cast %get3A_2092 : i32 to index
        %get3A_2094 = arith.index_cast %add3A_2052 : i32 to index
        %get3A_2095 = arith.constant 32 : index
        %get3A_2096 = tpu.vector_load %arg7[%get3A_2093, %get3A_2094, %get3A_2095] {strides = array<i32>} : memref<2x208x64xi32, #tpu.memory_space<vmem>>, vector<1x1x16xi32>,
        %get3A_2097 = vector.shape_cast %get3A_2096 : vector<1x1x16xi32> to vector<16xi32>
        %shift_left3A_2098 = arith.constant 16 : i32
        %shift_left3A_2099 = vector.broadcast %shift_left3A_2098 : i32 to vector<16xi32>
        %shift_left3A_2100 = arith.shli %get3A_2097, %shift_left3A_2099 : vector<16xi32>
        %bitcast_convert_type3A_2101 = tpu.bitcast %shift_left3A_2100 : vector<16xi32> -> vector<16xf32>
        %and3A_2102 = arith.constant -65536 : i32
        %and3A_2103 = vector.broadcast %and3A_2102 : i32 to vector<16xi32>
        %and3A_2104 = arith.andi %get3A_2097, %and3A_2103 : vector<16xi32>
        %bitcast_convert_type3A_2105 = tpu.bitcast %and3A_2104 : vector<16xi32> -> vector<16xf32>
        %mul3A_2106 = arith.mulf %broadcast_in_dim3A_2055, %bitcast_convert_type3A_2101 : vector<16xf32>
        %add3A_2107 = arith.addf %add3A_2028, %mul3A_2106 : vector<16xf32>
        %mul3A_2108 = arith.mulf %broadcast_in_dim3A_2055, %bitcast_convert_type3A_2105 : vector<16xf32>
        %add3A_2109 = arith.addf %add3A_2030, %mul3A_2108 : vector<16xf32>
        %get3A_2110 = arith.constant 1 : i32
        %get3A_2111 = arith.index_cast %get3A_2110 : i32 to index
        %get3A_2112 = arith.index_cast %add3A_2052 : i32 to index
        %get3A_2113 = arith.constant 48 : index
        %get3A_2114 = tpu.vector_load %arg7[%get3A_2111, %get3A_2112, %get3A_2113] {strides = array<i32>} : memref<2x208x64xi32, #tpu.memory_space<vmem>>, vector<1x1x16xi32>,
        %get3A_2115 = vector.shape_cast %get3A_2114 : vector<1x1x16xi32> to vector<16xi32>
        %shift_left3A_2116 = arith.constant 16 : i32
        %shift_left3A_2117 = vector.broadcast %shift_left3A_2116 : i32 to vector<16xi32>
        %shift_left3A_2118 = arith.shli %get3A_2115, %shift_left3A_2117 : vector<16xi32>
        %bitcast_convert_type3A_2119 = tpu.bitcast %shift_left3A_2118 : vector<16xi32> -> vector<16xf32>
        %and3A_2120 = arith.constant -65536 : i32
        %and3A_2121 = vector.broadcast %and3A_2120 : i32 to vector<16xi32>
        %and3A_2122 = arith.andi %get3A_2115, %and3A_2121 : vector<16xi32>
        %bitcast_convert_type3A_2123 = tpu.bitcast %and3A_2122 : vector<16xi32> -> vector<16xf32>
        %mul3A_2124 = arith.mulf %broadcast_in_dim3A_2055, %bitcast_convert_type3A_2119 : vector<16xf32>
        %add3A_2125 = arith.addf %add3A_2046, %mul3A_2124 : vector<16xf32>
        %mul3A_2126 = arith.mulf %broadcast_in_dim3A_2055, %bitcast_convert_type3A_2123 : vector<16xf32>
        %add3A_2127 = arith.addf %add3A_2048, %mul3A_2126 : vector<16xf32>
        %mul3A_2128 = arith.constant 16 : i32
        %mul3A_2129 = arith.muli %scan3A_1001, %mul3A_2128 : i32
        %add3A_2130 = arith.constant 14 : i32
        %add3A_2131 = arith.addi %mul3A_2129, %add3A_2130 : i32
        %slice3A_2132 = vector.extract_strided_slice %div3A_1024 {offsets = [14], sizes = [1], strides = [1]} : vector<16xf32> to vector<1xf32>
        %squeeze3A_2133 = vector.extract %slice3A_2132[0] : f32 from vector<1xf32>
        %broadcast_in_dim3A_2134 = vector.broadcast %squeeze3A_2133 : f32 to vector<16xf32>
        %get3A_2135 = arith.constant 1 : i32
        %get3A_2136 = arith.index_cast %get3A_2135 : i32 to index
        %get3A_2137 = arith.index_cast %add3A_2131 : i32 to index
        %get3A_2138 = arith.constant 0 : index
        %get3A_2139 = tpu.vector_load %arg7[%get3A_2136, %get3A_2137, %get3A_2138] {strides = array<i32>} : memref<2x208x64xi32, #tpu.memory_space<vmem>>, vector<1x1x16xi32>,
        %get3A_2140 = vector.shape_cast %get3A_2139 : vector<1x1x16xi32> to vector<16xi32>
        %shift_left3A_2141 = arith.constant 16 : i32
        %shift_left3A_2142 = vector.broadcast %shift_left3A_2141 : i32 to vector<16xi32>
        %shift_left3A_2143 = arith.shli %get3A_2140, %shift_left3A_2142 : vector<16xi32>
        %bitcast_convert_type3A_2144 = tpu.bitcast %shift_left3A_2143 : vector<16xi32> -> vector<16xf32>
        %and3A_2145 = arith.constant -65536 : i32
        %and3A_2146 = vector.broadcast %and3A_2145 : i32 to vector<16xi32>
        %and3A_2147 = arith.andi %get3A_2140, %and3A_2146 : vector<16xi32>
        %bitcast_convert_type3A_2148 = tpu.bitcast %and3A_2147 : vector<16xi32> -> vector<16xf32>
        %mul3A_2149 = arith.mulf %broadcast_in_dim3A_2134, %bitcast_convert_type3A_2144 : vector<16xf32>
        %add3A_2150 = arith.addf %add3A_2071, %mul3A_2149 : vector<16xf32>
        %mul3A_2151 = arith.mulf %broadcast_in_dim3A_2134, %bitcast_convert_type3A_2148 : vector<16xf32>
        %add3A_2152 = arith.addf %add3A_2073, %mul3A_2151 : vector<16xf32>
        %get3A_2153 = arith.constant 1 : i32
        %get3A_2154 = arith.index_cast %get3A_2153 : i32 to index
        %get3A_2155 = arith.index_cast %add3A_2131 : i32 to index
        %get3A_2156 = arith.constant 16 : index
        %get3A_2157 = tpu.vector_load %arg7[%get3A_2154, %get3A_2155, %get3A_2156] {strides = array<i32>} : memref<2x208x64xi32, #tpu.memory_space<vmem>>, vector<1x1x16xi32>,
        %get3A_2158 = vector.shape_cast %get3A_2157 : vector<1x1x16xi32> to vector<16xi32>
        %shift_left3A_2159 = arith.constant 16 : i32
        %shift_left3A_2160 = vector.broadcast %shift_left3A_2159 : i32 to vector<16xi32>
        %shift_left3A_2161 = arith.shli %get3A_2158, %shift_left3A_2160 : vector<16xi32>
        %bitcast_convert_type3A_2162 = tpu.bitcast %shift_left3A_2161 : vector<16xi32> -> vector<16xf32>
        %and3A_2163 = arith.constant -65536 : i32
        %and3A_2164 = vector.broadcast %and3A_2163 : i32 to vector<16xi32>
        %and3A_2165 = arith.andi %get3A_2158, %and3A_2164 : vector<16xi32>
        %bitcast_convert_type3A_2166 = tpu.bitcast %and3A_2165 : vector<16xi32> -> vector<16xf32>
        %mul3A_2167 = arith.mulf %broadcast_in_dim3A_2134, %bitcast_convert_type3A_2162 : vector<16xf32>
        %add3A_2168 = arith.addf %add3A_2089, %mul3A_2167 : vector<16xf32>
        %mul3A_2169 = arith.mulf %broadcast_in_dim3A_2134, %bitcast_convert_type3A_2166 : vector<16xf32>
        %add3A_2170 = arith.addf %add3A_2091, %mul3A_2169 : vector<16xf32>
        %get3A_2171 = arith.constant 1 : i32
        %get3A_2172 = arith.index_cast %get3A_2171 : i32 to index
        %get3A_2173 = arith.index_cast %add3A_2131 : i32 to index
        %get3A_2174 = arith.constant 32 : index
        %get3A_2175 = tpu.vector_load %arg7[%get3A_2172, %get3A_2173, %get3A_2174] {strides = array<i32>} : memref<2x208x64xi32, #tpu.memory_space<vmem>>, vector<1x1x16xi32>,
        %get3A_2176 = vector.shape_cast %get3A_2175 : vector<1x1x16xi32> to vector<16xi32>
        %shift_left3A_2177 = arith.constant 16 : i32
        %shift_left3A_2178 = vector.broadcast %shift_left3A_2177 : i32 to vector<16xi32>
        %shift_left3A_2179 = arith.shli %get3A_2176, %shift_left3A_2178 : vector<16xi32>
        %bitcast_convert_type3A_2180 = tpu.bitcast %shift_left3A_2179 : vector<16xi32> -> vector<16xf32>
        %and3A_2181 = arith.constant -65536 : i32
        %and3A_2182 = vector.broadcast %and3A_2181 : i32 to vector<16xi32>
        %and3A_2183 = arith.andi %get3A_2176, %and3A_2182 : vector<16xi32>
        %bitcast_convert_type3A_2184 = tpu.bitcast %and3A_2183 : vector<16xi32> -> vector<16xf32>
        %mul3A_2185 = arith.mulf %broadcast_in_dim3A_2134, %bitcast_convert_type3A_2180 : vector<16xf32>
        %add3A_2186 = arith.addf %add3A_2107, %mul3A_2185 : vector<16xf32>
        %mul3A_2187 = arith.mulf %broadcast_in_dim3A_2134, %bitcast_convert_type3A_2184 : vector<16xf32>
        %add3A_2188 = arith.addf %add3A_2109, %mul3A_2187 : vector<16xf32>
        %get3A_2189 = arith.constant 1 : i32
        %get3A_2190 = arith.index_cast %get3A_2189 : i32 to index
        %get3A_2191 = arith.index_cast %add3A_2131 : i32 to index
        %get3A_2192 = arith.constant 48 : index
        %get3A_2193 = tpu.vector_load %arg7[%get3A_2190, %get3A_2191, %get3A_2192] {strides = array<i32>} : memref<2x208x64xi32, #tpu.memory_space<vmem>>, vector<1x1x16xi32>,
        %get3A_2194 = vector.shape_cast %get3A_2193 : vector<1x1x16xi32> to vector<16xi32>
        %shift_left3A_2195 = arith.constant 16 : i32
        %shift_left3A_2196 = vector.broadcast %shift_left3A_2195 : i32 to vector<16xi32>
        %shift_left3A_2197 = arith.shli %get3A_2194, %shift_left3A_2196 : vector<16xi32>
        %bitcast_convert_type3A_2198 = tpu.bitcast %shift_left3A_2197 : vector<16xi32> -> vector<16xf32>
        %and3A_2199 = arith.constant -65536 : i32
        %and3A_2200 = vector.broadcast %and3A_2199 : i32 to vector<16xi32>
        %and3A_2201 = arith.andi %get3A_2194, %and3A_2200 : vector<16xi32>
        %bitcast_convert_type3A_2202 = tpu.bitcast %and3A_2201 : vector<16xi32> -> vector<16xf32>
        %mul3A_2203 = arith.mulf %broadcast_in_dim3A_2134, %bitcast_convert_type3A_2198 : vector<16xf32>
        %add3A_2204 = arith.addf %add3A_2125, %mul3A_2203 : vector<16xf32>
        %mul3A_2205 = arith.mulf %broadcast_in_dim3A_2134, %bitcast_convert_type3A_2202 : vector<16xf32>
        %add3A_2206 = arith.addf %add3A_2127, %mul3A_2205 : vector<16xf32>
        %mul3A_2207 = arith.constant 16 : i32
        %mul3A_2208 = arith.muli %scan3A_1001, %mul3A_2207 : i32
        %add3A_2209 = arith.constant 15 : i32
        %add3A_2210 = arith.addi %mul3A_2208, %add3A_2209 : i32
        %slice3A_2211 = vector.extract_strided_slice %div3A_1024 {offsets = [15], sizes = [1], strides = [1]} : vector<16xf32> to vector<1xf32>
        %squeeze3A_2212 = vector.extract %slice3A_2211[0] : f32 from vector<1xf32>
        %broadcast_in_dim3A_2213 = vector.broadcast %squeeze3A_2212 : f32 to vector<16xf32>
        %get3A_2214 = arith.constant 1 : i32
        %get3A_2215 = arith.index_cast %get3A_2214 : i32 to index
        %get3A_2216 = arith.index_cast %add3A_2210 : i32 to index
        %get3A_2217 = arith.constant 0 : index
        %get3A_2218 = tpu.vector_load %arg7[%get3A_2215, %get3A_2216, %get3A_2217] {strides = array<i32>} : memref<2x208x64xi32, #tpu.memory_space<vmem>>, vector<1x1x16xi32>,
        %get3A_2219 = vector.shape_cast %get3A_2218 : vector<1x1x16xi32> to vector<16xi32>
        %shift_left3A_2220 = arith.constant 16 : i32
        %shift_left3A_2221 = vector.broadcast %shift_left3A_2220 : i32 to vector<16xi32>
        %shift_left3A_2222 = arith.shli %get3A_2219, %shift_left3A_2221 : vector<16xi32>
        %bitcast_convert_type3A_2223 = tpu.bitcast %shift_left3A_2222 : vector<16xi32> -> vector<16xf32>
        %and3A_2224 = arith.constant -65536 : i32
        %and3A_2225 = vector.broadcast %and3A_2224 : i32 to vector<16xi32>
        %and3A_2226 = arith.andi %get3A_2219, %and3A_2225 : vector<16xi32>
        %bitcast_convert_type3A_2227 = tpu.bitcast %and3A_2226 : vector<16xi32> -> vector<16xf32>
        %mul3A_2228 = arith.mulf %broadcast_in_dim3A_2213, %bitcast_convert_type3A_2223 : vector<16xf32>
        %add3A_2229 = arith.addf %add3A_2150, %mul3A_2228 : vector<16xf32>
        %mul3A_2230 = arith.mulf %broadcast_in_dim3A_2213, %bitcast_convert_type3A_2227 : vector<16xf32>
        %add3A_2231 = arith.addf %add3A_2152, %mul3A_2230 : vector<16xf32>
        %get3A_2232 = arith.constant 1 : i32
        %get3A_2233 = arith.index_cast %get3A_2232 : i32 to index
        %get3A_2234 = arith.index_cast %add3A_2210 : i32 to index
        %get3A_2235 = arith.constant 16 : index
        %get3A_2236 = tpu.vector_load %arg7[%get3A_2233, %get3A_2234, %get3A_2235] {strides = array<i32>} : memref<2x208x64xi32, #tpu.memory_space<vmem>>, vector<1x1x16xi32>,
        %get3A_2237 = vector.shape_cast %get3A_2236 : vector<1x1x16xi32> to vector<16xi32>
        %shift_left3A_2238 = arith.constant 16 : i32
        %shift_left3A_2239 = vector.broadcast %shift_left3A_2238 : i32 to vector<16xi32>
        %shift_left3A_2240 = arith.shli %get3A_2237, %shift_left3A_2239 : vector<16xi32>
        %bitcast_convert_type3A_2241 = tpu.bitcast %shift_left3A_2240 : vector<16xi32> -> vector<16xf32>
        %and3A_2242 = arith.constant -65536 : i32
        %and3A_2243 = vector.broadcast %and3A_2242 : i32 to vector<16xi32>
        %and3A_2244 = arith.andi %get3A_2237, %and3A_2243 : vector<16xi32>
        %bitcast_convert_type3A_2245 = tpu.bitcast %and3A_2244 : vector<16xi32> -> vector<16xf32>
        %mul3A_2246 = arith.mulf %broadcast_in_dim3A_2213, %bitcast_convert_type3A_2241 : vector<16xf32>
        %add3A_2247 = arith.addf %add3A_2168, %mul3A_2246 : vector<16xf32>
        %mul3A_2248 = arith.mulf %broadcast_in_dim3A_2213, %bitcast_convert_type3A_2245 : vector<16xf32>
        %add3A_2249 = arith.addf %add3A_2170, %mul3A_2248 : vector<16xf32>
        %get3A_2250 = arith.constant 1 : i32
        %get3A_2251 = arith.index_cast %get3A_2250 : i32 to index
        %get3A_2252 = arith.index_cast %add3A_2210 : i32 to index
        %get3A_2253 = arith.constant 32 : index
        %get3A_2254 = tpu.vector_load %arg7[%get3A_2251, %get3A_2252, %get3A_2253] {strides = array<i32>} : memref<2x208x64xi32, #tpu.memory_space<vmem>>, vector<1x1x16xi32>,
        %get3A_2255 = vector.shape_cast %get3A_2254 : vector<1x1x16xi32> to vector<16xi32>
        %shift_left3A_2256 = arith.constant 16 : i32
        %shift_left3A_2257 = vector.broadcast %shift_left3A_2256 : i32 to vector<16xi32>
        %shift_left3A_2258 = arith.shli %get3A_2255, %shift_left3A_2257 : vector<16xi32>
        %bitcast_convert_type3A_2259 = tpu.bitcast %shift_left3A_2258 : vector<16xi32> -> vector<16xf32>
        %and3A_2260 = arith.constant -65536 : i32
        %and3A_2261 = vector.broadcast %and3A_2260 : i32 to vector<16xi32>
        %and3A_2262 = arith.andi %get3A_2255, %and3A_2261 : vector<16xi32>
        %bitcast_convert_type3A_2263 = tpu.bitcast %and3A_2262 : vector<16xi32> -> vector<16xf32>
        %mul3A_2264 = arith.mulf %broadcast_in_dim3A_2213, %bitcast_convert_type3A_2259 : vector<16xf32>
        %add3A_2265 = arith.addf %add3A_2186, %mul3A_2264 : vector<16xf32>
        %mul3A_2266 = arith.mulf %broadcast_in_dim3A_2213, %bitcast_convert_type3A_2263 : vector<16xf32>
        %add3A_2267 = arith.addf %add3A_2188, %mul3A_2266 : vector<16xf32>
        %get3A_2268 = arith.constant 1 : i32
        %get3A_2269 = arith.index_cast %get3A_2268 : i32 to index
        %get3A_2270 = arith.index_cast %add3A_2210 : i32 to index
        %get3A_2271 = arith.constant 48 : index
        %get3A_2272 = tpu.vector_load %arg7[%get3A_2269, %get3A_2270, %get3A_2271] {strides = array<i32>} : memref<2x208x64xi32, #tpu.memory_space<vmem>>, vector<1x1x16xi32>,
        %get3A_2273 = vector.shape_cast %get3A_2272 : vector<1x1x16xi32> to vector<16xi32>
        %shift_left3A_2274 = arith.constant 16 : i32
        %shift_left3A_2275 = vector.broadcast %shift_left3A_2274 : i32 to vector<16xi32>
        %shift_left3A_2276 = arith.shli %get3A_2273, %shift_left3A_2275 : vector<16xi32>
        %bitcast_convert_type3A_2277 = tpu.bitcast %shift_left3A_2276 : vector<16xi32> -> vector<16xf32>
        %and3A_2278 = arith.constant -65536 : i32
        %and3A_2279 = vector.broadcast %and3A_2278 : i32 to vector<16xi32>
        %and3A_2280 = arith.andi %get3A_2273, %and3A_2279 : vector<16xi32>
        %bitcast_convert_type3A_2281 = tpu.bitcast %and3A_2280 : vector<16xi32> -> vector<16xf32>
        %mul3A_2282 = arith.mulf %broadcast_in_dim3A_2213, %bitcast_convert_type3A_2277 : vector<16xf32>
        %add3A_2283 = arith.addf %add3A_2204, %mul3A_2282 : vector<16xf32>
        %mul3A_2284 = arith.mulf %broadcast_in_dim3A_2213, %bitcast_convert_type3A_2281 : vector<16xf32>
        %add3A_2285 = arith.addf %add3A_2206, %mul3A_2284 : vector<16xf32>
        %add3A_2286 = arith.addf %scan3A_1010, %div3A_1024 : vector<16xf32>
        scf.yield %add3A_2229, %add3A_2231, %add3A_2247, %add3A_2249, %add3A_2265, %add3A_2267, %add3A_2283, %add3A_2285, %add3A_2286 : vector<16xf32>, vector<16xf32>, vector<16xf32>, vector<16xf32>, vector<16xf32>, vector<16xf32>, vector<16xf32>, vector<16xf32>, vector<16xf32>
      }
      %scan3A_901 = arith.constant 13 : i32
      %slice3A_902 = vector.extract_strided_slice %scan3A_900#8 {offsets = [0], sizes = [1], strides = [1]} : vector<16xf32> to vector<1xf32>
      %squeeze3A_903 = vector.extract %slice3A_902[0] : f32 from vector<1xf32>
      %slice3A_904 = vector.extract_strided_slice %scan3A_900#8 {offsets = [1], sizes = [1], strides = [1]} : vector<16xf32> to vector<1xf32>
      %squeeze3A_905 = vector.extract %slice3A_904[0] : f32 from vector<1xf32>
      %slice3A_906 = vector.extract_strided_slice %scan3A_900#8 {offsets = [2], sizes = [1], strides = [1]} : vector<16xf32> to vector<1xf32>
      %squeeze3A_907 = vector.extract %slice3A_906[0] : f32 from vector<1xf32>
      %slice3A_908 = vector.extract_strided_slice %scan3A_900#8 {offsets = [3], sizes = [1], strides = [1]} : vector<16xf32> to vector<1xf32>
      %squeeze3A_909 = vector.extract %slice3A_908[0] : f32 from vector<1xf32>
      %slice3A_910 = vector.extract_strided_slice %scan3A_900#8 {offsets = [4], sizes = [1], strides = [1]} : vector<16xf32> to vector<1xf32>
      %squeeze3A_911 = vector.extract %slice3A_910[0] : f32 from vector<1xf32>
      %slice3A_912 = vector.extract_strided_slice %scan3A_900#8 {offsets = [5], sizes = [1], strides = [1]} : vector<16xf32> to vector<1xf32>
      %squeeze3A_913 = vector.extract %slice3A_912[0] : f32 from vector<1xf32>
      %slice3A_914 = vector.extract_strided_slice %scan3A_900#8 {offsets = [6], sizes = [1], strides = [1]} : vector<16xf32> to vector<1xf32>
      %squeeze3A_915 = vector.extract %slice3A_914[0] : f32 from vector<1xf32>
      %slice3A_916 = vector.extract_strided_slice %scan3A_900#8 {offsets = [7], sizes = [1], strides = [1]} : vector<16xf32> to vector<1xf32>
      %squeeze3A_917 = vector.extract %slice3A_916[0] : f32 from vector<1xf32>
      %slice3A_918 = vector.extract_strided_slice %scan3A_900#8 {offsets = [8], sizes = [1], strides = [1]} : vector<16xf32> to vector<1xf32>
      %squeeze3A_919 = vector.extract %slice3A_918[0] : f32 from vector<1xf32>
      %slice3A_920 = vector.extract_strided_slice %scan3A_900#8 {offsets = [9], sizes = [1], strides = [1]} : vector<16xf32> to vector<1xf32>
      %squeeze3A_921 = vector.extract %slice3A_920[0] : f32 from vector<1xf32>
      %slice3A_922 = vector.extract_strided_slice %scan3A_900#8 {offsets = [10], sizes = [1], strides = [1]} : vector<16xf32> to vector<1xf32>
      %squeeze3A_923 = vector.extract %slice3A_922[0] : f32 from vector<1xf32>
      %slice3A_924 = vector.extract_strided_slice %scan3A_900#8 {offsets = [11], sizes = [1], strides = [1]} : vector<16xf32> to vector<1xf32>
      %squeeze3A_925 = vector.extract %slice3A_924[0] : f32 from vector<1xf32>
      %slice3A_926 = vector.extract_strided_slice %scan3A_900#8 {offsets = [12], sizes = [1], strides = [1]} : vector<16xf32> to vector<1xf32>
      %squeeze3A_927 = vector.extract %slice3A_926[0] : f32 from vector<1xf32>
      %slice3A_928 = vector.extract_strided_slice %scan3A_900#8 {offsets = [13], sizes = [1], strides = [1]} : vector<16xf32> to vector<1xf32>
      %squeeze3A_929 = vector.extract %slice3A_928[0] : f32 from vector<1xf32>
      %slice3A_930 = vector.extract_strided_slice %scan3A_900#8 {offsets = [14], sizes = [1], strides = [1]} : vector<16xf32> to vector<1xf32>
      %squeeze3A_931 = vector.extract %slice3A_930[0] : f32 from vector<1xf32>
      %slice3A_932 = vector.extract_strided_slice %scan3A_900#8 {offsets = [15], sizes = [1], strides = [1]} : vector<16xf32> to vector<1xf32>
      %squeeze3A_933 = vector.extract %slice3A_932[0] : f32 from vector<1xf32>
      %add3A_934 = arith.addf %squeeze3A_903, %squeeze3A_905 : f32
      %add3A_935 = arith.addf %squeeze3A_907, %squeeze3A_909 : f32
      %add3A_936 = arith.addf %squeeze3A_911, %squeeze3A_913 : f32
      %add3A_937 = arith.addf %squeeze3A_915, %squeeze3A_917 : f32
      %add3A_938 = arith.addf %squeeze3A_919, %squeeze3A_921 : f32
      %add3A_939 = arith.addf %squeeze3A_923, %squeeze3A_925 : f32
      %add3A_940 = arith.addf %squeeze3A_927, %squeeze3A_929 : f32
      %add3A_941 = arith.addf %squeeze3A_931, %squeeze3A_933 : f32
      %add3A_942 = arith.addf %add3A_934, %add3A_935 : f32
      %add3A_943 = arith.addf %add3A_936, %add3A_937 : f32
      %add3A_944 = arith.addf %add3A_938, %add3A_939 : f32
      %add3A_945 = arith.addf %add3A_940, %add3A_941 : f32
      %add3A_946 = arith.addf %add3A_942, %add3A_943 : f32
      %add3A_947 = arith.addf %add3A_944, %add3A_945 : f32
      %add3A_948 = arith.addf %add3A_946, %add3A_947 : f32
      %add3A_949 = arith.constant 1.000000e-16 : f32
      %add3A_950 = arith.addf %add3A_948, %add3A_949 : f32
      %broadcast_in_dim3A_951 = vector.broadcast %add3A_950 : f32 to vector<16xf32>
      %div3A_952 = arith.divf %scan3A_900#0, %broadcast_in_dim3A_951 : vector<16xf32>
      %swap3A_953 = arith.index_cast %add3A_877 : i32 to index
      %swap3A_954 = arith.constant 0 : index
      %swap3A_955 = tpu.vector_load %arg9[%swap3A_953, %swap3A_954] {strides = array<i32>} : memref<128x128xf32, #tpu.memory_space<vmem>>, vector<1x16xf32>,
      %swap3A_956 = vector.shape_cast %swap3A_955 : vector<1x16xf32> to vector<16xf32>
      %swap3A_957 = vector.shape_cast %div3A_952 : vector<16xf32> to vector<1x16xf32>
      tpu.vector_store %arg9[%swap3A_953, %swap3A_954], %swap3A_957 {strides = array<i32>} : memref<128x128xf32, #tpu.memory_space<vmem>>, vector<1x16xf32>,
      %div3A_958 = arith.divf %scan3A_900#1, %broadcast_in_dim3A_951 : vector<16xf32>
      %swap3A_959 = arith.index_cast %add3A_877 : i32 to index
      %swap3A_960 = arith.constant 16 : index
      %swap3A_961 = tpu.vector_load %arg9[%swap3A_959, %swap3A_960] {strides = array<i32>} : memref<128x128xf32, #tpu.memory_space<vmem>>, vector<1x16xf32>,
      %swap3A_962 = vector.shape_cast %swap3A_961 : vector<1x16xf32> to vector<16xf32>
      %swap3A_963 = vector.shape_cast %div3A_958 : vector<16xf32> to vector<1x16xf32>
      tpu.vector_store %arg9[%swap3A_959, %swap3A_960], %swap3A_963 {strides = array<i32>} : memref<128x128xf32, #tpu.memory_space<vmem>>, vector<1x16xf32>,
      %div3A_964 = arith.divf %scan3A_900#2, %broadcast_in_dim3A_951 : vector<16xf32>
      %swap3A_965 = arith.index_cast %add3A_877 : i32 to index
      %swap3A_966 = arith.constant 32 : index
      %swap3A_967 = tpu.vector_load %arg9[%swap3A_965, %swap3A_966] {strides = array<i32>} : memref<128x128xf32, #tpu.memory_space<vmem>>, vector<1x16xf32>,
      %swap3A_968 = vector.shape_cast %swap3A_967 : vector<1x16xf32> to vector<16xf32>
      %swap3A_969 = vector.shape_cast %div3A_964 : vector<16xf32> to vector<1x16xf32>
      tpu.vector_store %arg9[%swap3A_965, %swap3A_966], %swap3A_969 {strides = array<i32>} : memref<128x128xf32, #tpu.memory_space<vmem>>, vector<1x16xf32>,
      %div3A_970 = arith.divf %scan3A_900#3, %broadcast_in_dim3A_951 : vector<16xf32>
      %swap3A_971 = arith.index_cast %add3A_877 : i32 to index
      %swap3A_972 = arith.constant 48 : index
      %swap3A_973 = tpu.vector_load %arg9[%swap3A_971, %swap3A_972] {strides = array<i32>} : memref<128x128xf32, #tpu.memory_space<vmem>>, vector<1x16xf32>,
      %swap3A_974 = vector.shape_cast %swap3A_973 : vector<1x16xf32> to vector<16xf32>
      %swap3A_975 = vector.shape_cast %div3A_970 : vector<16xf32> to vector<1x16xf32>
      tpu.vector_store %arg9[%swap3A_971, %swap3A_972], %swap3A_975 {strides = array<i32>} : memref<128x128xf32, #tpu.memory_space<vmem>>, vector<1x16xf32>,
      %div3A_976 = arith.divf %scan3A_900#4, %broadcast_in_dim3A_951 : vector<16xf32>
      %swap3A_977 = arith.index_cast %add3A_877 : i32 to index
      %swap3A_978 = arith.constant 64 : index
      %swap3A_979 = tpu.vector_load %arg9[%swap3A_977, %swap3A_978] {strides = array<i32>} : memref<128x128xf32, #tpu.memory_space<vmem>>, vector<1x16xf32>,
      %swap3A_980 = vector.shape_cast %swap3A_979 : vector<1x16xf32> to vector<16xf32>
      %swap3A_981 = vector.shape_cast %div3A_976 : vector<16xf32> to vector<1x16xf32>
      tpu.vector_store %arg9[%swap3A_977, %swap3A_978], %swap3A_981 {strides = array<i32>} : memref<128x128xf32, #tpu.memory_space<vmem>>, vector<1x16xf32>,
      %div3A_982 = arith.divf %scan3A_900#5, %broadcast_in_dim3A_951 : vector<16xf32>
      %swap3A_983 = arith.index_cast %add3A_877 : i32 to index
      %swap3A_984 = arith.constant 80 : index
      %swap3A_985 = tpu.vector_load %arg9[%swap3A_983, %swap3A_984] {strides = array<i32>} : memref<128x128xf32, #tpu.memory_space<vmem>>, vector<1x16xf32>,
      %swap3A_986 = vector.shape_cast %swap3A_985 : vector<1x16xf32> to vector<16xf32>
      %swap3A_987 = vector.shape_cast %div3A_982 : vector<16xf32> to vector<1x16xf32>
      tpu.vector_store %arg9[%swap3A_983, %swap3A_984], %swap3A_987 {strides = array<i32>} : memref<128x128xf32, #tpu.memory_space<vmem>>, vector<1x16xf32>,
      %div3A_988 = arith.divf %scan3A_900#6, %broadcast_in_dim3A_951 : vector<16xf32>
      %swap3A_989 = arith.index_cast %add3A_877 : i32 to index
      %swap3A_990 = arith.constant 96 : index
      %swap3A_991 = tpu.vector_load %arg9[%swap3A_989, %swap3A_990] {strides = array<i32>} : memref<128x128xf32, #tpu.memory_space<vmem>>, vector<1x16xf32>,
      %swap3A_992 = vector.shape_cast %swap3A_991 : vector<1x16xf32> to vector<16xf32>
      %swap3A_993 = vector.shape_cast %div3A_988 : vector<16xf32> to vector<1x16xf32>
      tpu.vector_store %arg9[%swap3A_989, %swap3A_990], %swap3A_993 {strides = array<i32>} : memref<128x128xf32, #tpu.memory_space<vmem>>, vector<1x16xf32>,
      %div3A_994 = arith.divf %scan3A_900#7, %broadcast_in_dim3A_951 : vector<16xf32>
      %swap3A_995 = arith.index_cast %add3A_877 : i32 to index
      %swap3A_996 = arith.constant 112 : index
      %swap3A_997 = tpu.vector_load %arg9[%swap3A_995, %swap3A_996] {strides = array<i32>} : memref<128x128xf32, #tpu.memory_space<vmem>>, vector<1x16xf32>,
      %swap3A_998 = vector.shape_cast %swap3A_997 : vector<1x16xf32> to vector<16xf32>
      %swap3A_999 = vector.shape_cast %div3A_994 : vector<16xf32> to vector<1x16xf32>
      tpu.vector_store %arg9[%swap3A_995, %swap3A_996], %swap3A_999 {strides = array<i32>} : memref<128x128xf32, #tpu.memory_space<vmem>>, vector<1x16xf32>,
      %scan3A_1000 = arith.constant 0 : i32
      scf.yield %scan3A_1000 : i32
    }
    %scan3A_591 = arith.constant 64 : i32
    "tpu.region"() ({
      %run_scoped3A = tpu.sem_alloc : memref<!tpu.dma_semaphore, #tpu.memory_space<semaphore_mem>>
      %dma_start3A_592 = arith.constant 0 : i32
      %dma_start3A_593 = tpu.memref_slice %arg5[%mul3A_2, %dma_start3A_592] : memref<4096x128xf32, #tpu.memory_space<hbm>> -> memref<128x128xf32, #tpu.memory_space<hbm>>
      %dma_start3A_594 = arith.constant 0 : i32
      %dma_start3A_595 = tpu.memref_slice %arg5[%mul3A_2, %dma_start3A_594] : memref<4096x128xf32, #tpu.memory_space<hbm>> -> memref<128x128xf32, #tpu.memory_space<hbm>>
      tpu.enqueue_dma source(%arg9 : memref<128x128xf32, #tpu.memory_space<vmem>>) target(%dma_start3A_595 : memref<128x128xf32, #tpu.memory_space<hbm>>) target_semaphore(%run_scoped3A : memref<!tpu.dma_semaphore, #tpu.memory_space<semaphore_mem>>)
      %dma_wait3A = arith.constant 0 : i32
      %dma_wait3A_596 = tpu.memref_slice %arg5[%mul3A_2, %dma_wait3A] : memref<4096x128xf32, #tpu.memory_space<hbm>> -> memref<128x128xf32, #tpu.memory_space<hbm>>
      %dma_wait3A_597 = arith.constant 0 : i32
      %dma_wait3A_598 = tpu.memref_slice %arg5[%mul3A_2, %dma_wait3A_597] : memref<4096x128xf32, #tpu.memory_space<hbm>> -> memref<128x128xf32, #tpu.memory_space<hbm>>
      tpu.wait_dma2 semaphore(%run_scoped3A : memref<!tpu.dma_semaphore, #tpu.memory_space<semaphore_mem>>) src(%arg9 : memref<128x128xf32, #tpu.memory_space<vmem>>) dst(%dma_wait3A_598 : memref<128x128xf32, #tpu.memory_space<hbm>>)
      tpu.yield
    }) : () -> ()
    return
  }
}

module attributes {stable_mosaic.version = 14 : i64} {
  func.func @body(%arg0: i32, %arg1: memref<512x128xf32, #tpu.memory_space<vmem>>, %arg2: memref<128x128xf32, #tpu.memory_space<vmem>>, %arg3: memref<1x128xf32, #tpu.memory_space<vmem>>, %arg4: memref<512x128xf32, #tpu.memory_space<vmem>>) attributes {dimension_semantics = [#tpu.dimension_semantics<arbitrary>], iteration_bounds = array<i64: 8>, scalar_prefetch = 0 : i64, scratch_operands = 0 : i64, tpu.core_type = #tpu.core_type<tc>, window_params = [{transform_indices = @transform_0, window_bounds = array<i64: 512, 128>}, {pipeline_mode = #tpu.pipeline_mode<synchronous>, transform_indices = @transform_1, window_bounds = array<i64: 128, 128>}, {pipeline_mode = #tpu.pipeline_mode<synchronous>, transform_indices = @transform_2, window_bounds = array<i64: 1, 128>}, {transform_indices = @transform_3, window_bounds = array<i64: 512, 128>}]} {
    %get3A = arith.constant 0 : index
    %get3A_0 = arith.constant 0 : index
    %get3A_1 = vector.load %arg1[%get3A, %get3A_0] : memref<512x128xf32, #tpu.memory_space<vmem>>, vector<512x128xf32>
    %get3A_2 = arith.constant 0 : index
    %get3A_3 = arith.constant 0 : index
    %get3A_4 = vector.load %arg2[%get3A_2, %get3A_3] : memref<128x128xf32, #tpu.memory_space<vmem>>, vector<128x128xf32>
    %dot_general3A = arith.constant dense<0.000000e+00> : vector<512x128xf32>
    %dot_general3A_5 = tpu.matmul %get3A_1, %get3A_4, %dot_general3A {dimension_numbers = #tpu.dot_dimension_numbers<[1], [1], [0], [0], [0, 0, 1, 0], [], []>, transpose_lhs_hint = false} : vector<512x128xf32>, vector<128x128xf32>, vector<512x128xf32> -> vector<512x128xf32>
    %get3A_6 = arith.constant 0 : index
    %get3A_7 = arith.constant 0 : index
    %get3A_8 = vector.load %arg3[%get3A_6, %get3A_7] : memref<1x128xf32, #tpu.memory_space<vmem>>, vector<1x128xf32>
    %add3A = vector.broadcast %get3A_8 : vector<1x128xf32> to vector<512x128xf32>
    %add3A_9 = arith.addf %dot_general3A_5, %add3A : vector<512x128xf32>
    %swap3A = arith.constant 0 : index
    %swap3A_10 = arith.constant 0 : index
    %swap3A_11 = vector.load %arg4[%swap3A, %swap3A_10] : memref<512x128xf32, #tpu.memory_space<vmem>>, vector<512x128xf32>
    tpu.vector_store %arg4[%swap3A, %swap3A_10], %add3A_9 {strides = array<i32>} : memref<512x128xf32, #tpu.memory_space<vmem>>, vector<512x128xf32>,
    return
  }
  func.func @transform_0(%arg0: i32) -> (i32, i32) {
    %c0_i32 = arith.constant 0 : i32
    %c0_i32_0 = arith.constant 0 : i32
    return %arg0, %c0_i32 : i32, i32
  }
  func.func @transform_1(%arg0: i32) -> (i32, i32) {
    %c0_i32 = arith.constant 0 : i32
    %c0_i32_0 = arith.constant 0 : i32
    %c0_i32_1 = arith.constant 0 : i32
    return %c0_i32, %c0_i32_0 : i32, i32
  }
  func.func @transform_2(%arg0: i32) -> (i32, i32) {
    %c0_i32 = arith.constant 0 : i32
    %c0_i32_0 = arith.constant 0 : i32
    %c0_i32_1 = arith.constant 0 : i32
    return %c0_i32, %c0_i32_0 : i32, i32
  }
  func.func @transform_3(%arg0: i32) -> (i32, i32) {
    %c0_i32 = arith.constant 0 : i32
    %c0_i32_0 = arith.constant 0 : i32
    return %arg0, %c0_i32 : i32, i32
  }
}

</mosaic_0001>

<sc_bundles>
// kernel: kernel.4.cloned.1.call-start
scs
__scs_entry_jumppad:
0x0: {  	(pc) =	sbr.rel $0x88, $3  }
0x1: {  	(tag) =	ssettag $0x0;
	lr =	simm.s32 $0x1  }
0x2: {  	[smem:$0x3F9C] =	sst lr;
	_ =	strace $0xD0000000  }
0x3: {  	_ = 	snop  }
0x4: {  	_ = 	snop  }
0x5: {  	_ = 	snop  }
0x6: {  	_ = 	snop  }
0x7: {  	_ = 	snop  }
__scs_overlays_trampoline_lowered:
0x8: {  	[smem:$0x3FAB] =	sst s0  }
0x9: {  	[smem:$0x3FAC] =	sst s1  }
0xa: {  	[smem:$0x3FAD] =	sst s2  }
0xb: {  	[smem:$0x3FAE] =	sst s3  }
0xc: {  	[smem:$0x3FAF] =	sst s4  }
0xd: {  	[smem:$0x3FB0] =	sst s5  }
0xe: {  	[smem:$0x3FB1] =	sst s6  }
0xf: {  	[smem:$0x3FB2] =	sst s7  }
0x10: {  	[smem:$0x3FB3] =	sst s8  }
0x11: {  	[smem:$0x3FB4] =	sst s9;
	s0 =	simm.s32 @!p0 $0x0  }
0x12: {  	s1 =	sld [smem:$0x3F9A];
	s0 =	simm.s32 @p0 $0x1  }
0x13: {  	[smem:$0x3FB5] =	sst s0;
	s0 =	simm.s32 @!p1 $0x0  }
0x14: {  	s2 =	sld [smem:$0x3F99];
	s0 =	simm.s32 @p1 $0x1  }
0x15: {  	[smem:$0x3FB6] =	sst s0;
	s0 =	simm.s32 @!p2 $0x0  }
0x16: {  	s3 =	sld [smem:$0x3FDB];
	s0 =	simm.s32 @p2 $0x1  }
0x17: {  	s4 =	simm.s32 $0x1BF5;
	[smem:$0x3FB8] =	sst s0  }
0x18: {  	s0 =	sld [smem:$0x3F9B];
	_ =	swait.ge [sflag:s4], $0x0  }
0x19: {  	s7 =	sld [smem:$0x3F9C]  }
0x1a: {  	s8 =	sadd.s32 $0xFFFFE003, lr  }
0x1b: {  	s9 =	sadd.s32 $0xFFFFFEF7, lr;
	s5 =	simm.s32 $0xFFFFFFFF;
	p2 =	slt.u32 s8, $0xFFFFF086  }
0x1c: {  	p1 =	slt.u32 s9, $0xF7A;
	s5 =	simm.s32 @!p2 $0x0  }
0x1d: {  	s5 =	simm.s32 @p1 $0x1;
	p0 =	seq.s32 s7, s2  }
0x1e: {  	s7 =	smul.u32 @!p0 $0xF7A, s2;
	p2 =	seq.s32 @!p0 s5, $0x0  }
0x1f: {  	s9 =	smul.u32 $0xF7A, s1;
	s8 =	simm.s32 @!p0 $0x1BF5;
	p2 =	por !p2, p0  }
0x20: {  	[sflag:s8] =	ssyncset.s32 @!p0 $0xFFFFF086;
	s6 =	sadd.s32 @!p0 s3, s7;
	s7 =	simm.s32 @!p0 $0x108  }
0x21: {  	s3 =	sadd.s32 s3, s9;
	s6 =	sadd.s32 @!p0 $0x88, s6;
	s7 =	simm.s32 @p2 $0x1082  }
0x22: {  	[simem:s7], [sflag:s8] =	dma.local @!p0 [hbm:s6], $0xF7A  }
0x23: {  	s9 =	sor.u32 $0xD0000000, s2;
	s6 =	simm.s32 $0x108;
	_ =	swait.ge @!p0 [sflag:s8], $0x0  }
0x24: {  	s3 =	sadd.s32 $0x88, s3;
	s6 =	simm.s32 @!p1 $0x1082;
	[sflag:s4] =	ssyncset.s32 $0xFFFFF086  }
0x25: {  	[simem:s6], [sflag:s4] =	dma.local [hbm:s3], $0xF7A  }
0x26: {  	[smem:$0x3F9C] =	sst s1;
	(tag) =	ssettag s2;
	_ =	strace s9  }
0x27: {  	s1 =	sld [smem:$0x3FAC]  }
0x28: {  	s2 =	sld [smem:$0x3FAD]  }
0x29: {  	s4 =	sld [smem:$0x3FAF]  }
0x2a: {  	p0 =	seq.s32 s5, $0x0;
	s5 =	sld [smem:$0x3FB0]  }
0x2b: {  	s6 =	sld [smem:$0x3FB1]  }
0x2c: {  	s7 =	sld [smem:$0x3FB2]  }
0x2d: {  	s3 =	simm.s32 $0x108;
	s8 =	sld [smem:$0x3FB3]  }
0x2e: {  	s3 =	simm.s32 @!p0 $0x1082;
	s9 =	sld [smem:$0x3FB4]  }
0x2f: {  	lr =	sadd.s32 s0, s3;
	s0 =	sld [smem:$0x3FAB]  }
0x30: {  	s3 =	sld [smem:$0x3FAE]  }
0x31: {  	[smem:$0x3FB7] =	sst s10  }
0x32: {  	s10 =	sld [smem:$0x3FB5];
	_ =	sdelay $0x3  }
0x33: {  	p0 =	seq.s32 s10, $0x1;
	s10 =	sld [smem:$0x3FB7];
	_ =	sdelay $0x3  }
0x34: {  	[smem:$0x3FB7] =	sst s10  }
0x35: {  	s10 =	sld [smem:$0x3FB6];
	_ =	sdelay $0x3  }
0x36: {  	p1 =	seq.s32 s10, $0x1;
	s10 =	sld [smem:$0x3FB7];
	_ =	sdelay $0x3  }
0x37: {  	[smem:$0x3FB7] =	sst s10  }
0x38: {  	s10 =	sld [smem:$0x3FB8]  }
0x39: {  	_ = 	snop;
	(pc) =	sbr.ind lr, $3  }
0x3a: {  	_ = 	snop  }
0x3b: {  	_ = 	snop  }
0x3c: {  	p2 =	seq.s32 s10, $0x1;
	s10 =	sld [smem:$0x3FB7]  }
0x3d: {  	_ =	shalt  }
0x3e: {  	_ =	shalt  }
0x3f: {  	_ =	shalt  }
0x40: {  	_ =	shalt  }
0x41: {  	_ =	shalt  }
0x42: {  	_ =	shalt  }
0x43: {  	_ =	shalt  }
0x44: {  	_ =	shalt  }
0x45: {  	_ =	shalt  }
0x46: {  	_ =	shalt  }
0x47: {  	_ =	shalt  }
0x48: {  	_ =	shalt  }
0x49: {  	_ =	shalt  }
0x4a: {  	_ =	shalt  }
0x4b: {  	_ =	shalt  }
0x4c: {  	_ =	shalt  }
0x4d: {  	_ =	shalt  }
0x4e: {  	_ =	shalt  }
0x4f: {  	_ =	shalt  }
0x50: {  	_ =	shalt  }
0x51: {  	_ =	shalt  }
0x52: {  	_ =	shalt  }
0x53: {  	_ =	shalt  }
0x54: {  	_ =	shalt  }
0x55: {  	_ =	shalt  }
0x56: {  	_ =	shalt  }
0x57: {  	_ =	shalt  }
0x58: {  	_ =	shalt  }
0x59: {  	_ =	shalt  }
0x5a: {  	_ =	shalt  }
0x5b: {  	_ =	shalt  }
0x5c: {  	_ =	shalt  }
0x5d: {  	_ =	shalt  }
0x5e: {  	_ =	shalt  }
0x5f: {  	_ =	shalt  }
0x60: {  	_ =	shalt  }
0x61: {  	_ =	shalt  }
0x62: {  	_ =	shalt  }
0x63: {  	_ =	shalt  }
0x64: {  	_ =	shalt  }
0x65: {  	_ =	shalt  }
0x66: {  	_ =	shalt  }
0x67: {  	_ =	shalt  }
0x68: {  	_ =	shalt  }
0x69: {  	_ =	shalt  }
0x6a: {  	_ =	shalt  }
0x6b: {  	_ =	shalt  }
0x6c: {  	_ =	shalt  }
0x6d: {  	_ =	shalt  }
0x6e: {  	_ =	shalt  }
0x6f: {  	_ =	shalt  }
0x70: {  	_ =	shalt  }
0x71: {  	_ =	shalt  }
0x72: {  	_ =	shalt  }
0x73: {  	_ =	shalt  }
0x74: {  	_ =	shalt  }
0x75: {  	_ =	shalt  }
0x76: {  	_ =	shalt  }
0x77: {  	_ =	shalt  }
0x78: {  	_ =	shalt  }
0x79: {  	_ =	shalt  }
0x7a: {  	_ =	shalt  }
0x7b: {  	_ =	shalt  }
0x7c: {  	_ =	shalt  }
0x7d: {  	_ =	shalt  }
0x7e: {  	_ =	shalt  }
0x7f: {  	_ =	shalt  }
0x80: {  	_ =	shalt  }
0x81: {  	_ =	shalt  }
0x82: {  	_ =	shalt  }
0x83: {  	_ =	shalt  }
0x84: {  	_ =	shalt  }
0x85: {  	_ =	shalt  }
0x86: {  	_ =	shalt  }
0x87: {  	_ =	shalt  }
.Lfunc_end0:
.L_simem_size_0:
called_computation_lowered:
.L_overlay_start_0:
0x88: {  	s2 =	sld [smem:$0x3FD9]  }
0x89: {  	s3 =	sld [smem:$0x3FFE];
	_ =	sdelay $0x1  }
0x8a: {  	s1 =	srdreg.scid  }
0x8b: {  	s0 =	sand.u32 $0x1, s1  }
0x8c: {  	s14 =	sshll.u32 s0, $0xA;
	s2 =	sadd.s32 s3, s2  }
0x8d: {  	s2 =	sadd.s32 s2, s14  }
0x8e: {  	[smem:$0x3FC3] =	sst s2  }
0x8f: {  	_ = 	snop  }
0x90: {  	s2 =	sld [smem:$0x3FD0];
	_ =	sdelay $0x2  }
0x91: {  	s4 =	simm.s32 $0xA;
	s5 =	simm.s32 $0x10;
	s15 =	sld [smem:$0x3FC7]  }
0x92: {  	[smem:s5], [sflag:s4] =	dma.local [hbm:s2], $0x1  }
0x93: {  	_ =	swait.eq [sflag:s4], $0x1  }
0x94: {  	[sflag:s4] =	ssyncset.done $0x0  }
0x95: {  	[sflag:s4] =	ssyncadd.s32 $0xFFFFFFFF  }
0x96: {  	s16 =	sld [smem:$0x11];
	(tm) =	ssettm $0x1  }
0x97: {  	s17 =	sld [smem:$0x3FFB];
	_ =	sdelay $0x3  }
0x98: {  	_ =	strace s17  }
0x99: {  	s4 =	sld [smem:$0x3FFC];
	_ =	sdelay $0x3  }
0x9a: {  	_ =	strace s4  }
0x9b: {  	s4 =	sld [smem:$0x3FFD];
	_ =	sdelay $0x3  }
0x9c: {  	_ =	strace s4  }
0x9d: {  	_ =	strace $0x8FFFFFFF  }
0x9e: {  	s18 =	sld [smem:$0x3FDB];
	_ =	sdelay $0x1  }
0x9f: {  	s19 =	simm.s32 $_scs_section_size  }
0xa0: {  	s6 =	simm.s32 $_size__tile_overlayer_lowered;
	s7 =	simm.s32 $_tile_overlayer_lowered  }
0xa1: {  	s22 =	simm.s32 $0x1BFF;
	s21 =	sshll.u32 s7, $0x1;
	s4 =	sadd.s32 s19, s18  }
0xa2: {  	s8 =	simm.s32 $0x0;
	s20 =	sshll.u32 s6, $0x1;
	s6 =	sadd.s32 s21, s4  }
0xa3: {  	[timem:s8], [sflag:s22] =	dma.local [hbm:s6], s20  }
0xa4: {  	_ =	swait.ge [sflag:s22], s20  }
0xa5: {  	s5 =	ssub.s32 $0x0, s20;
	[sflag:s22] =	ssyncset.done $0x0  }
0xa6: {  	[sflag:s22] =	ssyncadd.s32 s5;
	_ =	sdelay $0x1  }
0xa7: {  	s23 =	simm.s32 $0x1B8B  }
0xa8: {  	_ =	swait.ge [sflag:s23], $0x1  }
0xa9: {  	[sflag:s23] =	ssyncset.done $0x0  }
0xaa: {  	s25 =	simm.s32 $0x1B8E;
	s24 =	sld [smem:$0x3FFE];
	[sflag:s23] =	ssyncadd.s32 $0xFFFFFFFF  }
0xab: {  	s26 =	simm.s32 $execute0_lowered;
	[smem:$0x3FD2] =	sst s25  }
0xac: {  	s6 =	sshll.u32 s26, $0x1;
	_ =	strace $0x80000046;
	[dreg:$0x1] =	wrdreg $0xFFFFFFFF  }
0xad: {  	s28 =	simm.s32 $_size_execute0_lowered;
	s4 =	sadd.s32 s4, s6;
	[dreg:$0x0] =	wrdreg $0x0  }
0xae: {  	s6 =	sshll.u32 s28, $0x1;
	[dreg:$0x2] =	wrdreg s4  }
0xaf: {  	[dreg:$0x3] =	wrdreg s6  }
0xb0: {  	[dreg:$0x4] =	wrdreg $0xC0  }
0xb1: {  	_ =	task [dreg:s8], $0x5FFFF  }
0xb2: {  	[dreg:$0x1] =	wrdreg $0xFFFFFFFF  }
0xb3: {  	[dreg:$0x0] =	wrdreg $0x60  }
0xb4: {  	[dreg:$0x2] =	wrdreg s24  }
0xb5: {  	[dreg:$0x3] =	wrdreg s15  }
0xb6: {  	[dreg:$0x4] =	wrdreg s16  }
0xb7: {  	[dreg:$0x5] =	wrdreg $0x9  }
0xb8: {  	_ =	task.clear_ibuf [dreg:s8], $0x6FFFF;
	_ =	strace $0x90000046  }
0xb9: {  	s29 =	simm.s32 $0x9;
	_ =	strace $0x80000048  }
0xba: {  	_ =	swait.ge [sflag:s29], $0x1  }
0xbb: {  	[sflag:s29] =	ssyncadd.s32 $0xFFFFFFFF  }
0xbc: {  	_ =	strace $0x90000048  }
0xbd: {  	_ =	sfence  }
0xbe: {  	s30 =	sld [smem:$0x0];
	_ =	sdelay $0x2  }
0xbf: {  	s31 =	sshll.u32 s1, $0xD;
	s1 =	sshrl.u32 s1, $0x2  }
0xc0: {  	s3 =	sand.u32 $0x4000, s31;
	s1 =	sadd.s32 s1, s30  }
0xc1: {  	s0 =	sor.u32 s3, s0;
	s1 =	sshll.u32 s1, $0x11  }
0xc2: {  	s0 =	sor.u32 s1, s0  }
0xc3: {  	s0 =	sadd.s32 $0x8F2B, s0  }
0xc4: {  	[sflag:s0] =	ssyncadd.remote.s32 $0x1  }
0xc5: {  	_ =	sfence.sel $0xFFFF  }
0xc6: {  	[dreg:$0x0] =	wrdreg $0xFFFFFFFF;
	(pc) =	sbr.abs _section_cstart, $3  }
0xc7: {  	[dreg:$0x1] =	wrdreg $0xFFFFFFFF  }
0xc8: {  	_ =	task.clear_ibuf [dreg:s8], $0x2FFFF;
	_ =	strace $0x9FFFFFFF  }
0xc9: {  	(tm) =	ssettm $0x7FFFFFFF  }
tec
execute0_lowered:
.L_overlay_start_1:
0x0: {  	(tag) =	ssettag $0x1  }
0x1: {  	s4 =	rddreg [dreg:$0x0]  }
0x2: {  	s1 =	srdreg.scid;
	s2 =	rddreg [dreg:$0x1]  }
0x3: {  	s0 =	stileid.u32;
	s6 =	rddreg [dreg:$0x2]  }
0x4: {  	s12 =	simm.s32 $0x68;
	s13 =	simm.s32 $0x7C00;
	s14 =	simm.s32 $0xCC60  }
0x5: {  	s15 =	simm.s32 $0x9800;
	s16 =	simm.s32 $0xCCD0;
	s17 =	simm.s32 $0xB000  }
0x6: {  	s18 =	simm.s32 $0xCD30;
	s19 =	simm.s32 $0x1;
	s20 =	simm.s32 $0x2  }
0x7: {  	s21 =	simm.s32 $0xCDA0;
	s22 =	simm.s32 $0x0;
	s5 =	sand.u32 $0x1, s1  }
0x8: {  	s31 =	sshll.u32 s0, $0x8;
	s3 =	sshll.u32 s5, $0x7;
	s5 =	ssub.s32 $0x2, s5  }
0x9: {  	s7 =	sor.u32 s3, s31;
	s3 =	simm.s32 $0x0;
	s9 =	sshrl.u32 s5, $0x1  }
0xa: {  	s8 =	smul.u32 $0x19, s7;
	[smem:$0x7FF] =	sst s3;
	s7 =	sshll.u32 s7, $0x4  }
0xb: {  	s9 =	ssub.s32 s5, s9;
	_ =	strace $0x80000047;
	s6 =	sadd.s32 s6, s7  }
0xc: {  	s7 =	smax.u32 s9, $0x1;
	s9 =	simm.s32 $0x60;
	s8 =	sadd.s32 s8, s4  }
0xd: {  	s4 =	sadd.s32 $0x800, s4;
	s5 =	sadd.s32 $0xC3E00, s8;
	s8 =	simm.s32 $0x3  }
.LBB2_1:
0xe: {  	[tilespmem:s3], [sflag:$0x3] =	stream.linear.gather [hbm4b:s5+s3], $0x6400, $0x38;
	[tilespmem:$0x10DA0] =	vst v63  }
0xf: {  	_ =	swait.ge [sflag:s8], $0x6400  }
0x10: {  	[sflag:s8] =	ssyncset.done $0x0  }
0x11: {  	v0 =	vimm.f32 $-1.000000020e+30;
	[sflag:s8] =	ssyncadd.s32 $0xFFFF9C00  }
0x12: {  	v1 =	vimm.s32 $0x0;
	[tilespmem:$0xCCC0] =	vst v0  }
0x13: {  	[tilespmem:$0x9600] =	vst v1  }
0x14: {  	[tilespmem:$0x9610] =	vst v1  }
0x15: {  	[tilespmem:$0x9620] =	vst v1  }
0x16: {  	[tilespmem:$0x9630] =	vst v1  }
0x17: {  	[tilespmem:$0x9640] =	vst v1  }
0x18: {  	[tilespmem:$0x9650] =	vst v1  }
0x19: {  	[tilespmem:$0x9660] =	vst v1  }
0x1a: {  	[tilespmem:$0x9670] =	vst v1  }
0x1b: {  	[tilespmem:$0x9680] =	vst v1  }
0x1c: {  	[tilespmem:$0x9690] =	vst v1  }
0x1d: {  	[tilespmem:$0x96A0] =	vst v1  }
0x1e: {  	[tilespmem:$0x96B0] =	vst v1  }
0x1f: {  	[tilespmem:$0x96C0] =	vst v1  }
0x20: {  	[tilespmem:$0x96D0] =	vst v1  }
0x21: {  	[tilespmem:$0x96E0] =	vst v1  }
0x22: {  	[tilespmem:$0x96F0] =	vst v1  }
0x23: {  	[tilespmem:$0x9700] =	vst v1  }
0x24: {  	[tilespmem:$0x9710] =	vst v1  }
0x25: {  	[tilespmem:$0x9720] =	vst v1  }
0x26: {  	[tilespmem:$0x9730] =	vst v1  }
0x27: {  	[tilespmem:$0x9740] =	vst v1  }
0x28: {  	[tilespmem:$0x9750] =	vst v1  }
0x29: {  	[tilespmem:$0x9760] =	vst v1  }
0x2a: {  	[tilespmem:$0x9770] =	vst v1  }
0x2b: {  	[tilespmem:$0x9780] =	vst v1  }
0x2c: {  	[tilespmem:$0x9790] =	vst v1  }
0x2d: {  	[tilespmem:$0x97A0] =	vst v1  }
0x2e: {  	[tilespmem:$0x97B0] =	vst v1  }
0x2f: {  	[tilespmem:$0x97C0] =	vst v1  }
0x30: {  	[tilespmem:$0x97D0] =	vst v1  }
0x31: {  	[tilespmem:$0x97E0] =	vst v1  }
0x32: {  	[tilespmem:$0x97F0] =	vst v1  }
0x33: {  	[tilespmem:$0xCD90] =	vst v0  }
0x34: {  	[tilespmem:$0xCA00] =	vst v1  }
0x35: {  	[tilespmem:$0xCA10] =	vst v1  }
0x36: {  	[tilespmem:$0xCA20] =	vst v1  }
0x37: {  	[tilespmem:$0xCA30] =	vst v1  }
0x38: {  	[tilespmem:$0xCA40] =	vst v1  }
0x39: {  	[tilespmem:$0xCA50] =	vst v1  }
0x3a: {  	[tilespmem:$0xCA60] =	vst v1  }
0x3b: {  	[tilespmem:$0xCA70] =	vst v1  }
0x3c: {  	[tilespmem:$0xCA80] =	vst v1  }
0x3d: {  	[tilespmem:$0xCA90] =	vst v1  }
0x3e: {  	[tilespmem:$0xCAA0] =	vst v1  }
0x3f: {  	[tilespmem:$0xCAB0] =	vst v1  }
0x40: {  	[tilespmem:$0xCAC0] =	vst v1  }
0x41: {  	[tilespmem:$0xCAD0] =	vst v1  }
0x42: {  	[tilespmem:$0xCAE0] =	vst v1  }
0x43: {  	[tilespmem:$0xCAF0] =	vst v1  }
0x44: {  	[tilespmem:$0xCB00] =	vst v1  }
0x45: {  	[tilespmem:$0xCB10] =	vst v1  }
0x46: {  	[tilespmem:$0xCB20] =	vst v1  }
0x47: {  	[tilespmem:$0xCB30] =	vst v1  }
0x48: {  	[tilespmem:$0xCB40] =	vst v1  }
0x49: {  	[tilespmem:$0xCB50] =	vst v1  }
0x4a: {  	[tilespmem:$0xCB60] =	vst v1  }
0x4b: {  	[tilespmem:$0xCB70] =	vst v1  }
0x4c: {  	[tilespmem:$0xCB80] =	vst v1  }
0x4d: {  	[tilespmem:$0xCB90] =	vst v1  }
0x4e: {  	[tilespmem:$0xCBA0] =	vst v1  }
0x4f: {  	[tilespmem:$0xCBB0] =	vst v1  }
0x50: {  	[tilespmem:$0xCBC0] =	vst v1  }
0x51: {  	[tilespmem:$0xCBD0] =	vst v1  }
0x52: {  	[tilespmem:$0xCBE0] =	vst v1  }
0x53: {  	s0 =	simm.s32 $0x6400;
	[tilespmem:$0xCBF0] =	vst v1  }
0x54: {  	[tilespmem:s0], [sflag:$0x1] =	stream.indirect.gather [hbm4b:s4+s9], $0x40, s3, s9, $0xb8;
	[tilespmem:$0x10DA0] =	vst v63  }
0x55: {  	s31 =	simm.s32 $0xCC00  }
0x56: {  	[tilespmem:s31], [sflag:$0x1] =	stream.indirect.gather [hbm4b:s2+s9], $0x1, s3, s9, $0xb8;
	[tilespmem:$0x10DA0] =	vst v63  }
0x57: {  	_ = 	snop  }
0x58: {  	[tilespmem:s13], [sflag:$0x1] =	stream.indirect.gather [hbm4b:s4+s12], $0x40, s9, s12, $0xb8;
	[tilespmem:$0x10DA0] =	vst v63  }
0x59: {  	s23 =	simm.s32 $0x0  }
0x5a: {  	[tilespmem:s14], [sflag:$0x1] =	stream.indirect.gather [hbm4b:s2+s12], $0x1, s9, s12, $0xb8;
	[tilespmem:$0x10DA0] =	vst v63  }
.LBB2_2:
0x5b: {  	s24 =	sshllo.u32 s23, $0x1  }
0x5c: {  	s25 =	smul.u32 $0x320, s24;
	_ =	sdelay $0x1  }
0x5d: {  	s25 =	sshra.s32 s25, $0x2  }
0x5e: {  	[tilespmem:s15], [sflag:$0x2] =	stream.indirect.gather [hbm4b:s4+s9], $0x40, s25, s9, $0xb8;
	[tilespmem:$0x10DA0] =	vst v63  }
0x5f: {  	_ = 	snop  }
0x60: {  	[tilespmem:s16], [sflag:$0x2] =	stream.indirect.gather [hbm4b:s2+s9], $0x1, s25, s9, $0xb8;
	[tilespmem:$0x10DA0] =	vst v63  }
0x61: {  	s25 =	sadd.s32 $0x60, s25  }
0x62: {  	[tilespmem:s17], [sflag:$0x2] =	stream.indirect.gather [hbm4b:s4+s12], $0x40, s25, s12, $0xb8;
	[tilespmem:$0x10DA0] =	vst v63  }
0x63: {  	_ = 	snop  }
0x64: {  	[tilespmem:s18], [sflag:$0x2] =	stream.indirect.gather [hbm4b:s2+s12], $0x1, s25, s12, $0xb8;
	[tilespmem:$0x10DA0] =	vst v63  }
0x65: {  	_ =	swait.ge [sflag:s19], $0x1800  }
0x66: {  	[sflag:s19] =	ssyncset.done $0x0  }
0x67: {  	[sflag:s19] =	ssyncadd.s32 $0xFFFFE800  }
0x68: {  	_ =	swait.ge [sflag:s19], $0x60  }
0x69: {  	[sflag:s19] =	ssyncset.done $0x0  }
0x6a: {  	[sflag:s19] =	ssyncadd.s32 $0xFFFFFFA0  }
0x6b: {  	_ =	swait.ge [sflag:s19], $0x1A00  }
0x6c: {  	[sflag:s19] =	ssyncset.done $0x0  }
0x6d: {  	[sflag:s19] =	ssyncadd.s32 $0xFFFFE600  }
0x6e: {  	_ =	swait.ge [sflag:s19], $0x68  }
0x6f: {  	[sflag:s19] =	ssyncset.done $0x0  }
0x70: {  	s25 =	simm.s32 $0x6600;
	[sflag:s19] =	ssyncadd.s32 $0xFFFFFF98  }
0x71: {  	v0 =	vld [tilespmem:s25+$0x1C0]  }
0x72: {  	v1 =	vld [tilespmem:s25+$0x1D0]  }
0x73: {  	v2 =	vld [tilespmem:s25+$0x1E0]  }
0x74: {  	v3 =	vld [tilespmem:s25+$0x1F0]  }
0x75: {  	v4 =	vld [tilespmem:s25+$0x180]  }
0x76: {  	s26 =	simm.s32 $0x0;
	v7 =	vld [tilespmem:s25+$0x1B0]  }
0x77: {  	v16 =	vld [tilespmem:s26+$0xCC00]  }
0x78: {  	v8 =	vld [tilespmem:s25+$0x140]  }
0x79: {  	v9 =	vld [tilespmem:s25+$0x150]  }
0x7a: {  	v11 =	vld [tilespmem:s25+$0x170]  }
0x7b: {  	v12 =	vld [tilespmem:s25+$0x100];
	v29 =	vshll.u32 v2, $0x10;
	v30 =	vand.u32 $0xFFFF0000, v2;
	v2 =	vshll.u32 v3, $0x10  }
0x7c: {  	v13 =	vld [tilespmem:s25+$0x110];
	[tilespmem:$0x1FA40] =	vst v2;
	v2 =	vsub.f32 $0.0e+00, v16  }
0x7d: {  	v22 =	vshll.u32 v0, $0x10;
	v23 =	vand.u32 $0xFFFF0000, v0;
	v0 =	vld [tilespmem:s25+$0xE0]  }
0x7e: {  	v24 =	vshll.u32 v1, $0x10;
	v28 =	vand.u32 $0xFFFF0000, v1;
	v1 =	vld [tilespmem:s25+$0xF0];
	v2 =	vmul.f32 $1.442695020e+00, v2  }
0x7f: {  	v14 =	vld [tilespmem:s25+$0x120]  }
0x80: {  	v15 =	vld [tilespmem:s25+$0x130];
	v58 =	vand.u32 $0xFFFF0000, v3;
	v3 =	vshll.u32 v7, $0x10;
	(erf) = vpow2.f32 v2  }
0x81: {  	v25 =	vld [tilespmem:s25+$0xB0];
	[tilespmem:$0x1FA50] =	vst v3;
	v3 =	vand.u32 $0xFFFF0000, v7  }
0x82: {  	v18 =	vld [tilespmem:s25+$0xD0];
	v31 =	vshll.u32 v4, $0x10;
	v32 =	vand.u32 $0xFFFF0000, v4;
	[tilespmem:$0x1FA60] =	vst v3;
	v2 =	vshll.u32 v11, $0x10  }
0x83: {  	v3 =	vshll.u32 v0, $0x10;
	v4 =	vand.u32 $0xFFFF0000, v0;
	v0 =	vshll.u32 v1, $0x10;
	[tilespmem:$0x1FA70] =	vst v2  }
0x84: {  	v42 =	vld [tilespmem:s25+$0x60];
	v37 =	vand.u32 $0xFFFF0000, v8;
	v38 =	vshll.u32 v9, $0x10;
	v2 =	vand.u32 $0xFFFF0000, v11;
	[tilespmem:$0x1FAB0] =	vst v0  }
0x85: {  	v19 =	vld [tilespmem:s25+$0x80];
	v43 =	vshll.u32 v12, $0x10;
	v44 =	vand.u32 $0xFFFF0000, v12;
	v0 =	vand.u32 $0xFFFF0000, v1;
	[tilespmem:$0x1FA80] =	vst v2  }
0x86: {  	v20 =	vld [tilespmem:s25+$0xA0];
	v45 =	vshll.u32 v13, $0x10;
	v2 =	vshll.u32 v15, $0x10;
	[tilespmem:$0x1FAC0] =	vst v0;
	v0 =	vshll.u32 v25, $0x10  }
0x87: {  	v12 =	vld [tilespmem:s25+$0x70];
	v46 =	vand.u32 $0xFFFF0000, v13;
	v13 =	vshll.u32 v14, $0x10;
	v51 =	vshll.u32 v18, $0x10;
	[tilespmem:$0x1FA90] =	vst v2  }
0x88: {  	v11 =	vand.u32 $0xFFFF0000, v14;
	v14 =	vld [tilespmem:s25+$0x10];
	v2 =	vand.u32 $0xFFFF0000, v15;
	[tilespmem:$0x1FAD0] =	vst v0;
	v15 =	vand.u32 $0xFFFF0000, v25  }
0x89: {  	v52 =	vand.u32 $0xFFFF0000, v18;
	v18 =	vand.u32 $0xFFFF0000, v42;
	[tilespmem:$0x1FAE0] =	vst v15;
	v15 =	vshll.u32 v42, $0x10;
	v42 =	vld [tilespmem:s25+$0xFFFFFF90];
	v0 =	vpop (erf)  }
0x8a: {  	v39 =	vand.u32 $0xFFFF0000, v9;
	v54 =	vand.u32 $0xFFFF0000, v19;
	v1 =	vld [tilespmem:s25+$0xFFFFFFC0];
	v0 =	vadd.f32 $1.000000000e+00, v0  }
0x8b: {  	v17 =	vld [tilespmem:s25+$0xC0];
	v9 =	vshll.u32 v20, $0x10;
	v7 =	vshll.u32 v8, $0x10;
	v8 =	vand.u32 $0xFFFF0000, v20  }
0x8c: {  	v53 =	vld [tilespmem:s25+$0x30];
	[tilespmem:$0x1FAA0] =	vst v2;
	v2 =	vshll.u32 v19, $0x10;
	(erf) = vrcp.f32 v0;
	v0 =	vshll.u32 v12, $0x10  }
0x8d: {  	v19 =	vshll.u32 v14, $0x10;
	v20 =	vand.u32 $0xFFFF0000, v14;
	v14 =	vld [tilespmem:s25+$0xFFFFFFA0];
	[tilespmem:$0x1FAF0] =	vst v0;
	v0 =	vand.u32 $0xFFFF0000, v12  }
0x8e: {  	v12 =	vshll.u32 v42, $0x10;
	[tilespmem:$0x1FB00] =	vst v0  }
0x8f: {  	v0 =	vshll.u32 v1, $0x10;
	v1 =	vand.u32 $0xFFFF0000, v1;
	[tilespmem:$0x1FB90] =	vst v12  }
0x90: {  	v55 =	vld [tilespmem:s25+$0xFFFFFFD0];
	v12 =	vand.u32 $0xFFFF0000, v42;
	[tilespmem:$0x1FF60] =	vst v1  }
0x91: {  	v49 =	vshll.u32 v17, $0x10;
	v50 =	vand.u32 $0xFFFF0000, v17;
	v17 =	vld [tilespmem:s25+$0x20];
	v1 =	vshll.u32 v53, $0x10;
	[tilespmem:$0x1FBA0] =	vst v12  }
0x92: {  	v56 =	vld [tilespmem:s25+$0xFFFFFFE0];
	v12 =	vshll.u32 v14, $0x10;
	[tilespmem:$0x1FB10] =	vst v1  }
0x93: {  	v10 =	vld [tilespmem:s25+$0x160];
	v1 =	vand.u32 $0xFFFF0000, v53;
	[tilespmem:$0x1FBB0] =	vst v12  }
0x94: {  	v57 =	vld [tilespmem:s25+$0xFFFFFFF0];
	v12 =	vand.u32 $0xFFFF0000, v14;
	[tilespmem:$0x1FB20] =	vst v1  }
0x95: {  	v47 =	vld [tilespmem:s25+$0xFFFFFF80];
	v1 =	vshll.u32 v55, $0x10;
	[tilespmem:$0x1FBC0] =	vst v12  }
0x96: {  	v62 =	vand.u32 $0xFFFF0000, v17;
	v25 =	vshll.u32 v17, $0x10;
	v17 =	vld [tilespmem:s25+$0xFFFFFFB0];
	[tilespmem:$0x1FB30] =	vst v1;
	v1 =	vand.u32 $0xFFFF0000, v55  }
0x97: {  	v53 =	vld [tilespmem:s25+$0xFFFFFF50];
	[tilespmem:$0x1FB40] =	vst v1;
	v1 =	vshll.u32 v56, $0x10  }
0x98: {  	v27 =	vld [tilespmem:s25+$0x40];
	[tilespmem:$0x1FB50] =	vst v1;
	v1 =	vand.u32 $0xFFFF0000, v56  }
0x99: {  	v55 =	vld [tilespmem:s25+$0xFFFFFF60];
	[tilespmem:$0x1FB60] =	vst v1;
	v1 =	vshll.u32 v57, $0x10  }
0x9a: {  	v34 =	vld [tilespmem:s25+$0x50];
	[tilespmem:$0x1FB70] =	vst v1;
	v1 =	vand.u32 $0xFFFF0000, v57  }
0x9b: {  	v60 =	vshll.u32 v47, $0x10;
	v12 =	vshll.u32 v17, $0x10;
	[tilespmem:$0x1FB80] =	vst v1;
	v1 =	vand.u32 $0xFFFF0000, v47;
	v47 =	vld [tilespmem:s25+$0xFFFFFF70]  }
0x9c: {  	[tilespmem:$0x1FBD0] =	vst v12;
	v12 =	vand.u32 $0xFFFF0000, v17;
	v17 =	vshll.u32 v53, $0x10  }
0x9d: {  	v40 =	vshll.u32 v10, $0x10;
	v41 =	vand.u32 $0xFFFF0000, v10;
	[tilespmem:$0x1FBF0] =	vst v17;
	v17 =	vand.u32 $0xFFFF0000, v53  }
0x9e: {  	v26 =	vshll.u32 v27, $0x10;
	v10 =	vand.u32 $0xFFFF0000, v27;
	[tilespmem:$0x1FC00] =	vst v17;
	v17 =	vshll.u32 v55, $0x10  }
0x9f: {  	v59 =	vshll.u32 v34, $0x10;
	v27 =	vand.u32 $0xFFFF0000, v34;
	v34 =	vpop (erf);
	[tilespmem:$0x1FC10] =	vst v17;
	v17 =	vand.u32 $0xFFFF0000, v55  }
0xa0: {  	v57 =	vbroadcast v34, $0xF;
	[tilespmem:$0x1FC20] =	vst v17;
	v17 =	vshll.u32 v47, $0x10  }
0xa1: {  	[tilespmem:$0x1FC30] =	vst v17;
	v17 =	vand.u32 $0xFFFF0000, v47  }
0xa2: {  	[tilespmem:$0x1FC40] =	vst v17;
	v17 =	vmul.f32 v22, v57  }
0xa3: {  	v14 =	vld [tilespmem:s25+$0xFFFFFF10]  }
0xa4: {  	[tilespmem:$0x1FC50] =	vst v17;
	v17 =	vmul.f32 v23, v57  }
0xa5: {  	v22 =	vmul.f32 v29, v57  }
0xa6: {  	[tilespmem:$0x1FC60] =	vst v17;
	v17 =	vmul.f32 v24, v57  }
0xa7: {  	v6 =	vld [tilespmem:s25+$0x1A0];
	[tilespmem:$0x1FC90] =	vst v22  }
0xa8: {  	v22 =	vshll.u32 v14, $0x10;
	v24 =	vbroadcast v34, $0xC;
	[tilespmem:$0x1FC70] =	vst v17;
	v17 =	vmul.f32 v28, v57  }
0xa9: {  	[tilespmem:$0x1FCA0] =	vst v22  }
0xaa: {  	v14 =	vand.u32 $0xFFFF0000, v14;
	v13 =	vmul.f32 v13, v24;
	[tilespmem:$0x1FC80] =	vst v17;
	v17 =	vbroadcast v34, $0xE  }
0xab: {  	v5 =	vld [tilespmem:s25+$0x190];
	[tilespmem:$0x1FCB0] =	vst v14;
	v11 =	vmul.f32 v11, v24  }
0xac: {  	v36 =	vshll.u32 v6, $0x10;
	v6 =	vand.u32 $0xFFFF0000, v6;
	v23 =	vld [tilespmem:s25+$0xFFFFFF30];
	[tilespmem:$0x1FE00] =	vst v13;
	v14 =	vmul.f32 v31, v17  }
0xad: {  	v22 =	vbroadcast v34, $0xD;
	[tilespmem:$0x1FE30] =	vst v11;
	v6 =	vmul.f32 v6, v17  }
0xae: {  	[tilespmem:$0x1FCC0] =	vst v14;
	v14 =	vmul.f32 v32, v17  }
0xaf: {  	v61 =	vld [tilespmem:s25+$0xFFFFFF20];
	[tilespmem:$0x1FD30] =	vst v6;
	v6 =	vmul.f32 v7, v22  }
0xb0: {  	v33 =	vshll.u32 v5, $0x10;
	[tilespmem:$0x1FCD0] =	vst v14  }
0xb1: {  	v28 =	vld [tilespmem:s25+$0xFFFFFEC0];
	v14 =	vmul.f32 v33, v17;
	[tilespmem:$0x1FD40] =	vst v6;
	v6 =	vshll.u32 v23, $0x10  }
0xb2: {  	[tilespmem:$0x1FD50] =	vst v6  }
0xb3: {  	v6 =	vand.u32 $0xFFFF0000, v23;
	[tilespmem:$0x1FCE0] =	vst v14  }
0xb4: {  	v33 =	vbroadcast v34, $0xA;
	v14 =	vshll.u32 v61, $0x10;
	[tilespmem:$0x1FD60] =	vst v6  }
0xb5: {  	v35 =	vand.u32 $0xFFFF0000, v5;
	v6 =	vmul.f32 v37, v22;
	[tilespmem:$0x1FCF0] =	vst v14;
	v14 =	vand.u32 $0xFFFF0000, v61  }
0xb6: {  	v53 =	vshll.u32 v28, $0x10;
	v61 =	vmul.f32 v2, v33;
	v2 =	vmul.f32 v9, v33;
	[tilespmem:$0x1FD00] =	vst v14  }
0xb7: {  	v37 =	vand.u32 $0xFFFF0000, v28;
	v28 =	vbroadcast v34, $0xB;
	v14 =	vmul.f32 v35, v17;
	[tilespmem:$0x1FD70] =	vst v6  }
0xb8: {  	v6 =	vmul.f32 v38, v22;
	[tilespmem:$0x1FEC0] =	vst v2  }
0xb9: {  	v23 =	vld [tilespmem:s25+$0xFFFFFEE0];
	v11 =	vmul.f32 v49, v28;
	[tilespmem:$0x1FD10] =	vst v14  }
0xba: {  	[tilespmem:$0x1FD80] =	vst v6;
	v6 =	vmul.f32 v39, v22  }
0xbb: {  	v3 =	vmul.f32 v3, v28;
	[tilespmem:$0x1FE40] =	vst v11  }
0xbc: {  	[tilespmem:$0x1FD90] =	vst v6;
	v6 =	vmul.f32 v40, v22  }
0xbd: {  	[tilespmem:$0x1FEA0] =	vst v3  }
0xbe: {  	v13 =	vshll.u32 v23, $0x10;
	[tilespmem:$0x1FDA0] =	vst v6;
	v6 =	vmul.f32 v41, v22  }
0xbf: {  	v29 =	vld [tilespmem:s25+$0xFFFFFED0];
	[tilespmem:$0x1FE10] =	vst v13  }
0xc0: {  	v16 =	vld [tilespmem:s25+$0x90];
	v13 =	vand.u32 $0xFFFF0000, v23;
	[tilespmem:$0x1FDB0] =	vst v6;
	v6 =	vmul.f32 v43, v24  }
0xc1: {  	v56 =	vmul.f32 v30, v57;
	v30 =	vld [tilespmem:s25+$0xFFFFFEF0];
	[tilespmem:$0x1FE20] =	vst v13;
	v13 =	vmul.f32 v50, v28  }
0xc2: {  	[tilespmem:$0x1FDC0] =	vst v6;
	v6 =	vmul.f32 v44, v24  }
0xc3: {  	v14 =	vmul.f32 v36, v17;
	[tilespmem:$0x1FE50] =	vst v13  }
0xc4: {  	v7 =	vshll.u32 v29, $0x10;
	v13 =	vmul.f32 v51, v28;
	[tilespmem:$0x1FDD0] =	vst v6;
	v6 =	vand.u32 $0xFFFF0000, v29;
	v29 =	vld [tilespmem:s25+$0xFFFFFE80]  }
0xc5: {  	v48 =	vld [tilespmem:s25+$0x0];
	v21 =	vshll.u32 v16, $0x10;
	v5 =	vand.u32 $0xFFFF0000, v16;
	[tilespmem:$0x1FD20] =	vst v14  }
0xc6: {  	v5 =	vmul.f32 v5, v33;
	v2 =	vmul.f32 v8, v33;
	v11 =	vld [tilespmem:s25+$0xFFFFFE90];
	[tilespmem:$0x1FE60] =	vst v13;
	v13 =	vshll.u32 v30, $0x10  }
0xc7: {  	v3 =	vmul.f32 v4, v28;
	v14 =	vmul.f32 v45, v24;
	[tilespmem:$0x1FE70] =	vst v13;
	v13 =	vand.u32 $0xFFFF0000, v30;
	v30 =	vld [tilespmem:s25+$0xFFFFFEA0]  }
0xc8: {  	v4 =	vmul.f32 v21, v33;
	v40 =	vbroadcast v34, $0x9  }
0xc9: {  	[tilespmem:$0x1FDE0] =	vst v14;
	v14 =	vmul.f32 v46, v24;
	v43 =	vshll.u32 v29, $0x10;
	v45 =	vand.u32 $0xFFFF0000, v29;
	v29 =	vld [tilespmem:s25+$0xFFFFFEB0]  }
0xca: {  	v63 =	vshll.u32 v48, $0x10;
	[tilespmem:$0x1FED0] =	vst v2;
	v8 =	vmul.f32 v26, v40;
	v9 =	vmul.f32 v10, v40;
	v26 =	vld [tilespmem:s25+$0xFFFFFE50]  }
0xcb: {  	v16 =	vand.u32 $0xFFFF0000, v48;
	v10 =	vmul.f32 v59, v40;
	v41 =	vbroadcast v34, $0x8;
	[tilespmem:$0x1FDF0] =	vst v14  }
0xcc: {  	v48 =	vld [tilespmem:s25+$0xFFFFFF40];
	v59 =	vbroadcast v34, $0x6;
	v23 =	vshll.u32 v11, $0x10;
	[tilespmem:$0x1FE80] =	vst v13;
	v2 =	vshll.u32 v30, $0x10  }
0xcd: {  	v46 =	vld [tilespmem:s25+$0xFFFFFE40];
	v21 =	vand.u32 $0xFFFF0000, v11;
	v11 =	vmul.f32 v27, v40;
	[tilespmem:$0x1FEE0] =	vst v2;
	v2 =	vand.u32 $0xFFFF0000, v30  }
0xce: {  	v13 =	vmul.f32 v52, v28;
	v52 =	vbroadcast v34, $0x7;
	[tilespmem:$0x1FEF0] =	vst v2;
	v2 =	vshll.u32 v29, $0x10  }
0xcf: {  	v42 =	vld [tilespmem:s25+$0xFFFFFF00];
	v14 =	vmul.f32 v54, v33;
	v38 =	vshll.u32 v26, $0x10;
	[tilespmem:$0x1FF00] =	vst v2;
	v2 =	vand.u32 $0xFFFF0000, v29  }
0xd0: {  	v36 =	vand.u32 $0xFFFF0000, v26;
	v26 =	vmul.f32 v0, v52;
	v0 =	vld [tilespmem:$0x1FF60];
	[tilespmem:$0x1FF10] =	vst v2;
	v2 =	vmul.f32 v15, v40  }
0xd1: {  	[tilespmem:$0x1FBE0] =	vst v12;
	v12 =	vshll.u32 v48, $0x10;
	v16 =	vmul.f32 v16, v41;
	v19 =	vmul.f32 v19, v41  }
0xd2: {  	v51 =	vshll.u32 v46, $0x10;
	v31 =	vand.u32 $0xFFFF0000, v46;
	v46 =	vld [tilespmem:s25+$0xFFFFFE10];
	[tilespmem:$0x1FF20] =	vst v2;
	v2 =	vmul.f32 v18, v40  }
0xd3: {  	v48 =	vand.u32 $0xFFFF0000, v48;
	v50 =	vld [tilespmem:s25+$0xFFFFFE70];
	v20 =	vmul.f32 v20, v41;
	[tilespmem:$0x1FE90] =	vst v13;
	v30 =	vmul.f32 v1, v59  }
0xd4: {  	v47 =	vshll.u32 v42, $0x10;
	v13 =	vld [tilespmem:s25+$0xFFFFFE20];
	v1 =	vbroadcast v34, $0x4;
	[tilespmem:$0x1FF30] =	vst v2;
	v2 =	vmul.f32 v25, v41  }
0xd5: {  	v42 =	vand.u32 $0xFFFF0000, v42;
	[tilespmem:$0x1FEB0] =	vst v3;
	v27 =	vmul.f32 v0, v52;
	v29 =	vmul.f32 v60, v59;
	v18 =	vld [tilespmem:s25+$0xFFFFFE60]  }
0xd6: {  	v3 =	vimm.f32 $0.0e+00;
	v60 =	vbroadcast v34, $0x5;
	[tilespmem:$0x1FF40] =	vst v2;
	v2 =	vmul.f32 v62, v41  }
0xd7: {  	v54 =	vand.u32 $0xFFFF0000, v46;
	v39 =	vmul.f32 v47, v1;
	v42 =	vmul.f32 v42, v1;
	v25 =	vld [tilespmem:s25+$0xFFFFFE00]  }
0xd8: {  	v15 =	vmul.f32 v63, v41;
	v35 =	vmul.f32 v12, v60;
	[tilespmem:$0x1FF50] =	vst v2;
	v2 =	vshll.u32 v50, $0x10  }
0xd9: {  	v32 =	vmul.f32 v48, v60;
	v12 =	vshll.u32 v13, $0x10;
	[tilespmem:$0x1FF70] =	vst v2;
	v2 =	vimm.f32 $0.0e+00  }
0xda: {  	v62 =	vand.u32 $0xFFFF0000, v50;
	v63 =	vshll.u32 v18, $0x10;
	[tilespmem:$0x1FF80] =	vst v2;
	v2 =	vimm.f32 $0.0e+00  }
0xdb: {  	v0 =	vand.u32 $0xFFFF0000, v18;
	v18 =	vbroadcast v34, $0x3;
	[tilespmem:$0x1FF90] =	vst v2;
	v2 =	vimm.f32 $0.0e+00  }
0xdc: {  	v50 =	vshll.u32 v46, $0x10;
	v48 =	vshll.u32 v25, $0x10;
	[tilespmem:$0x1FFA0] =	vst v2;
	v2 =	vimm.f32 $0.0e+00  }
0xdd: {  	v49 =	vand.u32 $0xFFFF0000, v25;
	v25 =	vbroadcast v34, $0x2;
	[tilespmem:$0x1FFB0] =	vst v2;
	v2 =	vimm.f32 $0.0e+00  }
0xde: {  	v44 =	vmul.f32 v37, v18;
	v37 =	vbroadcast v34, $0x1;
	[tilespmem:$0x1FFC0] =	vst v2;
	v2 =	vimm.f32 $0.0e+00  }
0xdf: {  	v53 =	vmul.f32 v53, v18;
	v46 =	vmul.f32 v43, v25;
	[tilespmem:$0x1FFD0] =	vst v2;
	v2 =	vimm.f32 $0.0e+00  }
0xe0: {  	v47 =	vmul.f32 v45, v25;
	v43 =	vmul.f32 v51, v37;
	[tilespmem:$0x1FFE0] =	vst v2;
	v2 =	vimm.f32 $0.0e+00  }
0xe1: {  	s26 =	simm.s32 $0x40;
	v13 =	vand.u32 $0xFFFF0000, v13;
	v51 =	vmul.f32 v31, v37;
	v45 =	vbroadcast v34, $0x0;
	v31 =	vld [tilespmem:s25+$0xFFFFFE30];
	[tilespmem:$0x1FFF0] =	vst v2  }
.LBB2_3:
0xe2: {  	v2 =	vld [tilespmem:$0x1FF80];
	_ =	sdelay $0x2  }
0xe3: {  	v48 =	vmul.f32 v48, v45;
	_ =	sdelay $0x1  }
0xe4: {  	v48 =	vadd.f32 v48, v2;
	v2 =	vld [tilespmem:$0x1FF90];
	_ =	sdelay $0x2  }
0xe5: {  	v49 =	vmul.f32 v49, v45;
	_ =	sdelay $0x1  }
0xe6: {  	v49 =	vadd.f32 v49, v2;
	v2 =	vld [tilespmem:$0x1FFA0];
	_ =	sdelay $0x2  }
0xe7: {  	v50 =	vmul.f32 v50, v45;
	_ =	sdelay $0x1  }
0xe8: {  	v50 =	vadd.f32 v50, v2;
	v2 =	vld [tilespmem:$0x1FCA0];
	_ =	sdelay $0x1  }
0xe9: {  	v54 =	vmul.f32 v54, v45;
	_ =	sdelay $0x1  }
0xea: {  	v36 =	vmul.f32 v36, v37;
	v54 =	vadd.f32 v54, v3  }
0xeb: {  	v43 =	vadd.f32 v43, v48;
	v48 =	vadd.f32 v51, v49;
	v49 =	vmul.f32 v2, v1;
	v2 =	vld [tilespmem:$0x1FCB0]  }
0xec: {  	v21 =	vmul.f32 v21, v25;
	v36 =	vadd.f32 v36, v54;
	_ =	sdelay $0x1  }
0xed: {  	v6 =	vmul.f32 v6, v18;
	v21 =	vadd.f32 v21, v36;
	_ =	sdelay $0x1  }
0xee: {  	v6 =	vadd.f32 v6, v21;
	v21 =	vmul.f32 v2, v1;
	v2 =	vld [tilespmem:$0x1FBF0];
	_ =	sdelay $0x4  }
0xef: {  	v51 =	vmul.f32 v2, v60;
	v2 =	vld [tilespmem:$0x1FC00];
	_ =	sdelay $0x4  }
0xf0: {  	v6 =	vadd.f32 v21, v6;
	v21 =	vmul.f32 v2, v60;
	v2 =	vld [tilespmem:$0x1FB90];
	_ =	sdelay $0x2  }
0xf1: {  	v43 =	vadd.f32 v46, v43  }
0xf2: {  	v38 =	vmul.f32 v38, v37  }
0xf3: {  	v54 =	vadd.f32 v47, v48;
	v47 =	vadd.f32 v53, v43;
	v53 =	vmul.f32 v2, v59;
	v2 =	vld [tilespmem:$0x1FBA0];
	_ =	sdelay $0x1  }
0xf4: {  	v23 =	vmul.f32 v23, v25;
	v38 =	vadd.f32 v38, v50  }
0xf5: {  	v48 =	vadd.f32 v44, v54  }
0xf6: {  	v7 =	vmul.f32 v7, v18;
	v23 =	vadd.f32 v23, v38  }
0xf7: {  	v50 =	vadd.f32 v42, v48;
	v6 =	vadd.f32 v21, v6;
	v21 =	vmul.f32 v2, v59;
	v2 =	vld [tilespmem:$0x1FB30]  }
0xf8: {  	v7 =	vadd.f32 v7, v23;
	v23 =	vadd.f32 v39, v47;
	_ =	sdelay $0x1  }
0xf9: {  	v32 =	vadd.f32 v32, v50;
	v23 =	vadd.f32 v35, v23;
	_ =	sdelay $0x1  }
0xfa: {  	v23 =	vadd.f32 v29, v23;
	v29 =	vadd.f32 v30, v32;
	v30 =	vmul.f32 v2, v52;
	v2 =	vld [tilespmem:$0x1FB40];
	_ =	sdelay $0x4  }
0xfb: {  	v54 =	vmul.f32 v2, v52;
	v2 =	vld [tilespmem:$0x1FB50];
	_ =	sdelay $0x4  }
0xfc: {  	v21 =	vadd.f32 v21, v6;
	v6 =	vmul.f32 v2, v52;
	v2 =	vld [tilespmem:$0x1FB60];
	_ =	sdelay $0x4  }
0xfd: {  	v23 =	vadd.f32 v26, v23;
	v26 =	vadd.f32 v27, v29;
	v27 =	vmul.f32 v2, v52;
	v2 =	vld [tilespmem:$0x1FBB0];
	_ =	sdelay $0x4  }
0xfe: {  	v29 =	vmul.f32 v2, v59;
	v2 =	vld [tilespmem:$0x1FBC0];
	_ =	sdelay $0x1  }
0xff: {  	v7 =	vadd.f32 v49, v7;
	_ =	sdelay $0x1  }
0x100: {  	v7 =	vadd.f32 v51, v7  }
0x101: {  	v15 =	vadd.f32 v15, v23;
	v23 =	vmul.f32 v2, v59;
	v2 =	vld [tilespmem:$0x1FC10]  }
0x102: {  	v7 =	vadd.f32 v53, v7;
	_ =	sdelay $0x1  }
0x103: {  	v7 =	vadd.f32 v30, v7;
	v21 =	vadd.f32 v54, v21;
	_ =	sdelay $0x1  }
0x104: {  	v7 =	vadd.f32 v19, v7;
	v19 =	vadd.f32 v20, v21;
	v20 =	vmul.f32 v2, v60;
	v2 =	vld [tilespmem:$0x1FC20];
	_ =	sdelay $0x4  }
0x105: {  	v8 =	vadd.f32 v8, v15;
	v15 =	vmul.f32 v2, v60;
	v2 =	vld [tilespmem:$0x1FCF0]  }
0x106: {  	v16 =	vadd.f32 v16, v26;
	_ =	sdelay $0x1  }
0x107: {  	v9 =	vadd.f32 v9, v16  }
0x108: {  	v7 =	vadd.f32 v10, v7  }
0x109: {  	v10 =	vadd.f32 v11, v19;
	v11 =	vmul.f32 v2, v1;
	v2 =	vadd.f32 v14, v9;
	v9 =	vld [tilespmem:$0x1FE40];
	_ =	sdelay $0x1  }
0x10a: {  	v14 =	vld [tilespmem:$0x1FDC0]  }
0x10b: {  	v3 =	vadd.f32 v61, v8;
	_ =	sdelay $0x1  }
0x10c: {  	v3 =	vadd.f32 v9, v3;
	v9 =	vld [tilespmem:$0x1FE50];
	_ =	sdelay $0x1  }
0x10d: {  	v3 =	vadd.f32 v14, v3;
	v14 =	vld [tilespmem:$0x1FDD0];
	_ =	sdelay $0x2  }
0x10e: {  	v2 =	vadd.f32 v9, v2;
	_ =	sdelay $0x1  }
0x10f: {  	v2 =	vadd.f32 v14, v2;
	v14 =	vld [tilespmem:$0x1FEF0];
	_ =	sdelay $0x2  }
0x110: {  	v5 =	vadd.f32 v5, v10;
	v10 =	vld [tilespmem:$0x1FE60];
	_ =	sdelay $0x1  }
0x111: {  	v16 =	vmul.f32 v14, v25;
	v14 =	vld [tilespmem:$0x1FDE0]  }
0x112: {  	v4 =	vadd.f32 v4, v7;
	_ =	sdelay $0x1  }
0x113: {  	v4 =	vadd.f32 v10, v4;
	v10 =	vld [tilespmem:$0x1FE90];
	_ =	sdelay $0x1  }
0x114: {  	v4 =	vadd.f32 v14, v4;
	v14 =	vld [tilespmem:$0x1FDF0];
	_ =	sdelay $0x2  }
0x115: {  	v5 =	vadd.f32 v10, v5;
	_ =	sdelay $0x1  }
0x116: {  	v5 =	vadd.f32 v14, v5;
	v14 =	vld [tilespmem:$0x1FD40];
	_ =	sdelay $0x4  }
0x117: {  	v3 =	vadd.f32 v14, v3;
	v14 =	vld [tilespmem:$0x1FD70];
	_ =	sdelay $0x4  }
0x118: {  	v2 =	vadd.f32 v14, v2;
	v14 =	vld [tilespmem:$0x1FD80];
	_ =	sdelay $0x4  }
0x119: {  	v4 =	vadd.f32 v14, v4;
	v14 =	vld [tilespmem:$0x1FD90];
	_ =	sdelay $0x4  }
0x11a: {  	v5 =	vadd.f32 v14, v5;
	v14 =	vld [tilespmem:$0x1FCC0];
	_ =	sdelay $0x4  }
0x11b: {  	v3 =	vadd.f32 v14, v3;
	v14 =	vld [tilespmem:$0x1FCD0];
	_ =	sdelay $0x4  }
0x11c: {  	v2 =	vadd.f32 v14, v2;
	v14 =	vld [tilespmem:$0x1FCE0];
	_ =	sdelay $0x4  }
0x11d: {  	v4 =	vadd.f32 v14, v4;
	v14 =	vld [tilespmem:$0x1FD10];
	_ =	sdelay $0x4  }
0x11e: {  	v5 =	vadd.f32 v14, v5;
	v14 =	vld [tilespmem:$0x1FC50];
	_ =	sdelay $0x4  }
0x11f: {  	v3 =	vadd.f32 v14, v3;
	_ =	sdelay $0x1  }
0x120: {  	[tilespmem:$0x1FF80] =	vst v3;
	v3 =	vld [tilespmem:$0x1FC60];
	_ =	sdelay $0x4  }
0x121: {  	v2 =	vadd.f32 v3, v2;
	v3 =	vld [tilespmem:$0x1FC70];
	_ =	sdelay $0x4  }
0x122: {  	v3 =	vadd.f32 v3, v4;
	_ =	sdelay $0x1  }
0x123: {  	[tilespmem:$0x1FFA0] =	vst v3;
	v3 =	vld [tilespmem:$0x1FC80];
	_ =	sdelay $0x4  }
0x124: {  	v3 =	vadd.f32 v3, v5  }
0x125: {  	v4 =	vld [tilespmem:$0x1FFC0]  }
0x126: {  	[tilespmem:$0x1FA20] =	vst v3;
	v3 =	vld [tilespmem:$0x1FFB0];
	_ =	sdelay $0x2  }
0x127: {  	v12 =	vmul.f32 v12, v45;
	v13 =	vmul.f32 v13, v45  }
0x128: {  	v5 =	vld [tilespmem:$0x1FF70]  }
0x129: {  	v0 =	vmul.f32 v0, v37;
	v4 =	vadd.f32 v13, v4;
	v3 =	vadd.f32 v12, v3;
	v12 =	vld [tilespmem:$0x1FFD0];
	_ =	sdelay $0x1  }
0x12a: {  	v55 =	vshll.u32 v31, $0x10;
	v0 =	vadd.f32 v0, v4;
	v4 =	vld [tilespmem:$0x1FF00]  }
0x12b: {  	v21 =	vmul.f32 v55, v45;
	_ =	sdelay $0x1  }
0x12c: {  	v13 =	vld [tilespmem:$0x1FFE0];
	v5 =	vmul.f32 v5, v37;
	v12 =	vadd.f32 v21, v12  }
0x12d: {  	v10 =	vld [tilespmem:$0x1FEE0]  }
0x12e: {  	v31 =	vand.u32 $0xFFFF0000, v31;
	v4 =	vmul.f32 v4, v25;
	v5 =	vadd.f32 v5, v12;
	v12 =	vld [tilespmem:$0x1FF10]  }
0x12f: {  	v7 =	vld [tilespmem:$0x1FE10];
	[tilespmem:$0x1FF90] =	vst v2;
	v2 =	vmul.f32 v31, v45  }
0x130: {  	v19 =	vmul.f32 v63, v37;
	v4 =	vadd.f32 v4, v5;
	v5 =	vld [tilespmem:$0x1FE80]  }
0x131: {  	v2 =	vadd.f32 v2, v13;
	v13 =	vmul.f32 v62, v37  }
0x132: {  	v10 =	vmul.f32 v10, v25;
	v3 =	vadd.f32 v19, v3  }
0x133: {  	v2 =	vadd.f32 v13, v2;
	v12 =	vmul.f32 v12, v25  }
0x134: {  	v8 =	vld [tilespmem:$0x1FD00];
	v7 =	vmul.f32 v7, v18;
	v3 =	vadd.f32 v10, v3  }
0x135: {  	v10 =	vld [tilespmem:$0x1FE70];
	v2 =	vadd.f32 v12, v2;
	v5 =	vmul.f32 v5, v18  }
0x136: {  	v3 =	vadd.f32 v7, v3;
	v7 =	vld [tilespmem:$0x1FD50]  }
0x137: {  	v2 =	vadd.f32 v5, v2;
	v5 =	vld [tilespmem:$0x1FD60];
	_ =	sdelay $0x3  }
0x138: {  	v8 =	vmul.f32 v8, v1;
	v10 =	vmul.f32 v10, v18  }
0x139: {  	v9 =	vld [tilespmem:$0x1FE20];
	v7 =	vmul.f32 v7, v1;
	v1 =	vmul.f32 v5, v1  }
0x13a: {  	v4 =	vadd.f32 v10, v4;
	v5 =	vld [tilespmem:$0x1FC30]  }
0x13b: {  	v1 =	vadd.f32 v1, v2;
	v2 =	vld [tilespmem:$0x1FC40]  }
0x13c: {  	v4 =	vadd.f32 v7, v4;
	v7 =	vld [tilespmem:$0x1FBD0];
	_ =	sdelay $0x1  }
0x13d: {  	v3 =	vadd.f32 v11, v3  }
0x13e: {  	v5 =	vmul.f32 v5, v60  }
0x13f: {  	v9 =	vmul.f32 v9, v18;
	v3 =	vadd.f32 v20, v3;
	v2 =	vmul.f32 v2, v60  }
0x140: {  	v0 =	vadd.f32 v16, v0;
	v7 =	vmul.f32 v7, v59;
	v4 =	vadd.f32 v5, v4;
	v5 =	vld [tilespmem:$0x1FB70]  }
0x141: {  	v3 =	vadd.f32 v29, v3;
	v1 =	vadd.f32 v2, v1;
	v2 =	vld [tilespmem:$0x1FBE0]  }
0x142: {  	v0 =	vadd.f32 v9, v0;
	v4 =	vadd.f32 v7, v4;
	v7 =	vld [tilespmem:$0x1FF40]  }
0x143: {  	v3 =	vadd.f32 v6, v3;
	v6 =	vld [tilespmem:$0x1FB10]  }
0x144: {  	v0 =	vadd.f32 v8, v0;
	_ =	sdelay $0x1  }
0x145: {  	v0 =	vadd.f32 v15, v0;
	v5 =	vmul.f32 v5, v52  }
0x146: {  	v2 =	vmul.f32 v2, v59;
	v3 =	vadd.f32 v7, v3;
	v7 =	vld [tilespmem:$0x1FF50]  }
0x147: {  	v0 =	vadd.f32 v23, v0;
	v6 =	vmul.f32 v6, v41;
	v4 =	vadd.f32 v5, v4  }
0x148: {  	v1 =	vadd.f32 v2, v1;
	v2 =	vld [tilespmem:$0x1FB80]  }
0x149: {  	v0 =	vadd.f32 v27, v0;
	v4 =	vadd.f32 v6, v4;
	v6 =	vld [tilespmem:$0x1FF20];
	_ =	sdelay $0x1  }
0x14a: {  	v0 =	vadd.f32 v7, v0;
	v7 =	vld [tilespmem:$0x1FAF0];
	_ =	sdelay $0x1  }
0x14b: {  	v2 =	vmul.f32 v2, v52  }
0x14c: {  	v3 =	vadd.f32 v6, v3;
	v6 =	vld [tilespmem:$0x1FF30]  }
0x14d: {  	v1 =	vadd.f32 v2, v1;
	v2 =	vld [tilespmem:$0x1FB20]  }
0x14e: {  	v7 =	vmul.f32 v7, v40;
	_ =	sdelay $0x1  }
0x14f: {  	v4 =	vadd.f32 v7, v4;
	v7 =	vld [tilespmem:$0x1FEC0];
	_ =	sdelay $0x1  }
0x150: {  	v0 =	vadd.f32 v6, v0;
	v6 =	vld [tilespmem:$0x1FAD0];
	v2 =	vmul.f32 v2, v41;
	_ =	sdelay $0x1  }
0x151: {  	v1 =	vadd.f32 v2, v1;
	v2 =	vld [tilespmem:$0x1FB00]  }
0x152: {  	v3 =	vadd.f32 v7, v3;
	v7 =	vld [tilespmem:$0x1FED0];
	_ =	sdelay $0x1  }
0x153: {  	v6 =	vmul.f32 v6, v33;
	_ =	sdelay $0x1  }
0x154: {  	v4 =	vadd.f32 v6, v4;
	v6 =	vld [tilespmem:$0x1FEA0];
	v2 =	vmul.f32 v2, v40  }
0x155: {  	v0 =	vadd.f32 v7, v0;
	v7 =	vld [tilespmem:$0x1FAB0]  }
0x156: {  	v1 =	vadd.f32 v2, v1;
	v2 =	vld [tilespmem:$0x1FAE0];
	_ =	sdelay $0x3  }
0x157: {  	v3 =	vadd.f32 v6, v3;
	v6 =	vld [tilespmem:$0x1FEB0];
	v7 =	vmul.f32 v7, v28  }
0x158: {  	v2 =	vmul.f32 v2, v33  }
0x159: {  	v4 =	vadd.f32 v7, v4;
	v7 =	vld [tilespmem:$0x1FE00]  }
0x15a: {  	v1 =	vadd.f32 v2, v1;
	v2 =	vld [tilespmem:$0x1FAC0];
	_ =	sdelay $0x1  }
0x15b: {  	v0 =	vadd.f32 v6, v0;
	v6 =	vld [tilespmem:$0x1FA90];
	_ =	sdelay $0x2  }
0x15c: {  	v3 =	vadd.f32 v7, v3;
	v7 =	vld [tilespmem:$0x1FE30];
	v2 =	vmul.f32 v2, v28;
	_ =	sdelay $0x1  }
0x15d: {  	v6 =	vmul.f32 v6, v24;
	v1 =	vadd.f32 v2, v1;
	v2 =	vld [tilespmem:$0x1FAA0];
	_ =	sdelay $0x1  }
0x15e: {  	v4 =	vadd.f32 v6, v4;
	v6 =	vld [tilespmem:$0x1FDA0]  }
0x15f: {  	v0 =	vadd.f32 v7, v0;
	v7 =	vld [tilespmem:$0x1FA70];
	_ =	sdelay $0x1  }
0x160: {  	v2 =	vmul.f32 v2, v24;
	_ =	sdelay $0x1  }
0x161: {  	v1 =	vadd.f32 v2, v1;
	v2 =	vld [tilespmem:$0x1FA80]  }
0x162: {  	v3 =	vadd.f32 v6, v3;
	v6 =	vld [tilespmem:$0x1FDB0];
	v7 =	vmul.f32 v7, v22;
	_ =	sdelay $0x1  }
0x163: {  	v4 =	vadd.f32 v7, v4;
	v7 =	vld [tilespmem:$0x1FD20];
	_ =	sdelay $0x1  }
0x164: {  	v2 =	vmul.f32 v2, v22  }
0x165: {  	v0 =	vadd.f32 v6, v0;
	v6 =	vld [tilespmem:$0x1FA50]  }
0x166: {  	v1 =	vadd.f32 v2, v1;
	v2 =	vld [tilespmem:$0x1FA60]  }
0x167: {  	v3 =	vadd.f32 v7, v3;
	v7 =	vld [tilespmem:$0x1FD30];
	_ =	sdelay $0x2  }
0x168: {  	s25 =	sadd.s32 $0x400, s25;
	v6 =	vmul.f32 v6, v17  }
0x169: {  	v8 =	vld [tilespmem:s25+$0x1C0]  }
0x16a: {  	v4 =	vadd.f32 v6, v4;
	v6 =	vld [tilespmem:$0x1FC90];
	v2 =	vmul.f32 v2, v17;
	v0 =	vadd.f32 v7, v0  }
0x16b: {  	v7 =	vld [tilespmem:$0x1FA40]  }
0x16c: {  	v1 =	vadd.f32 v2, v1;
	v2 =	vmul.f32 v58, v57;
	v0 =	vadd.f32 v56, v0;
	_ =	sdelay $0x1  }
0x16d: {  	[tilespmem:$0x1FFC0] =	vst v0;
	v0 =	vld [tilespmem:s25+$0xE0];
	v1 =	vadd.f32 v2, v1;
	v2 =	vand.u32 $0xFFFF0000, v8  }
0x16e: {  	[tilespmem:$0x1F940] =	vst v2;
	v2 =	vld [tilespmem:$0x1FFF0]  }
0x16f: {  	v3 =	vadd.f32 v6, v3;
	v7 =	vmul.f32 v7, v57  }
0x170: {  	v9 =	vld [tilespmem:s25+$0x1D0]  }
0x171: {  	v10 =	vld [tilespmem:s25+$0x1E0];
	[tilespmem:$0x1FFB0] =	vst v3;
	v3 =	vadd.f32 v7, v4  }
0x172: {  	v5 =	vld [tilespmem:s25+$0x1F0];
	[tilespmem:$0x1FFE0] =	vst v1  }
0x173: {  	[tilespmem:$0x1FFD0] =	vst v3;
	v61 =	vshll.u32 v0, $0x10;
	v0 =	vand.u32 $0xFFFF0000, v0;
	v2 =	vadd.f32 v34, v2  }
0x174: {  	v11 =	vld [tilespmem:s25+$0x180];
	[tilespmem:$0x1F9F0] =	vst v0  }
0x175: {  	v12 =	vld [tilespmem:s25+$0x190];
	[tilespmem:$0x1FFF0] =	vst v2;
	v2 =	vand.u32 $0xFFFF0000, v9  }
0x176: {  	v7 =	vshll.u32 v9, $0x10;
	v9 =	vld [tilespmem:s25+$0x80];
	[tilespmem:$0x1F950] =	vst v2;
	v2 =	vand.u32 $0xFFFF0000, v10  }
0x177: {  	[tilespmem:$0x1F960] =	vst v2;
	v2 =	vshll.u32 v5, $0x10  }
0x178: {  	v56 =	vshll.u32 v8, $0x10;
	v8 =	vld [tilespmem:s25+$0xF0];
	[tilespmem:$0x1FA40] =	vst v2;
	v2 =	vand.u32 $0xFFFF0000, v5  }
0x179: {  	v13 =	vld [tilespmem:s25+$0x1A0];
	[tilespmem:$0x1FA30] =	vst v2;
	v2 =	vand.u32 $0xFFFF0000, v11  }
0x17a: {  	[tilespmem:$0x1F970] =	vst v2;
	v2 =	vshll.u32 v12, $0x10  }
0x17b: {  	s28 =	sshra.s32 s26, $0x2;
	v15 =	vld [tilespmem:s25+$0x1B0];
	v0 =	vshll.u32 v9, $0x10;
	[tilespmem:$0x1F980] =	vst v2  }
0x17c: {  	v1 =	vld [tilespmem:s28+$0xCC00];
	v2 =	vand.u32 $0xFFFF0000, v12;
	[tilespmem:$0x1FA00] =	vst v0  }
0x17d: {  	v16 =	vld [tilespmem:s25+$0x140];
	v0 =	vshll.u32 v8, $0x10;
	[tilespmem:$0x1F990] =	vst v2  }
0x17e: {  	v18 =	vld [tilespmem:s25+$0x150];
	v2 =	vshll.u32 v13, $0x10;
	[tilespmem:$0x1FAB0] =	vst v0  }
0x17f: {  	v12 =	vld [tilespmem:s25+$0xB0];
	v0 =	vand.u32 $0xFFFF0000, v8;
	[tilespmem:$0x1F9A0] =	vst v2  }
0x180: {  	v19 =	vld [tilespmem:s25+$0x160];
	v2 =	vand.u32 $0xFFFF0000, v13;
	[tilespmem:$0x1FAC0] =	vst v0  }
0x181: {  	v45 =	vld [tilespmem:s25+$0xFFFFFF20];
	v1 =	vsub.f32 $0.0e+00, v1;
	[tilespmem:$0x1F9B0] =	vst v2;
	v2 =	vshll.u32 v15, $0x10  }
0x182: {  	v47 =	vand.u32 $0xFFFF0000, v16;
	v23 =	vshll.u32 v16, $0x10;
	v16 =	vld [tilespmem:s25+$0x60];
	[tilespmem:$0x1FA50] =	vst v2;
	v2 =	vand.u32 $0xFFFF0000, v15  }
0x183: {  	v21 =	vld [tilespmem:s25+$0x100];
	v1 =	vmul.f32 $1.442695020e+00, v1;
	[tilespmem:$0x1FA60] =	vst v2;
	v2 =	vshll.u32 v18, $0x10  }
0x184: {  	v20 =	vld [tilespmem:s25+$0x170];
	v0 =	vshll.u32 v12, $0x10;
	[tilespmem:$0x1F9C0] =	vst v2  }
0x185: {  	v22 =	vld [tilespmem:s25+$0x110];
	(erf) = vpow2.f32 v1;
	v2 =	vshll.u32 v19, $0x10;
	[tilespmem:$0x1FAD0] =	vst v0  }
0x186: {  	v17 =	vld [tilespmem:s25+$0x130];
	v0 =	vand.u32 $0xFFFF0000, v12;
	[tilespmem:$0x1F9D0] =	vst v2  }
0x187: {  	v36 =	vand.u32 $0xFFFF0000, v18;
	v18 =	vld [tilespmem:s25+$0x70];
	v2 =	vand.u32 $0xFFFF0000, v19;
	[tilespmem:$0x1FAE0] =	vst v0  }
0x188: {  	v24 =	vld [tilespmem:s25+$0x120];
	v0 =	vshll.u32 v16, $0x10;
	[tilespmem:$0x1F9E0] =	vst v2  }
0x189: {  	v13 =	vld [tilespmem:s25+$0x40];
	v2 =	vshll.u32 v20, $0x10;
	[tilespmem:$0x1FA10] =	vst v0  }
0x18a: {  	v50 =	vshll.u32 v22, $0x10;
	v51 =	vand.u32 $0xFFFF0000, v22;
	v22 =	vld [tilespmem:s25+$0x30];
	[tilespmem:$0x1FA70] =	vst v2;
	v2 =	vand.u32 $0xFFFF0000, v20  }
0x18b: {  	v25 =	vld [tilespmem:s25+$0xC0];
	[tilespmem:$0x1FA80] =	vst v2;
	v2 =	vshll.u32 v17, $0x10  }
0x18c: {  	v46 =	vshll.u32 v21, $0x10;
	v49 =	vand.u32 $0xFFFF0000, v21;
	v0 =	vshll.u32 v18, $0x10;
	[tilespmem:$0x1FA90] =	vst v2  }
0x18d: {  	v43 =	vld [tilespmem:s25+$0xFFFFFF30];
	v21 =	vshll.u32 v24, $0x10;
	v55 =	vand.u32 $0xFFFF0000, v24;
	v2 =	vand.u32 $0xFFFF0000, v17;
	[tilespmem:$0x1FAF0] =	vst v0  }
0x18e: {  	v24 =	vld [tilespmem:s25+$0xFFFFFFD0];
	v38 =	vshll.u32 v13, $0x10;
	v62 =	vand.u32 $0xFFFF0000, v13;
	v13 =	vpop (erf);
	v0 =	vand.u32 $0xFFFF0000, v18;
	[tilespmem:$0x1FAA0] =	vst v2  }
0x18f: {  	v14 =	vld [tilespmem:s25+$0xD0];
	v13 =	vadd.f32 $1.000000000e+00, v13;
	[tilespmem:$0x1FB00] =	vst v0;
	v0 =	vshll.u32 v22, $0x10  }
0x190: {  	v28 =	vld [tilespmem:s25+$0xFFFFFFF0];
	v6 =	vshll.u32 v11, $0x10;
	v11 =	vand.u32 $0xFFFF0000, v25;
	v2 =	vand.u32 $0xFFFF0000, v45;
	[tilespmem:$0x1FB10] =	vst v0  }
0x191: {  	v19 =	vshll.u32 v25, $0x10;
	v25 =	vld [tilespmem:s25+$0xFFFFFFE0];
	(erf) = vrcp.f32 v13;
	v0 =	vand.u32 $0xFFFF0000, v22;
	[tilespmem:$0x1FD00] =	vst v2  }
0x192: {  	v3 =	vshll.u32 v10, $0x10;
	v10 =	vld [tilespmem:s25+$0xA0];
	v2 =	vshll.u32 v43, $0x10;
	[tilespmem:$0x1FB20] =	vst v0  }
0x193: {  	v1 =	vld [tilespmem:s25+$0x0];
	v0 =	vshll.u32 v24, $0x10;
	[tilespmem:$0x1FD50] =	vst v2  }
0x194: {  	v15 =	vld [tilespmem:s25+$0x50];
	v2 =	vand.u32 $0xFFFF0000, v43;
	[tilespmem:$0x1FB30] =	vst v0  }
0x195: {  	v59 =	vld [tilespmem:s25+$0xFFFFFF90];
	v0 =	vand.u32 $0xFFFF0000, v24;
	[tilespmem:$0x1FD60] =	vst v2  }
0x196: {  	v48 =	vshll.u32 v14, $0x10;
	v60 =	vld [tilespmem:s25+$0xFFFFFFA0];
	v58 =	vand.u32 $0xFFFF0000, v14;
	[tilespmem:$0x1FB40] =	vst v0;
	v0 =	vshll.u32 v25, $0x10  }
0x197: {  	v4 =	vand.u32 $0xFFFF0000, v9;
	v9 =	vand.u32 $0xFFFF0000, v10;
	v17 =	vld [tilespmem:s25+$0x20];
	[tilespmem:$0x1FB50] =	vst v0;
	v0 =	vand.u32 $0xFFFF0000, v25  }
0x198: {  	v8 =	vshll.u32 v10, $0x10;
	v39 =	vand.u32 $0xFFFF0000, v1;
	[tilespmem:$0x1FB60] =	vst v0;
	v0 =	vshll.u32 v28, $0x10  }
0x199: {  	v14 =	vld [tilespmem:s25+$0xFFFFFFC0];
	v10 =	vshll.u32 v15, $0x10;
	v35 =	vand.u32 $0xFFFF0000, v15;
	[tilespmem:$0x1FB70] =	vst v0;
	v0 =	vand.u32 $0xFFFF0000, v28  }
0x19a: {  	v15 =	vand.u32 $0xFFFF0000, v16;
	v16 =	vshll.u32 v1, $0x10;
	v1 =	vld [tilespmem:s25+$0xFFFFFFB0];
	v34 =	vpop (erf);
	[tilespmem:$0x1FB80] =	vst v0;
	v0 =	vshll.u32 v59, $0x10  }
0x19b: {  	v57 =	vbroadcast v34, $0xF;
	[tilespmem:$0x1FB90] =	vst v0;
	v0 =	vand.u32 $0xFFFF0000, v59  }
0x19c: {  	v26 =	vshll.u32 v17, $0x10;
	v27 =	vand.u32 $0xFFFF0000, v17;
	v17 =	vld [tilespmem:s25+$0xFFFFFF50];
	[tilespmem:$0x1FBA0] =	vst v0;
	v0 =	vshll.u32 v60, $0x10  }
0x19d: {  	v2 =	vmul.f32 v56, v57;
	[tilespmem:$0x1FBB0] =	vst v0;
	v0 =	vand.u32 $0xFFFF0000, v60  }
0x19e: {  	v31 =	vshll.u32 v14, $0x10;
	v32 =	vand.u32 $0xFFFF0000, v14;
	v14 =	vld [tilespmem:s25+$0xFFFFFF60];
	[tilespmem:$0x1FBC0] =	vst v0  }
0x19f: {  	v0 =	vshll.u32 v1, $0x10;
	[tilespmem:$0x1FC50] =	vst v2  }
0x1a0: {  	v22 =	vld [tilespmem:s25+$0xFFFFFF70];
	[tilespmem:$0x1FBD0] =	vst v0;
	v0 =	vand.u32 $0xFFFF0000, v1  }
0x1a1: {  	[tilespmem:$0x1FBE0] =	vst v0;
	v0 =	vshll.u32 v17, $0x10  }
0x1a2: {  	[tilespmem:$0x1FBF0] =	vst v0;
	v0 =	vand.u32 $0xFFFF0000, v17  }
0x1a3: {  	v1 =	vld [tilespmem:s25+$0xFFFFFF10];
	v17 =	vbroadcast v34, $0xE;
	[tilespmem:$0x1FC00] =	vst v0;
	v0 =	vshll.u32 v14, $0x10  }
0x1a4: {  	[tilespmem:$0x1FC10] =	vst v0;
	v0 =	vand.u32 $0xFFFF0000, v14  }
0x1a5: {  	v6 =	vmul.f32 v6, v17;
	[tilespmem:$0x1FC20] =	vst v0;
	v0 =	vshll.u32 v22, $0x10  }
0x1a6: {  	[tilespmem:$0x1FC30] =	vst v0  }
0x1a7: {  	v0 =	vand.u32 $0xFFFF0000, v22;
	[tilespmem:$0x1FCC0] =	vst v6  }
0x1a8: {  	v2 =	vld [tilespmem:$0x1F940];
	[tilespmem:$0x1FC40] =	vst v0;
	v0 =	vshll.u32 v1, $0x10  }
0x1a9: {  	v6 =	vld [tilespmem:$0x1F970];
	[tilespmem:$0x1FCA0] =	vst v0;
	v0 =	vand.u32 $0xFFFF0000, v1  }
0x1aa: {  	[tilespmem:$0x1FCB0] =	vst v0;
	v0 =	vshll.u32 v45, $0x10  }
0x1ab: {  	[tilespmem:$0x1FCF0] =	vst v0;
	v0 =	vld [tilespmem:s25+$0xFFFFFED0];
	_ =	sdelay $0x1  }
0x1ac: {  	v2 =	vmul.f32 v2, v57  }
0x1ad: {  	v6 =	vmul.f32 v6, v17  }
0x1ae: {  	[tilespmem:$0x1FC60] =	vst v2  }
0x1af: {  	v2 =	vmul.f32 v7, v57;
	[tilespmem:$0x1FCD0] =	vst v6;
	v7 =	vshll.u32 v0, $0x10;
	v6 =	vand.u32 $0xFFFF0000, v0;
	v0 =	vld [tilespmem:$0x1F980];
	_ =	sdelay $0x2  }
0x1b0: {  	[tilespmem:$0x1FC70] =	vst v2;
	v2 =	vld [tilespmem:$0x1F950];
	_ =	sdelay $0x1  }
0x1b1: {  	v54 =	vld [tilespmem:s25+$0xFFFFFEC0];
	v0 =	vmul.f32 v0, v17;
	_ =	sdelay $0x1  }
0x1b2: {  	[tilespmem:$0x1FCE0] =	vst v0;
	v0 =	vld [tilespmem:$0x1F990]  }
0x1b3: {  	v2 =	vmul.f32 v2, v57  }
0x1b4: {  	v14 =	vld [tilespmem:s25+$0xFFFFFEE0]  }
0x1b5: {  	v43 =	vshll.u32 v54, $0x10;
	[tilespmem:$0x1FC80] =	vst v2;
	v2 =	vand.u32 $0xFFFF0000, v54;
	v54 =	vld [tilespmem:s25+$0xFFFFFEF0];
	_ =	sdelay $0x1  }
0x1b6: {  	v0 =	vmul.f32 v0, v17  }
0x1b7: {  	v22 =	vbroadcast v34, $0xD  }
0x1b8: {  	[tilespmem:$0x1FD10] =	vst v0;
	v0 =	vshll.u32 v14, $0x10;
	v14 =	vand.u32 $0xFFFF0000, v14  }
0x1b9: {  	[tilespmem:$0x1FE20] =	vst v14;
	v14 =	vmul.f32 v23, v22;
	v23 =	vand.u32 $0xFFFF0000, v54  }
0x1ba: {  	[tilespmem:$0x1FE80] =	vst v23;
	v23 =	vld [tilespmem:$0x1F9D0];
	_ =	sdelay $0x2  }
0x1bb: {  	[tilespmem:$0x1FE10] =	vst v0;
	v0 =	vld [tilespmem:$0x1F9A0]  }
0x1bc: {  	[tilespmem:$0x1FD40] =	vst v14;
	v14 =	vmul.f32 v47, v22  }
0x1bd: {  	v23 =	vmul.f32 v23, v22  }
0x1be: {  	[tilespmem:$0x1FD70] =	vst v14  }
0x1bf: {  	v14 =	vshll.u32 v54, $0x10;
	[tilespmem:$0x1FDA0] =	vst v23;
	v23 =	vld [tilespmem:$0x1F9E0]  }
0x1c0: {  	v0 =	vmul.f32 v0, v17;
	[tilespmem:$0x1FE70] =	vst v14;
	v14 =	vld [tilespmem:$0x1F9C0]  }
0x1c1: {  	v24 =	vbroadcast v34, $0xC  }
0x1c2: {  	[tilespmem:$0x1FD20] =	vst v0;
	v0 =	vld [tilespmem:$0x1F9B0]  }
0x1c3: {  	v5 =	vld [tilespmem:s25+$0x90];
	v21 =	vmul.f32 v21, v24  }
0x1c4: {  	v23 =	vmul.f32 v23, v22  }
0x1c5: {  	v12 =	vld [tilespmem:s25+$0xFFFFFF80];
	[tilespmem:$0x1FE00] =	vst v21;
	v14 =	vmul.f32 v14, v22  }
0x1c6: {  	[tilespmem:$0x1FDB0] =	vst v23;
	v23 =	vmul.f32 v46, v24  }
0x1c7: {  	v20 =	vld [tilespmem:s25+$0x10];
	v0 =	vmul.f32 v0, v17;
	[tilespmem:$0x1FD80] =	vst v14  }
0x1c8: {  	v63 =	vshll.u32 v5, $0x10;
	v18 =	vld [tilespmem:s25+$0xFFFFFF40];
	[tilespmem:$0x1FDC0] =	vst v23;
	v23 =	vmul.f32 v49, v24  }
0x1c9: {  	v5 =	vand.u32 $0xFFFF0000, v5;
	v33 =	vbroadcast v34, $0xA;
	v14 =	vmul.f32 v36, v22;
	[tilespmem:$0x1FD30] =	vst v0;
	v0 =	vld [tilespmem:s25+$0xFFFFFE90]  }
0x1ca: {  	v29 =	vshll.u32 v12, $0x10;
	v28 =	vbroadcast v34, $0xB;
	[tilespmem:$0x1FDD0] =	vst v23;
	v23 =	vmul.f32 v50, v24  }
0x1cb: {  	v30 =	vand.u32 $0xFFFF0000, v12;
	v41 =	vbroadcast v34, $0x8;
	v21 =	vmul.f32 v55, v24;
	[tilespmem:$0x1FD90] =	vst v14;
	v14 =	vld [tilespmem:s25+$0xFFFFFEA0]  }
0x1cc: {  	v44 =	vshll.u32 v20, $0x10;
	v25 =	vld [tilespmem:s25+$0xFFFFFF00];
	v40 =	vbroadcast v34, $0x9;
	[tilespmem:$0x1FDE0] =	vst v23;
	v23 =	vmul.f32 v51, v24  }
0x1cd: {  	v13 =	vshll.u32 v18, $0x10;
	v52 =	vbroadcast v34, $0x7;
	v3 =	vmul.f32 v3, v57;
	[tilespmem:$0x1FE30] =	vst v21  }
0x1ce: {  	v21 =	vand.u32 $0xFFFF0000, v0;
	[tilespmem:$0x1FDF0] =	vst v23;
	v23 =	vshll.u32 v0, $0x10;
	v0 =	vmul.f32 v19, v28  }
0x1cf: {  	v12 =	vand.u32 $0xFFFF0000, v18;
	v18 =	vbroadcast v34, $0x3;
	v37 =	vbroadcast v34, $0x1;
	[tilespmem:$0x1FC90] =	vst v3  }
0x1d0: {  	v59 =	vbroadcast v34, $0x6;
	[tilespmem:$0x1FE40] =	vst v0;
	v0 =	vmul.f32 v11, v28;
	v11 =	vand.u32 $0xFFFF0000, v14  }
0x1d1: {  	v53 =	vshll.u32 v25, $0x10;
	v42 =	vand.u32 $0xFFFF0000, v25;
	v25 =	vbroadcast v34, $0x2;
	[tilespmem:$0x1FEF0] =	vst v11  }
0x1d2: {  	v5 =	vmul.f32 v5, v33;
	v11 =	vmul.f32 v61, v28;
	[tilespmem:$0x1FE50] =	vst v0;
	v0 =	vshll.u32 v14, $0x10  }
0x1d3: {  	v20 =	vand.u32 $0xFFFF0000, v20;
	v8 =	vmul.f32 v8, v33;
	[tilespmem:$0x1FEE0] =	vst v0;
	v0 =	vmul.f32 v48, v28  }
0x1d4: {  	v56 =	vld [tilespmem:s25+$0xFFFFFE80];
	v10 =	vmul.f32 v10, v40;
	v20 =	vmul.f32 v20, v41;
	[tilespmem:$0x1FEA0] =	vst v11  }
0x1d5: {  	v26 =	vmul.f32 v26, v41;
	v11 =	vld [tilespmem:$0x1F9F0];
	[tilespmem:$0x1FE60] =	vst v0;
	v0 =	vmul.f32 v58, v28  }
0x1d6: {  	v60 =	vbroadcast v34, $0x5;
	v29 =	vmul.f32 v29, v59;
	[tilespmem:$0x1FEC0] =	vst v8;
	v54 =	vld [tilespmem:s25+$0xFFFFFEB0]  }
0x1d7: {  	v30 =	vmul.f32 v30, v59;
	v8 =	vmul.f32 v9, v33;
	[tilespmem:$0x1FE90] =	vst v0;
	v0 =	vld [tilespmem:s25+$0xFFFFFE50]  }
0x1d8: {  	v3 =	vld [tilespmem:$0x1F960];
	v9 =	vmul.f32 v62, v40;
	[tilespmem:$0x1FF40] =	vst v26;
	v26 =	vmul.f32 v27, v41  }
0x1d9: {  	v55 =	vld [tilespmem:s25+$0xFFFFFE40];
	v27 =	vmul.f32 v32, v52;
	v32 =	vmul.f32 v12, v60  }
0x1da: {  	[tilespmem:$0x1FED0] =	vst v8;
	v8 =	vmul.f32 v38, v40;
	v50 =	vld [tilespmem:s25+$0xFFFFFE70];
	v11 =	vmul.f32 v11, v28  }
0x1db: {  	[tilespmem:$0x1FF50] =	vst v26;
	v26 =	vmul.f32 v31, v52;
	v1 =	vbroadcast v34, $0x4;
	v19 =	vld [tilespmem:s25+$0xFFFFFE60]  }
0x1dc: {  	[tilespmem:$0x1FEB0] =	vst v11;
	v11 =	vshll.u32 v54, $0x10;
	v38 =	vshll.u32 v0, $0x10;
	v36 =	vand.u32 $0xFFFF0000, v0;
	v0 =	vld [tilespmem:$0x1FA10]  }
0x1dd: {  	v3 =	vmul.f32 v3, v57;
	v45 =	vbroadcast v34, $0x0;
	[tilespmem:$0x1FF00] =	vst v11;
	v11 =	vld [tilespmem:$0x1FA00]  }
0x1de: {  	v42 =	vmul.f32 v42, v1;
	v47 =	vshll.u32 v56, $0x10;
	v56 =	vand.u32 $0xFFFF0000, v56;
	v58 =	vld [tilespmem:s25+$0xFFFFFE20]  }
0x1df: {  	v46 =	vmul.f32 v47, v25;
	v14 =	vmul.f32 v4, v33;
	v4 =	vand.u32 $0xFFFF0000, v54;
	v54 =	vld [tilespmem:s25+$0xFFFFFE10]  }
0x1e0: {  	v47 =	vmul.f32 v56, v25;
	v51 =	vshll.u32 v55, $0x10;
	v55 =	vand.u32 $0xFFFF0000, v55  }
0x1e1: {  	v62 =	vshll.u32 v50, $0x10;
	[tilespmem:$0x1FF10] =	vst v4;
	v4 =	vmul.f32 v63, v33;
	v0 =	vmul.f32 v0, v40  }
0x1e2: {  	[tilespmem:$0x1FF70] =	vst v62;
	v62 =	vand.u32 $0xFFFF0000, v50;
	v61 =	vmul.f32 v11, v33;
	v11 =	vmul.f32 v35, v40;
	v35 =	vld [tilespmem:s25+$0xFFFFFE00]  }
0x1e3: {  	p0 =	sne.s32 s26, $0x300;
	v63 =	vshll.u32 v19, $0x10;
	v12 =	vshll.u32 v58, $0x10;
	[tilespmem:$0x1FF20] =	vst v0;
	v0 =	vmul.f32 v15, v40  }
.Ltmp0:
0x1e4: {  	v50 =	vshll.u32 v54, $0x10;
	v15 =	vmul.f32 v16, v41;
	v16 =	vmul.f32 v39, v41;
	(pc) =	sbr.rel @p0 .LBB2_3-.Ltmp0, $4  }
0x1e5: {  	v54 =	vand.u32 $0xFFFF0000, v54;
	v39 =	vmul.f32 v53, v1;
	v53 =	vmul.f32 v43, v18  }
0x1e6: {  	v31 =	vld [tilespmem:s25+$0xFFFFFE30];
	v43 =	vmul.f32 v51, v37;
	v51 =	vmul.f32 v55, v37;
	[tilespmem:$0x1FF30] =	vst v0;
	v0 =	vand.u32 $0xFFFF0000, v19  }
0x1e7: {  	v56 =	vmovc v3;
	v3 =	vld [tilespmem:$0x1FA20];
	v19 =	vmul.f32 v44, v41;
	v48 =	vshll.u32 v35, $0x10;
	v49 =	vand.u32 $0xFFFF0000, v35  }
0x1e8: {  	s26 =	sadd.s32 $0x40, s26;
	v35 =	vmul.f32 v13, v60;
	v44 =	vmul.f32 v2, v18;
	v13 =	vand.u32 $0xFFFF0000, v58;
	v58 =	vld [tilespmem:$0x1FA30]  }
0x1e9: {  	v2 =	vmul.f32 v48, v45;
	v48 =	vmul.f32 v49, v45  }
0x1ea: {  	v49 =	vmul.f32 v50, v45;
	v50 =	vmul.f32 v54, v45;
	v54 =	vld [tilespmem:$0x1FF90];
	_ =	sdelay $0x4  }
0x1eb: {  	v48 =	vadd.f32 v48, v54;
	v54 =	vld [tilespmem:$0x1FFA0];
	_ =	sdelay $0x4  }
0x1ec: {  	v38 =	vmul.f32 v38, v37;
	v49 =	vadd.f32 v49, v54  }
0x1ed: {  	v50 =	vadd.f32 v50, v3;
	v3 =	vld [tilespmem:$0x1FCA0]  }
0x1ee: {  	v23 =	vmul.f32 v23, v25;
	v38 =	vadd.f32 v38, v49;
	_ =	sdelay $0x1  }
0x1ef: {  	v7 =	vmul.f32 v7, v18;
	v23 =	vadd.f32 v23, v38  }
0x1f0: {  	v36 =	vmul.f32 v36, v37  }
0x1f1: {  	v7 =	vadd.f32 v7, v23;
	v23 =	vmul.f32 v3, v1;
	v3 =	vld [tilespmem:$0x1FCB0]  }
0x1f2: {  	v21 =	vmul.f32 v21, v25;
	v36 =	vadd.f32 v36, v50;
	_ =	sdelay $0x1  }
0x1f3: {  	v6 =	vmul.f32 v6, v18;
	v21 =	vadd.f32 v21, v36;
	_ =	sdelay $0x1  }
0x1f4: {  	v6 =	vadd.f32 v6, v21;
	v21 =	vmul.f32 v3, v1;
	v3 =	vld [tilespmem:$0x1FBF0];
	_ =	sdelay $0x4  }
0x1f5: {  	v7 =	vadd.f32 v23, v7;
	v23 =	vmul.f32 v3, v60;
	v3 =	vld [tilespmem:$0x1FC00];
	_ =	sdelay $0x4  }
0x1f6: {  	v6 =	vadd.f32 v21, v6;
	v21 =	vmul.f32 v3, v60;
	v3 =	vld [tilespmem:$0x1FB90];
	_ =	sdelay $0x4  }
0x1f7: {  	v7 =	vadd.f32 v23, v7;
	v23 =	vmul.f32 v3, v59;
	v3 =	vld [tilespmem:$0x1FBA0];
	_ =	sdelay $0x3  }
0x1f8: {  	v55 =	vld [tilespmem:$0x1FF80]  }
0x1f9: {  	v6 =	vadd.f32 v21, v6;
	v21 =	vmul.f32 v3, v59;
	v3 =	vld [tilespmem:$0x1FB30];
	_ =	sdelay $0x3  }
0x1fa: {  	v2 =	vadd.f32 v2, v55  }
0x1fb: {  	v7 =	vadd.f32 v23, v7;
	v6 =	vadd.f32 v21, v6;
	v21 =	vmul.f32 v3, v52  }
0x1fc: {  	v2 =	vadd.f32 v43, v2  }
0x1fd: {  	v7 =	vadd.f32 v21, v7  }
0x1fe: {  	v2 =	vadd.f32 v46, v2;
	v3 =	vld [tilespmem:$0x1FB40]  }
0x1ff: {  	v7 =	vadd.f32 v19, v7  }
0x200: {  	v2 =	vadd.f32 v53, v2  }
0x201: {  	v54 =	vadd.f32 v51, v48;
	v7 =	vadd.f32 v10, v7  }
0x202: {  	v2 =	vadd.f32 v39, v2  }
0x203: {  	v43 =	vadd.f32 v47, v54;
	v23 =	vmul.f32 v3, v52;
	v4 =	vadd.f32 v4, v7;
	v7 =	vld [tilespmem:$0x1FE60]  }
0x204: {  	v2 =	vadd.f32 v35, v2  }
0x205: {  	v55 =	vadd.f32 v44, v43;
	v6 =	vadd.f32 v23, v6  }
0x206: {  	v2 =	vadd.f32 v29, v2  }
0x207: {  	v36 =	vadd.f32 v42, v55;
	v6 =	vadd.f32 v20, v6  }
0x208: {  	v2 =	vadd.f32 v26, v2;
	v4 =	vadd.f32 v7, v4;
	v7 =	vld [tilespmem:$0x1FE90]  }
0x209: {  	v32 =	vadd.f32 v32, v36;
	v6 =	vadd.f32 v11, v6  }
0x20a: {  	v2 =	vadd.f32 v15, v2  }
0x20b: {  	v29 =	vadd.f32 v30, v32;
	v5 =	vadd.f32 v5, v6;
	v6 =	vld [tilespmem:$0x1FE40]  }
0x20c: {  	v2 =	vadd.f32 v8, v2  }
0x20d: {  	v26 =	vadd.f32 v27, v29;
	v5 =	vadd.f32 v7, v5;
	v7 =	vld [tilespmem:$0x1FDC0]  }
0x20e: {  	v2 =	vadd.f32 v61, v2  }
0x20f: {  	v15 =	vadd.f32 v16, v26  }
0x210: {  	v2 =	vadd.f32 v6, v2;
	v6 =	vld [tilespmem:$0x1FE50]  }
0x211: {  	v8 =	vadd.f32 v9, v15  }
0x212: {  	v2 =	vadd.f32 v7, v2;
	v7 =	vld [tilespmem:$0x1FDD0]  }
0x213: {  	v8 =	vadd.f32 v14, v8;
	_ =	sdelay $0x1  }
0x214: {  	v6 =	vadd.f32 v6, v8;
	_ =	sdelay $0x1  }
0x215: {  	v6 =	vadd.f32 v7, v6;
	v7 =	vld [tilespmem:$0x1FDE0];
	_ =	sdelay $0x4  }
0x216: {  	v4 =	vadd.f32 v7, v4;
	v7 =	vld [tilespmem:$0x1FDF0];
	_ =	sdelay $0x4  }
0x217: {  	v5 =	vadd.f32 v7, v5;
	v7 =	vld [tilespmem:$0x1FD40];
	_ =	sdelay $0x4  }
0x218: {  	v2 =	vadd.f32 v7, v2;
	v7 =	vld [tilespmem:$0x1FD70];
	_ =	sdelay $0x4  }
0x219: {  	v6 =	vadd.f32 v7, v6;
	v7 =	vld [tilespmem:$0x1FD80];
	_ =	sdelay $0x1  }
0x21a: {  	v3 =	vld [tilespmem:$0x1FFF0];
	_ =	sdelay $0x2  }
0x21b: {  	v4 =	vadd.f32 v7, v4;
	v7 =	vld [tilespmem:$0x1FD90];
	_ =	sdelay $0x1  }
0x21c: {  	v3 =	vadd.f32 v34, v3;
	_ =	sdelay $0x1  }
0x21d: {  	(v2sf) =	vpush v3, $0x0  }
0x21e: {  	(v2sf) =	vpush v3, $0x1;
	v5 =	vadd.f32 v7, v5;
	v7 =	vld [tilespmem:$0x1FCC0]  }
0x21f: {  	(v2sf) =	vpush v3, $0x2  }
0x220: {  	(v2sf) =	vpush v3, $0x3  }
0x221: {  	(v2sf) =	vpush v3, $0x4  }
0x222: {  	(v2sf) =	vpush v3, $0x5  }
0x223: {  	(v2sf) =	vpush v3, $0x6;
	v2 =	vadd.f32 v7, v2;
	v7 =	vld [tilespmem:$0x1FCD0]  }
0x224: {  	(v2sf) =	vpush v3, $0x7  }
0x225: {  	(v2sf) =	vpush v3, $0x8  }
0x226: {  	(v2sf) =	vpush v3, $0x9  }
0x227: {  	(v2sf) =	vpush v3, $0xA  }
0x228: {  	(v2sf) =	vpush v3, $0xB;
	v6 =	vadd.f32 v7, v6;
	v7 =	vld [tilespmem:$0x1FCE0]  }
0x229: {  	(v2sf) =	vpush v3, $0xC  }
0x22a: {  	(v2sf) =	vpush v3, $0xD  }
0x22b: {  	(v2sf) =	vpush v3, $0xE  }
0x22c: {  	(v2sf) =	vpush v3, $0xF;
	v3 =	vld [tilespmem:$0x1FD10]  }
0x22d: {  	v7 =	vadd.f32 v7, v4;
	v4 =	vld [tilespmem:$0x1FC50];
	_ =	sdelay $0x4  }
0x22e: {  	v3 =	vadd.f32 v3, v5;
	v5 =	vadd.f32 v4, v2;
	v2 =	vld [tilespmem:$0x1FC60];
	_ =	sdelay $0x1  }
0x22f: {  	v10 =	vld [tilespmem:$0x1FFB0]  }
0x230: {  	v9 =	vld [tilespmem:$0x1FC80];
	_ =	sdelay $0x1  }
0x231: {  	v4 =	vadd.f32 v2, v6;
	v2 =	vld [tilespmem:$0x1FC70];
	v6 =	vmul.f32 v12, v45  }
0x232: {  	v11 =	vld [tilespmem:$0x1FFE0]  }
0x233: {  	v6 =	vadd.f32 v6, v10;
	v10 =	vld [tilespmem:$0x1FFC0]  }
0x234: {  	v3 =	vadd.f32 v9, v3;
	v9 =	vand.u32 $0xFFFF0000, v31  }
0x235: {  	v9 =	vmul.f32 v9, v45  }
0x236: {  	v2 =	vadd.f32 v2, v7;
	v7 =	vmul.f32 v13, v45  }
0x237: {  	v9 =	vadd.f32 v9, v11;
	v11 =	vld [tilespmem:$0x1FF70]  }
0x238: {  	v7 =	vadd.f32 v7, v10;
	v10 =	vld [tilespmem:$0x1FFD0];
	_ =	sdelay $0x1  }
0x239: {  	v8 =	vshll.u32 v31, $0x10  }
0x23a: {  	v8 =	vmul.f32 v8, v45;
	v12 =	vmul.f32 v62, v37  }
0x23b: {  	v0 =	vmul.f32 v0, v37  }
0x23c: {  	v11 =	vmul.f32 v11, v37;
	v9 =	vadd.f32 v12, v9;
	v12 =	vld [tilespmem:$0x1FF10];
	v8 =	vadd.f32 v8, v10  }
0x23d: {  	v0 =	vadd.f32 v0, v7;
	v7 =	vld [tilespmem:$0x1FEE0];
	v10 =	vmul.f32 v63, v37  }
0x23e: {  	v8 =	vadd.f32 v11, v8;
	v11 =	vld [tilespmem:$0x1FF00]  }
0x23f: {  	v6 =	vadd.f32 v10, v6;
	v10 =	vld [tilespmem:$0x1FEF0];
	_ =	sdelay $0x1  }
0x240: {  	v12 =	vmul.f32 v12, v25  }
0x241: {  	v7 =	vmul.f32 v7, v25  }
0x242: {  	v9 =	vadd.f32 v12, v9;
	v12 =	vld [tilespmem:$0x1FE80];
	v11 =	vmul.f32 v11, v25  }
0x243: {  	v6 =	vadd.f32 v7, v6;
	v7 =	vld [tilespmem:$0x1FE10];
	v10 =	vmul.f32 v10, v25  }
0x244: {  	v8 =	vadd.f32 v11, v8;
	v11 =	vld [tilespmem:$0x1FE70]  }
0x245: {  	v0 =	vadd.f32 v10, v0;
	v10 =	vld [tilespmem:$0x1FE20];
	_ =	sdelay $0x2  }
0x246: {  	v12 =	vmul.f32 v12, v18  }
0x247: {  	v7 =	vmul.f32 v7, v18;
	v11 =	vmul.f32 v11, v18  }
0x248: {  	v9 =	vadd.f32 v12, v9;
	v12 =	vld [tilespmem:$0x1FD60];
	v10 =	vmul.f32 v10, v18  }
0x249: {  	v6 =	vadd.f32 v7, v6;
	v7 =	vadd.f32 v11, v8;
	v8 =	vld [tilespmem:$0x1FCF0]  }
0x24a: {  	v0 =	vadd.f32 v10, v0;
	v10 =	vld [tilespmem:$0x1FD00]  }
0x24b: {  	v11 =	vld [tilespmem:$0x1FD50];
	_ =	sdelay $0x3  }
0x24c: {  	v8 =	vmul.f32 v8, v1;
	v10 =	vmul.f32 v10, v1  }
0x24d: {  	v11 =	vmul.f32 v11, v1;
	v1 =	vmul.f32 v12, v1;
	_ =	sdelay $0x1  }
0x24e: {  	v1 =	vadd.f32 v1, v9;
	v9 =	vld [tilespmem:$0x1FC40];
	_ =	sdelay $0x3  }
0x24f: {  	v7 =	vadd.f32 v11, v7;
	v11 =	vld [tilespmem:$0x1FC10]  }
0x250: {  	v9 =	vmul.f32 v9, v60  }
0x251: {  	v0 =	vadd.f32 v10, v0;
	v10 =	vld [tilespmem:$0x1FBB0]  }
0x252: {  	s25 =	spop (v2sf);
	v1 =	vadd.f32 v9, v1;
	v9 =	vld [tilespmem:$0x1FBE0]  }
0x253: {  	s26 =	spop (v2sf)  }
0x254: {  	v15 =	vld [tilespmem:$0x1FC30];
	s28 =	spop (v2sf);
	v6 =	vadd.f32 v8, v6;
	v11 =	vmul.f32 v11, v60  }
0x255: {  	s29 =	spop (v2sf);
	v8 =	vld [tilespmem:$0x1FB50]  }
0x256: {  	s30 =	spop (v2sf);
	v10 =	vmul.f32 v10, v59;
	v6 =	vadd.f32 v11, v6;
	v11 =	vld [tilespmem:$0x1FBD0]  }
0x257: {  	s31 =	spop (v2sf);
	v9 =	vmul.f32 v9, v59  }
0x258: {  	s1 =	spop (v2sf);
	v6 =	vadd.f32 v10, v6;
	v10 =	vld [tilespmem:$0x1FB70]  }
0x259: {  	v15 =	vmul.f32 v15, v60;
	s25 =	sadd.f32 s26, s25;
	s0 =	spop (v2sf);
	v1 =	vadd.f32 v9, v1;
	v9 =	vld [tilespmem:$0x1FB80]  }
0x25a: {  	s28 =	sadd.f32 s29, s28;
	s10 =	spop (v2sf);
	v8 =	vmul.f32 v8, v52  }
0x25b: {  	v14 =	vld [tilespmem:$0x1FC20];
	s30 =	sadd.f32 s31, s30;
	s11 =	spop (v2sf);
	v7 =	vadd.f32 v15, v7;
	v11 =	vmul.f32 v11, v59  }
0x25c: {  	s25 =	sadd.f32 s28, s25;
	s26 =	spop (v2sf);
	v6 =	vadd.f32 v8, v6;
	v8 =	vld [tilespmem:$0x1FB10]  }
0x25d: {  	s0 =	sadd.f32 s0, s1;
	s29 =	spop (v2sf);
	v13 =	vld [tilespmem:$0x1FBC0];
	v10 =	vmul.f32 v10, v52;
	v7 =	vadd.f32 v11, v7  }
0x25e: {  	s10 =	sadd.f32 s11, s10;
	s31 =	spop (v2sf);
	v12 =	vld [tilespmem:$0x1FB60];
	v9 =	vmul.f32 v9, v52  }
0x25f: {  	s0 =	sadd.f32 s0, s30;
	s1 =	spop (v2sf);
	v7 =	vadd.f32 v10, v7;
	v10 =	vld [tilespmem:$0x1FF40]  }
0x260: {  	s26 =	sadd.f32 s29, s26;
	s11 =	spop (v2sf);
	v1 =	vadd.f32 v9, v1;
	v9 =	vld [tilespmem:$0x1FB20]  }
0x261: {  	v14 =	vmul.f32 v14, v60;
	s1 =	sadd.f32 s1, s31;
	s29 =	spop (v2sf);
	v8 =	vmul.f32 v8, v41  }
0x262: {  	s11 =	sadd.f32 s29, s11  }
0x263: {  	s10 =	sadd.f32 s26, s10;
	v13 =	vmul.f32 v13, v59;
	v0 =	vadd.f32 v14, v0;
	v7 =	vadd.f32 v8, v7;
	v8 =	vld [tilespmem:$0x1FB00]  }
0x264: {  	s1 =	sadd.f32 s11, s1;
	v6 =	vadd.f32 v10, v6;
	v10 =	vld [tilespmem:$0x1FF50]  }
0x265: {  	s0 =	sadd.f32 s0, s25;
	v12 =	vmul.f32 v12, v52;
	v0 =	vadd.f32 v13, v0;
	v9 =	vmul.f32 v9, v41  }
0x266: {  	s1 =	sadd.f32 s1, s10  }
0x267: {  	v0 =	vadd.f32 v12, v0;
	v1 =	vadd.f32 v9, v1;
	v9 =	vld [tilespmem:$0x1FF20]  }
0x268: {  	s0 =	sadd.f32 s1, s0;
	v8 =	vmul.f32 v8, v40  }
0x269: {  	v0 =	vadd.f32 v10, v0;
	v10 =	vld [tilespmem:$0x1FAF0]  }
0x26a: {  	s0 =	sadd.f32 $1.000000020e-16, s0;
	v1 =	vadd.f32 v8, v1;
	v8 =	vld [tilespmem:$0x1FAE0];
	_ =	sdelay $0x1  }
0x26b: {  	v6 =	vadd.f32 v9, v6;
	v9 =	vmov s0  }
0x26c: {  	(erf) = vrcp.f32 v9;
	v9 =	vld [tilespmem:$0x1FEC0]  }
0x26d: {  	v10 =	vmul.f32 v10, v40  }
0x26e: {  	v11 =	vld [tilespmem:$0x1FF30];
	v8 =	vmul.f32 v8, v33  }
0x26f: {  	v7 =	vadd.f32 v10, v7;
	v10 =	vld [tilespmem:$0x1FEA0]  }
0x270: {  	v1 =	vadd.f32 v8, v1;
	v8 =	vld [tilespmem:$0x1FAC0]  }
0x271: {  	v6 =	vadd.f32 v9, v6;
	v9 =	vld [tilespmem:$0x1FED0];
	_ =	sdelay $0x1  }
0x272: {  	v0 =	vadd.f32 v11, v0;
	v11 =	vld [tilespmem:$0x1FAD0]  }
0x273: {  	v6 =	vadd.f32 v10, v6;
	v10 =	vld [tilespmem:$0x1FEB0];
	_ =	sdelay $0x1  }
0x274: {  	v8 =	vmul.f32 v8, v28;
	v0 =	vadd.f32 v9, v0;
	v9 =	vld [tilespmem:$0x1FAB0];
	_ =	sdelay $0x1  }
0x275: {  	v1 =	vadd.f32 v8, v1;
	v8 =	vld [tilespmem:$0x1FAA0]  }
0x276: {  	v11 =	vmul.f32 v11, v33;
	v0 =	vadd.f32 v10, v0;
	v10 =	vld [tilespmem:$0x1FA90];
	_ =	sdelay $0x1  }
0x277: {  	v7 =	vadd.f32 v11, v7;
	v9 =	vmul.f32 v9, v28;
	_ =	sdelay $0x1  }
0x278: {  	v8 =	vmul.f32 v8, v24;
	v7 =	vadd.f32 v9, v7;
	v9 =	vld [tilespmem:$0x1FE00]  }
0x279: {  	v10 =	vmul.f32 v10, v24  }
0x27a: {  	v1 =	vadd.f32 v8, v1;
	v8 =	vld [tilespmem:$0x1FA80]  }
0x27b: {  	v7 =	vadd.f32 v10, v7;
	v10 =	vld [tilespmem:$0x1FDA0];
	_ =	sdelay $0x1  }
0x27c: {  	v6 =	vadd.f32 v9, v6;
	v9 =	vld [tilespmem:$0x1FE30]  }
0x27d: {  	v11 =	vld [tilespmem:$0x1FD20]  }
0x27e: {  	v8 =	vmul.f32 v8, v22  }
0x27f: {  	v6 =	vadd.f32 v10, v6;
	v10 =	vld [tilespmem:$0x1FDB0]  }
0x280: {  	v1 =	vadd.f32 v8, v1;
	v8 =	vld [tilespmem:$0x1FA60]  }
0x281: {  	v0 =	vadd.f32 v9, v0;
	v9 =	vld [tilespmem:$0x1FA70]  }
0x282: {  	v6 =	vadd.f32 v11, v6;
	v11 =	vld [tilespmem:$0x1FD30];
	_ =	sdelay $0x2  }
0x283: {  	v0 =	vadd.f32 v10, v0  }
0x284: {  	v10 =	vld [tilespmem:$0x1FA50];
	v8 =	vmul.f32 v8, v17;
	v9 =	vmul.f32 v9, v22  }
0x285: {  	v0 =	vadd.f32 v11, v0;
	v11 =	vld [tilespmem:$0x1FA40]  }
0x286: {  	v1 =	vadd.f32 v8, v1;
	v8 =	vld [tilespmem:$0x1FC90];
	_ =	sdelay $0x1  }
0x287: {  	v7 =	vadd.f32 v9, v7;
	v9 =	vpop (erf)  }
0x288: {  	s30 =	sshll.u32 s23, $0x8;
	v10 =	vmul.f32 v10, v17;
	v5 =	vmul.f32 v9, v5  }
0x289: {  	s0 =	sand.u32 $0x3FFFFF00, s30;
	v11 =	vmul.f32 v11, v57;
	v4 =	vmul.f32 v9, v4  }
0x28a: {  	v7 =	vadd.f32 v10, v7;
	v6 =	vadd.f32 v8, v6;
	v2 =	vmul.f32 v9, v2;
	[tilespmem:s0+$0xCDA0] =	vst v5  }
0x28b: {  	v0 =	vadd.f32 v56, v0;
	v3 =	vmul.f32 v9, v3;
	v5 =	vmul.f32 v58, v57;
	[tilespmem:s0+$0xCDB0] =	vst v4  }
0x28c: {  	v4 =	vadd.f32 v11, v7;
	[tilespmem:s0+$0xCDC0] =	vst v2;
	v2 =	vmul.f32 v9, v6  }
0x28d: {  	p0 =	seq.s32 s23, $0x3F;
	v0 =	vmul.f32 v9, v0;
	[tilespmem:s0+$0xCDD0] =	vst v3;
	v1 =	vadd.f32 v5, v1  }
0x28e: {  	s1 =	smul.u32 @!p0 $0x640, s23;
	[tilespmem:s0+$0xCDE0] =	vst v2;
	v2 =	vmul.f32 v9, v4  }
0x28f: {  	[tilespmem:s0+$0xCDF0] =	vst v0;
	v0 =	vmul.f32 v9, v1  }
0x290: {  	s1 =	sshra.s32 @!p0 s1, $0x2;
	[tilespmem:s0+$0xCE00] =	vst v2  }
0x291: {  	s11 =	simm.s32 @!p0 $0x6400;
	s10 =	simm.s32 @!p0 $0x60;
	[tilespmem:s0+$0xCE10] =	vst v0;
	s0 =	sadd.s32 @!p0 $0x190, s1  }
0x292: {  	[tilespmem:s11], [sflag:$0x1] =	stream.indirect.gather @!p0 [hbm4b:s4+s10], $0x40, s0, s10, $0xb8;
	[tilespmem:$0x10DA0] =	vst v63  }
0x293: {  	s11 =	simm.s32 @!p0 $0xCC00  }
0x294: {  	[tilespmem:s11], [sflag:$0x1] =	stream.indirect.gather @!p0 [hbm4b:s2+s10], $0x1, s0, s10, $0xb8;
	[tilespmem:$0x10DA0] =	vst v63  }
0x295: {  	s0 =	sadd.s32 @!p0 $0x1F0, s1;
	s1 =	simm.s32 @!p0 $0x68;
	s10 =	simm.s32 @!p0 $0x7C00  }
0x296: {  	[tilespmem:s10], [sflag:$0x1] =	stream.indirect.gather @!p0 [hbm4b:s4+s1], $0x40, s0, s1, $0xb8;
	[tilespmem:$0x10DA0] =	vst v63  }
0x297: {  	s10 =	simm.s32 @!p0 $0xCC60  }
0x298: {  	[tilespmem:s10], [sflag:$0x1] =	stream.indirect.gather @!p0 [hbm4b:s2+s1], $0x1, s0, s1, $0xb8;
	[tilespmem:$0x10DA0] =	vst v63  }
0x299: {  	_ =	swait.ge [sflag:s20], $0x1800  }
0x29a: {  	[sflag:s20] =	ssyncset.done $0x0  }
0x29b: {  	[sflag:s20] =	ssyncadd.s32 $0xFFFFE800  }
0x29c: {  	_ =	swait.ge [sflag:s20], $0x60  }
0x29d: {  	[sflag:s20] =	ssyncset.done $0x0  }
0x29e: {  	[sflag:s20] =	ssyncadd.s32 $0xFFFFFFA0  }
0x29f: {  	_ =	swait.ge [sflag:s20], $0x1A00  }
0x2a0: {  	[sflag:s20] =	ssyncset.done $0x0  }
0x2a1: {  	[sflag:s20] =	ssyncadd.s32 $0xFFFFE600  }
0x2a2: {  	_ =	swait.ge [sflag:s20], $0x68  }
0x2a3: {  	[sflag:s20] =	ssyncset.done $0x0  }
0x2a4: {  	s25 =	simm.s32 $0x9BF0;
	[sflag:s20] =	ssyncadd.s32 $0xFFFFFF98  }
0x2a5: {  	v1 =	vld [tilespmem:s25+$0xFFFFFFE0]  }
0x2a6: {  	v3 =	vld [tilespmem:s25+$0x0]  }
0x2a7: {  	s31 =	simm.s32 $0x0;
	v0 =	vld [tilespmem:s25+$0xFFFFFFD0]  }
0x2a8: {  	v16 =	vld [tilespmem:s31+$0xCCD0]  }
0x2a9: {  	v2 =	vld [tilespmem:s25+$0xFFFFFFF0]  }
0x2aa: {  	v4 =	vld [tilespmem:s25+$0xFFFFFF90]  }
0x2ab: {  	v7 =	vld [tilespmem:s25+$0xFFFFFFC0];
	v24 =	vshll.u32 v1, $0x10;
	v28 =	vand.u32 $0xFFFF0000, v1;
	v1 =	vshll.u32 v3, $0x10  }
0x2ac: {  	v8 =	vld [tilespmem:s25+$0xFFFFFF50];
	[tilespmem:$0x1F380] =	vst v1;
	v1 =	vand.u32 $0xFFFF0000, v3  }
0x2ad: {  	v9 =	vld [tilespmem:s25+$0xFFFFFF60];
	[tilespmem:$0x1F390] =	vst v1;
	v1 =	vsub.f32 $0.0e+00, v16  }
0x2ae: {  	v10 =	vld [tilespmem:s25+$0xFFFFFF70]  }
0x2af: {  	v19 =	vld [tilespmem:s25+$0xFFFFFF00];
	v1 =	vmul.f32 $1.442695020e+00, v1  }
0x2b0: {  	v22 =	vshll.u32 v0, $0x10;
	v23 =	vand.u32 $0xFFFF0000, v0;
	v0 =	vld [tilespmem:s25+$0xFFFFFEF0]  }
0x2b1: {  	v11 =	vld [tilespmem:s25+$0xFFFFFF80];
	(erf) = vpow2.f32 v1  }
0x2b2: {  	v25 =	vld [tilespmem:s25+$0xFFFFFEC0]  }
0x2b3: {  	v12 =	vld [tilespmem:s25+$0xFFFFFF10];
	v29 =	vshll.u32 v2, $0x10;
	v30 =	vand.u32 $0xFFFF0000, v2;
	v2 =	vshll.u32 v7, $0x10  }
0x2b4: {  	v14 =	vld [tilespmem:s25+$0xFFFFFF30];
	v31 =	vshll.u32 v4, $0x10;
	v32 =	vand.u32 $0xFFFF0000, v4;
	[tilespmem:$0x1F3A0] =	vst v2;
	v2 =	vand.u32 $0xFFFF0000, v7  }
0x2b5: {  	v15 =	vld [tilespmem:s25+$0xFFFFFF40];
	[tilespmem:$0x1F3B0] =	vst v2;
	v2 =	vshll.u32 v0, $0x10;
	v4 =	vand.u32 $0xFFFF0000, v0;
	v0 =	vshll.u32 v19, $0x10  }
0x2b6: {  	v17 =	vld [tilespmem:s25+$0xFFFFFED0];
	[tilespmem:$0x1F400] =	vst v0;
	v0 =	vand.u32 $0xFFFF0000, v19  }
0x2b7: {  	v3 =	vld [tilespmem:s25+$0xFFFFFE90];
	v1 =	vshll.u32 v11, $0x10;
	[tilespmem:$0x1F410] =	vst v0;
	v0 =	vshll.u32 v25, $0x10  }
0x2b8: {  	v43 =	vshll.u32 v12, $0x10;
	v44 =	vand.u32 $0xFFFF0000, v12;
	v12 =	vld [tilespmem:s25+$0xFFFFFE80];
	[tilespmem:$0x1F3C0] =	vst v1;
	v1 =	vand.u32 $0xFFFF0000, v11  }
0x2b9: {  	v18 =	vld [tilespmem:s25+$0xFFFFFEE0];
	[tilespmem:$0x1F3D0] =	vst v1  }
0x2ba: {  	v53 =	vld [tilespmem:s25+$0xFFFFFE40];
	v1 =	vshll.u32 v15, $0x10;
	[tilespmem:$0x1F420] =	vst v0;
	v0 =	vpop (erf)  }
0x2bb: {  	v20 =	vld [tilespmem:s25+$0xFFFFFEB0];
	[tilespmem:$0x1F3E0] =	vst v1;
	v1 =	vand.u32 $0xFFFF0000, v15;
	v0 =	vadd.f32 $1.000000000e+00, v0  }
0x2bc: {  	v55 =	vld [tilespmem:s25+$0xFFFFFDE0];
	v59 =	vand.u32 $0xFFFF0000, v3;
	[tilespmem:$0x1F3F0] =	vst v1;
	v1 =	vshll.u32 v3, $0x10;
	v3 =	vand.u32 $0xFFFF0000, v25  }
0x2bd: {  	v42 =	vld [tilespmem:s25+$0xFFFFFE70];
	[tilespmem:$0x1F430] =	vst v3;
	(erf) = vrcp.f32 v0;
	v0 =	vshll.u32 v12, $0x10  }
0x2be: {  	v56 =	vld [tilespmem:s25+$0xFFFFFDF0];
	v37 =	vand.u32 $0xFFFF0000, v8;
	v38 =	vshll.u32 v9, $0x10;
	[tilespmem:$0x1F440] =	vst v0;
	v0 =	vand.u32 $0xFFFF0000, v12  }
0x2bf: {  	v47 =	vshll.u32 v14, $0x10;
	v11 =	vand.u32 $0xFFFF0000, v14;
	v14 =	vld [tilespmem:s25+$0xFFFFFE20];
	v12 =	vshll.u32 v53, $0x10;
	[tilespmem:$0x1F450] =	vst v0  }
0x2c0: {  	v57 =	vld [tilespmem:s25+$0xFFFFFE00];
	v39 =	vand.u32 $0xFFFF0000, v9;
	v51 =	vshll.u32 v18, $0x10;
	[tilespmem:$0x1F460] =	vst v12;
	v12 =	vand.u32 $0xFFFF0000, v53  }
0x2c1: {  	v54 =	vld [tilespmem:s25+$0xFFFFFDD0];
	v52 =	vand.u32 $0xFFFF0000, v18;
	v9 =	vshll.u32 v20, $0x10;
	[tilespmem:$0x1F470] =	vst v12;
	v12 =	vshll.u32 v55, $0x10  }
0x2c2: {  	v18 =	vand.u32 $0xFFFF0000, v42;
	v15 =	vshll.u32 v42, $0x10;
	v42 =	vld [tilespmem:s25+$0xFFFFFDA0];
	[tilespmem:$0x1F480] =	vst v12;
	v12 =	vand.u32 $0xFFFF0000, v55  }
0x2c3: {  	v27 =	vld [tilespmem:s25+$0xFFFFFE50];
	v7 =	vshll.u32 v8, $0x10;
	v8 =	vand.u32 $0xFFFF0000, v20;
	[tilespmem:$0x1F490] =	vst v12;
	v12 =	vshll.u32 v56, $0x10  }
0x2c4: {  	v19 =	vshll.u32 v14, $0x10;
	v20 =	vand.u32 $0xFFFF0000, v14;
	v14 =	vld [tilespmem:s25+$0xFFFFFDB0];
	[tilespmem:$0x1F4A0] =	vst v12;
	v12 =	vand.u32 $0xFFFF0000, v56  }
0x2c5: {  	v53 =	vld [tilespmem:s25+$0xFFFFFD60];
	[tilespmem:$0x1F4B0] =	vst v12;
	v12 =	vshll.u32 v57, $0x10  }
0x2c6: {  	v34 =	vld [tilespmem:s25+$0xFFFFFE60];
	[tilespmem:$0x1F4C0] =	vst v12;
	v12 =	vand.u32 $0xFFFF0000, v57  }
0x2c7: {  	v3 =	vand.u32 $0xFFFF0000, v54;
	v0 =	vshll.u32 v54, $0x10;
	v54 =	vld [tilespmem:s25+$0xFFFFFD70];
	[tilespmem:$0x1F4D0] =	vst v12;
	v12 =	vshll.u32 v42, $0x10  }
0x2c8: {  	v49 =	vshll.u32 v17, $0x10;
	v50 =	vand.u32 $0xFFFF0000, v17;
	v17 =	vld [tilespmem:s25+$0xFFFFFE30];
	[tilespmem:$0x1F4E0] =	vst v12;
	v12 =	vand.u32 $0xFFFF0000, v42  }
0x2c9: {  	v40 =	vshll.u32 v10, $0x10;
	v55 =	vld [tilespmem:s25+$0xFFFFFD80];
	[tilespmem:$0x1F4F0] =	vst v12;
	v12 =	vshll.u32 v14, $0x10  }
0x2ca: {  	v41 =	vand.u32 $0xFFFF0000, v10;
	[tilespmem:$0x1F500] =	vst v12;
	v12 =	vand.u32 $0xFFFF0000, v14;
	v14 =	vshll.u32 v53, $0x10  }
0x2cb: {  	v26 =	vshll.u32 v27, $0x10;
	v10 =	vand.u32 $0xFFFF0000, v27;
	[tilespmem:$0x1F540] =	vst v14;
	v14 =	vand.u32 $0xFFFF0000, v53  }
0x2cc: {  	v60 =	vshll.u32 v34, $0x10;
	v27 =	vand.u32 $0xFFFF0000, v34;
	[tilespmem:$0x1F550] =	vst v14;
	v14 =	vshll.u32 v54, $0x10  }
0x2cd: {  	v62 =	vand.u32 $0xFFFF0000, v17;
	v25 =	vshll.u32 v17, $0x10;
	v17 =	vld [tilespmem:s25+$0xFFFFFDC0];
	v34 =	vpop (erf);
	[tilespmem:$0x1F560] =	vst v14;
	v14 =	vand.u32 $0xFFFF0000, v54  }
0x2ce: {  	v63 =	vbroadcast v34, $0xF;
	[tilespmem:$0x1F570] =	vst v14;
	v14 =	vshll.u32 v55, $0x10  }
0x2cf: {  	v6 =	vld [tilespmem:s25+$0xFFFFFFB0];
	[tilespmem:$0x1F580] =	vst v14;
	v14 =	vand.u32 $0xFFFF0000, v55  }
0x2d0: {  	[tilespmem:$0x1F590] =	vst v14;
	v14 =	vmul.f32 v22, v63  }
0x2d1: {  	[tilespmem:$0x1F510] =	vst v12  }
0x2d2: {  	v12 =	vshll.u32 v17, $0x10;
	[tilespmem:$0x1F5A0] =	vst v14;
	v14 =	vmul.f32 v23, v63  }
0x2d3: {  	[tilespmem:$0x1F520] =	vst v12;
	v12 =	vand.u32 $0xFFFF0000, v17;
	v17 =	vbroadcast v34, $0xE  }
0x2d4: {  	v36 =	vshll.u32 v6, $0x10;
	v6 =	vand.u32 $0xFFFF0000, v6;
	[tilespmem:$0x1F5B0] =	vst v14;
	v14 =	vmul.f32 v24, v63  }
0x2d5: {  	v56 =	vld [tilespmem:s25+$0xFFFFFD20];
	[tilespmem:$0x1F530] =	vst v12;
	v6 =	vmul.f32 v6, v17;
	v22 =	vbroadcast v34, $0xD  }
0x2d6: {  	[tilespmem:$0x1F5C0] =	vst v14;
	v14 =	vmul.f32 v28, v63  }
0x2d7: {  	[tilespmem:$0x1F680] =	vst v6;
	v23 =	vld [tilespmem:s25+$0xFFFFFD40];
	v6 =	vmul.f32 v7, v22  }
0x2d8: {  	[tilespmem:$0x1F5D0] =	vst v14;
	v14 =	vmul.f32 v29, v63  }
0x2d9: {  	[tilespmem:$0x1F690] =	vst v6  }
0x2da: {  	v5 =	vld [tilespmem:s25+$0xFFFFFFA0];
	[tilespmem:$0x1F5E0] =	vst v14;
	v14 =	vshll.u32 v56, $0x10  }
0x2db: {  	[tilespmem:$0x1F5F0] =	vst v14;
	v14 =	vand.u32 $0xFFFF0000, v56  }
0x2dc: {  	v6 =	vshll.u32 v23, $0x10;
	[tilespmem:$0x1F600] =	vst v14;
	v14 =	vmul.f32 v31, v17  }
0x2dd: {  	v53 =	vld [tilespmem:s25+$0xFFFFFD30];
	[tilespmem:$0x1F6A0] =	vst v6  }
0x2de: {  	v6 =	vand.u32 $0xFFFF0000, v23;
	[tilespmem:$0x1F610] =	vst v14;
	v14 =	vmul.f32 v32, v17  }
0x2df: {  	v33 =	vshll.u32 v5, $0x10;
	[tilespmem:$0x1F6B0] =	vst v6;
	v6 =	vmul.f32 v37, v22  }
0x2e0: {  	[tilespmem:$0x1F620] =	vst v14;
	v14 =	vmul.f32 v33, v17  }
0x2e1: {  	[tilespmem:$0x1F6C0] =	vst v6  }
0x2e2: {  	v13 =	vld [tilespmem:s25+$0xFFFFFF20];
	[tilespmem:$0x1F630] =	vst v14;
	v14 =	vshll.u32 v53, $0x10  }
0x2e3: {  	v35 =	vand.u32 $0xFFFF0000, v5;
	v6 =	vmul.f32 v38, v22;
	[tilespmem:$0x1F640] =	vst v14;
	v14 =	vand.u32 $0xFFFF0000, v53  }
0x2e4: {  	[tilespmem:$0x1F650] =	vst v14;
	v14 =	vmul.f32 v35, v17  }
0x2e5: {  	[tilespmem:$0x1F6D0] =	vst v6;
	v6 =	vmul.f32 v39, v22  }
0x2e6: {  	v24 =	vbroadcast v34, $0xC;
	[tilespmem:$0x1F660] =	vst v14;
	v14 =	vmul.f32 v36, v17  }
0x2e7: {  	v45 =	vshll.u32 v13, $0x10;
	[tilespmem:$0x1F6E0] =	vst v6;
	v6 =	vmul.f32 v40, v22  }
0x2e8: {  	v28 =	vld [tilespmem:s25+$0xFFFFFCD0];
	[tilespmem:$0x1F670] =	vst v14;
	v14 =	vmul.f32 v45, v24  }
0x2e9: {  	v46 =	vand.u32 $0xFFFF0000, v13;
	v23 =	vld [tilespmem:s25+$0xFFFFFCF0];
	[tilespmem:$0x1F6F0] =	vst v6;
	v6 =	vmul.f32 v41, v22  }
0x2ea: {  	v48 =	vld [tilespmem:s25+$0xFFFFFE10];
	[tilespmem:$0x1F730] =	vst v14;
	v14 =	vmul.f32 v46, v24  }
0x2eb: {  	v16 =	vld [tilespmem:s25+$0xFFFFFEA0];
	[tilespmem:$0x1F700] =	vst v6;
	v6 =	vmul.f32 v43, v24  }
0x2ec: {  	[tilespmem:$0x1F740] =	vst v14;
	v14 =	vmul.f32 v47, v24  }
0x2ed: {  	v29 =	vld [tilespmem:s25+$0xFFFFFCE0];
	v37 =	vand.u32 $0xFFFF0000, v28;
	[tilespmem:$0x1F710] =	vst v6  }
0x2ee: {  	v58 =	vld [tilespmem:s25+$0xFFFFFD90];
	v53 =	vshll.u32 v28, $0x10;
	v28 =	vbroadcast v34, $0xB;
	[tilespmem:$0x1F750] =	vst v14;
	v14 =	vshll.u32 v23, $0x10  }
0x2ef: {  	v57 =	vmul.f32 v30, v63;
	v30 =	vld [tilespmem:s25+$0xFFFFFD00];
	v6 =	vmul.f32 v44, v24;
	[tilespmem:$0x1F760] =	vst v14;
	v14 =	vand.u32 $0xFFFF0000, v23  }
0x2f0: {  	v13 =	vshll.u32 v48, $0x10;
	v21 =	vshll.u32 v16, $0x10;
	[tilespmem:$0x1F770] =	vst v14;
	v14 =	vmul.f32 v50, v28  }
0x2f1: {  	v5 =	vand.u32 $0xFFFF0000, v16;
	v16 =	vand.u32 $0xFFFF0000, v48;
	v48 =	vld [tilespmem:s25+$0xFFFFFD50];
	v2 =	vmul.f32 v2, v28;
	[tilespmem:$0x1F720] =	vst v6  }
0x2f2: {  	v7 =	vshll.u32 v29, $0x10;
	v6 =	vand.u32 $0xFFFF0000, v29;
	v29 =	vld [tilespmem:s25+$0xFFFFFC90];
	[tilespmem:$0x1F7A0] =	vst v14;
	v14 =	vmul.f32 v51, v28  }
0x2f3: {  	v61 =	vshll.u32 v58, $0x10;
	v58 =	vand.u32 $0xFFFF0000, v58;
	v33 =	vbroadcast v34, $0xA;
	[tilespmem:$0x1F7F0] =	vst v2  }
0x2f4: {  	v42 =	vld [tilespmem:s25+$0xFFFFFD10];
	v11 =	vmul.f32 v11, v24;
	v2 =	vmul.f32 v4, v28;
	[tilespmem:$0x1F7B0] =	vst v14;
	v14 =	vshll.u32 v30, $0x10  }
0x2f5: {  	v40 =	vbroadcast v34, $0x9;
	v56 =	vmul.f32 v1, v33;
	[tilespmem:$0x1F7C0] =	vst v14;
	v14 =	vand.u32 $0xFFFF0000, v30;
	v30 =	vld [tilespmem:s25+$0xFFFFFCB0]  }
0x2f6: {  	v12 =	vshll.u32 v48, $0x10;
	v43 =	vbroadcast v34, $0x8;
	[tilespmem:$0x1F800] =	vst v2;
	v2 =	vmul.f32 v9, v33  }
0x2f7: {  	[tilespmem:$0x1F780] =	vst v11;
	v11 =	vmul.f32 v49, v28;
	v45 =	vshll.u32 v29, $0x10;
	v47 =	vand.u32 $0xFFFF0000, v29;
	v29 =	vld [tilespmem:s25+$0xFFFFFCC0]  }
0x2f8: {  	v48 =	vand.u32 $0xFFFF0000, v48;
	v1 =	vmul.f32 v59, v33;
	[tilespmem:$0x1F810] =	vst v2;
	v2 =	vmul.f32 v8, v33  }
0x2f9: {  	v54 =	vshll.u32 v42, $0x10;
	v5 =	vmul.f32 v5, v33;
	v59 =	vld [tilespmem:s25+$0xFFFFFC50];
	v16 =	vmul.f32 v16, v43;
	[tilespmem:$0x1F790] =	vst v11  }
0x2fa: {  	v19 =	vmul.f32 v19, v43;
	v11 =	vld [tilespmem:s25+$0xFFFFFCA0];
	v9 =	vmul.f32 v10, v40;
	[tilespmem:$0x1F820] =	vst v2;
	v2 =	vshll.u32 v30, $0x10  }
0x2fb: {  	v10 =	vmul.f32 v60, v40;
	v60 =	vbroadcast v34, $0x5;
	[tilespmem:$0x1F830] =	vst v2;
	v2 =	vand.u32 $0xFFFF0000, v30  }
0x2fc: {  	v20 =	vmul.f32 v20, v43;
	v8 =	vmul.f32 v26, v40;
	v26 =	vld [tilespmem:s25+$0xFFFFFC60];
	[tilespmem:$0x1F840] =	vst v2;
	v2 =	vshll.u32 v29, $0x10  }
0x2fd: {  	v4 =	vmul.f32 v21, v33;
	v35 =	vmul.f32 v12, v60;
	[tilespmem:$0x1F850] =	vst v2;
	v2 =	vand.u32 $0xFFFF0000, v29  }
0x2fe: {  	v31 =	vand.u32 $0xFFFF0000, v59;
	v32 =	vmul.f32 v48, v60;
	[tilespmem:$0x1F860] =	vst v2;
	v2 =	vmul.f32 v15, v40  }
0x2ff: {  	v21 =	vand.u32 $0xFFFF0000, v11;
	[tilespmem:$0x1F7D0] =	vst v14;
	v14 =	vmul.f32 v52, v28;
	v52 =	vbroadcast v34, $0x7  }
0x300: {  	v23 =	vshll.u32 v11, $0x10;
	v11 =	vmul.f32 v27, v40;
	[tilespmem:$0x1F870] =	vst v2;
	v2 =	vmul.f32 v18, v40  }
0x301: {  	v38 =	vshll.u32 v26, $0x10;
	v27 =	vmul.f32 v3, v52;
	v3 =	vbroadcast v34, $0x4;
	v18 =	vld [tilespmem:s25+$0xFFFFFC70]  }
0x302: {  	v36 =	vand.u32 $0xFFFF0000, v26;
	v15 =	vmul.f32 v13, v43;
	v13 =	vld [tilespmem:s25+$0xFFFFFC80];
	[tilespmem:$0x1F880] =	vst v2;
	v2 =	vmul.f32 v25, v43  }
0x303: {  	v51 =	vshll.u32 v59, $0x10;
	v59 =	vbroadcast v34, $0x6;
	v26 =	vmul.f32 v0, v52;
	v25 =	vld [tilespmem:s25+$0xFFFFFC10]  }
0x304: {  	v42 =	vand.u32 $0xFFFF0000, v42;
	v39 =	vmul.f32 v54, v3;
	[tilespmem:$0x1F890] =	vst v2;
	v2 =	vmul.f32 v62, v43  }
0x305: {  	[tilespmem:$0x1F7E0] =	vst v14;
	v41 =	vmul.f32 v42, v3;
	v30 =	vmul.f32 v58, v59  }
0x306: {  	v12 =	vld [tilespmem:s25+$0xFFFFFC30];
	v58 =	vimm.f32 $0.0e+00;
	v29 =	vmul.f32 v61, v59;
	[tilespmem:$0x1F8A0] =	vst v2;
	v2 =	vand.u32 $0xFFFF0000, v18  }
0x307: {  	v61 =	vimm.f32 $0.0e+00;
	v62 =	vld [tilespmem:s25+$0xFFFFFC20];
	v0 =	vshll.u32 v18, $0x10;
	[tilespmem:$0x1F8B0] =	vst v2;
	v2 =	vshll.u32 v13, $0x10  }
0x308: {  	v18 =	vbroadcast v34, $0x3;
	v48 =	vshll.u32 v25, $0x10;
	[tilespmem:$0x1F8C0] =	vst v2;
	v2 =	vand.u32 $0xFFFF0000, v13  }
0x309: {  	v49 =	vand.u32 $0xFFFF0000, v25;
	v25 =	vbroadcast v34, $0x2;
	[tilespmem:$0x1F8D0] =	vst v2;
	v2 =	vimm.f32 $0.0e+00  }
0x30a: {  	v53 =	vmul.f32 v53, v18;
	v44 =	vmul.f32 v37, v18;
	[tilespmem:$0x1F8E0] =	vst v2;
	v2 =	vimm.f32 $0.0e+00  }
0x30b: {  	v37 =	vbroadcast v34, $0x1;
	v13 =	vshll.u32 v12, $0x10;
	[tilespmem:$0x1F8F0] =	vst v2;
	v2 =	vimm.f32 $0.0e+00  }
0x30c: {  	v12 =	vand.u32 $0xFFFF0000, v12;
	v50 =	vshll.u32 v62, $0x10;
	[tilespmem:$0x1F900] =	vst v2;
	v2 =	vimm.f32 $0.0e+00  }
0x30d: {  	v54 =	vand.u32 $0xFFFF0000, v62;
	v46 =	vmul.f32 v45, v25;
	[tilespmem:$0x1F910] =	vst v2;
	v2 =	vimm.f32 $0.0e+00  }
0x30e: {  	v47 =	vmul.f32 v47, v25;
	v45 =	vbroadcast v34, $0x0;
	[tilespmem:$0x1F920] =	vst v2;
	v2 =	vimm.f32 $0.0e+00  }
0x30f: {  	s26 =	simm.s32 $0x40;
	v62 =	vimm.f32 $0.0e+00;
	v42 =	vmul.f32 v51, v37;
	v51 =	vmul.f32 v31, v37;
	v31 =	vld [tilespmem:s25+$0xFFFFFC40];
	[tilespmem:$0x1F930] =	vst v2  }
.LBB2_5:
0x310: {  	v2 =	vld [tilespmem:$0x1F8E0];
	_ =	sdelay $0x2  }
0x311: {  	v48 =	vmul.f32 v48, v45;
	_ =	sdelay $0x1  }
0x312: {  	v48 =	vadd.f32 v48, v2;
	v2 =	vld [tilespmem:$0x1F8F0];
	_ =	sdelay $0x2  }
0x313: {  	v49 =	vmul.f32 v49, v45;
	_ =	sdelay $0x1  }
0x314: {  	v49 =	vadd.f32 v49, v2;
	v2 =	vld [tilespmem:$0x1F900];
	_ =	sdelay $0x2  }
0x315: {  	v50 =	vmul.f32 v50, v45;
	_ =	sdelay $0x1  }
0x316: {  	v50 =	vadd.f32 v50, v2;
	v2 =	vld [tilespmem:$0x1F910];
	_ =	sdelay $0x2  }
0x317: {  	v54 =	vmul.f32 v54, v45;
	_ =	sdelay $0x1  }
0x318: {  	v54 =	vadd.f32 v54, v2;
	v2 =	vld [tilespmem:$0x1F5F0];
	_ =	sdelay $0x3  }
0x319: {  	v36 =	vmul.f32 v36, v37  }
0x31a: {  	v42 =	vadd.f32 v42, v48;
	v48 =	vadd.f32 v51, v49;
	v49 =	vmul.f32 v2, v3;
	v2 =	vld [tilespmem:$0x1F600]  }
0x31b: {  	v21 =	vmul.f32 v21, v25;
	v36 =	vadd.f32 v36, v54;
	_ =	sdelay $0x1  }
0x31c: {  	v6 =	vmul.f32 v6, v18;
	v21 =	vadd.f32 v21, v36;
	_ =	sdelay $0x1  }
0x31d: {  	v6 =	vadd.f32 v6, v21;
	v21 =	vmul.f32 v2, v3;
	v2 =	vld [tilespmem:$0x1F540];
	_ =	sdelay $0x4  }
0x31e: {  	v51 =	vmul.f32 v2, v60;
	v2 =	vld [tilespmem:$0x1F550];
	_ =	sdelay $0x4  }
0x31f: {  	v6 =	vadd.f32 v21, v6;
	v21 =	vmul.f32 v2, v60;
	v2 =	vld [tilespmem:$0x1F4E0];
	_ =	sdelay $0x2  }
0x320: {  	v42 =	vadd.f32 v46, v42  }
0x321: {  	v38 =	vmul.f32 v38, v37  }
0x322: {  	v54 =	vadd.f32 v47, v48;
	v47 =	vadd.f32 v53, v42;
	v53 =	vmul.f32 v2, v59;
	v2 =	vld [tilespmem:$0x1F4F0]  }
0x323: {  	v23 =	vmul.f32 v23, v25;
	v38 =	vadd.f32 v38, v50;
	_ =	sdelay $0x1  }
0x324: {  	v7 =	vmul.f32 v7, v18;
	v23 =	vadd.f32 v23, v38  }
0x325: {  	v48 =	vadd.f32 v44, v54  }
0x326: {  	v7 =	vadd.f32 v7, v23;
	v6 =	vadd.f32 v21, v6;
	v21 =	vmul.f32 v2, v59;
	v2 =	vld [tilespmem:$0x1F480]  }
0x327: {  	v23 =	vadd.f32 v39, v47;
	v50 =	vadd.f32 v41, v48;
	_ =	sdelay $0x1  }
0x328: {  	v23 =	vadd.f32 v35, v23;
	v32 =	vadd.f32 v32, v50;
	_ =	sdelay $0x1  }
0x329: {  	v23 =	vadd.f32 v29, v23;
	v29 =	vadd.f32 v30, v32;
	v30 =	vmul.f32 v2, v52;
	v2 =	vld [tilespmem:$0x1F490];
	_ =	sdelay $0x4  }
0x32a: {  	v54 =	vmul.f32 v2, v52;
	v2 =	vld [tilespmem:$0x1F4A0];
	_ =	sdelay $0x4  }
0x32b: {  	v21 =	vadd.f32 v21, v6;
	v6 =	vmul.f32 v2, v52;
	v2 =	vld [tilespmem:$0x1F4B0];
	_ =	sdelay $0x4  }
0x32c: {  	v23 =	vadd.f32 v26, v23;
	v26 =	vadd.f32 v27, v29;
	v27 =	vmul.f32 v2, v52;
	v2 =	vld [tilespmem:$0x1F500];
	_ =	sdelay $0x4  }
0x32d: {  	v29 =	vmul.f32 v2, v59;
	v2 =	vld [tilespmem:$0x1F510];
	_ =	sdelay $0x1  }
0x32e: {  	v7 =	vadd.f32 v49, v7;
	_ =	sdelay $0x1  }
0x32f: {  	v7 =	vadd.f32 v51, v7  }
0x330: {  	v15 =	vadd.f32 v15, v23;
	v23 =	vmul.f32 v2, v59;
	v2 =	vld [tilespmem:$0x1F560]  }
0x331: {  	v7 =	vadd.f32 v53, v7;
	_ =	sdelay $0x1  }
0x332: {  	v7 =	vadd.f32 v30, v7;
	v21 =	vadd.f32 v54, v21;
	_ =	sdelay $0x1  }
0x333: {  	v7 =	vadd.f32 v19, v7;
	v19 =	vadd.f32 v20, v21;
	v20 =	vmul.f32 v2, v60;
	v2 =	vld [tilespmem:$0x1F570];
	_ =	sdelay $0x2  }
0x334: {  	v16 =	vadd.f32 v16, v26;
	_ =	sdelay $0x1  }
0x335: {  	v8 =	vadd.f32 v8, v15;
	v9 =	vadd.f32 v9, v16;
	v15 =	vmul.f32 v2, v60;
	v2 =	vld [tilespmem:$0x1F640];
	_ =	sdelay $0x1  }
0x336: {  	v1 =	vadd.f32 v1, v9;
	v9 =	vld [tilespmem:$0x1F790];
	_ =	sdelay $0x1  }
0x337: {  	v14 =	vld [tilespmem:$0x1F710];
	v7 =	vadd.f32 v10, v7  }
0x338: {  	v10 =	vadd.f32 v11, v19;
	v11 =	vmul.f32 v2, v3;
	v2 =	vadd.f32 v56, v8;
	_ =	sdelay $0x1  }
0x339: {  	v2 =	vadd.f32 v9, v2;
	v9 =	vld [tilespmem:$0x1F7A0];
	_ =	sdelay $0x1  }
0x33a: {  	v2 =	vadd.f32 v14, v2;
	v14 =	vld [tilespmem:$0x1F720];
	_ =	sdelay $0x2  }
0x33b: {  	v1 =	vadd.f32 v9, v1;
	_ =	sdelay $0x1  }
0x33c: {  	v1 =	vadd.f32 v14, v1;
	v14 =	vld [tilespmem:$0x1F840];
	_ =	sdelay $0x2  }
0x33d: {  	v5 =	vadd.f32 v5, v10;
	v10 =	vld [tilespmem:$0x1F7B0];
	_ =	sdelay $0x1  }
0x33e: {  	v16 =	vmul.f32 v14, v25;
	v14 =	vld [tilespmem:$0x1F730]  }
0x33f: {  	v4 =	vadd.f32 v4, v7;
	_ =	sdelay $0x1  }
0x340: {  	v4 =	vadd.f32 v10, v4;
	v10 =	vld [tilespmem:$0x1F7E0];
	_ =	sdelay $0x1  }
0x341: {  	v4 =	vadd.f32 v14, v4;
	v14 =	vld [tilespmem:$0x1F740];
	_ =	sdelay $0x2  }
0x342: {  	v5 =	vadd.f32 v10, v5;
	_ =	sdelay $0x1  }
0x343: {  	v5 =	vadd.f32 v14, v5;
	v14 =	vld [tilespmem:$0x1F690];
	_ =	sdelay $0x4  }
0x344: {  	v2 =	vadd.f32 v14, v2;
	v14 =	vld [tilespmem:$0x1F6C0];
	_ =	sdelay $0x4  }
0x345: {  	v1 =	vadd.f32 v14, v1;
	v14 =	vld [tilespmem:$0x1F8B0];
	_ =	sdelay $0x4  }
0x346: {  	v19 =	vmul.f32 v14, v37;
	v14 =	vld [tilespmem:$0x1F6D0];
	_ =	sdelay $0x4  }
0x347: {  	v4 =	vadd.f32 v14, v4;
	v14 =	vld [tilespmem:$0x1F6E0];
	_ =	sdelay $0x4  }
0x348: {  	v5 =	vadd.f32 v14, v5;
	v14 =	vld [tilespmem:$0x1F610];
	_ =	sdelay $0x4  }
0x349: {  	v2 =	vadd.f32 v14, v2;
	v14 =	vld [tilespmem:$0x1F620];
	_ =	sdelay $0x4  }
0x34a: {  	v1 =	vadd.f32 v14, v1;
	v14 =	vld [tilespmem:$0x1F630];
	_ =	sdelay $0x4  }
0x34b: {  	v4 =	vadd.f32 v14, v4;
	v14 =	vld [tilespmem:$0x1F660];
	_ =	sdelay $0x4  }
0x34c: {  	v5 =	vadd.f32 v14, v5;
	v14 =	vld [tilespmem:$0x1F5A0];
	_ =	sdelay $0x4  }
0x34d: {  	v2 =	vadd.f32 v14, v2;
	_ =	sdelay $0x1  }
0x34e: {  	[tilespmem:$0x1F8E0] =	vst v2;
	v2 =	vld [tilespmem:$0x1F5B0];
	_ =	sdelay $0x4  }
0x34f: {  	v1 =	vadd.f32 v2, v1;
	v2 =	vld [tilespmem:$0x1F5C0];
	_ =	sdelay $0x4  }
0x350: {  	v2 =	vadd.f32 v2, v4;
	_ =	sdelay $0x1  }
0x351: {  	[tilespmem:$0x1F900] =	vst v2;
	v2 =	vld [tilespmem:$0x1F5D0];
	_ =	sdelay $0x2  }
0x352: {  	v12 =	vmul.f32 v12, v45;
	_ =	sdelay $0x1  }
0x353: {  	v13 =	vmul.f32 v13, v45;
	v4 =	vadd.f32 v12, v62;
	v12 =	vld [tilespmem:$0x1F920];
	v2 =	vadd.f32 v2, v5  }
0x354: {  	v5 =	vld [tilespmem:$0x1F8C0]  }
0x355: {  	v0 =	vmul.f32 v0, v37;
	[tilespmem:$0x1F910] =	vst v2;
	v2 =	vadd.f32 v13, v61;
	v13 =	vld [tilespmem:$0x1F930]  }
0x356: {  	v55 =	vshll.u32 v31, $0x10  }
0x357: {  	v31 =	vand.u32 $0xFFFF0000, v31;
	v0 =	vadd.f32 v0, v2;
	v2 =	vadd.f32 v19, v4;
	v4 =	vld [tilespmem:$0x1F850]  }
0x358: {  	v21 =	vmul.f32 v55, v45;
	[tilespmem:$0x1F8F0] =	vst v1;
	v1 =	vmul.f32 v31, v45;
	_ =	sdelay $0x1  }
0x359: {  	v12 =	vadd.f32 v21, v12;
	v5 =	vmul.f32 v5, v37;
	v1 =	vadd.f32 v1, v13;
	v13 =	vld [tilespmem:$0x1F8D0]  }
0x35a: {  	v10 =	vld [tilespmem:$0x1F830]  }
0x35b: {  	v5 =	vadd.f32 v5, v12;
	v12 =	vld [tilespmem:$0x1F860];
	v4 =	vmul.f32 v4, v25  }
0x35c: {  	v7 =	vld [tilespmem:$0x1F760]  }
0x35d: {  	v4 =	vadd.f32 v4, v5;
	v5 =	vld [tilespmem:$0x1F7D0]  }
0x35e: {  	v13 =	vmul.f32 v13, v37  }
0x35f: {  	v10 =	vmul.f32 v10, v25  }
0x360: {  	v12 =	vmul.f32 v12, v25;
	v1 =	vadd.f32 v13, v1  }
0x361: {  	v7 =	vmul.f32 v7, v18;
	v8 =	vld [tilespmem:$0x1F650];
	v0 =	vadd.f32 v10, v0  }
0x362: {  	v10 =	vld [tilespmem:$0x1F7C0];
	v1 =	vadd.f32 v12, v1;
	v5 =	vmul.f32 v5, v18  }
0x363: {  	v0 =	vadd.f32 v7, v0;
	v7 =	vld [tilespmem:$0x1F6A0]  }
0x364: {  	v1 =	vadd.f32 v5, v1;
	v5 =	vld [tilespmem:$0x1F6B0];
	_ =	sdelay $0x3  }
0x365: {  	v8 =	vmul.f32 v8, v3;
	v10 =	vmul.f32 v10, v18  }
0x366: {  	v9 =	vld [tilespmem:$0x1F770];
	v7 =	vmul.f32 v7, v3;
	v3 =	vmul.f32 v5, v3  }
0x367: {  	v4 =	vadd.f32 v10, v4;
	v5 =	vld [tilespmem:$0x1F580]  }
0x368: {  	v1 =	vadd.f32 v3, v1;
	v3 =	vld [tilespmem:$0x1F590]  }
0x369: {  	v4 =	vadd.f32 v7, v4;
	v7 =	vld [tilespmem:$0x1F520];
	_ =	sdelay $0x1  }
0x36a: {  	v0 =	vadd.f32 v11, v0  }
0x36b: {  	v5 =	vmul.f32 v5, v60  }
0x36c: {  	v9 =	vmul.f32 v9, v18;
	v0 =	vadd.f32 v20, v0;
	v3 =	vmul.f32 v3, v60  }
0x36d: {  	v2 =	vadd.f32 v16, v2;
	v7 =	vmul.f32 v7, v59;
	v4 =	vadd.f32 v5, v4;
	v5 =	vld [tilespmem:$0x1F4C0]  }
0x36e: {  	v0 =	vadd.f32 v29, v0;
	v1 =	vadd.f32 v3, v1;
	v3 =	vld [tilespmem:$0x1F530]  }
0x36f: {  	v2 =	vadd.f32 v9, v2;
	v4 =	vadd.f32 v7, v4;
	v7 =	vld [tilespmem:$0x1F890]  }
0x370: {  	v0 =	vadd.f32 v6, v0;
	v6 =	vld [tilespmem:$0x1F460]  }
0x371: {  	v2 =	vadd.f32 v8, v2;
	_ =	sdelay $0x1  }
0x372: {  	v2 =	vadd.f32 v15, v2;
	v5 =	vmul.f32 v5, v52  }
0x373: {  	v3 =	vmul.f32 v3, v59;
	v0 =	vadd.f32 v7, v0;
	v7 =	vld [tilespmem:$0x1F8A0]  }
0x374: {  	v2 =	vadd.f32 v23, v2;
	v6 =	vmul.f32 v6, v43;
	v4 =	vadd.f32 v5, v4  }
0x375: {  	v1 =	vadd.f32 v3, v1;
	v3 =	vld [tilespmem:$0x1F4D0]  }
0x376: {  	v2 =	vadd.f32 v27, v2;
	v4 =	vadd.f32 v6, v4;
	v6 =	vld [tilespmem:$0x1F870];
	_ =	sdelay $0x1  }
0x377: {  	v2 =	vadd.f32 v7, v2;
	v7 =	vld [tilespmem:$0x1F440];
	_ =	sdelay $0x1  }
0x378: {  	v3 =	vmul.f32 v3, v52  }
0x379: {  	v0 =	vadd.f32 v6, v0;
	v6 =	vld [tilespmem:$0x1F880]  }
0x37a: {  	v1 =	vadd.f32 v3, v1;
	v3 =	vld [tilespmem:$0x1F470]  }
0x37b: {  	v7 =	vmul.f32 v7, v40;
	_ =	sdelay $0x1  }
0x37c: {  	v4 =	vadd.f32 v7, v4;
	v7 =	vld [tilespmem:$0x1F810];
	_ =	sdelay $0x1  }
0x37d: {  	v2 =	vadd.f32 v6, v2;
	v6 =	vld [tilespmem:$0x1F420];
	v3 =	vmul.f32 v3, v43;
	_ =	sdelay $0x1  }
0x37e: {  	v1 =	vadd.f32 v3, v1;
	v3 =	vld [tilespmem:$0x1F450]  }
0x37f: {  	v0 =	vadd.f32 v7, v0;
	v7 =	vld [tilespmem:$0x1F820];
	_ =	sdelay $0x1  }
0x380: {  	v6 =	vmul.f32 v6, v33;
	_ =	sdelay $0x1  }
0x381: {  	v4 =	vadd.f32 v6, v4;
	v6 =	vld [tilespmem:$0x1F7F0];
	v3 =	vmul.f32 v3, v40  }
0x382: {  	v2 =	vadd.f32 v7, v2;
	v7 =	vld [tilespmem:$0x1F400]  }
0x383: {  	v1 =	vadd.f32 v3, v1;
	v3 =	vld [tilespmem:$0x1F430];
	_ =	sdelay $0x2  }
0x384: {  	v0 =	vadd.f32 v6, v0;
	v6 =	vld [tilespmem:$0x1F800]  }
0x385: {  	v7 =	vmul.f32 v7, v28  }
0x386: {  	v3 =	vmul.f32 v3, v33  }
0x387: {  	v4 =	vadd.f32 v7, v4;
	v7 =	vld [tilespmem:$0x1F750]  }
0x388: {  	v1 =	vadd.f32 v3, v1;
	v3 =	vld [tilespmem:$0x1F410]  }
0x389: {  	v2 =	vadd.f32 v6, v2;
	v6 =	vld [tilespmem:$0x1F3E0];
	_ =	sdelay $0x3  }
0x38a: {  	v0 =	vadd.f32 v7, v0;
	v7 =	vld [tilespmem:$0x1F780];
	v3 =	vmul.f32 v3, v28  }
0x38b: {  	v6 =	vmul.f32 v6, v24  }
0x38c: {  	v1 =	vadd.f32 v3, v1;
	v3 =	vld [tilespmem:$0x1F3F0]  }
0x38d: {  	v4 =	vadd.f32 v6, v4;
	v6 =	vld [tilespmem:$0x1F6F0];
	_ =	sdelay $0x1  }
0x38e: {  	v2 =	vadd.f32 v7, v2;
	v7 =	vld [tilespmem:$0x1F3C0];
	_ =	sdelay $0x1  }
0x38f: {  	v3 =	vmul.f32 v3, v24  }
0x390: {  	v0 =	vadd.f32 v6, v0;
	v6 =	vld [tilespmem:$0x1F700]  }
0x391: {  	v1 =	vadd.f32 v3, v1;
	v3 =	vld [tilespmem:$0x1F3D0]  }
0x392: {  	v7 =	vmul.f32 v7, v22;
	_ =	sdelay $0x1  }
0x393: {  	v4 =	vadd.f32 v7, v4;
	v7 =	vld [tilespmem:$0x1F670];
	_ =	sdelay $0x1  }
0x394: {  	v2 =	vadd.f32 v6, v2;
	v6 =	vld [tilespmem:$0x1F3A0];
	v3 =	vmul.f32 v3, v22;
	_ =	sdelay $0x1  }
0x395: {  	v1 =	vadd.f32 v3, v1;
	v3 =	vld [tilespmem:$0x1F3B0]  }
0x396: {  	v0 =	vadd.f32 v7, v0;
	v7 =	vld [tilespmem:$0x1F680];
	_ =	sdelay $0x1  }
0x397: {  	v6 =	vmul.f32 v6, v17;
	_ =	sdelay $0x1  }
0x398: {  	v4 =	vadd.f32 v6, v4;
	v6 =	vld [tilespmem:$0x1F5E0]  }
0x399: {  	v3 =	vmul.f32 v3, v17;
	v2 =	vadd.f32 v7, v2;
	v7 =	vld [tilespmem:$0x1F380];
	_ =	sdelay $0x1  }
0x39a: {  	v1 =	vadd.f32 v3, v1;
	v3 =	vld [tilespmem:$0x1F390]  }
0x39b: {  	s25 =	sadd.s32 $0x400, s25  }
0x39c: {  	v8 =	vld [tilespmem:s25+$0xFFFFFFD0];
	v0 =	vadd.f32 v6, v0  }
0x39d: {  	v7 =	vmul.f32 v7, v63  }
0x39e: {  	v9 =	vld [tilespmem:s25+$0xFFFFFFE0];
	[tilespmem:$0x1F370] =	vst v0;
	v0 =	vadd.f32 v57, v2  }
0x39f: {  	v10 =	vld [tilespmem:s25+$0xFFFFFFF0];
	v3 =	vmul.f32 v3, v63;
	v2 =	vadd.f32 v7, v4  }
0x3a0: {  	v5 =	vld [tilespmem:s25+$0x0];
	[tilespmem:$0x1F360] =	vst v0  }
0x3a1: {  	[tilespmem:$0x1F920] =	vst v2;
	v1 =	vadd.f32 v3, v1;
	v2 =	vand.u32 $0xFFFF0000, v8  }
0x3a2: {  	v11 =	vld [tilespmem:s25+$0xFFFFFF90];
	[tilespmem:$0x1F260] =	vst v2  }
0x3a3: {  	v12 =	vld [tilespmem:s25+$0xFFFFFFA0];
	v2 =	vand.u32 $0xFFFF0000, v9;
	[tilespmem:$0x1F930] =	vst v1  }
0x3a4: {  	s0 =	sshra.s32 s26, $0x2;
	v13 =	vld [tilespmem:s25+$0xFFFFFFB0];
	[tilespmem:$0x1F270] =	vst v2;
	v2 =	vand.u32 $0xFFFF0000, v10  }
0x3a5: {  	v1 =	vld [tilespmem:s0+$0xCCD0];
	[tilespmem:$0x1F280] =	vst v2;
	v2 =	vshll.u32 v5, $0x10  }
0x3a6: {  	[tilespmem:$0x1F380] =	vst v2;
	v2 =	vand.u32 $0xFFFF0000, v5  }
0x3a7: {  	v15 =	vld [tilespmem:s25+$0xFFFFFFC0];
	[tilespmem:$0x1F390] =	vst v2;
	v2 =	vand.u32 $0xFFFF0000, v11  }
0x3a8: {  	[tilespmem:$0x1F290] =	vst v2;
	v2 =	vshll.u32 v12, $0x10  }
0x3a9: {  	v17 =	vld [tilespmem:s25+$0xFFFFFF40];
	[tilespmem:$0x1F2A0] =	vst v2;
	v2 =	vand.u32 $0xFFFF0000, v12  }
0x3aa: {  	v16 =	vld [tilespmem:s25+$0xFFFFFF50];
	v1 =	vsub.f32 $0.0e+00, v1;
	[tilespmem:$0x1F2B0] =	vst v2;
	v2 =	vshll.u32 v13, $0x10  }
0x3ab: {  	[tilespmem:$0x1F2C0] =	vst v2;
	v2 =	vand.u32 $0xFFFF0000, v13  }
0x3ac: {  	v18 =	vld [tilespmem:s25+$0xFFFFFF60];
	v1 =	vmul.f32 $1.442695020e+00, v1;
	[tilespmem:$0x1F2D0] =	vst v2;
	v2 =	vshll.u32 v15, $0x10  }
0x3ad: {  	v0 =	vld [tilespmem:s25+$0xFFFFFEF0];
	[tilespmem:$0x1F3A0] =	vst v2;
	v2 =	vand.u32 $0xFFFF0000, v15  }
0x3ae: {  	v19 =	vld [tilespmem:s25+$0xFFFFFF70];
	(erf) = vpow2.f32 v1;
	v1 =	vshll.u32 v17, $0x10;
	[tilespmem:$0x1F3B0] =	vst v2  }
0x3af: {  	v62 =	vshll.u32 v8, $0x10;
	v8 =	vld [tilespmem:s25+$0xFFFFFE90];
	v2 =	vand.u32 $0xFFFF0000, v16;
	[tilespmem:$0x1F3E0] =	vst v1  }
0x3b0: {  	v1 =	vand.u32 $0xFFFF0000, v17;
	[tilespmem:$0x1F2E0] =	vst v2  }
0x3b1: {  	v3 =	vld [tilespmem:s25+$0xFFFFFF00];
	v2 =	vshll.u32 v18, $0x10;
	[tilespmem:$0x1F3F0] =	vst v1  }
0x3b2: {  	v20 =	vld [tilespmem:s25+$0xFFFFFF80];
	v1 =	vshll.u32 v0, $0x10;
	v0 =	vand.u32 $0xFFFF0000, v0;
	[tilespmem:$0x1F2F0] =	vst v2  }
0x3b3: {  	v42 =	vld [tilespmem:s25+$0xFFFFFD40];
	v2 =	vshll.u32 v19, $0x10;
	[tilespmem:$0x1F330] =	vst v0  }
0x3b4: {  	v21 =	vld [tilespmem:s25+$0xFFFFFF10];
	v0 =	vshll.u32 v8, $0x10;
	[tilespmem:$0x1F300] =	vst v2  }
0x3b5: {  	v57 =	vshll.u32 v10, $0x10;
	v10 =	vld [tilespmem:s25+$0xFFFFFEC0];
	v2 =	vand.u32 $0xFFFF0000, v19;
	[tilespmem:$0x1F340] =	vst v0  }
0x3b6: {  	v24 =	vld [tilespmem:s25+$0xFFFFFF30];
	v0 =	vshll.u32 v3, $0x10;
	[tilespmem:$0x1F310] =	vst v2  }
0x3b7: {  	v25 =	vld [tilespmem:s25+$0xFFFFFED0];
	v2 =	vshll.u32 v20, $0x10;
	[tilespmem:$0x1F400] =	vst v0  }
0x3b8: {  	v15 =	vld [tilespmem:s25+$0xFFFFFE70];
	v0 =	vand.u32 $0xFFFF0000, v3;
	[tilespmem:$0x1F3C0] =	vst v2  }
0x3b9: {  	v36 =	vand.u32 $0xFFFF0000, v18;
	v18 =	vld [tilespmem:s25+$0xFFFFFE80];
	v2 =	vand.u32 $0xFFFF0000, v20;
	[tilespmem:$0x1F410] =	vst v0  }
0x3ba: {  	v46 =	vshll.u32 v21, $0x10;
	v48 =	vand.u32 $0xFFFF0000, v21;
	v13 =	vld [tilespmem:s25+$0xFFFFFE60];
	v0 =	vshll.u32 v10, $0x10;
	[tilespmem:$0x1F3D0] =	vst v2  }
0x3bb: {  	v21 =	vshll.u32 v24, $0x10;
	v55 =	vand.u32 $0xFFFF0000, v24;
	v24 =	vld [tilespmem:s25+$0xFFFFFE40];
	[tilespmem:$0x1F420] =	vst v0;
	v0 =	vand.u32 $0xFFFF0000, v10  }
0x3bc: {  	v2 =	vand.u32 $0xFFFF0000, v42;
	[tilespmem:$0x1F430] =	vst v0  }
0x3bd: {  	v56 =	vshll.u32 v25, $0x10;
	v3 =	vld [tilespmem:s25+$0xFFFFFDE0];
	v0 =	vshll.u32 v15, $0x10;
	[tilespmem:$0x1F6B0] =	vst v2  }
0x3be: {  	v6 =	vshll.u32 v11, $0x10;
	v11 =	vand.u32 $0xFFFF0000, v25;
	[tilespmem:$0x1F350] =	vst v0;
	v0 =	vshll.u32 v18, $0x10  }
0x3bf: {  	v25 =	vld [tilespmem:s25+$0xFFFFFDF0];
	v35 =	vand.u32 $0xFFFF0000, v13;
	v10 =	vshll.u32 v13, $0x10;
	v13 =	vpop (erf);
	[tilespmem:$0x1F440] =	vst v0;
	v0 =	vand.u32 $0xFFFF0000, v18  }
0x3c0: {  	v14 =	vld [tilespmem:s25+$0xFFFFFEE0];
	v13 =	vadd.f32 $1.000000000e+00, v13;
	[tilespmem:$0x1F450] =	vst v0;
	v0 =	vshll.u32 v24, $0x10  }
0x3c1: {  	v28 =	vld [tilespmem:s25+$0xFFFFFE00];
	[tilespmem:$0x1F460] =	vst v0;
	v0 =	vand.u32 $0xFFFF0000, v24  }
0x3c2: {  	(erf) = vrcp.f32 v13;
	[tilespmem:$0x1F470] =	vst v0;
	v0 =	vshll.u32 v3, $0x10  }
0x3c3: {  	v60 =	vld [tilespmem:s25+$0xFFFFFDA0];
	[tilespmem:$0x1F480] =	vst v0;
	v0 =	vand.u32 $0xFFFF0000, v3  }
0x3c4: {  	v17 =	vld [tilespmem:s25+$0xFFFFFE30];
	[tilespmem:$0x1F490] =	vst v0;
	v0 =	vshll.u32 v25, $0x10  }
0x3c5: {  	v63 =	vld [tilespmem:s25+$0xFFFFFDB0];
	[tilespmem:$0x1F4A0] =	vst v0;
	v0 =	vand.u32 $0xFFFF0000, v25  }
0x3c6: {  	v51 =	vshll.u32 v14, $0x10;
	v19 =	vand.u32 $0xFFFF0000, v14;
	v14 =	vld [tilespmem:s25+$0xFFFFFDD0];
	[tilespmem:$0x1F4B0] =	vst v0;
	v0 =	vshll.u32 v28, $0x10  }
0x3c7: {  	v18 =	vld [tilespmem:s25+$0xFFFFFDC0];
	[tilespmem:$0x1F4C0] =	vst v0;
	v0 =	vand.u32 $0xFFFF0000, v28  }
0x3c8: {  	[tilespmem:$0x1F4D0] =	vst v0;
	v0 =	vshll.u32 v60, $0x10  }
0x3c9: {  	v26 =	vshll.u32 v17, $0x10;
	v27 =	vand.u32 $0xFFFF0000, v17;
	v17 =	vld [tilespmem:s25+$0xFFFFFD60];
	[tilespmem:$0x1F4E0] =	vst v0;
	v0 =	vand.u32 $0xFFFF0000, v60  }
0x3ca: {  	[tilespmem:$0x1F4F0] =	vst v0;
	v0 =	vshll.u32 v63, $0x10  }
0x3cb: {  	v58 =	vadd.f32 v34, v58;
	v31 =	vshll.u32 v14, $0x10;
	v34 =	vpop (erf);
	[tilespmem:$0x1F500] =	vst v0;
	v0 =	vand.u32 $0xFFFF0000, v63  }
0x3cc: {  	v32 =	vand.u32 $0xFFFF0000, v14;
	v14 =	vld [tilespmem:s25+$0xFFFFFD70];
	v63 =	vbroadcast v34, $0xF;
	[tilespmem:$0x1F510] =	vst v0;
	v0 =	vshll.u32 v18, $0x10  }
0x3cd: {  	[tilespmem:$0x1F520] =	vst v0;
	v0 =	vand.u32 $0xFFFF0000, v18  }
0x3ce: {  	v3 =	vld [tilespmem:s25+$0xFFFFFD80];
	v2 =	vmul.f32 v62, v63;
	[tilespmem:$0x1F530] =	vst v0;
	v0 =	vshll.u32 v17, $0x10  }
0x3cf: {  	[tilespmem:$0x1F540] =	vst v0  }
0x3d0: {  	v0 =	vand.u32 $0xFFFF0000, v17;
	[tilespmem:$0x1F5A0] =	vst v2  }
0x3d1: {  	v18 =	vld [tilespmem:s25+$0xFFFFFD20];
	v17 =	vbroadcast v34, $0xE;
	[tilespmem:$0x1F550] =	vst v0;
	v0 =	vshll.u32 v14, $0x10  }
0x3d2: {  	v2 =	vld [tilespmem:$0x1F260];
	[tilespmem:$0x1F560] =	vst v0;
	v0 =	vand.u32 $0xFFFF0000, v14  }
0x3d3: {  	v6 =	vmul.f32 v6, v17;
	[tilespmem:$0x1F570] =	vst v0;
	v0 =	vshll.u32 v3, $0x10  }
0x3d4: {  	v45 =	vld [tilespmem:s25+$0xFFFFFD30];
	[tilespmem:$0x1F580] =	vst v0  }
0x3d5: {  	v0 =	vand.u32 $0xFFFF0000, v3;
	[tilespmem:$0x1F610] =	vst v6  }
0x3d6: {  	[tilespmem:$0x1F590] =	vst v0;
	v0 =	vshll.u32 v18, $0x10  }
0x3d7: {  	v2 =	vmul.f32 v2, v63;
	[tilespmem:$0x1F5F0] =	vst v0;
	v0 =	vand.u32 $0xFFFF0000, v18  }
0x3d8: {  	v22 =	vld [tilespmem:s25+$0xFFFFFF20];
	v7 =	vshll.u32 v9, $0x10;
	[tilespmem:$0x1F600] =	vst v0  }
0x3d9: {  	v6 =	vld [tilespmem:$0x1F290];
	v0 =	vshll.u32 v45, $0x10;
	[tilespmem:$0x1F5B0] =	vst v2;
	v2 =	vmul.f32 v7, v63;
	v7 =	vmul.f32 v57, v63  }
0x3da: {  	[tilespmem:$0x1F640] =	vst v0;
	v0 =	vld [tilespmem:s25+$0xFFFFFCE0]  }
0x3db: {  	[tilespmem:$0x1F5E0] =	vst v7;
	v7 =	vld [tilespmem:$0x1F280];
	_ =	sdelay $0x2  }
0x3dc: {  	v6 =	vmul.f32 v6, v17  }
0x3dd: {  	v49 =	vshll.u32 v22, $0x10;
	v50 =	vand.u32 $0xFFFF0000, v22;
	v22 =	vld [tilespmem:s25+$0xFFFFFE20]  }
0x3de: {  	v62 =	vmovc v58;
	[tilespmem:$0x1F620] =	vst v6;
	v6 =	vand.u32 $0xFFFF0000, v0;
	v58 =	vmul.f32 v7, v63;
	v7 =	vshll.u32 v0, $0x10;
	v0 =	vld [tilespmem:$0x1F2A0]  }
0x3df: {  	v12 =	vld [tilespmem:s25+$0xFFFFFE50]  }
0x3e0: {  	v20 =	vld [tilespmem:s25+$0xFFFFFE10]  }
0x3e1: {  	[tilespmem:$0x1F5C0] =	vst v2;
	v2 =	vld [tilespmem:$0x1F270];
	_ =	sdelay $0x1  }
0x3e2: {  	v54 =	vld [tilespmem:s25+$0xFFFFFCD0];
	[tilespmem:$0x1F320] =	vst v1;
	v1 =	vand.u32 $0xFFFF0000, v45;
	v0 =	vmul.f32 v0, v17  }
0x3e3: {  	v23 =	vshll.u32 v16, $0x10;
	v61 =	vshll.u32 v12, $0x10;
	v38 =	vand.u32 $0xFFFF0000, v12;
	v12 =	vld [tilespmem:s25+$0xFFFFFD90];
	[tilespmem:$0x1F650] =	vst v1  }
0x3e4: {  	v44 =	vshll.u32 v22, $0x10;
	v1 =	vshll.u32 v42, $0x10;
	v16 =	vshll.u32 v20, $0x10;
	[tilespmem:$0x1F630] =	vst v0;
	v0 =	vld [tilespmem:$0x1F2B0]  }
0x3e5: {  	v39 =	vand.u32 $0xFFFF0000, v20;
	v20 =	vand.u32 $0xFFFF0000, v22;
	v22 =	vld [tilespmem:s25+$0xFFFFFD50];
	v2 =	vmul.f32 v2, v63  }
0x3e6: {  	[tilespmem:$0x1F6A0] =	vst v1;
	v1 =	vld [tilespmem:s25+$0xFFFFFCF0]  }
0x3e7: {  	v42 =	vshll.u32 v54, $0x10;
	[tilespmem:$0x1F5D0] =	vst v2;
	v2 =	vand.u32 $0xFFFF0000, v54;
	v54 =	vld [tilespmem:s25+$0xFFFFFD00];
	_ =	sdelay $0x1  }
0x3e8: {  	v29 =	vshll.u32 v12, $0x10;
	v30 =	vand.u32 $0xFFFF0000, v12;
	v0 =	vmul.f32 v0, v17  }
0x3e9: {  	v13 =	vshll.u32 v22, $0x10;
	v12 =	vand.u32 $0xFFFF0000, v22;
	v22 =	vbroadcast v34, $0xD  }
0x3ea: {  	[tilespmem:$0x1F660] =	vst v0;
	v0 =	vshll.u32 v1, $0x10;
	v1 =	vand.u32 $0xFFFF0000, v1  }
0x3eb: {  	[tilespmem:$0x1F770] =	vst v1;
	v1 =	vmul.f32 v23, v22;
	v23 =	vand.u32 $0xFFFF0000, v54  }
0x3ec: {  	[tilespmem:$0x1F7D0] =	vst v23;
	v23 =	vld [tilespmem:$0x1F300];
	_ =	sdelay $0x2  }
0x3ed: {  	[tilespmem:$0x1F760] =	vst v0;
	v0 =	vld [tilespmem:$0x1F2C0]  }
0x3ee: {  	[tilespmem:$0x1F690] =	vst v1;
	v1 =	vld [tilespmem:$0x1F2E0]  }
0x3ef: {  	v23 =	vmul.f32 v23, v22;
	_ =	sdelay $0x1  }
0x3f0: {  	[tilespmem:$0x1F6F0] =	vst v23;
	v23 =	vld [tilespmem:$0x1F310]  }
0x3f1: {  	v0 =	vmul.f32 v0, v17  }
0x3f2: {  	v24 =	vbroadcast v34, $0xC;
	v1 =	vmul.f32 v1, v22  }
0x3f3: {  	[tilespmem:$0x1F670] =	vst v0;
	v0 =	vld [tilespmem:$0x1F2D0]  }
0x3f4: {  	v21 =	vmul.f32 v21, v24;
	[tilespmem:$0x1F6C0] =	vst v1;
	v1 =	vshll.u32 v54, $0x10  }
0x3f5: {  	[tilespmem:$0x1F7C0] =	vst v1;
	v1 =	vld [tilespmem:$0x1F2F0];
	v23 =	vmul.f32 v23, v22  }
0x3f6: {  	[tilespmem:$0x1F750] =	vst v21;
	v21 =	vmul.f32 v55, v24  }
0x3f7: {  	[tilespmem:$0x1F700] =	vst v23;
	v23 =	vmul.f32 v46, v24  }
0x3f8: {  	[tilespmem:$0x1F780] =	vst v21;
	v0 =	vmul.f32 v0, v17  }
0x3f9: {  	[tilespmem:$0x1F710] =	vst v23;
	v23 =	vmul.f32 v48, v24  }
0x3fa: {  	[tilespmem:$0x1F680] =	vst v0;
	v0 =	vld [tilespmem:s25+$0xFFFFFCA0];
	v1 =	vmul.f32 v1, v22  }
0x3fb: {  	[tilespmem:$0x1F720] =	vst v23;
	v23 =	vmul.f32 v49, v24  }
0x3fc: {  	[tilespmem:$0x1F6D0] =	vst v1;
	v1 =	vmul.f32 v36, v22  }
0x3fd: {  	v5 =	vld [tilespmem:s25+$0xFFFFFEA0];
	v28 =	vbroadcast v34, $0xB;
	[tilespmem:$0x1F730] =	vst v23;
	v23 =	vmul.f32 v50, v24  }
0x3fe: {  	[tilespmem:$0x1F6E0] =	vst v1;
	v1 =	vld [tilespmem:s25+$0xFFFFFCB0]  }
0x3ff: {  	v21 =	vand.u32 $0xFFFF0000, v0;
	[tilespmem:$0x1F740] =	vst v23;
	v23 =	vshll.u32 v0, $0x10;
	v0 =	vmul.f32 v56, v28;
	_ =	sdelay $0x1  }
0x400: {  	v25 =	vld [tilespmem:s25+$0xFFFFFD10];
	[tilespmem:$0x1F790] =	vst v0;
	v0 =	vmul.f32 v11, v28  }
0x401: {  	v4 =	vand.u32 $0xFFFF0000, v8  }
0x402: {  	v9 =	vld [tilespmem:s25+$0xFFFFFEB0];
	v47 =	vshll.u32 v5, $0x10;
	v33 =	vbroadcast v34, $0xA;
	[tilespmem:$0x1F7A0] =	vst v0;
	v0 =	vshll.u32 v1, $0x10  }
0x403: {  	v43 =	vbroadcast v34, $0x8;
	v40 =	vbroadcast v34, $0x9;
	v1 =	vand.u32 $0xFFFF0000, v1;
	[tilespmem:$0x1F830] =	vst v0  }
0x404: {  	v5 =	vand.u32 $0xFFFF0000, v5;
	v59 =	vbroadcast v34, $0x6;
	v0 =	vmul.f32 v51, v28;
	[tilespmem:$0x1F840] =	vst v1;
	v1 =	vld [tilespmem:$0x1F320]  }
0x405: {  	v53 =	vshll.u32 v25, $0x10;
	v52 =	vbroadcast v34, $0x7;
	v60 =	vbroadcast v34, $0x5  }
0x406: {  	v41 =	vand.u32 $0xFFFF0000, v25;
	v25 =	vbroadcast v34, $0x2;
	[tilespmem:$0x1F7B0] =	vst v0;
	v0 =	vmul.f32 v19, v28  }
0x407: {  	v8 =	vshll.u32 v9, $0x10;
	v37 =	vbroadcast v34, $0x1;
	v5 =	vmul.f32 v5, v33;
	v14 =	vld [tilespmem:s25+$0xFFFFFC90]  }
0x408: {  	v8 =	vmul.f32 v8, v33;
	v10 =	vmul.f32 v10, v40;
	[tilespmem:$0x1F7E0] =	vst v0;
	v0 =	vld [tilespmem:s25+$0xFFFFFC60]  }
0x409: {  	v20 =	vmul.f32 v20, v43;
	v46 =	vld [tilespmem:s25+$0xFFFFFC50];
	v1 =	vmul.f32 v1, v28  }
0x40a: {  	v9 =	vand.u32 $0xFFFF0000, v9;
	v26 =	vmul.f32 v26, v43;
	v29 =	vmul.f32 v29, v59;
	[tilespmem:$0x1F810] =	vst v8;
	v50 =	vld [tilespmem:s25+$0xFFFFFC80]  }
0x40b: {  	v30 =	vmul.f32 v30, v59;
	v8 =	vmul.f32 v9, v33;
	[tilespmem:$0x1F7F0] =	vst v1;
	v1 =	vld [tilespmem:$0x1F330]  }
0x40c: {  	v9 =	vmul.f32 v38, v40;
	[tilespmem:$0x1F890] =	vst v26;
	v26 =	vmul.f32 v27, v43;
	v48 =	vld [tilespmem:s25+$0xFFFFFCC0]  }
0x40d: {  	v27 =	vmul.f32 v32, v52;
	v38 =	vshll.u32 v0, $0x10;
	v36 =	vand.u32 $0xFFFF0000, v0;
	v0 =	vld [tilespmem:$0x1F350]  }
0x40e: {  	v15 =	vand.u32 $0xFFFF0000, v15;
	v32 =	vmul.f32 v12, v60;
	[tilespmem:$0x1F820] =	vst v8;
	v3 =	vbroadcast v34, $0x4  }
0x40f: {  	v8 =	vmul.f32 v61, v40;
	[tilespmem:$0x1F8A0] =	vst v26;
	v18 =	vbroadcast v34, $0x3;
	v61 =	vshll.u32 v50, $0x10  }
0x410: {  	v41 =	vmul.f32 v41, v3;
	v54 =	vld [tilespmem:s25+$0xFFFFFC20];
	v26 =	vand.u32 $0xFFFF0000, v50;
	[tilespmem:$0x1F8C0] =	vst v61;
	v1 =	vmul.f32 v1, v28  }
0x411: {  	v45 =	vbroadcast v34, $0x0;
	v57 =	vshll.u32 v14, $0x10;
	v11 =	vmul.f32 v35, v40;
	v35 =	vld [tilespmem:s25+$0xFFFFFC10];
	[tilespmem:$0x1F8D0] =	vst v26  }
0x412: {  	v55 =	vand.u32 $0xFFFF0000, v46;
	v19 =	vld [tilespmem:s25+$0xFFFFFC70];
	[tilespmem:$0x1F800] =	vst v1;
	v1 =	vshll.u32 v48, $0x10;
	v0 =	vmul.f32 v0, v40  }
0x413: {  	v61 =	vld [tilespmem:s25+$0xFFFFFC30];
	v26 =	vmul.f32 v31, v52;
	v51 =	vshll.u32 v46, $0x10;
	v46 =	vmul.f32 v57, v25;
	[tilespmem:$0x1F850] =	vst v1  }
0x414: {  	v14 =	vand.u32 $0xFFFF0000, v14;
	v1 =	vld [tilespmem:$0x1F340];
	[tilespmem:$0x1F870] =	vst v0;
	v0 =	vmul.f32 v15, v40;
	v15 =	vmul.f32 v16, v43  }
0x415: {  	v50 =	vshll.u32 v54, $0x10;
	v16 =	vmul.f32 v39, v43;
	v39 =	vmul.f32 v53, v3  }
0x416: {  	p0 =	sne.s32 s26, $0x300;
	v54 =	vand.u32 $0xFFFF0000, v54;
	v53 =	vmul.f32 v42, v18;
	v42 =	vmul.f32 v51, v37  }
.Ltmp1:
0x417: {  	v51 =	vmul.f32 v55, v37;
	[tilespmem:$0x1F880] =	vst v0;
	v0 =	vshll.u32 v19, $0x10;
	v19 =	vand.u32 $0xFFFF0000, v19;
	(pc) =	sbr.rel @p0 .LBB2_5-.Ltmp1, $4  }
0x418: {  	v49 =	vand.u32 $0xFFFF0000, v35;
	[tilespmem:$0x1F8B0] =	vst v19;
	v19 =	vmul.f32 v44, v43;
	v44 =	vmul.f32 v2, v18  }
0x419: {  	v31 =	vld [tilespmem:s25+$0xFFFFFC40];
	v12 =	vand.u32 $0xFFFF0000, v61;
	v56 =	vmul.f32 v1, v33;
	v1 =	vmul.f32 v4, v33  }
0x41a: {  	v57 =	vmovc v58;
	v58 =	vmovc v62;
	v62 =	vld [tilespmem:$0x1F360];
	v4 =	vand.u32 $0xFFFF0000, v48;
	v48 =	vshll.u32 v35, $0x10;
	v35 =	vmul.f32 v13, v60  }
0x41b: {  	s26 =	sadd.s32 $0x40, s26;
	v13 =	vshll.u32 v61, $0x10;
	v61 =	vld [tilespmem:$0x1F370];
	[tilespmem:$0x1F860] =	vst v4;
	v4 =	vmul.f32 v47, v33;
	v47 =	vmul.f32 v14, v25  }
0x41c: {  	v55 =	vld [tilespmem:$0x1F8E0]  }
0x41d: {  	v14 =	vmul.f32 v49, v45;
	v49 =	vmul.f32 v54, v45;
	v54 =	vld [tilespmem:$0x1F900];
	_ =	sdelay $0x2  }
0x41e: {  	v2 =	vmul.f32 v48, v45;
	v48 =	vmul.f32 v50, v45  }
0x41f: {  	v50 =	vld [tilespmem:$0x1F600]  }
0x420: {  	v38 =	vmul.f32 v38, v37;
	v2 =	vadd.f32 v2, v55;
	v55 =	vld [tilespmem:$0x1F8F0];
	v48 =	vadd.f32 v48, v54  }
0x421: {  	v54 =	vld [tilespmem:$0x1F4E0]  }
0x422: {  	v23 =	vmul.f32 v23, v25;
	v2 =	vadd.f32 v42, v2;
	v38 =	vadd.f32 v38, v48;
	v42 =	vld [tilespmem:$0x1F710]  }
0x423: {  	v48 =	vld [tilespmem:$0x1F690]  }
0x424: {  	v23 =	vadd.f32 v23, v38;
	v38 =	vld [tilespmem:$0x1F7A0]  }
0x425: {  	v2 =	vadd.f32 v46, v2;
	v46 =	vld [tilespmem:$0x1F730]  }
0x426: {  	v14 =	vadd.f32 v14, v55;
	v55 =	vld [tilespmem:$0x1F910]  }
0x427: {  	v2 =	vadd.f32 v53, v2;
	v53 =	vld [tilespmem:$0x1F550]  }
0x428: {  	v14 =	vadd.f32 v51, v14;
	v51 =	vld [tilespmem:$0x1F540]  }
0x429: {  	v2 =	vadd.f32 v39, v2;
	v39 =	vld [tilespmem:$0x1F7B0]  }
0x42a: {  	v14 =	vadd.f32 v47, v14;
	v47 =	vld [tilespmem:$0x1F740]  }
0x42b: {  	v49 =	vadd.f32 v49, v55;
	v55 =	vld [tilespmem:$0x1F4F0]  }
0x42c: {  	v36 =	vmul.f32 v36, v37;
	v2 =	vadd.f32 v35, v2;
	v35 =	vadd.f32 v34, v58;
	v34 =	vld [tilespmem:$0x1F8B0]  }
0x42d: {  	v14 =	vadd.f32 v44, v14;
	v44 =	vld [tilespmem:$0x1F720]  }
0x42e: {  	v36 =	vadd.f32 v36, v49;
	v49 =	vld [tilespmem:$0x1F5F0]  }
0x42f: {  	v21 =	vmul.f32 v21, v25;
	v2 =	vadd.f32 v29, v2;
	v29 =	vld [tilespmem:$0x1F480]  }
0x430: {  	v14 =	vadd.f32 v41, v14;
	v41 =	vld [tilespmem:$0x1F7E0]  }
0x431: {  	v6 =	vmul.f32 v6, v18;
	v21 =	vadd.f32 v21, v36;
	v36 =	vld [tilespmem:$0x1F790]  }
0x432: {  	v7 =	vmul.f32 v7, v18;
	(v2sf) =	vpush v35, $0x0;
	v2 =	vadd.f32 v26, v2;
	v26 =	vld [tilespmem:$0x1F5C0]  }
0x433: {  	v14 =	vadd.f32 v32, v14;
	v6 =	vadd.f32 v6, v21;
	v21 =	vmul.f32 v50, v3;
	v50 =	vld [tilespmem:$0x1F6D0]  }
0x434: {  	(v2sf) =	vpush v35, $0x1;
	v2 =	vadd.f32 v15, v2;
	v15 =	vmul.f32 v13, v45;
	v13 =	vld [tilespmem:$0x1F510]  }
0x435: {  	(v2sf) =	vpush v35, $0x2;
	v14 =	vadd.f32 v30, v14;
	v30 =	vld [tilespmem:$0x1F490]  }
0x436: {  	v7 =	vadd.f32 v7, v23;
	(v2sf) =	vpush v35, $0x3;
	v23 =	vmul.f32 v49, v3;
	v49 =	vld [tilespmem:$0x1F6C0]  }
0x437: {  	(v2sf) =	vpush v35, $0x4;
	v6 =	vadd.f32 v21, v6;
	v21 =	vmul.f32 v53, v60;
	v53 =	vld [tilespmem:$0x1F610]  }
0x438: {  	(v2sf) =	vpush v35, $0x5;
	v7 =	vadd.f32 v23, v7;
	v23 =	vmul.f32 v51, v60;
	v51 =	vld [tilespmem:$0x1F6E0]  }
0x439: {  	v2 =	vadd.f32 v8, v2;
	v14 =	vadd.f32 v27, v14;
	v27 =	vld [tilespmem:$0x1F5D0]  }
0x43a: {  	(v2sf) =	vpush v35, $0x6;
	v6 =	vadd.f32 v21, v6;
	v21 =	vmul.f32 v55, v59;
	v55 =	vld [tilespmem:$0x1F630]  }
0x43b: {  	(v2sf) =	vpush v35, $0x7;
	v2 =	vadd.f32 v56, v2;
	v56 =	vld [tilespmem:$0x1F660]  }
0x43c: {  	(v2sf) =	vpush v35, $0x8;
	v7 =	vadd.f32 v23, v7;
	v23 =	vmul.f32 v54, v59;
	v54 =	vld [tilespmem:$0x1F620]  }
0x43d: {  	v14 =	vadd.f32 v16, v14;
	v2 =	vadd.f32 v36, v2;
	v36 =	vld [tilespmem:$0x1F8D0]  }
0x43e: {  	v6 =	vadd.f32 v21, v6;
	v21 =	vmul.f32 v29, v52;
	v29 =	vadd.f32 v15, v61;
	v61 =	vld [tilespmem:$0x1F580]  }
0x43f: {  	(v2sf) =	vpush v35, $0x9;
	v15 =	vld [tilespmem:$0x1F530]  }
0x440: {  	v0 =	vmul.f32 v0, v37;
	(v2sf) =	vpush v35, $0xA;
	v32 =	vadd.f32 v9, v14;
	v14 =	vld [tilespmem:$0x1F5B0]  }
0x441: {  	v7 =	vadd.f32 v23, v7;
	v2 =	vadd.f32 v42, v2;
	v42 =	vld [tilespmem:$0x1F850]  }
0x442: {  	v23 =	vmul.f32 v30, v52;
	(v2sf) =	vpush v35, $0xB;
	v0 =	vadd.f32 v0, v29;
	v29 =	vld [tilespmem:$0x1F450]  }
0x443: {  	v16 =	vshll.u32 v31, $0x10;
	(v2sf) =	vpush v35, $0xC;
	v1 =	vadd.f32 v1, v32;
	v32 =	vld [tilespmem:$0x1F930]  }
0x444: {  	v7 =	vadd.f32 v21, v7;
	v6 =	vadd.f32 v23, v6;
	v21 =	vmul.f32 v16, v45;
	v16 =	vld [tilespmem:$0x1F4A0]  }
0x445: {  	(v2sf) =	vpush v35, $0xD;
	v2 =	vadd.f32 v48, v2;
	v48 =	vld [tilespmem:$0x1F7C0]  }
0x446: {  	(v2sf) =	vpush v35, $0xE;
	v7 =	vadd.f32 v19, v7;
	v19 =	vand.u32 $0xFFFF0000, v31;
	v31 =	vld [tilespmem:$0x1F920]  }
0x447: {  	(v2sf) =	vpush v35, $0xF;
	v35 =	vld [tilespmem:$0x1F8C0]  }
0x448: {  	v6 =	vadd.f32 v20, v6;
	v20 =	vmul.f32 v12, v45;
	v12 =	vmul.f32 v36, v37;
	v36 =	vld [tilespmem:$0x1F810]  }
0x449: {  	v2 =	vadd.f32 v53, v2;
	v53 =	vld [tilespmem:$0x1F6A0]  }
0x44a: {  	v1 =	vadd.f32 v38, v1;
	v23 =	vmul.f32 v19, v45;
	v19 =	vld [tilespmem:$0x1F4C0]  }
0x44b: {  	v6 =	vadd.f32 v11, v6;
	v11 =	vld [tilespmem:$0x1F5A0]  }
0x44c: {  	v1 =	vadd.f32 v44, v1;
	v44 =	vld [tilespmem:$0x1F860]  }
0x44d: {  	v30 =	vadd.f32 v20, v62;
	v62 =	vld [tilespmem:$0x1F590]  }
0x44e: {  	v20 =	vld [tilespmem:$0x1F4D0]  }
0x44f: {  	v7 =	vadd.f32 v10, v7;
	v10 =	vmul.f32 v34, v37;
	v34 =	vld [tilespmem:$0x1F420]  }
0x450: {  	v9 =	vadd.f32 v23, v32;
	v23 =	vld [tilespmem:$0x1F470]  }
0x451: {  	v1 =	vadd.f32 v49, v1;
	v49 =	vld [tilespmem:$0x1F7D0]  }
0x452: {  	s0 =	spop (v2sf);
	v4 =	vadd.f32 v4, v7;
	v38 =	vadd.f32 v10, v30;
	v30 =	vld [tilespmem:$0x1F870]  }
0x453: {  	s1 =	spop (v2sf);
	v5 =	vadd.f32 v5, v6;
	v8 =	vadd.f32 v21, v31;
	v21 =	vld [tilespmem:$0x1F460]  }
0x454: {  	s10 =	spop (v2sf);
	v4 =	vadd.f32 v39, v4;
	v39 =	vld [tilespmem:$0x1F830]  }
0x455: {  	s11 =	spop (v2sf);
	v31 =	vld [tilespmem:$0x1F880];
	v5 =	vadd.f32 v41, v5;
	v1 =	vadd.f32 v54, v1  }
0x456: {  	s25 =	spop (v2sf);
	v9 =	vadd.f32 v12, v9;
	v41 =	vld [tilespmem:$0x1F840];
	v12 =	vmul.f32 v44, v25;
	v4 =	vadd.f32 v46, v4  }
0x457: {  	s26 =	spop (v2sf);
	v54 =	vld [tilespmem:$0x1F6B0];
	v5 =	vadd.f32 v47, v5;
	v1 =	vadd.f32 v14, v1  }
0x458: {  	s28 =	spop (v2sf);
	v47 =	vld [tilespmem:$0x1F770];
	v9 =	vadd.f32 v12, v9;
	v4 =	vadd.f32 v50, v4  }
0x459: {  	s0 =	sadd.f32 s1, s0;
	s29 =	spop (v2sf);
	v46 =	vld [tilespmem:$0x1F760];
	v12 =	vmul.f32 v49, v18;
	v5 =	vadd.f32 v51, v5;
	v7 =	vmul.f32 v39, v25  }
0x45a: {  	s10 =	sadd.f32 s11, s10;
	s30 =	spop (v2sf);
	v51 =	vld [tilespmem:$0x1F650];
	v6 =	vadd.f32 v55, v4;
	v4 =	vadd.f32 v11, v2;
	v11 =	vmul.f32 v35, v37  }
0x45b: {  	s25 =	sadd.f32 s26, s25;
	s31 =	spop (v2sf);
	v50 =	vld [tilespmem:$0x1F640];
	v10 =	vmul.f32 v41, v25;
	v9 =	vadd.f32 v12, v9;
	v58 =	vadd.f32 v56, v5  }
0x45c: {  	s0 =	sadd.f32 s10, s0;
	s1 =	spop (v2sf);
	v56 =	vld [tilespmem:$0x1F560];
	v5 =	vadd.f32 v26, v6;
	v8 =	vadd.f32 v11, v8;
	v11 =	vmul.f32 v42, v25  }
0x45d: {  	s28 =	sadd.f32 s29, s28;
	s11 =	spop (v2sf);
	v2 =	vadd.f32 v27, v58;
	v6 =	vadd.f32 v10, v38;
	v10 =	vmul.f32 v47, v18;
	v58 =	vld [tilespmem:$0x1F570]  }
0x45e: {  	v44 =	vld [tilespmem:$0x1F750];
	s30 =	sadd.f32 s31, s30;
	s26 =	spop (v2sf);
	v0 =	vadd.f32 v7, v0;
	v45 =	vadd.f32 v11, v8;
	v8 =	vmul.f32 v46, v18  }
0x45f: {  	v14 =	vld [tilespmem:$0x1F520];
	s1 =	sadd.f32 s11, s1;
	s29 =	spop (v2sf);
	v11 =	vmul.f32 v48, v18;
	v6 =	vadd.f32 v10, v6;
	v10 =	vmul.f32 v51, v3  }
0x460: {  	v12 =	vld [tilespmem:$0x1F500];
	v55 =	vmul.f32 v54, v3;
	s31 =	spop (v2sf);
	s26 =	sadd.f32 s29, s26;
	v0 =	vadd.f32 v8, v0;
	v8 =	vmul.f32 v50, v3  }
0x461: {  	v49 =	vld [tilespmem:$0x1F700];
	s29 =	sadd.f32 s28, s25;
	s11 =	spop (v2sf);
	v7 =	vadd.f32 v11, v45;
	v11 =	vmul.f32 v53, v3;
	v6 =	vadd.f32 v10, v6  }
0x462: {  	v39 =	vld [tilespmem:$0x1F410];
	s11 =	sadd.f32 s11, s31;
	v10 =	vmul.f32 v58, v60;
	v0 =	vadd.f32 v8, v0;
	v8 =	vmul.f32 v56, v60  }
0x463: {  	s1 =	sadd.f32 s1, s30;
	v18 =	vld [tilespmem:$0x1F4B0];
	v3 =	vadd.f32 v55, v9;
	v9 =	vmul.f32 v61, v60;
	v7 =	vadd.f32 v11, v7  }
0x464: {  	v41 =	vld [tilespmem:$0x1F800];
	s11 =	sadd.f32 s11, s26;
	v11 =	vmul.f32 v62, v60;
	v6 =	vadd.f32 v10, v6;
	v0 =	vadd.f32 v8, v0  }
0x465: {  	v35 =	vld [tilespmem:$0x1F430];
	s0 =	sadd.f32 s29, s0;
	v7 =	vadd.f32 v9, v7;
	v8 =	vmul.f32 v12, v59;
	v9 =	vmul.f32 v13, v59  }
0x466: {  	v37 =	vld [tilespmem:$0x1F820];
	s1 =	sadd.f32 s11, s1;
	v10 =	vmul.f32 v14, v59;
	v3 =	vadd.f32 v11, v3  }
0x467: {  	v25 =	vld [tilespmem:$0x1F890];
	v11 =	vmul.f32 v15, v59;
	v0 =	vadd.f32 v8, v0;
	v6 =	vadd.f32 v9, v6  }
0x468: {  	v26 =	vld [tilespmem:$0x1F8A0];
	s0 =	sadd.f32 s1, s0;
	v8 =	vmul.f32 v16, v52;
	v7 =	vadd.f32 v10, v7;
	v9 =	vmul.f32 v18, v52  }
0x469: {  	v27 =	vld [tilespmem:$0x1F440];
	v10 =	vmul.f32 v19, v52;
	v3 =	vadd.f32 v11, v3;
	v11 =	vmul.f32 v20, v52  }
0x46a: {  	v54 =	vld [tilespmem:$0x1F680];
	s0 =	sadd.f32 $1.000000020e-16, s0;
	v0 =	vadd.f32 v8, v0;
	v6 =	vadd.f32 v9, v6  }
0x46b: {  	v38 =	vld [tilespmem:$0x1F400];
	v7 =	vadd.f32 v10, v7;
	v8 =	vmul.f32 v21, v43;
	v3 =	vadd.f32 v11, v3  }
0x46c: {  	v42 =	vld [tilespmem:$0x1F3E0];
	v9 =	vmul.f32 v23, v43;
	v32 =	vmov s0;
	v0 =	vadd.f32 v25, v0  }
0x46d: {  	v47 =	vld [tilespmem:$0x1F3D0];
	(erf) = vrcp.f32 v32;
	v6 =	vadd.f32 v26, v6;
	v7 =	vadd.f32 v8, v7  }
0x46e: {  	v3 =	vadd.f32 v9, v3;
	v8 =	vmul.f32 v27, v40;
	v9 =	vmul.f32 v29, v40;
	v40 =	vld [tilespmem:$0x1F7F0]  }
0x46f: {  	v46 =	vld [tilespmem:$0x1F3C0];
	v0 =	vadd.f32 v30, v0  }
0x470: {  	v43 =	vld [tilespmem:$0x1F3F0];
	v6 =	vadd.f32 v31, v6;
	v7 =	vadd.f32 v8, v7;
	v8 =	vmul.f32 v34, v33  }
0x471: {  	v45 =	vld [tilespmem:$0x1F780];
	v3 =	vadd.f32 v9, v3;
	v9 =	vmul.f32 v35, v33;
	v0 =	vadd.f32 v36, v0  }
0x472: {  	v48 =	vld [tilespmem:$0x1F6F0];
	v6 =	vadd.f32 v37, v6;
	v7 =	vadd.f32 v8, v7;
	v8 =	vmul.f32 v38, v28  }
0x473: {  	v51 =	vld [tilespmem:$0x1F3B0];
	v3 =	vadd.f32 v9, v3;
	v9 =	vmul.f32 v39, v28;
	v0 =	vadd.f32 v40, v0  }
0x474: {  	v50 =	vld [tilespmem:$0x1F3A0];
	v6 =	vadd.f32 v41, v6;
	v7 =	vadd.f32 v8, v7;
	v8 =	vmul.f32 v42, v24  }
0x475: {  	v53 =	vld [tilespmem:$0x1F670];
	v3 =	vadd.f32 v9, v3;
	v9 =	vmul.f32 v43, v24;
	v0 =	vadd.f32 v44, v0  }
0x476: {  	v55 =	vld [tilespmem:$0x1F5E0];
	v6 =	vadd.f32 v45, v6;
	v7 =	vadd.f32 v8, v7  }
0x477: {  	v56 =	vld [tilespmem:$0x1F380];
	v8 =	vmul.f32 v46, v22;
	v3 =	vadd.f32 v9, v3;
	v9 =	vmul.f32 v47, v22;
	v52 =	vpop (erf)  }
0x478: {  	v58 =	vld [tilespmem:$0x1F390];
	v4 =	vmul.f32 v52, v4;
	v1 =	vmul.f32 v52, v1;
	v0 =	vadd.f32 v48, v0  }
0x479: {  	v5 =	vmul.f32 v52, v5;
	v59 =	vmul.f32 v52, v2;
	v6 =	vadd.f32 v49, v6  }
0x47a: {  	s31 =	sshll.u32 s24, $0x7;
	v7 =	vadd.f32 v8, v7;
	v8 =	vmul.f32 v50, v17;
	v0 =	vadd.f32 v53, v0  }
0x47b: {  	s0 =	sand.u32 $0x3FFFFF80, s31;
	v3 =	vadd.f32 v9, v3;
	v9 =	vmul.f32 v51, v17;
	v6 =	vadd.f32 v54, v6  }
0x47c: {  	[tilespmem:s0+$0xCDA0] =	vst v4;
	v4 =	vmul.f32 v56, v63;
	v7 =	vadd.f32 v8, v7;
	v0 =	vadd.f32 v55, v0  }
0x47d: {  	s23 =	sadd.s32 $0x1, s23;
	[tilespmem:s0+$0xCDB0] =	vst v1;
	v3 =	vadd.f32 v9, v3;
	v8 =	vmul.f32 v58, v63;
	v6 =	vadd.f32 v57, v6  }
0x47e: {  	p0 =	sne.s32 s23, $0x40;
	[tilespmem:s0+$0xCDC0] =	vst v5;
	v60 =	vadd.f32 v4, v7;
	v0 =	vmul.f32 v52, v0  }
.Ltmp2:
0x47f: {  	[tilespmem:s0+$0xCDD0] =	vst v59;
	v3 =	vadd.f32 v8, v3;
	v61 =	vmul.f32 v52, v6;
	(pc) =	sbr.rel @p0 .LBB2_2-.Ltmp2, $4  }
0x480: {  	v62 =	vmul.f32 v52, v60;
	[tilespmem:s0+$0xCDE0] =	vst v0  }
0x481: {  	v63 =	vmul.f32 v52, v3;
	[tilespmem:s0+$0xCDF0] =	vst v61  }
0x482: {  	[tilespmem:s0+$0xCE00] =	vst v62  }
0x483: {  	[tilespmem:s0+$0xCE10] =	vst v63  }
0x484: {  	s22 =	sadd.s32 $0x1, s22  }
0x485: {  	p0 =	sne.s32 s22, s7  }
.Ltmp3:
0x486: {  	_ = 	snop;
	(pc) =	sbr.rel @p0 .LBB2_1-.Ltmp3, $4  }
0x487: {  	[hbm4b:s6+s3] =	stream.linear.scatter [tilespmem:s21], [sflag:$0x3], $0x4000, $0x38;
	[tilespmem:$0x10DA0] =	vst v63  }
0x488: {  	_ =	swait.ge [sflag:s8], $0x4000  }
0x489: {  	[sflag:s8] =	ssyncset.done $0x0  }
0x48a: {  	[sflag:s8] =	ssyncadd.s32 $0xFFFFC000  }
0x48b: {  	_ =	sfence.sel $0x180000  }
0x48c: {  	[bflag:$0x0] =	sbarrier.arrive $0xFFFF  }
0x48d: {  	_ =	strace $0x90000047  }
0x48e: {  	s0 =	stileid.u32;
	[bflag:$0x2] =	sbarrier.arrive $0xFFFF  }
0x48f: {  	p0 =	sne.s32 s0, $0x0;
	s0 =	rddreg [dreg:$0x3]  }
0x490: {  	s0 =	sadd.s32 @!p0 $0x100000, s0  }
0x491: {  	[sflag:s0] =	ssyncadd.tile.s32 @!p0 $0x1;
	_ =	shalt  }
.Lfunc_end2:
_tile_overlayer_lowered:
.L_overlay_start_2:
0x492: {  	(tag) =	ssettag $0x2  }
0x493: {  	s0 =	rddreg [dreg:$0x0];
	s2 =	stileid.u32  }
0x494: {  	s1 =	rddreg [dreg:$0x1];
	p0 =	sne.s32 s2, $0x0  }
0x495: {  	s3 =	rddreg [dreg:$0x2];
	[bflag:$0x3] =	sbarrier.arrive $0xFFFF;
	s2 =	simm.s32 @!p0 $0x1C03  }
0x496: {  	[timem:s3], [sflag:s2] =	dma.local @!p0 [hbm:s0], s1  }
0x497: {  	s0 =	simm.s32 @!p0 $0x3  }
0x498: {  	_ =	swait.ge @!p0 [sflag:s0], s1  }
0x499: {  	s1 =	ssub.s32 @!p0 $0x0, s1;
	[sflag:s0] =	ssyncset.done @!p0 $0x0  }
0x49a: {  	[sflag:s0] =	ssyncadd.s32 @!p0 s1  }
0x49b: {  	[bflag:$0x3] =	sbarrier.arrive $0xFFFF  }
0x49c: {  	_ =	shalt  }

</sc_bundles>
